<compile_context>
chip_gen: v7x
topology: tpu7x:2x2x1
jax: 0.10.2.dev20260603
libtpu: 0.0.44.dev20260713+nightly
codegen_flags: <defaults>
</compile_context>

<pallas_src>
import functools

import jax
import jax.numpy as jnp
from jax import lax
from jax.experimental import pallas as pl
from jax.experimental.pallas import tpu as pltpu
from jax.experimental.pallas import tpu_sc as plsc

NUM_WORKERS = 32
IDX_CHUNK = 128
LANES = 16


def _gather_pair_packed(uid, iid, user_table, item_table):
    batch = uid.shape[0]
    chunk = IDX_CHUNK
    embed = user_table.shape[1]
    rows_per_w = batch // NUM_WORKERS
    nch = rows_per_w // chunk
    pk_sub = chunk // 2
    ngrp = embed // LANES

    mesh = plsc.VectorSubcoreMesh(core_axis_name="c", subcore_axis_name="s")

    @functools.partial(
        pl.kernel,
        mesh=mesh,
        compiler_params=pltpu.CompilerParams(needs_layout_passes=False),
        out_type=(
            jax.ShapeDtypeStruct((batch // 2, embed), jnp.int32),
            jax.ShapeDtypeStruct((batch // 2, embed), jnp.int32),
        ),
        scratch_types=[
            pltpu.VMEM((nch, chunk), jnp.int32),
            pltpu.VMEM((nch, chunk), jnp.int32),
            pltpu.VMEM((rows_per_w, embed), jnp.float32),
            pltpu.VMEM((2 * pk_sub, embed), jnp.int32),
            pltpu.SemaphoreType.DMA,
            pltpu.SemaphoreType.DMA,
            pltpu.SemaphoreType.DMA,
            pltpu.SemaphoreType.DMA,
        ],
    )
    def gather_kernel(uid_hbm, iid_hbm, ut_hbm, it_hbm, out_u, out_i,
                      uidx_v, iidx_v, stg, pkb, sem_u, sem_i, sem_w0, sem_w1):
        wid = lax.axis_index("s") * 2 + lax.axis_index("c")
        id_base = wid * rows_per_w
        out_base = wid * (rows_per_w // 2)
        id_cps = [
            pltpu.async_copy(hbm.at[pl.ds(id_base + j * chunk, chunk)],
                             v.at[j], sem_w0)
            for hbm, v in ((uid_hbm, uidx_v), (iid_hbm, iidx_v))
            for j in range(nch)
        ]
        for c in id_cps:
            c.wait()
        cps_u = [
            pltpu.async_copy(ut_hbm.at[uidx_v.at[j]],
                             stg.at[pl.ds(j * chunk, chunk)], sem_u)
            for j in range(nch)
        ]
        cps_i = [None] * nch
        writes = []
        sem_ws = (sem_w0, sem_w1)

        def pack_sub(src_row, dst_row):
            @plsc.parallel_loop(0, pk_sub, 1, unroll=4)
            def _(q):
                for g in range(ngrp):
                    a = stg[src_row + 2 * q, pl.ds(g * LANES, LANES)]
                    b = stg[src_row + 2 * q + 1, pl.ds(g * LANES, LANES)]
                    p = plsc.pack(a, b, format=plsc.PackFormat.INTERLEAVED)
                    pkb[dst_row + q, pl.ds(g * LANES, LANES)] = plsc.bitcast(
                        p, jnp.int32)

        for t in range(2 * nch):
            j = t % nch
            half = t % 2
            if t < nch:
                cps_u[j].wait()
            else:
                cps_i[j].wait()
            if t >= 2:
                writes[t - 2].wait()
            pack_sub(j * chunk, half * pk_sub)
            if t < nch:
                cps_i[j] = pltpu.async_copy(
                    it_hbm.at[iidx_v.at[j]],
                    stg.at[pl.ds(j * chunk, chunk)], sem_i)
            out_ref = out_u if t < nch else out_i
            writes.append(pltpu.async_copy(
                pkb.at[pl.ds(half * pk_sub, pk_sub)],
                out_ref.at[pl.ds(out_base + j * pk_sub, pk_sub)],
                sem_ws[half]))
        writes[-2].wait()
        writes[-1].wait()

    return gather_kernel(uid, iid, user_table, item_table)


def _mlp_body(upk_ref, ipk_ref, w1_ref, b1_ref, w2_ref, b2_ref,
              w3_ref, b3_ref, o_ref):
    ue = pltpu.bitcast(upk_ref[...], jnp.bfloat16)
    ie = pltpu.bitcast(ipk_ref[...], jnp.bfloat16)
    embed = ue.shape[1]
    h = jnp.dot(ue, w1_ref[0:embed, :], preferred_element_type=jnp.float32)
    h = h + jnp.dot(ie, w1_ref[embed:2 * embed, :],
                    preferred_element_type=jnp.float32)
    h1 = jnp.maximum(h + b1_ref[...], 0.0)
    h2 = jnp.maximum(
        jnp.dot(h1, w2_ref[...], preferred_element_type=jnp.float32)
        + b2_ref[...], 0.0)
    ot = lax.dot_general(w3_ref[...], h2, (((0,), (1,)), ((), ())),
                         preferred_element_type=jnp.float32)
    o_ref[...] = jnp.maximum(ot + b3_ref[...], 0.0)[None]


def _mlp(upk, ipk, w1, b1, w2, b2, w3, b3, block=2048):
    pk_rows, embed = upk.shape
    batch = pk_rows * 2
    grid = batch // block
    full = lambda shape: pl.BlockSpec(shape, lambda i: (0, 0))
    return pl.pallas_call(
        _mlp_body,
        grid=(grid,),
        in_specs=[
            pl.BlockSpec((block // 2, embed), lambda i: (i, 0)),
            pl.BlockSpec((block // 2, embed), lambda i: (i, 0)),
            full(w1.shape),
            full(b1.shape),
            full(w2.shape),
            full(b2.shape),
            full(w3.shape),
            full(b3.shape),
        ],
        out_specs=pl.BlockSpec((1, 1, block), lambda i: (i, 0, 0)),
        out_shape=jax.ShapeDtypeStruct((grid, 1, block), jnp.float32),
    )(upk, ipk, w1, b1, w2, b2, w3, b3)


def kernel(user_id, item_id, user_table, item_table, W1, b1, W2, b2, W3, b3):
    w1_bf = W1.astype(jnp.bfloat16)
    b1r = b1.reshape(1, -1)
    b2r = b2.reshape(1, -1)
    b3r = b3.reshape(1, 1)
    upk, ipk = _gather_pair_packed(user_id.astype(jnp.int32),
                                   item_id.astype(jnp.int32),
                                   user_table, item_table)
    return _mlp(upk, ipk, w1_bf, b1r, W2, b2r, W3, b3r).reshape(-1)

# --- scband reference (transcript-rebuilt; emitter-appended) ---
"""Pipeline reference for scband-cf-model-25220047962759 (READ-ONLY COPY).

The authoritative reference and input builder live on the scoring server;
editing this copy changes nothing except your own understanding.
"""

import jax, jax.numpy as jnp
import numpy as np

N_USERS = 100000
N_ITEMS = 100000
EMBED = 128
BATCH = 16384


def setup_inputs(seed: int = 0) -> dict:
    key = jax.random.key(seed)
    k1, k2, k3, k4, k5, k6, k7, k8, k9, k10 = jax.random.split(key, 10)
    user_id = jax.random.randint(k1, (BATCH,), 0, N_USERS, dtype=jnp.int64 if jax.config.jax_enable_x64 else jnp.int32)
    item_id = jax.random.randint(k2, (BATCH,), 0, N_ITEMS, dtype=jnp.int64 if jax.config.jax_enable_x64 else jnp.int32)
    user_table = jax.random.normal(k3, (N_USERS, EMBED), dtype=jnp.float32) * 0.05
    item_table = jax.random.normal(k4, (N_ITEMS, EMBED), dtype=jnp.float32) * 0.05
    W1 = jax.random.normal(k5, (2 * EMBED, 64), dtype=jnp.float32) * (1.0 / np.sqrt(2 * EMBED))
    b1 = jax.random.normal(k6, (64,), dtype=jnp.float32) * 0.01
    W2 = jax.random.normal(k7, (64, 32), dtype=jnp.float32) * (1.0 / np.sqrt(64))
    b2 = jax.random.normal(k8, (32,), dtype=jnp.float32) * 0.01
    W3 = jax.random.normal(k9, (32, 1), dtype=jnp.float32) * (1.0 / np.sqrt(32))
    b3 = jax.random.normal(k10, (1,), dtype=jnp.float32) * 0.01
    return {"user_id": user_id, "item_id": item_id, "user_table": user_table,
            "item_table": item_table, "W1": W1, "b1": b1, "W2": W2, "b2": b2,
            "W3": W3, "b3": b3}


def reference(user_id, item_id, user_table, item_table, W1, b1, W2, b2, W3, b3):
    # Embedding lookups (gather)
    user_emb = jnp.take(user_table, user_id, axis=0)
    item_emb = jnp.take(item_table, item_id, axis=0)
    # output_layer == 'mlp'; dropout_rate == 0.0 -> dropout is identity
    all_emb = jnp.concatenate((user_emb, item_emb), axis=-1)
    h1 = jax.nn.relu(all_emb @ W1 + b1)
    h2 = jax.nn.relu(h1 @ W2 + b2)
    out = jax.nn.relu(h2 @ W3 + b3).reshape(-1)
    return out

if __name__ == "__main__":
    import jax
    _d = setup_inputs()
    print(jax.jit(kernel)(*tuple(_d.values())))

</pallas_src>

<mosaic_0001>
#map = affine_map<(d0, d1) -> (0)>
#map1 = affine_map<(d0, d1) -> (0, 0)>
module attributes {stable_mosaic.version = 14 : i64} {
  func.func @gather_kernel(%arg0: i32, %arg1: i32, %arg2: memref<16384xi32, #tpu.memory_space<hbm>>, %arg3: memref<16384xi32, #tpu.memory_space<hbm>>, %arg4: memref<100000x128xf32, #tpu.memory_space<hbm>>, %arg5: memref<100000x128xf32, #tpu.memory_space<hbm>>, %arg6: memref<8192x128xi32, #tpu.memory_space<hbm>>, %arg7: memref<8192x128xi32, #tpu.memory_space<hbm>>, %arg8: memref<4x128xi32, #tpu.memory_space<vmem>>, %arg9: memref<4x128xi32, #tpu.memory_space<vmem>>, %arg10: memref<512x128xf32, #tpu.memory_space<vmem>>, %arg11: memref<128x128xi32, #tpu.memory_space<vmem>>, %arg12: memref<!tpu.dma_semaphore, #tpu.memory_space<semaphore_mem>>, %arg13: memref<!tpu.dma_semaphore, #tpu.memory_space<semaphore_mem>>, %arg14: memref<!tpu.dma_semaphore, #tpu.memory_space<semaphore_mem>>, %arg15: memref<!tpu.dma_semaphore, #tpu.memory_space<semaphore_mem>>) attributes {dimension_semantics = [#tpu.dimension_semantics<core_parallel>, #tpu.dimension_semantics<subcore_parallel>], iteration_bounds = array<i64: 2, 16>, scalar_prefetch = 0 : i64, scratch_operands = 8 : i64, tpu.core_type = #tpu.core_type<sc_vector_subcore>, window_params = [{transform_indices = #map}, {transform_indices = #map}, {transform_indices = #map1}, {transform_indices = #map1}, {transform_indices = #map1}, {transform_indices = #map1}]} {
    %mul3A = arith.constant 2 : i32
    %mul3A_0 = arith.muli %arg1, %mul3A : i32
    %add3A = arith.addi %mul3A_0, %arg0 : i32
    %mul3A_1 = arith.constant 512 : i32
    %mul3A_2 = arith.muli %add3A, %mul3A_1 : i32
    %mul3A_3 = arith.constant 256 : i32
    %mul3A_4 = arith.muli %add3A, %mul3A_3 : i32
    %add3A_5 = arith.constant 0 : i32
    %add3A_6 = arith.addi %mul3A_2, %add3A_5 : i32
    %dma_start3A = arith.constant 0 : i32
    %dma_start3A_7 = arith.constant 0 : i32
    %dma_start3A_8 = tpu.memref_slice %arg8[%dma_start3A, %dma_start3A_7] : memref<4x128xi32, #tpu.memory_space<vmem>> -> memref<1x128xi32, #tpu.memory_space<vmem>>
    %dma_start3A_9 = tpu.memref_squeeze %dma_start3A_8 : memref<1x128xi32, #tpu.memory_space<vmem>> -> memref<128xi32, #tpu.memory_space<vmem>>
    %dma_start3A_10 = tpu.memref_slice %arg2[%add3A_6] : memref<16384xi32, #tpu.memory_space<hbm>> -> memref<128xi32, #tpu.memory_space<hbm>>
    %dma_start3A_11 = arith.constant 0 : i32
    %dma_start3A_12 = tpu.memref_slice %arg8[%dma_start3A, %dma_start3A_11] : memref<4x128xi32, #tpu.memory_space<vmem>> -> memref<1x128xi32, #tpu.memory_space<vmem>>
    %dma_start3A_13 = tpu.memref_squeeze %dma_start3A_12 : memref<1x128xi32, #tpu.memory_space<vmem>> -> memref<128xi32, #tpu.memory_space<vmem>>
    %dma_start3A_14 = tpu.memref_slice %arg2[%add3A_6] : memref<16384xi32, #tpu.memory_space<hbm>> -> memref<128xi32, #tpu.memory_space<hbm>>
    tpu.enqueue_dma source(%dma_start3A_14 : memref<128xi32, #tpu.memory_space<hbm>>) target(%dma_start3A_13 : memref<128xi32, #tpu.memory_space<vmem>>) target_semaphore(%arg14 : memref<!tpu.dma_semaphore, #tpu.memory_space<semaphore_mem>>)
    %add3A_15 = arith.constant 128 : i32
    %add3A_16 = arith.addi %mul3A_2, %add3A_15 : i32
    %dma_start3A_17 = arith.constant 1 : i32
    %dma_start3A_18 = arith.constant 0 : i32
    %dma_start3A_19 = tpu.memref_slice %arg8[%dma_start3A_17, %dma_start3A_18] : memref<4x128xi32, #tpu.memory_space<vmem>> -> memref<1x128xi32, #tpu.memory_space<vmem>>
    %dma_start3A_20 = tpu.memref_squeeze %dma_start3A_19 : memref<1x128xi32, #tpu.memory_space<vmem>> -> memref<128xi32, #tpu.memory_space<vmem>>
    %dma_start3A_21 = tpu.memref_slice %arg2[%add3A_16] : memref<16384xi32, #tpu.memory_space<hbm>> -> memref<128xi32, #tpu.memory_space<hbm>>
    %dma_start3A_22 = arith.constant 0 : i32
    %dma_start3A_23 = tpu.memref_slice %arg8[%dma_start3A_17, %dma_start3A_22] : memref<4x128xi32, #tpu.memory_space<vmem>> -> memref<1x128xi32, #tpu.memory_space<vmem>>
    %dma_start3A_24 = tpu.memref_squeeze %dma_start3A_23 : memref<1x128xi32, #tpu.memory_space<vmem>> -> memref<128xi32, #tpu.memory_space<vmem>>
    %dma_start3A_25 = tpu.memref_slice %arg2[%add3A_16] : memref<16384xi32, #tpu.memory_space<hbm>> -> memref<128xi32, #tpu.memory_space<hbm>>
    tpu.enqueue_dma source(%dma_start3A_25 : memref<128xi32, #tpu.memory_space<hbm>>) target(%dma_start3A_24 : memref<128xi32, #tpu.memory_space<vmem>>) target_semaphore(%arg14 : memref<!tpu.dma_semaphore, #tpu.memory_space<semaphore_mem>>)
    %add3A_26 = arith.constant 256 : i32
    %add3A_27 = arith.addi %mul3A_2, %add3A_26 : i32
    %dma_start3A_28 = arith.constant 2 : i32
    %dma_start3A_29 = arith.constant 0 : i32
    %dma_start3A_30 = tpu.memref_slice %arg8[%dma_start3A_28, %dma_start3A_29] : memref<4x128xi32, #tpu.memory_space<vmem>> -> memref<1x128xi32, #tpu.memory_space<vmem>>
    %dma_start3A_31 = tpu.memref_squeeze %dma_start3A_30 : memref<1x128xi32, #tpu.memory_space<vmem>> -> memref<128xi32, #tpu.memory_space<vmem>>
    %dma_start3A_32 = tpu.memref_slice %arg2[%add3A_27] : memref<16384xi32, #tpu.memory_space<hbm>> -> memref<128xi32, #tpu.memory_space<hbm>>
    %dma_start3A_33 = arith.constant 0 : i32
    %dma_start3A_34 = tpu.memref_slice %arg8[%dma_start3A_28, %dma_start3A_33] : memref<4x128xi32, #tpu.memory_space<vmem>> -> memref<1x128xi32, #tpu.memory_space<vmem>>
    %dma_start3A_35 = tpu.memref_squeeze %dma_start3A_34 : memref<1x128xi32, #tpu.memory_space<vmem>> -> memref<128xi32, #tpu.memory_space<vmem>>
    %dma_start3A_36 = tpu.memref_slice %arg2[%add3A_27] : memref<16384xi32, #tpu.memory_space<hbm>> -> memref<128xi32, #tpu.memory_space<hbm>>
    tpu.enqueue_dma source(%dma_start3A_36 : memref<128xi32, #tpu.memory_space<hbm>>) target(%dma_start3A_35 : memref<128xi32, #tpu.memory_space<vmem>>) target_semaphore(%arg14 : memref<!tpu.dma_semaphore, #tpu.memory_space<semaphore_mem>>)
    %add3A_37 = arith.constant 384 : i32
    %add3A_38 = arith.addi %mul3A_2, %add3A_37 : i32
    %dma_start3A_39 = arith.constant 3 : i32
    %dma_start3A_40 = arith.constant 0 : i32
    %dma_start3A_41 = tpu.memref_slice %arg8[%dma_start3A_39, %dma_start3A_40] : memref<4x128xi32, #tpu.memory_space<vmem>> -> memref<1x128xi32, #tpu.memory_space<vmem>>
    %dma_start3A_42 = tpu.memref_squeeze %dma_start3A_41 : memref<1x128xi32, #tpu.memory_space<vmem>> -> memref<128xi32, #tpu.memory_space<vmem>>
    %dma_start3A_43 = tpu.memref_slice %arg2[%add3A_38] : memref<16384xi32, #tpu.memory_space<hbm>> -> memref<128xi32, #tpu.memory_space<hbm>>
    %dma_start3A_44 = arith.constant 0 : i32
    %dma_start3A_45 = tpu.memref_slice %arg8[%dma_start3A_39, %dma_start3A_44] : memref<4x128xi32, #tpu.memory_space<vmem>> -> memref<1x128xi32, #tpu.memory_space<vmem>>
    %dma_start3A_46 = tpu.memref_squeeze %dma_start3A_45 : memref<1x128xi32, #tpu.memory_space<vmem>> -> memref<128xi32, #tpu.memory_space<vmem>>
    %dma_start3A_47 = tpu.memref_slice %arg2[%add3A_38] : memref<16384xi32, #tpu.memory_space<hbm>> -> memref<128xi32, #tpu.memory_space<hbm>>
    tpu.enqueue_dma source(%dma_start3A_47 : memref<128xi32, #tpu.memory_space<hbm>>) target(%dma_start3A_46 : memref<128xi32, #tpu.memory_space<vmem>>) target_semaphore(%arg14 : memref<!tpu.dma_semaphore, #tpu.memory_space<semaphore_mem>>)
    %add3A_48 = arith.constant 0 : i32
    %add3A_49 = arith.addi %mul3A_2, %add3A_48 : i32
    %dma_start3A_50 = arith.constant 0 : i32
    %dma_start3A_51 = arith.constant 0 : i32
    %dma_start3A_52 = tpu.memref_slice %arg9[%dma_start3A_50, %dma_start3A_51] : memref<4x128xi32, #tpu.memory_space<vmem>> -> memref<1x128xi32, #tpu.memory_space<vmem>>
    %dma_start3A_53 = tpu.memref_squeeze %dma_start3A_52 : memref<1x128xi32, #tpu.memory_space<vmem>> -> memref<128xi32, #tpu.memory_space<vmem>>
    %dma_start3A_54 = tpu.memref_slice %arg3[%add3A_49] : memref<16384xi32, #tpu.memory_space<hbm>> -> memref<128xi32, #tpu.memory_space<hbm>>
    %dma_start3A_55 = arith.constant 0 : i32
    %dma_start3A_56 = tpu.memref_slice %arg9[%dma_start3A_50, %dma_start3A_55] : memref<4x128xi32, #tpu.memory_space<vmem>> -> memref<1x128xi32, #tpu.memory_space<vmem>>
    %dma_start3A_57 = tpu.memref_squeeze %dma_start3A_56 : memref<1x128xi32, #tpu.memory_space<vmem>> -> memref<128xi32, #tpu.memory_space<vmem>>
    %dma_start3A_58 = tpu.memref_slice %arg3[%add3A_49] : memref<16384xi32, #tpu.memory_space<hbm>> -> memref<128xi32, #tpu.memory_space<hbm>>
    tpu.enqueue_dma source(%dma_start3A_58 : memref<128xi32, #tpu.memory_space<hbm>>) target(%dma_start3A_57 : memref<128xi32, #tpu.memory_space<vmem>>) target_semaphore(%arg14 : memref<!tpu.dma_semaphore, #tpu.memory_space<semaphore_mem>>)
    %add3A_59 = arith.constant 128 : i32
    %add3A_60 = arith.addi %mul3A_2, %add3A_59 : i32
    %dma_start3A_61 = arith.constant 1 : i32
    %dma_start3A_62 = arith.constant 0 : i32
    %dma_start3A_63 = tpu.memref_slice %arg9[%dma_start3A_61, %dma_start3A_62] : memref<4x128xi32, #tpu.memory_space<vmem>> -> memref<1x128xi32, #tpu.memory_space<vmem>>
    %dma_start3A_64 = tpu.memref_squeeze %dma_start3A_63 : memref<1x128xi32, #tpu.memory_space<vmem>> -> memref<128xi32, #tpu.memory_space<vmem>>
    %dma_start3A_65 = tpu.memref_slice %arg3[%add3A_60] : memref<16384xi32, #tpu.memory_space<hbm>> -> memref<128xi32, #tpu.memory_space<hbm>>
    %dma_start3A_66 = arith.constant 0 : i32
    %dma_start3A_67 = tpu.memref_slice %arg9[%dma_start3A_61, %dma_start3A_66] : memref<4x128xi32, #tpu.memory_space<vmem>> -> memref<1x128xi32, #tpu.memory_space<vmem>>
    %dma_start3A_68 = tpu.memref_squeeze %dma_start3A_67 : memref<1x128xi32, #tpu.memory_space<vmem>> -> memref<128xi32, #tpu.memory_space<vmem>>
    %dma_start3A_69 = tpu.memref_slice %arg3[%add3A_60] : memref<16384xi32, #tpu.memory_space<hbm>> -> memref<128xi32, #tpu.memory_space<hbm>>
    tpu.enqueue_dma source(%dma_start3A_69 : memref<128xi32, #tpu.memory_space<hbm>>) target(%dma_start3A_68 : memref<128xi32, #tpu.memory_space<vmem>>) target_semaphore(%arg14 : memref<!tpu.dma_semaphore, #tpu.memory_space<semaphore_mem>>)
    %add3A_70 = arith.constant 256 : i32
    %add3A_71 = arith.addi %mul3A_2, %add3A_70 : i32
    %dma_start3A_72 = arith.constant 2 : i32
    %dma_start3A_73 = arith.constant 0 : i32
    %dma_start3A_74 = tpu.memref_slice %arg9[%dma_start3A_72, %dma_start3A_73] : memref<4x128xi32, #tpu.memory_space<vmem>> -> memref<1x128xi32, #tpu.memory_space<vmem>>
    %dma_start3A_75 = tpu.memref_squeeze %dma_start3A_74 : memref<1x128xi32, #tpu.memory_space<vmem>> -> memref<128xi32, #tpu.memory_space<vmem>>
    %dma_start3A_76 = tpu.memref_slice %arg3[%add3A_71] : memref<16384xi32, #tpu.memory_space<hbm>> -> memref<128xi32, #tpu.memory_space<hbm>>
    %dma_start3A_77 = arith.constant 0 : i32
    %dma_start3A_78 = tpu.memref_slice %arg9[%dma_start3A_72, %dma_start3A_77] : memref<4x128xi32, #tpu.memory_space<vmem>> -> memref<1x128xi32, #tpu.memory_space<vmem>>
    %dma_start3A_79 = tpu.memref_squeeze %dma_start3A_78 : memref<1x128xi32, #tpu.memory_space<vmem>> -> memref<128xi32, #tpu.memory_space<vmem>>
    %dma_start3A_80 = tpu.memref_slice %arg3[%add3A_71] : memref<16384xi32, #tpu.memory_space<hbm>> -> memref<128xi32, #tpu.memory_space<hbm>>
    tpu.enqueue_dma source(%dma_start3A_80 : memref<128xi32, #tpu.memory_space<hbm>>) target(%dma_start3A_79 : memref<128xi32, #tpu.memory_space<vmem>>) target_semaphore(%arg14 : memref<!tpu.dma_semaphore, #tpu.memory_space<semaphore_mem>>)
    %add3A_81 = arith.constant 384 : i32
    %add3A_82 = arith.addi %mul3A_2, %add3A_81 : i32
    %dma_start3A_83 = arith.constant 3 : i32
    %dma_start3A_84 = arith.constant 0 : i32
    %dma_start3A_85 = tpu.memref_slice %arg9[%dma_start3A_83, %dma_start3A_84] : memref<4x128xi32, #tpu.memory_space<vmem>> -> memref<1x128xi32, #tpu.memory_space<vmem>>
    %dma_start3A_86 = tpu.memref_squeeze %dma_start3A_85 : memref<1x128xi32, #tpu.memory_space<vmem>> -> memref<128xi32, #tpu.memory_space<vmem>>
    %dma_start3A_87 = tpu.memref_slice %arg3[%add3A_82] : memref<16384xi32, #tpu.memory_space<hbm>> -> memref<128xi32, #tpu.memory_space<hbm>>
    %dma_start3A_88 = arith.constant 0 : i32
    %dma_start3A_89 = tpu.memref_slice %arg9[%dma_start3A_83, %dma_start3A_88] : memref<4x128xi32, #tpu.memory_space<vmem>> -> memref<1x128xi32, #tpu.memory_space<vmem>>
    %dma_start3A_90 = tpu.memref_squeeze %dma_start3A_89 : memref<1x128xi32, #tpu.memory_space<vmem>> -> memref<128xi32, #tpu.memory_space<vmem>>
    %dma_start3A_91 = tpu.memref_slice %arg3[%add3A_82] : memref<16384xi32, #tpu.memory_space<hbm>> -> memref<128xi32, #tpu.memory_space<hbm>>
    tpu.enqueue_dma source(%dma_start3A_91 : memref<128xi32, #tpu.memory_space<hbm>>) target(%dma_start3A_90 : memref<128xi32, #tpu.memory_space<vmem>>) target_semaphore(%arg14 : memref<!tpu.dma_semaphore, #tpu.memory_space<semaphore_mem>>)
    %dma_wait3A = arith.constant 0 : i32
    %dma_wait3A_92 = arith.constant 0 : i32
    %dma_wait3A_93 = tpu.memref_slice %arg8[%dma_wait3A, %dma_wait3A_92] : memref<4x128xi32, #tpu.memory_space<vmem>> -> memref<1x128xi32, #tpu.memory_space<vmem>>
    %dma_wait3A_94 = tpu.memref_squeeze %dma_wait3A_93 : memref<1x128xi32, #tpu.memory_space<vmem>> -> memref<128xi32, #tpu.memory_space<vmem>>
    %dma_wait3A_95 = tpu.memref_slice %arg2[%add3A_6] : memref<16384xi32, #tpu.memory_space<hbm>> -> memref<128xi32, #tpu.memory_space<hbm>>
    %dma_wait3A_96 = arith.constant 0 : i32
    %dma_wait3A_97 = tpu.memref_slice %arg8[%dma_wait3A, %dma_wait3A_96] : memref<4x128xi32, #tpu.memory_space<vmem>> -> memref<1x128xi32, #tpu.memory_space<vmem>>
    %dma_wait3A_98 = tpu.memref_squeeze %dma_wait3A_97 : memref<1x128xi32, #tpu.memory_space<vmem>> -> memref<128xi32, #tpu.memory_space<vmem>>
    %dma_wait3A_99 = tpu.memref_slice %arg2[%add3A_6] : memref<16384xi32, #tpu.memory_space<hbm>> -> memref<128xi32, #tpu.memory_space<hbm>>
    tpu.wait_dma2 semaphore(%arg14 : memref<!tpu.dma_semaphore, #tpu.memory_space<semaphore_mem>>) src(%dma_wait3A_99 : memref<128xi32, #tpu.memory_space<hbm>>) dst(%dma_wait3A_98 : memref<128xi32, #tpu.memory_space<vmem>>)
    %dma_wait3A_100 = arith.constant 1 : i32
    %dma_wait3A_101 = arith.constant 0 : i32
    %dma_wait3A_102 = tpu.memref_slice %arg8[%dma_wait3A_100, %dma_wait3A_101] : memref<4x128xi32, #tpu.memory_space<vmem>> -> memref<1x128xi32, #tpu.memory_space<vmem>>
    %dma_wait3A_103 = tpu.memref_squeeze %dma_wait3A_102 : memref<1x128xi32, #tpu.memory_space<vmem>> -> memref<128xi32, #tpu.memory_space<vmem>>
    %dma_wait3A_104 = tpu.memref_slice %arg2[%add3A_16] : memref<16384xi32, #tpu.memory_space<hbm>> -> memref<128xi32, #tpu.memory_space<hbm>>
    %dma_wait3A_105 = arith.constant 0 : i32
    %dma_wait3A_106 = tpu.memref_slice %arg8[%dma_wait3A_100, %dma_wait3A_105] : memref<4x128xi32, #tpu.memory_space<vmem>> -> memref<1x128xi32, #tpu.memory_space<vmem>>
    %dma_wait3A_107 = tpu.memref_squeeze %dma_wait3A_106 : memref<1x128xi32, #tpu.memory_space<vmem>> -> memref<128xi32, #tpu.memory_space<vmem>>
    %dma_wait3A_108 = tpu.memref_slice %arg2[%add3A_16] : memref<16384xi32, #tpu.memory_space<hbm>> -> memref<128xi32, #tpu.memory_space<hbm>>
    tpu.wait_dma2 semaphore(%arg14 : memref<!tpu.dma_semaphore, #tpu.memory_space<semaphore_mem>>) src(%dma_wait3A_108 : memref<128xi32, #tpu.memory_space<hbm>>) dst(%dma_wait3A_107 : memref<128xi32, #tpu.memory_space<vmem>>)
    %dma_wait3A_109 = arith.constant 2 : i32
    %dma_wait3A_110 = arith.constant 0 : i32
    %dma_wait3A_111 = tpu.memref_slice %arg8[%dma_wait3A_109, %dma_wait3A_110] : memref<4x128xi32, #tpu.memory_space<vmem>> -> memref<1x128xi32, #tpu.memory_space<vmem>>
    %dma_wait3A_112 = tpu.memref_squeeze %dma_wait3A_111 : memref<1x128xi32, #tpu.memory_space<vmem>> -> memref<128xi32, #tpu.memory_space<vmem>>
    %dma_wait3A_113 = tpu.memref_slice %arg2[%add3A_27] : memref<16384xi32, #tpu.memory_space<hbm>> -> memref<128xi32, #tpu.memory_space<hbm>>
    %dma_wait3A_114 = arith.constant 0 : i32
    %dma_wait3A_115 = tpu.memref_slice %arg8[%dma_wait3A_109, %dma_wait3A_114] : memref<4x128xi32, #tpu.memory_space<vmem>> -> memref<1x128xi32, #tpu.memory_space<vmem>>
    %dma_wait3A_116 = tpu.memref_squeeze %dma_wait3A_115 : memref<1x128xi32, #tpu.memory_space<vmem>> -> memref<128xi32, #tpu.memory_space<vmem>>
    %dma_wait3A_117 = tpu.memref_slice %arg2[%add3A_27] : memref<16384xi32, #tpu.memory_space<hbm>> -> memref<128xi32, #tpu.memory_space<hbm>>
    tpu.wait_dma2 semaphore(%arg14 : memref<!tpu.dma_semaphore, #tpu.memory_space<semaphore_mem>>) src(%dma_wait3A_117 : memref<128xi32, #tpu.memory_space<hbm>>) dst(%dma_wait3A_116 : memref<128xi32, #tpu.memory_space<vmem>>)
    %dma_wait3A_118 = arith.constant 3 : i32
    %dma_wait3A_119 = arith.constant 0 : i32
    %dma_wait3A_120 = tpu.memref_slice %arg8[%dma_wait3A_118, %dma_wait3A_119] : memref<4x128xi32, #tpu.memory_space<vmem>> -> memref<1x128xi32, #tpu.memory_space<vmem>>
    %dma_wait3A_121 = tpu.memref_squeeze %dma_wait3A_120 : memref<1x128xi32, #tpu.memory_space<vmem>> -> memref<128xi32, #tpu.memory_space<vmem>>
    %dma_wait3A_122 = tpu.memref_slice %arg2[%add3A_38] : memref<16384xi32, #tpu.memory_space<hbm>> -> memref<128xi32, #tpu.memory_space<hbm>>
    %dma_wait3A_123 = arith.constant 0 : i32
    %dma_wait3A_124 = tpu.memref_slice %arg8[%dma_wait3A_118, %dma_wait3A_123] : memref<4x128xi32, #tpu.memory_space<vmem>> -> memref<1x128xi32, #tpu.memory_space<vmem>>
    %dma_wait3A_125 = tpu.memref_squeeze %dma_wait3A_124 : memref<1x128xi32, #tpu.memory_space<vmem>> -> memref<128xi32, #tpu.memory_space<vmem>>
    %dma_wait3A_126 = tpu.memref_slice %arg2[%add3A_38] : memref<16384xi32, #tpu.memory_space<hbm>> -> memref<128xi32, #tpu.memory_space<hbm>>
    tpu.wait_dma2 semaphore(%arg14 : memref<!tpu.dma_semaphore, #tpu.memory_space<semaphore_mem>>) src(%dma_wait3A_126 : memref<128xi32, #tpu.memory_space<hbm>>) dst(%dma_wait3A_125 : memref<128xi32, #tpu.memory_space<vmem>>)
    %dma_wait3A_127 = arith.constant 0 : i32
    %dma_wait3A_128 = arith.constant 0 : i32
    %dma_wait3A_129 = tpu.memref_slice %arg9[%dma_wait3A_127, %dma_wait3A_128] : memref<4x128xi32, #tpu.memory_space<vmem>> -> memref<1x128xi32, #tpu.memory_space<vmem>>
    %dma_wait3A_130 = tpu.memref_squeeze %dma_wait3A_129 : memref<1x128xi32, #tpu.memory_space<vmem>> -> memref<128xi32, #tpu.memory_space<vmem>>
    %dma_wait3A_131 = tpu.memref_slice %arg3[%add3A_49] : memref<16384xi32, #tpu.memory_space<hbm>> -> memref<128xi32, #tpu.memory_space<hbm>>
    %dma_wait3A_132 = arith.constant 0 : i32
    %dma_wait3A_133 = tpu.memref_slice %arg9[%dma_wait3A_127, %dma_wait3A_132] : memref<4x128xi32, #tpu.memory_space<vmem>> -> memref<1x128xi32, #tpu.memory_space<vmem>>
    %dma_wait3A_134 = tpu.memref_squeeze %dma_wait3A_133 : memref<1x128xi32, #tpu.memory_space<vmem>> -> memref<128xi32, #tpu.memory_space<vmem>>
    %dma_wait3A_135 = tpu.memref_slice %arg3[%add3A_49] : memref<16384xi32, #tpu.memory_space<hbm>> -> memref<128xi32, #tpu.memory_space<hbm>>
    tpu.wait_dma2 semaphore(%arg14 : memref<!tpu.dma_semaphore, #tpu.memory_space<semaphore_mem>>) src(%dma_wait3A_135 : memref<128xi32, #tpu.memory_space<hbm>>) dst(%dma_wait3A_134 : memref<128xi32, #tpu.memory_space<vmem>>)
    %dma_wait3A_136 = arith.constant 1 : i32
    %dma_wait3A_137 = arith.constant 0 : i32
    %dma_wait3A_138 = tpu.memref_slice %arg9[%dma_wait3A_136, %dma_wait3A_137] : memref<4x128xi32, #tpu.memory_space<vmem>> -> memref<1x128xi32, #tpu.memory_space<vmem>>
    %dma_wait3A_139 = tpu.memref_squeeze %dma_wait3A_138 : memref<1x128xi32, #tpu.memory_space<vmem>> -> memref<128xi32, #tpu.memory_space<vmem>>
    %dma_wait3A_140 = tpu.memref_slice %arg3[%add3A_60] : memref<16384xi32, #tpu.memory_space<hbm>> -> memref<128xi32, #tpu.memory_space<hbm>>
    %dma_wait3A_141 = arith.constant 0 : i32
    %dma_wait3A_142 = tpu.memref_slice %arg9[%dma_wait3A_136, %dma_wait3A_141] : memref<4x128xi32, #tpu.memory_space<vmem>> -> memref<1x128xi32, #tpu.memory_space<vmem>>
    %dma_wait3A_143 = tpu.memref_squeeze %dma_wait3A_142 : memref<1x128xi32, #tpu.memory_space<vmem>> -> memref<128xi32, #tpu.memory_space<vmem>>
    %dma_wait3A_144 = tpu.memref_slice %arg3[%add3A_60] : memref<16384xi32, #tpu.memory_space<hbm>> -> memref<128xi32, #tpu.memory_space<hbm>>
    tpu.wait_dma2 semaphore(%arg14 : memref<!tpu.dma_semaphore, #tpu.memory_space<semaphore_mem>>) src(%dma_wait3A_144 : memref<128xi32, #tpu.memory_space<hbm>>) dst(%dma_wait3A_143 : memref<128xi32, #tpu.memory_space<vmem>>)
    %dma_wait3A_145 = arith.constant 2 : i32
    %dma_wait3A_146 = arith.constant 0 : i32
    %dma_wait3A_147 = tpu.memref_slice %arg9[%dma_wait3A_145, %dma_wait3A_146] : memref<4x128xi32, #tpu.memory_space<vmem>> -> memref<1x128xi32, #tpu.memory_space<vmem>>
    %dma_wait3A_148 = tpu.memref_squeeze %dma_wait3A_147 : memref<1x128xi32, #tpu.memory_space<vmem>> -> memref<128xi32, #tpu.memory_space<vmem>>
    %dma_wait3A_149 = tpu.memref_slice %arg3[%add3A_71] : memref<16384xi32, #tpu.memory_space<hbm>> -> memref<128xi32, #tpu.memory_space<hbm>>
    %dma_wait3A_150 = arith.constant 0 : i32
    %dma_wait3A_151 = tpu.memref_slice %arg9[%dma_wait3A_145, %dma_wait3A_150] : memref<4x128xi32, #tpu.memory_space<vmem>> -> memref<1x128xi32, #tpu.memory_space<vmem>>
    %dma_wait3A_152 = tpu.memref_squeeze %dma_wait3A_151 : memref<1x128xi32, #tpu.memory_space<vmem>> -> memref<128xi32, #tpu.memory_space<vmem>>
    %dma_wait3A_153 = tpu.memref_slice %arg3[%add3A_71] : memref<16384xi32, #tpu.memory_space<hbm>> -> memref<128xi32, #tpu.memory_space<hbm>>
    tpu.wait_dma2 semaphore(%arg14 : memref<!tpu.dma_semaphore, #tpu.memory_space<semaphore_mem>>) src(%dma_wait3A_153 : memref<128xi32, #tpu.memory_space<hbm>>) dst(%dma_wait3A_152 : memref<128xi32, #tpu.memory_space<vmem>>)
    %dma_wait3A_154 = arith.constant 3 : i32
    %dma_wait3A_155 = arith.constant 0 : i32
    %dma_wait3A_156 = tpu.memref_slice %arg9[%dma_wait3A_154, %dma_wait3A_155] : memref<4x128xi32, #tpu.memory_space<vmem>> -> memref<1x128xi32, #tpu.memory_space<vmem>>
    %dma_wait3A_157 = tpu.memref_squeeze %dma_wait3A_156 : memref<1x128xi32, #tpu.memory_space<vmem>> -> memref<128xi32, #tpu.memory_space<vmem>>
    %dma_wait3A_158 = tpu.memref_slice %arg3[%add3A_82] : memref<16384xi32, #tpu.memory_space<hbm>> -> memref<128xi32, #tpu.memory_space<hbm>>
    %dma_wait3A_159 = arith.constant 0 : i32
    %dma_wait3A_160 = tpu.memref_slice %arg9[%dma_wait3A_154, %dma_wait3A_159] : memref<4x128xi32, #tpu.memory_space<vmem>> -> memref<1x128xi32, #tpu.memory_space<vmem>>
    %dma_wait3A_161 = tpu.memref_squeeze %dma_wait3A_160 : memref<1x128xi32, #tpu.memory_space<vmem>> -> memref<128xi32, #tpu.memory_space<vmem>>
    %dma_wait3A_162 = tpu.memref_slice %arg3[%add3A_82] : memref<16384xi32, #tpu.memory_space<hbm>> -> memref<128xi32, #tpu.memory_space<hbm>>
    tpu.wait_dma2 semaphore(%arg14 : memref<!tpu.dma_semaphore, #tpu.memory_space<semaphore_mem>>) src(%dma_wait3A_162 : memref<128xi32, #tpu.memory_space<hbm>>) dst(%dma_wait3A_161 : memref<128xi32, #tpu.memory_space<vmem>>)
    %dma_start3A_163 = arith.constant 0 : i32
    %dma_start3A_164 = arith.constant 0 : i32
    %dma_start3A_165 = arith.constant 0 : i32
    %dma_start3A_166 = tpu.memref_slice %arg10[%dma_start3A_164, %dma_start3A_165] : memref<512x128xf32, #tpu.memory_space<vmem>> -> memref<128x128xf32, #tpu.memory_space<vmem>>
    %dma_start3A_167 = arith.constant 0 : i32
    %dma_start3A_168 = tpu.memref_slice %arg8[%dma_start3A_163, %dma_start3A_167] : memref<4x128xi32, #tpu.memory_space<vmem>> -> memref<1x128xi32, #tpu.memory_space<vmem>>
    %dma_start3A_169 = tpu.memref_squeeze %dma_start3A_168 : memref<1x128xi32, #tpu.memory_space<vmem>> -> memref<128xi32, #tpu.memory_space<vmem>>
    %dma_start3A_170 = arith.constant 0 : i32
    %dma_start3A_171 = arith.constant 0 : i32
    %dma_start3A_172 = tpu.memref_slice %arg4[%dma_start3A_170, %dma_start3A_171] : memref<100000x128xf32, #tpu.memory_space<hbm>> -> memref<100000x128xf32, #tpu.memory_space<hbm>>
    tpu.enqueue_indirect_dma source(%dma_start3A_172 : memref<100000x128xf32, #tpu.memory_space<hbm>>) target(%dma_start3A_166 : memref<128x128xf32, #tpu.memory_space<vmem>>) offsets(%dma_start3A_169 : memref<128xi32, #tpu.memory_space<vmem>>) semaphore(%arg12 : memref<!tpu.dma_semaphore, #tpu.memory_space<semaphore_mem>>)
    %dma_start3A_173 = arith.constant 1 : i32
    %dma_start3A_174 = arith.constant 128 : i32
    %dma_start3A_175 = arith.constant 0 : i32
    %dma_start3A_176 = tpu.memref_slice %arg10[%dma_start3A_174, %dma_start3A_175] : memref<512x128xf32, #tpu.memory_space<vmem>> -> memref<128x128xf32, #tpu.memory_space<vmem>>
    %dma_start3A_177 = arith.constant 0 : i32
    %dma_start3A_178 = tpu.memref_slice %arg8[%dma_start3A_173, %dma_start3A_177] : memref<4x128xi32, #tpu.memory_space<vmem>> -> memref<1x128xi32, #tpu.memory_space<vmem>>
    %dma_start3A_179 = tpu.memref_squeeze %dma_start3A_178 : memref<1x128xi32, #tpu.memory_space<vmem>> -> memref<128xi32, #tpu.memory_space<vmem>>
    %dma_start3A_180 = arith.constant 0 : i32
    %dma_start3A_181 = arith.constant 0 : i32
    %dma_start3A_182 = tpu.memref_slice %arg4[%dma_start3A_180, %dma_start3A_181] : memref<100000x128xf32, #tpu.memory_space<hbm>> -> memref<100000x128xf32, #tpu.memory_space<hbm>>
    tpu.enqueue_indirect_dma source(%dma_start3A_182 : memref<100000x128xf32, #tpu.memory_space<hbm>>) target(%dma_start3A_176 : memref<128x128xf32, #tpu.memory_space<vmem>>) offsets(%dma_start3A_179 : memref<128xi32, #tpu.memory_space<vmem>>) semaphore(%arg12 : memref<!tpu.dma_semaphore, #tpu.memory_space<semaphore_mem>>)
    %dma_start3A_183 = arith.constant 2 : i32
    %dma_start3A_184 = arith.constant 256 : i32
    %dma_start3A_185 = arith.constant 0 : i32
    %dma_start3A_186 = tpu.memref_slice %arg10[%dma_start3A_184, %dma_start3A_185] : memref<512x128xf32, #tpu.memory_space<vmem>> -> memref<128x128xf32, #tpu.memory_space<vmem>>
    %dma_start3A_187 = arith.constant 0 : i32
    %dma_start3A_188 = tpu.memref_slice %arg8[%dma_start3A_183, %dma_start3A_187] : memref<4x128xi32, #tpu.memory_space<vmem>> -> memref<1x128xi32, #tpu.memory_space<vmem>>
    %dma_start3A_189 = tpu.memref_squeeze %dma_start3A_188 : memref<1x128xi32, #tpu.memory_space<vmem>> -> memref<128xi32, #tpu.memory_space<vmem>>
    %dma_start3A_190 = arith.constant 0 : i32
    %dma_start3A_191 = arith.constant 0 : i32
    %dma_start3A_192 = tpu.memref_slice %arg4[%dma_start3A_190, %dma_start3A_191] : memref<100000x128xf32, #tpu.memory_space<hbm>> -> memref<100000x128xf32, #tpu.memory_space<hbm>>
    tpu.enqueue_indirect_dma source(%dma_start3A_192 : memref<100000x128xf32, #tpu.memory_space<hbm>>) target(%dma_start3A_186 : memref<128x128xf32, #tpu.memory_space<vmem>>) offsets(%dma_start3A_189 : memref<128xi32, #tpu.memory_space<vmem>>) semaphore(%arg12 : memref<!tpu.dma_semaphore, #tpu.memory_space<semaphore_mem>>)
    %dma_start3A_193 = arith.constant 3 : i32
    %dma_start3A_194 = arith.constant 384 : i32
    %dma_start3A_195 = arith.constant 0 : i32
    %dma_start3A_196 = tpu.memref_slice %arg10[%dma_start3A_194, %dma_start3A_195] : memref<512x128xf32, #tpu.memory_space<vmem>> -> memref<128x128xf32, #tpu.memory_space<vmem>>
    %dma_start3A_197 = arith.constant 0 : i32
    %dma_start3A_198 = tpu.memref_slice %arg8[%dma_start3A_193, %dma_start3A_197] : memref<4x128xi32, #tpu.memory_space<vmem>> -> memref<1x128xi32, #tpu.memory_space<vmem>>
    %dma_start3A_199 = tpu.memref_squeeze %dma_start3A_198 : memref<1x128xi32, #tpu.memory_space<vmem>> -> memref<128xi32, #tpu.memory_space<vmem>>
    %dma_start3A_200 = arith.constant 0 : i32
    %dma_start3A_201 = arith.constant 0 : i32
    %dma_start3A_202 = tpu.memref_slice %arg4[%dma_start3A_200, %dma_start3A_201] : memref<100000x128xf32, #tpu.memory_space<hbm>> -> memref<100000x128xf32, #tpu.memory_space<hbm>>
    tpu.enqueue_indirect_dma source(%dma_start3A_202 : memref<100000x128xf32, #tpu.memory_space<hbm>>) target(%dma_start3A_196 : memref<128x128xf32, #tpu.memory_space<vmem>>) offsets(%dma_start3A_199 : memref<128xi32, #tpu.memory_space<vmem>>) semaphore(%arg12 : memref<!tpu.dma_semaphore, #tpu.memory_space<semaphore_mem>>)
    %dma_wait3A_203 = arith.constant 0 : i32
    %dma_wait3A_204 = arith.constant 0 : i32
    %dma_wait3A_205 = arith.constant 0 : i32
    %dma_wait3A_206 = tpu.memref_slice %arg10[%dma_wait3A_204, %dma_wait3A_205] : memref<512x128xf32, #tpu.memory_space<vmem>> -> memref<128x128xf32, #tpu.memory_space<vmem>>
    %dma_wait3A_207 = arith.constant 0 : i32
    %dma_wait3A_208 = tpu.memref_slice %arg8[%dma_wait3A_203, %dma_wait3A_207] : memref<4x128xi32, #tpu.memory_space<vmem>> -> memref<1x128xi32, #tpu.memory_space<vmem>>
    %dma_wait3A_209 = tpu.memref_squeeze %dma_wait3A_208 : memref<1x128xi32, #tpu.memory_space<vmem>> -> memref<128xi32, #tpu.memory_space<vmem>>
    %dma_wait3A_210 = arith.constant 0 : i32
    %dma_wait3A_211 = arith.constant 0 : i32
    %dma_wait3A_212 = tpu.memref_slice %arg4[%dma_wait3A_210, %dma_wait3A_211] : memref<100000x128xf32, #tpu.memory_space<hbm>> -> memref<100000x128xf32, #tpu.memory_space<hbm>>
    tpu.wait_indirect_dma semaphore(%arg12 : memref<!tpu.dma_semaphore, #tpu.memory_space<semaphore_mem>>) src(%dma_wait3A_212 : memref<100000x128xf32, #tpu.memory_space<hbm>>) dst(%dma_wait3A_206 : memref<128x128xf32, #tpu.memory_space<vmem>>)
    %parallel_loop3A = arith.constant 0 : i32
    %parallel_loop3A_213 = arith.constant 64 : i32
    %parallel_loop3A_214 = arith.constant 1 : i32
    scf.for %parallel_loop3A_522 = %parallel_loop3A to %parallel_loop3A_213 step %parallel_loop3A_214  : i32 {
      %parallel_loop3A_523 = arith.constant 2 : i32
      %parallel_loop3A_524 = arith.muli %parallel_loop3A_523, %parallel_loop3A_522 : i32
      %parallel_loop3A_525 = arith.constant 0 : i32
      %parallel_loop3A_526 = arith.addi %parallel_loop3A_525, %parallel_loop3A_524 : i32
      %parallel_loop3A_527 = arith.index_cast %parallel_loop3A_526 : i32 to index
      %parallel_loop3A_528 = arith.constant 0 : index
      %parallel_loop3A_529 = tpu.vector_load %arg10[%parallel_loop3A_527, %parallel_loop3A_528] {strides = array<i32>} : memref<512x128xf32, #tpu.memory_space<vmem>>, vector<16xf32>,
      %parallel_loop3A_530 = arith.constant 2 : i32
      %parallel_loop3A_531 = arith.muli %parallel_loop3A_530, %parallel_loop3A_522 : i32
      %parallel_loop3A_532 = arith.constant 0 : i32
      %parallel_loop3A_533 = arith.addi %parallel_loop3A_532, %parallel_loop3A_531 : i32
      %parallel_loop3A_534 = arith.constant 1 : i32
      %parallel_loop3A_535 = arith.addi %parallel_loop3A_533, %parallel_loop3A_534 : i32
      %parallel_loop3A_536 = arith.index_cast %parallel_loop3A_535 : i32 to index
      %parallel_loop3A_537 = arith.constant 0 : index
      %parallel_loop3A_538 = tpu.vector_load %arg10[%parallel_loop3A_536, %parallel_loop3A_537] {strides = array<i32>} : memref<512x128xf32, #tpu.memory_space<vmem>>, vector<16xf32>,
      %parallel_loop3A_539 = tpu.pack_subelements %parallel_loop3A_529, %parallel_loop3A_538 {pack_format = #tpu.pack_format<interleaved>, positions = array<i32: 0, 1>} : vector<16xf32>, vector<16xf32> -> vector<32xbf16>
      %parallel_loop3A_540 = vector.bitcast %parallel_loop3A_539 : vector<32xbf16> to vector<16xi32>
      %parallel_loop3A_541 = arith.constant 0 : i32
      %parallel_loop3A_542 = arith.addi %parallel_loop3A_541, %parallel_loop3A_522 : i32
      %parallel_loop3A_543 = arith.index_cast %parallel_loop3A_542 : i32 to index
      %parallel_loop3A_544 = arith.constant 0 : index
      %parallel_loop3A_545 = tpu.vector_load %arg11[%parallel_loop3A_543, %parallel_loop3A_544] {strides = array<i32>} : memref<128x128xi32, #tpu.memory_space<vmem>>, vector<16xi32>,
      tpu.vector_store %arg11[%parallel_loop3A_543, %parallel_loop3A_544], %parallel_loop3A_540 {strides = array<i32>} : memref<128x128xi32, #tpu.memory_space<vmem>>, vector<16xi32>,
      %parallel_loop3A_546 = arith.constant 2 : i32
      %parallel_loop3A_547 = arith.muli %parallel_loop3A_546, %parallel_loop3A_522 : i32
      %parallel_loop3A_548 = arith.constant 0 : i32
      %parallel_loop3A_549 = arith.addi %parallel_loop3A_548, %parallel_loop3A_547 : i32
      %parallel_loop3A_550 = arith.index_cast %parallel_loop3A_549 : i32 to index
      %parallel_loop3A_551 = arith.constant 16 : index
      %parallel_loop3A_552 = tpu.vector_load %arg10[%parallel_loop3A_550, %parallel_loop3A_551] {strides = array<i32>} : memref<512x128xf32, #tpu.memory_space<vmem>>, vector<16xf32>,
      %parallel_loop3A_553 = arith.constant 2 : i32
      %parallel_loop3A_554 = arith.muli %parallel_loop3A_553, %parallel_loop3A_522 : i32
      %parallel_loop3A_555 = arith.constant 0 : i32
      %parallel_loop3A_556 = arith.addi %parallel_loop3A_555, %parallel_loop3A_554 : i32
      %parallel_loop3A_557 = arith.constant 1 : i32
      %parallel_loop3A_558 = arith.addi %parallel_loop3A_556, %parallel_loop3A_557 : i32
      %parallel_loop3A_559 = arith.index_cast %parallel_loop3A_558 : i32 to index
      %parallel_loop3A_560 = arith.constant 16 : index
      %parallel_loop3A_561 = tpu.vector_load %arg10[%parallel_loop3A_559, %parallel_loop3A_560] {strides = array<i32>} : memref<512x128xf32, #tpu.memory_space<vmem>>, vector<16xf32>,
      %parallel_loop3A_562 = tpu.pack_subelements %parallel_loop3A_552, %parallel_loop3A_561 {pack_format = #tpu.pack_format<interleaved>, positions = array<i32: 0, 1>} : vector<16xf32>, vector<16xf32> -> vector<32xbf16>
      %parallel_loop3A_563 = vector.bitcast %parallel_loop3A_562 : vector<32xbf16> to vector<16xi32>
      %parallel_loop3A_564 = arith.constant 0 : i32
      %parallel_loop3A_565 = arith.addi %parallel_loop3A_564, %parallel_loop3A_522 : i32
      %parallel_loop3A_566 = arith.index_cast %parallel_loop3A_565 : i32 to index
      %parallel_loop3A_567 = arith.constant 16 : index
      %parallel_loop3A_568 = tpu.vector_load %arg11[%parallel_loop3A_566, %parallel_loop3A_567] {strides = array<i32>} : memref<128x128xi32, #tpu.memory_space<vmem>>, vector<16xi32>,
      tpu.vector_store %arg11[%parallel_loop3A_566, %parallel_loop3A_567], %parallel_loop3A_563 {strides = array<i32>} : memref<128x128xi32, #tpu.memory_space<vmem>>, vector<16xi32>,
      %parallel_loop3A_569 = arith.constant 2 : i32
      %parallel_loop3A_570 = arith.muli %parallel_loop3A_569, %parallel_loop3A_522 : i32
      %parallel_loop3A_571 = arith.constant 0 : i32
      %parallel_loop3A_572 = arith.addi %parallel_loop3A_571, %parallel_loop3A_570 : i32
      %parallel_loop3A_573 = arith.index_cast %parallel_loop3A_572 : i32 to index
      %parallel_loop3A_574 = arith.constant 32 : index
      %parallel_loop3A_575 = tpu.vector_load %arg10[%parallel_loop3A_573, %parallel_loop3A_574] {strides = array<i32>} : memref<512x128xf32, #tpu.memory_space<vmem>>, vector<16xf32>,
      %parallel_loop3A_576 = arith.constant 2 : i32
      %parallel_loop3A_577 = arith.muli %parallel_loop3A_576, %parallel_loop3A_522 : i32
      %parallel_loop3A_578 = arith.constant 0 : i32
      %parallel_loop3A_579 = arith.addi %parallel_loop3A_578, %parallel_loop3A_577 : i32
      %parallel_loop3A_580 = arith.constant 1 : i32
      %parallel_loop3A_581 = arith.addi %parallel_loop3A_579, %parallel_loop3A_580 : i32
      %parallel_loop3A_582 = arith.index_cast %parallel_loop3A_581 : i32 to index
      %parallel_loop3A_583 = arith.constant 32 : index
      %parallel_loop3A_584 = tpu.vector_load %arg10[%parallel_loop3A_582, %parallel_loop3A_583] {strides = array<i32>} : memref<512x128xf32, #tpu.memory_space<vmem>>, vector<16xf32>,
      %parallel_loop3A_585 = tpu.pack_subelements %parallel_loop3A_575, %parallel_loop3A_584 {pack_format = #tpu.pack_format<interleaved>, positions = array<i32: 0, 1>} : vector<16xf32>, vector<16xf32> -> vector<32xbf16>
      %parallel_loop3A_586 = vector.bitcast %parallel_loop3A_585 : vector<32xbf16> to vector<16xi32>
      %parallel_loop3A_587 = arith.constant 0 : i32
      %parallel_loop3A_588 = arith.addi %parallel_loop3A_587, %parallel_loop3A_522 : i32
      %parallel_loop3A_589 = arith.index_cast %parallel_loop3A_588 : i32 to index
      %parallel_loop3A_590 = arith.constant 32 : index
      %parallel_loop3A_591 = tpu.vector_load %arg11[%parallel_loop3A_589, %parallel_loop3A_590] {strides = array<i32>} : memref<128x128xi32, #tpu.memory_space<vmem>>, vector<16xi32>,
      tpu.vector_store %arg11[%parallel_loop3A_589, %parallel_loop3A_590], %parallel_loop3A_586 {strides = array<i32>} : memref<128x128xi32, #tpu.memory_space<vmem>>, vector<16xi32>,
      %parallel_loop3A_592 = arith.constant 2 : i32
      %parallel_loop3A_593 = arith.muli %parallel_loop3A_592, %parallel_loop3A_522 : i32
      %parallel_loop3A_594 = arith.constant 0 : i32
      %parallel_loop3A_595 = arith.addi %parallel_loop3A_594, %parallel_loop3A_593 : i32
      %parallel_loop3A_596 = arith.index_cast %parallel_loop3A_595 : i32 to index
      %parallel_loop3A_597 = arith.constant 48 : index
      %parallel_loop3A_598 = tpu.vector_load %arg10[%parallel_loop3A_596, %parallel_loop3A_597] {strides = array<i32>} : memref<512x128xf32, #tpu.memory_space<vmem>>, vector<16xf32>,
      %parallel_loop3A_599 = arith.constant 2 : i32
      %parallel_loop3A_600 = arith.muli %parallel_loop3A_599, %parallel_loop3A_522 : i32
      %parallel_loop3A_601 = arith.constant 0 : i32
      %parallel_loop3A_602 = arith.addi %parallel_loop3A_601, %parallel_loop3A_600 : i32
      %parallel_loop3A_603 = arith.constant 1 : i32
      %parallel_loop3A_604 = arith.addi %parallel_loop3A_602, %parallel_loop3A_603 : i32
      %parallel_loop3A_605 = arith.index_cast %parallel_loop3A_604 : i32 to index
      %parallel_loop3A_606 = arith.constant 48 : index
      %parallel_loop3A_607 = tpu.vector_load %arg10[%parallel_loop3A_605, %parallel_loop3A_606] {strides = array<i32>} : memref<512x128xf32, #tpu.memory_space<vmem>>, vector<16xf32>,
      %parallel_loop3A_608 = tpu.pack_subelements %parallel_loop3A_598, %parallel_loop3A_607 {pack_format = #tpu.pack_format<interleaved>, positions = array<i32: 0, 1>} : vector<16xf32>, vector<16xf32> -> vector<32xbf16>
      %parallel_loop3A_609 = vector.bitcast %parallel_loop3A_608 : vector<32xbf16> to vector<16xi32>
      %parallel_loop3A_610 = arith.constant 0 : i32
      %parallel_loop3A_611 = arith.addi %parallel_loop3A_610, %parallel_loop3A_522 : i32
      %parallel_loop3A_612 = arith.index_cast %parallel_loop3A_611 : i32 to index
      %parallel_loop3A_613 = arith.constant 48 : index
      %parallel_loop3A_614 = tpu.vector_load %arg11[%parallel_loop3A_612, %parallel_loop3A_613] {strides = array<i32>} : memref<128x128xi32, #tpu.memory_space<vmem>>, vector<16xi32>,
      tpu.vector_store %arg11[%parallel_loop3A_612, %parallel_loop3A_613], %parallel_loop3A_609 {strides = array<i32>} : memref<128x128xi32, #tpu.memory_space<vmem>>, vector<16xi32>,
      %parallel_loop3A_615 = arith.constant 2 : i32
      %parallel_loop3A_616 = arith.muli %parallel_loop3A_615, %parallel_loop3A_522 : i32
      %parallel_loop3A_617 = arith.constant 0 : i32
      %parallel_loop3A_618 = arith.addi %parallel_loop3A_617, %parallel_loop3A_616 : i32
      %parallel_loop3A_619 = arith.index_cast %parallel_loop3A_618 : i32 to index
      %parallel_loop3A_620 = arith.constant 64 : index
      %parallel_loop3A_621 = tpu.vector_load %arg10[%parallel_loop3A_619, %parallel_loop3A_620] {strides = array<i32>} : memref<512x128xf32, #tpu.memory_space<vmem>>, vector<16xf32>,
      %parallel_loop3A_622 = arith.constant 2 : i32
      %parallel_loop3A_623 = arith.muli %parallel_loop3A_622, %parallel_loop3A_522 : i32
      %parallel_loop3A_624 = arith.constant 0 : i32
      %parallel_loop3A_625 = arith.addi %parallel_loop3A_624, %parallel_loop3A_623 : i32
      %parallel_loop3A_626 = arith.constant 1 : i32
      %parallel_loop3A_627 = arith.addi %parallel_loop3A_625, %parallel_loop3A_626 : i32
      %parallel_loop3A_628 = arith.index_cast %parallel_loop3A_627 : i32 to index
      %parallel_loop3A_629 = arith.constant 64 : index
      %parallel_loop3A_630 = tpu.vector_load %arg10[%parallel_loop3A_628, %parallel_loop3A_629] {strides = array<i32>} : memref<512x128xf32, #tpu.memory_space<vmem>>, vector<16xf32>,
      %parallel_loop3A_631 = tpu.pack_subelements %parallel_loop3A_621, %parallel_loop3A_630 {pack_format = #tpu.pack_format<interleaved>, positions = array<i32: 0, 1>} : vector<16xf32>, vector<16xf32> -> vector<32xbf16>
      %parallel_loop3A_632 = vector.bitcast %parallel_loop3A_631 : vector<32xbf16> to vector<16xi32>
      %parallel_loop3A_633 = arith.constant 0 : i32
      %parallel_loop3A_634 = arith.addi %parallel_loop3A_633, %parallel_loop3A_522 : i32
      %parallel_loop3A_635 = arith.index_cast %parallel_loop3A_634 : i32 to index
      %parallel_loop3A_636 = arith.constant 64 : index
      %parallel_loop3A_637 = tpu.vector_load %arg11[%parallel_loop3A_635, %parallel_loop3A_636] {strides = array<i32>} : memref<128x128xi32, #tpu.memory_space<vmem>>, vector<16xi32>,
      tpu.vector_store %arg11[%parallel_loop3A_635, %parallel_loop3A_636], %parallel_loop3A_632 {strides = array<i32>} : memref<128x128xi32, #tpu.memory_space<vmem>>, vector<16xi32>,
      %parallel_loop3A_638 = arith.constant 2 : i32
      %parallel_loop3A_639 = arith.muli %parallel_loop3A_638, %parallel_loop3A_522 : i32
      %parallel_loop3A_640 = arith.constant 0 : i32
      %parallel_loop3A_641 = arith.addi %parallel_loop3A_640, %parallel_loop3A_639 : i32
      %parallel_loop3A_642 = arith.index_cast %parallel_loop3A_641 : i32 to index
      %parallel_loop3A_643 = arith.constant 80 : index
      %parallel_loop3A_644 = tpu.vector_load %arg10[%parallel_loop3A_642, %parallel_loop3A_643] {strides = array<i32>} : memref<512x128xf32, #tpu.memory_space<vmem>>, vector<16xf32>,
      %parallel_loop3A_645 = arith.constant 2 : i32
      %parallel_loop3A_646 = arith.muli %parallel_loop3A_645, %parallel_loop3A_522 : i32
      %parallel_loop3A_647 = arith.constant 0 : i32
      %parallel_loop3A_648 = arith.addi %parallel_loop3A_647, %parallel_loop3A_646 : i32
      %parallel_loop3A_649 = arith.constant 1 : i32
      %parallel_loop3A_650 = arith.addi %parallel_loop3A_648, %parallel_loop3A_649 : i32
      %parallel_loop3A_651 = arith.index_cast %parallel_loop3A_650 : i32 to index
      %parallel_loop3A_652 = arith.constant 80 : index
      %parallel_loop3A_653 = tpu.vector_load %arg10[%parallel_loop3A_651, %parallel_loop3A_652] {strides = array<i32>} : memref<512x128xf32, #tpu.memory_space<vmem>>, vector<16xf32>,
      %parallel_loop3A_654 = tpu.pack_subelements %parallel_loop3A_644, %parallel_loop3A_653 {pack_format = #tpu.pack_format<interleaved>, positions = array<i32: 0, 1>} : vector<16xf32>, vector<16xf32> -> vector<32xbf16>
      %parallel_loop3A_655 = vector.bitcast %parallel_loop3A_654 : vector<32xbf16> to vector<16xi32>
      %parallel_loop3A_656 = arith.constant 0 : i32
      %parallel_loop3A_657 = arith.addi %parallel_loop3A_656, %parallel_loop3A_522 : i32
      %parallel_loop3A_658 = arith.index_cast %parallel_loop3A_657 : i32 to index
      %parallel_loop3A_659 = arith.constant 80 : index
      %parallel_loop3A_660 = tpu.vector_load %arg11[%parallel_loop3A_658, %parallel_loop3A_659] {strides = array<i32>} : memref<128x128xi32, #tpu.memory_space<vmem>>, vector<16xi32>,
      tpu.vector_store %arg11[%parallel_loop3A_658, %parallel_loop3A_659], %parallel_loop3A_655 {strides = array<i32>} : memref<128x128xi32, #tpu.memory_space<vmem>>, vector<16xi32>,
      %parallel_loop3A_661 = arith.constant 2 : i32
      %parallel_loop3A_662 = arith.muli %parallel_loop3A_661, %parallel_loop3A_522 : i32
      %parallel_loop3A_663 = arith.constant 0 : i32
      %parallel_loop3A_664 = arith.addi %parallel_loop3A_663, %parallel_loop3A_662 : i32
      %parallel_loop3A_665 = arith.index_cast %parallel_loop3A_664 : i32 to index
      %parallel_loop3A_666 = arith.constant 96 : index
      %parallel_loop3A_667 = tpu.vector_load %arg10[%parallel_loop3A_665, %parallel_loop3A_666] {strides = array<i32>} : memref<512x128xf32, #tpu.memory_space<vmem>>, vector<16xf32>,
      %parallel_loop3A_668 = arith.constant 2 : i32
      %parallel_loop3A_669 = arith.muli %parallel_loop3A_668, %parallel_loop3A_522 : i32
      %parallel_loop3A_670 = arith.constant 0 : i32
      %parallel_loop3A_671 = arith.addi %parallel_loop3A_670, %parallel_loop3A_669 : i32
      %parallel_loop3A_672 = arith.constant 1 : i32
      %parallel_loop3A_673 = arith.addi %parallel_loop3A_671, %parallel_loop3A_672 : i32
      %parallel_loop3A_674 = arith.index_cast %parallel_loop3A_673 : i32 to index
      %parallel_loop3A_675 = arith.constant 96 : index
      %parallel_loop3A_676 = tpu.vector_load %arg10[%parallel_loop3A_674, %parallel_loop3A_675] {strides = array<i32>} : memref<512x128xf32, #tpu.memory_space<vmem>>, vector<16xf32>,
      %parallel_loop3A_677 = tpu.pack_subelements %parallel_loop3A_667, %parallel_loop3A_676 {pack_format = #tpu.pack_format<interleaved>, positions = array<i32: 0, 1>} : vector<16xf32>, vector<16xf32> -> vector<32xbf16>
      %parallel_loop3A_678 = vector.bitcast %parallel_loop3A_677 : vector<32xbf16> to vector<16xi32>
      %parallel_loop3A_679 = arith.constant 0 : i32
      %parallel_loop3A_680 = arith.addi %parallel_loop3A_679, %parallel_loop3A_522 : i32
      %parallel_loop3A_681 = arith.index_cast %parallel_loop3A_680 : i32 to index
      %parallel_loop3A_682 = arith.constant 96 : index
      %parallel_loop3A_683 = tpu.vector_load %arg11[%parallel_loop3A_681, %parallel_loop3A_682] {strides = array<i32>} : memref<128x128xi32, #tpu.memory_space<vmem>>, vector<16xi32>,
      tpu.vector_store %arg11[%parallel_loop3A_681, %parallel_loop3A_682], %parallel_loop3A_678 {strides = array<i32>} : memref<128x128xi32, #tpu.memory_space<vmem>>, vector<16xi32>,
      %parallel_loop3A_684 = arith.constant 2 : i32
      %parallel_loop3A_685 = arith.muli %parallel_loop3A_684, %parallel_loop3A_522 : i32
      %parallel_loop3A_686 = arith.constant 0 : i32
      %parallel_loop3A_687 = arith.addi %parallel_loop3A_686, %parallel_loop3A_685 : i32
      %parallel_loop3A_688 = arith.index_cast %parallel_loop3A_687 : i32 to index
      %parallel_loop3A_689 = arith.constant 112 : index
      %parallel_loop3A_690 = tpu.vector_load %arg10[%parallel_loop3A_688, %parallel_loop3A_689] {strides = array<i32>} : memref<512x128xf32, #tpu.memory_space<vmem>>, vector<16xf32>,
      %parallel_loop3A_691 = arith.constant 2 : i32
      %parallel_loop3A_692 = arith.muli %parallel_loop3A_691, %parallel_loop3A_522 : i32
      %parallel_loop3A_693 = arith.constant 0 : i32
      %parallel_loop3A_694 = arith.addi %parallel_loop3A_693, %parallel_loop3A_692 : i32
      %parallel_loop3A_695 = arith.constant 1 : i32
      %parallel_loop3A_696 = arith.addi %parallel_loop3A_694, %parallel_loop3A_695 : i32
      %parallel_loop3A_697 = arith.index_cast %parallel_loop3A_696 : i32 to index
      %parallel_loop3A_698 = arith.constant 112 : index
      %parallel_loop3A_699 = tpu.vector_load %arg10[%parallel_loop3A_697, %parallel_loop3A_698] {strides = array<i32>} : memref<512x128xf32, #tpu.memory_space<vmem>>, vector<16xf32>,
      %parallel_loop3A_700 = tpu.pack_subelements %parallel_loop3A_690, %parallel_loop3A_699 {pack_format = #tpu.pack_format<interleaved>, positions = array<i32: 0, 1>} : vector<16xf32>, vector<16xf32> -> vector<32xbf16>
      %parallel_loop3A_701 = vector.bitcast %parallel_loop3A_700 : vector<32xbf16> to vector<16xi32>
      %parallel_loop3A_702 = arith.constant 0 : i32
      %parallel_loop3A_703 = arith.addi %parallel_loop3A_702, %parallel_loop3A_522 : i32
      %parallel_loop3A_704 = arith.index_cast %parallel_loop3A_703 : i32 to index
      %parallel_loop3A_705 = arith.constant 112 : index
      %parallel_loop3A_706 = tpu.vector_load %arg11[%parallel_loop3A_704, %parallel_loop3A_705] {strides = array<i32>} : memref<128x128xi32, #tpu.memory_space<vmem>>, vector<16xi32>,
      tpu.vector_store %arg11[%parallel_loop3A_704, %parallel_loop3A_705], %parallel_loop3A_701 {strides = array<i32>} : memref<128x128xi32, #tpu.memory_space<vmem>>, vector<16xi32>,
    } {sc.loop_unroll_factor = 4 : i64, sc.parallel_access}
    %dma_start3A_215 = arith.constant 0 : i32
    %dma_start3A_216 = arith.constant 0 : i32
    %dma_start3A_217 = arith.constant 0 : i32
    %dma_start3A_218 = tpu.memref_slice %arg10[%dma_start3A_216, %dma_start3A_217] : memref<512x128xf32, #tpu.memory_space<vmem>> -> memref<128x128xf32, #tpu.memory_space<vmem>>
    %dma_start3A_219 = arith.constant 0 : i32
    %dma_start3A_220 = tpu.memref_slice %arg9[%dma_start3A_215, %dma_start3A_219] : memref<4x128xi32, #tpu.memory_space<vmem>> -> memref<1x128xi32, #tpu.memory_space<vmem>>
    %dma_start3A_221 = tpu.memref_squeeze %dma_start3A_220 : memref<1x128xi32, #tpu.memory_space<vmem>> -> memref<128xi32, #tpu.memory_space<vmem>>
    %dma_start3A_222 = arith.constant 0 : i32
    %dma_start3A_223 = arith.constant 0 : i32
    %dma_start3A_224 = tpu.memref_slice %arg5[%dma_start3A_222, %dma_start3A_223] : memref<100000x128xf32, #tpu.memory_space<hbm>> -> memref<100000x128xf32, #tpu.memory_space<hbm>>
    tpu.enqueue_indirect_dma source(%dma_start3A_224 : memref<100000x128xf32, #tpu.memory_space<hbm>>) target(%dma_start3A_218 : memref<128x128xf32, #tpu.memory_space<vmem>>) offsets(%dma_start3A_221 : memref<128xi32, #tpu.memory_space<vmem>>) semaphore(%arg13 : memref<!tpu.dma_semaphore, #tpu.memory_space<semaphore_mem>>)
    %add3A_225 = arith.constant 0 : i32
    %add3A_226 = arith.addi %mul3A_4, %add3A_225 : i32
    %dma_start3A_227 = arith.constant 0 : i32
    %dma_start3A_228 = arith.constant 0 : i32
    %dma_start3A_229 = tpu.memref_slice %arg11[%dma_start3A_227, %dma_start3A_228] : memref<128x128xi32, #tpu.memory_space<vmem>> -> memref<64x128xi32, #tpu.memory_space<vmem>>
    %dma_start3A_230 = arith.constant 0 : i32
    %dma_start3A_231 = tpu.memref_slice %arg6[%add3A_226, %dma_start3A_230] : memref<8192x128xi32, #tpu.memory_space<hbm>> -> memref<64x128xi32, #tpu.memory_space<hbm>>
    %dma_start3A_232 = arith.constant 0 : i32
    %dma_start3A_233 = tpu.memref_slice %arg6[%add3A_226, %dma_start3A_232] : memref<8192x128xi32, #tpu.memory_space<hbm>> -> memref<64x128xi32, #tpu.memory_space<hbm>>
    %dma_start3A_234 = arith.constant 0 : i32
    %dma_start3A_235 = arith.constant 0 : i32
    %dma_start3A_236 = tpu.memref_slice %arg11[%dma_start3A_234, %dma_start3A_235] : memref<128x128xi32, #tpu.memory_space<vmem>> -> memref<64x128xi32, #tpu.memory_space<vmem>>
    tpu.enqueue_dma source(%dma_start3A_236 : memref<64x128xi32, #tpu.memory_space<vmem>>) target(%dma_start3A_233 : memref<64x128xi32, #tpu.memory_space<hbm>>) target_semaphore(%arg14 : memref<!tpu.dma_semaphore, #tpu.memory_space<semaphore_mem>>)
    %dma_wait3A_237 = arith.constant 1 : i32
    %dma_wait3A_238 = arith.constant 128 : i32
    %dma_wait3A_239 = arith.constant 0 : i32
    %dma_wait3A_240 = tpu.memref_slice %arg10[%dma_wait3A_238, %dma_wait3A_239] : memref<512x128xf32, #tpu.memory_space<vmem>> -> memref<128x128xf32, #tpu.memory_space<vmem>>
    %dma_wait3A_241 = arith.constant 0 : i32
    %dma_wait3A_242 = tpu.memref_slice %arg8[%dma_wait3A_237, %dma_wait3A_241] : memref<4x128xi32, #tpu.memory_space<vmem>> -> memref<1x128xi32, #tpu.memory_space<vmem>>
    %dma_wait3A_243 = tpu.memref_squeeze %dma_wait3A_242 : memref<1x128xi32, #tpu.memory_space<vmem>> -> memref<128xi32, #tpu.memory_space<vmem>>
    %dma_wait3A_244 = arith.constant 0 : i32
    %dma_wait3A_245 = arith.constant 0 : i32
    %dma_wait3A_246 = tpu.memref_slice %arg4[%dma_wait3A_244, %dma_wait3A_245] : memref<100000x128xf32, #tpu.memory_space<hbm>> -> memref<100000x128xf32, #tpu.memory_space<hbm>>
    tpu.wait_indirect_dma semaphore(%arg12 : memref<!tpu.dma_semaphore, #tpu.memory_space<semaphore_mem>>) src(%dma_wait3A_246 : memref<100000x128xf32, #tpu.memory_space<hbm>>) dst(%dma_wait3A_240 : memref<128x128xf32, #tpu.memory_space<vmem>>)
    %parallel_loop3A_247 = arith.constant 0 : i32
    %parallel_loop3A_248 = arith.constant 64 : i32
    %parallel_loop3A_249 = arith.constant 1 : i32
    scf.for %parallel_loop3A_522 = %parallel_loop3A_247 to %parallel_loop3A_248 step %parallel_loop3A_249  : i32 {
      %parallel_loop3A_523 = arith.constant 2 : i32
      %parallel_loop3A_524 = arith.muli %parallel_loop3A_523, %parallel_loop3A_522 : i32
      %parallel_loop3A_525 = arith.constant 128 : i32
      %parallel_loop3A_526 = arith.addi %parallel_loop3A_525, %parallel_loop3A_524 : i32
      %parallel_loop3A_527 = arith.index_cast %parallel_loop3A_526 : i32 to index
      %parallel_loop3A_528 = arith.constant 0 : index
      %parallel_loop3A_529 = tpu.vector_load %arg10[%parallel_loop3A_527, %parallel_loop3A_528] {strides = array<i32>} : memref<512x128xf32, #tpu.memory_space<vmem>>, vector<16xf32>,
      %parallel_loop3A_530 = arith.constant 2 : i32
      %parallel_loop3A_531 = arith.muli %parallel_loop3A_530, %parallel_loop3A_522 : i32
      %parallel_loop3A_532 = arith.constant 128 : i32
      %parallel_loop3A_533 = arith.addi %parallel_loop3A_532, %parallel_loop3A_531 : i32
      %parallel_loop3A_534 = arith.constant 1 : i32
      %parallel_loop3A_535 = arith.addi %parallel_loop3A_533, %parallel_loop3A_534 : i32
      %parallel_loop3A_536 = arith.index_cast %parallel_loop3A_535 : i32 to index
      %parallel_loop3A_537 = arith.constant 0 : index
      %parallel_loop3A_538 = tpu.vector_load %arg10[%parallel_loop3A_536, %parallel_loop3A_537] {strides = array<i32>} : memref<512x128xf32, #tpu.memory_space<vmem>>, vector<16xf32>,
      %parallel_loop3A_539 = tpu.pack_subelements %parallel_loop3A_529, %parallel_loop3A_538 {pack_format = #tpu.pack_format<interleaved>, positions = array<i32: 0, 1>} : vector<16xf32>, vector<16xf32> -> vector<32xbf16>
      %parallel_loop3A_540 = vector.bitcast %parallel_loop3A_539 : vector<32xbf16> to vector<16xi32>
      %parallel_loop3A_541 = arith.constant 64 : i32
      %parallel_loop3A_542 = arith.addi %parallel_loop3A_541, %parallel_loop3A_522 : i32
      %parallel_loop3A_543 = arith.index_cast %parallel_loop3A_542 : i32 to index
      %parallel_loop3A_544 = arith.constant 0 : index
      %parallel_loop3A_545 = tpu.vector_load %arg11[%parallel_loop3A_543, %parallel_loop3A_544] {strides = array<i32>} : memref<128x128xi32, #tpu.memory_space<vmem>>, vector<16xi32>,
      tpu.vector_store %arg11[%parallel_loop3A_543, %parallel_loop3A_544], %parallel_loop3A_540 {strides = array<i32>} : memref<128x128xi32, #tpu.memory_space<vmem>>, vector<16xi32>,
      %parallel_loop3A_546 = arith.constant 2 : i32
      %parallel_loop3A_547 = arith.muli %parallel_loop3A_546, %parallel_loop3A_522 : i32
      %parallel_loop3A_548 = arith.constant 128 : i32
      %parallel_loop3A_549 = arith.addi %parallel_loop3A_548, %parallel_loop3A_547 : i32
      %parallel_loop3A_550 = arith.index_cast %parallel_loop3A_549 : i32 to index
      %parallel_loop3A_551 = arith.constant 16 : index
      %parallel_loop3A_552 = tpu.vector_load %arg10[%parallel_loop3A_550, %parallel_loop3A_551] {strides = array<i32>} : memref<512x128xf32, #tpu.memory_space<vmem>>, vector<16xf32>,
      %parallel_loop3A_553 = arith.constant 2 : i32
      %parallel_loop3A_554 = arith.muli %parallel_loop3A_553, %parallel_loop3A_522 : i32
      %parallel_loop3A_555 = arith.constant 128 : i32
      %parallel_loop3A_556 = arith.addi %parallel_loop3A_555, %parallel_loop3A_554 : i32
      %parallel_loop3A_557 = arith.constant 1 : i32
      %parallel_loop3A_558 = arith.addi %parallel_loop3A_556, %parallel_loop3A_557 : i32
      %parallel_loop3A_559 = arith.index_cast %parallel_loop3A_558 : i32 to index
      %parallel_loop3A_560 = arith.constant 16 : index
      %parallel_loop3A_561 = tpu.vector_load %arg10[%parallel_loop3A_559, %parallel_loop3A_560] {strides = array<i32>} : memref<512x128xf32, #tpu.memory_space<vmem>>, vector<16xf32>,
      %parallel_loop3A_562 = tpu.pack_subelements %parallel_loop3A_552, %parallel_loop3A_561 {pack_format = #tpu.pack_format<interleaved>, positions = array<i32: 0, 1>} : vector<16xf32>, vector<16xf32> -> vector<32xbf16>
      %parallel_loop3A_563 = vector.bitcast %parallel_loop3A_562 : vector<32xbf16> to vector<16xi32>
      %parallel_loop3A_564 = arith.constant 64 : i32
      %parallel_loop3A_565 = arith.addi %parallel_loop3A_564, %parallel_loop3A_522 : i32
      %parallel_loop3A_566 = arith.index_cast %parallel_loop3A_565 : i32 to index
      %parallel_loop3A_567 = arith.constant 16 : index
      %parallel_loop3A_568 = tpu.vector_load %arg11[%parallel_loop3A_566, %parallel_loop3A_567] {strides = array<i32>} : memref<128x128xi32, #tpu.memory_space<vmem>>, vector<16xi32>,
      tpu.vector_store %arg11[%parallel_loop3A_566, %parallel_loop3A_567], %parallel_loop3A_563 {strides = array<i32>} : memref<128x128xi32, #tpu.memory_space<vmem>>, vector<16xi32>,
      %parallel_loop3A_569 = arith.constant 2 : i32
      %parallel_loop3A_570 = arith.muli %parallel_loop3A_569, %parallel_loop3A_522 : i32
      %parallel_loop3A_571 = arith.constant 128 : i32
      %parallel_loop3A_572 = arith.addi %parallel_loop3A_571, %parallel_loop3A_570 : i32
      %parallel_loop3A_573 = arith.index_cast %parallel_loop3A_572 : i32 to index
      %parallel_loop3A_574 = arith.constant 32 : index
      %parallel_loop3A_575 = tpu.vector_load %arg10[%parallel_loop3A_573, %parallel_loop3A_574] {strides = array<i32>} : memref<512x128xf32, #tpu.memory_space<vmem>>, vector<16xf32>,
      %parallel_loop3A_576 = arith.constant 2 : i32
      %parallel_loop3A_577 = arith.muli %parallel_loop3A_576, %parallel_loop3A_522 : i32
      %parallel_loop3A_578 = arith.constant 128 : i32
      %parallel_loop3A_579 = arith.addi %parallel_loop3A_578, %parallel_loop3A_577 : i32
      %parallel_loop3A_580 = arith.constant 1 : i32
      %parallel_loop3A_581 = arith.addi %parallel_loop3A_579, %parallel_loop3A_580 : i32
      %parallel_loop3A_582 = arith.index_cast %parallel_loop3A_581 : i32 to index
      %parallel_loop3A_583 = arith.constant 32 : index
      %parallel_loop3A_584 = tpu.vector_load %arg10[%parallel_loop3A_582, %parallel_loop3A_583] {strides = array<i32>} : memref<512x128xf32, #tpu.memory_space<vmem>>, vector<16xf32>,
      %parallel_loop3A_585 = tpu.pack_subelements %parallel_loop3A_575, %parallel_loop3A_584 {pack_format = #tpu.pack_format<interleaved>, positions = array<i32: 0, 1>} : vector<16xf32>, vector<16xf32> -> vector<32xbf16>
      %parallel_loop3A_586 = vector.bitcast %parallel_loop3A_585 : vector<32xbf16> to vector<16xi32>
      %parallel_loop3A_587 = arith.constant 64 : i32
      %parallel_loop3A_588 = arith.addi %parallel_loop3A_587, %parallel_loop3A_522 : i32
      %parallel_loop3A_589 = arith.index_cast %parallel_loop3A_588 : i32 to index
      %parallel_loop3A_590 = arith.constant 32 : index
      %parallel_loop3A_591 = tpu.vector_load %arg11[%parallel_loop3A_589, %parallel_loop3A_590] {strides = array<i32>} : memref<128x128xi32, #tpu.memory_space<vmem>>, vector<16xi32>,
      tpu.vector_store %arg11[%parallel_loop3A_589, %parallel_loop3A_590], %parallel_loop3A_586 {strides = array<i32>} : memref<128x128xi32, #tpu.memory_space<vmem>>, vector<16xi32>,
      %parallel_loop3A_592 = arith.constant 2 : i32
      %parallel_loop3A_593 = arith.muli %parallel_loop3A_592, %parallel_loop3A_522 : i32
      %parallel_loop3A_594 = arith.constant 128 : i32
      %parallel_loop3A_595 = arith.addi %parallel_loop3A_594, %parallel_loop3A_593 : i32
      %parallel_loop3A_596 = arith.index_cast %parallel_loop3A_595 : i32 to index
      %parallel_loop3A_597 = arith.constant 48 : index
      %parallel_loop3A_598 = tpu.vector_load %arg10[%parallel_loop3A_596, %parallel_loop3A_597] {strides = array<i32>} : memref<512x128xf32, #tpu.memory_space<vmem>>, vector<16xf32>,
      %parallel_loop3A_599 = arith.constant 2 : i32
      %parallel_loop3A_600 = arith.muli %parallel_loop3A_599, %parallel_loop3A_522 : i32
      %parallel_loop3A_601 = arith.constant 128 : i32
      %parallel_loop3A_602 = arith.addi %parallel_loop3A_601, %parallel_loop3A_600 : i32
      %parallel_loop3A_603 = arith.constant 1 : i32
      %parallel_loop3A_604 = arith.addi %parallel_loop3A_602, %parallel_loop3A_603 : i32
      %parallel_loop3A_605 = arith.index_cast %parallel_loop3A_604 : i32 to index
      %parallel_loop3A_606 = arith.constant 48 : index
      %parallel_loop3A_607 = tpu.vector_load %arg10[%parallel_loop3A_605, %parallel_loop3A_606] {strides = array<i32>} : memref<512x128xf32, #tpu.memory_space<vmem>>, vector<16xf32>,
      %parallel_loop3A_608 = tpu.pack_subelements %parallel_loop3A_598, %parallel_loop3A_607 {pack_format = #tpu.pack_format<interleaved>, positions = array<i32: 0, 1>} : vector<16xf32>, vector<16xf32> -> vector<32xbf16>
      %parallel_loop3A_609 = vector.bitcast %parallel_loop3A_608 : vector<32xbf16> to vector<16xi32>
      %parallel_loop3A_610 = arith.constant 64 : i32
      %parallel_loop3A_611 = arith.addi %parallel_loop3A_610, %parallel_loop3A_522 : i32
      %parallel_loop3A_612 = arith.index_cast %parallel_loop3A_611 : i32 to index
      %parallel_loop3A_613 = arith.constant 48 : index
      %parallel_loop3A_614 = tpu.vector_load %arg11[%parallel_loop3A_612, %parallel_loop3A_613] {strides = array<i32>} : memref<128x128xi32, #tpu.memory_space<vmem>>, vector<16xi32>,
      tpu.vector_store %arg11[%parallel_loop3A_612, %parallel_loop3A_613], %parallel_loop3A_609 {strides = array<i32>} : memref<128x128xi32, #tpu.memory_space<vmem>>, vector<16xi32>,
      %parallel_loop3A_615 = arith.constant 2 : i32
      %parallel_loop3A_616 = arith.muli %parallel_loop3A_615, %parallel_loop3A_522 : i32
      %parallel_loop3A_617 = arith.constant 128 : i32
      %parallel_loop3A_618 = arith.addi %parallel_loop3A_617, %parallel_loop3A_616 : i32
      %parallel_loop3A_619 = arith.index_cast %parallel_loop3A_618 : i32 to index
      %parallel_loop3A_620 = arith.constant 64 : index
      %parallel_loop3A_621 = tpu.vector_load %arg10[%parallel_loop3A_619, %parallel_loop3A_620] {strides = array<i32>} : memref<512x128xf32, #tpu.memory_space<vmem>>, vector<16xf32>,
      %parallel_loop3A_622 = arith.constant 2 : i32
      %parallel_loop3A_623 = arith.muli %parallel_loop3A_622, %parallel_loop3A_522 : i32
      %parallel_loop3A_624 = arith.constant 128 : i32
      %parallel_loop3A_625 = arith.addi %parallel_loop3A_624, %parallel_loop3A_623 : i32
      %parallel_loop3A_626 = arith.constant 1 : i32
      %parallel_loop3A_627 = arith.addi %parallel_loop3A_625, %parallel_loop3A_626 : i32
      %parallel_loop3A_628 = arith.index_cast %parallel_loop3A_627 : i32 to index
      %parallel_loop3A_629 = arith.constant 64 : index
      %parallel_loop3A_630 = tpu.vector_load %arg10[%parallel_loop3A_628, %parallel_loop3A_629] {strides = array<i32>} : memref<512x128xf32, #tpu.memory_space<vmem>>, vector<16xf32>,
      %parallel_loop3A_631 = tpu.pack_subelements %parallel_loop3A_621, %parallel_loop3A_630 {pack_format = #tpu.pack_format<interleaved>, positions = array<i32: 0, 1>} : vector<16xf32>, vector<16xf32> -> vector<32xbf16>
      %parallel_loop3A_632 = vector.bitcast %parallel_loop3A_631 : vector<32xbf16> to vector<16xi32>
      %parallel_loop3A_633 = arith.constant 64 : i32
      %parallel_loop3A_634 = arith.addi %parallel_loop3A_633, %parallel_loop3A_522 : i32
      %parallel_loop3A_635 = arith.index_cast %parallel_loop3A_634 : i32 to index
      %parallel_loop3A_636 = arith.constant 64 : index
      %parallel_loop3A_637 = tpu.vector_load %arg11[%parallel_loop3A_635, %parallel_loop3A_636] {strides = array<i32>} : memref<128x128xi32, #tpu.memory_space<vmem>>, vector<16xi32>,
      tpu.vector_store %arg11[%parallel_loop3A_635, %parallel_loop3A_636], %parallel_loop3A_632 {strides = array<i32>} : memref<128x128xi32, #tpu.memory_space<vmem>>, vector<16xi32>,
      %parallel_loop3A_638 = arith.constant 2 : i32
      %parallel_loop3A_639 = arith.muli %parallel_loop3A_638, %parallel_loop3A_522 : i32
      %parallel_loop3A_640 = arith.constant 128 : i32
      %parallel_loop3A_641 = arith.addi %parallel_loop3A_640, %parallel_loop3A_639 : i32
      %parallel_loop3A_642 = arith.index_cast %parallel_loop3A_641 : i32 to index
      %parallel_loop3A_643 = arith.constant 80 : index
      %parallel_loop3A_644 = tpu.vector_load %arg10[%parallel_loop3A_642, %parallel_loop3A_643] {strides = array<i32>} : memref<512x128xf32, #tpu.memory_space<vmem>>, vector<16xf32>,
      %parallel_loop3A_645 = arith.constant 2 : i32
      %parallel_loop3A_646 = arith.muli %parallel_loop3A_645, %parallel_loop3A_522 : i32
      %parallel_loop3A_647 = arith.constant 128 : i32
      %parallel_loop3A_648 = arith.addi %parallel_loop3A_647, %parallel_loop3A_646 : i32
      %parallel_loop3A_649 = arith.constant 1 : i32
      %parallel_loop3A_650 = arith.addi %parallel_loop3A_648, %parallel_loop3A_649 : i32
      %parallel_loop3A_651 = arith.index_cast %parallel_loop3A_650 : i32 to index
      %parallel_loop3A_652 = arith.constant 80 : index
      %parallel_loop3A_653 = tpu.vector_load %arg10[%parallel_loop3A_651, %parallel_loop3A_652] {strides = array<i32>} : memref<512x128xf32, #tpu.memory_space<vmem>>, vector<16xf32>,
      %parallel_loop3A_654 = tpu.pack_subelements %parallel_loop3A_644, %parallel_loop3A_653 {pack_format = #tpu.pack_format<interleaved>, positions = array<i32: 0, 1>} : vector<16xf32>, vector<16xf32> -> vector<32xbf16>
      %parallel_loop3A_655 = vector.bitcast %parallel_loop3A_654 : vector<32xbf16> to vector<16xi32>
      %parallel_loop3A_656 = arith.constant 64 : i32
      %parallel_loop3A_657 = arith.addi %parallel_loop3A_656, %parallel_loop3A_522 : i32
      %parallel_loop3A_658 = arith.index_cast %parallel_loop3A_657 : i32 to index
      %parallel_loop3A_659 = arith.constant 80 : index
      %parallel_loop3A_660 = tpu.vector_load %arg11[%parallel_loop3A_658, %parallel_loop3A_659] {strides = array<i32>} : memref<128x128xi32, #tpu.memory_space<vmem>>, vector<16xi32>,
      tpu.vector_store %arg11[%parallel_loop3A_658, %parallel_loop3A_659], %parallel_loop3A_655 {strides = array<i32>} : memref<128x128xi32, #tpu.memory_space<vmem>>, vector<16xi32>,
      %parallel_loop3A_661 = arith.constant 2 : i32
      %parallel_loop3A_662 = arith.muli %parallel_loop3A_661, %parallel_loop3A_522 : i32
      %parallel_loop3A_663 = arith.constant 128 : i32
      %parallel_loop3A_664 = arith.addi %parallel_loop3A_663, %parallel_loop3A_662 : i32
      %parallel_loop3A_665 = arith.index_cast %parallel_loop3A_664 : i32 to index
      %parallel_loop3A_666 = arith.constant 96 : index
      %parallel_loop3A_667 = tpu.vector_load %arg10[%parallel_loop3A_665, %parallel_loop3A_666] {strides = array<i32>} : memref<512x128xf32, #tpu.memory_space<vmem>>, vector<16xf32>,
      %parallel_loop3A_668 = arith.constant 2 : i32
      %parallel_loop3A_669 = arith.muli %parallel_loop3A_668, %parallel_loop3A_522 : i32
      %parallel_loop3A_670 = arith.constant 128 : i32
      %parallel_loop3A_671 = arith.addi %parallel_loop3A_670, %parallel_loop3A_669 : i32
      %parallel_loop3A_672 = arith.constant 1 : i32
      %parallel_loop3A_673 = arith.addi %parallel_loop3A_671, %parallel_loop3A_672 : i32
      %parallel_loop3A_674 = arith.index_cast %parallel_loop3A_673 : i32 to index
      %parallel_loop3A_675 = arith.constant 96 : index
      %parallel_loop3A_676 = tpu.vector_load %arg10[%parallel_loop3A_674, %parallel_loop3A_675] {strides = array<i32>} : memref<512x128xf32, #tpu.memory_space<vmem>>, vector<16xf32>,
      %parallel_loop3A_677 = tpu.pack_subelements %parallel_loop3A_667, %parallel_loop3A_676 {pack_format = #tpu.pack_format<interleaved>, positions = array<i32: 0, 1>} : vector<16xf32>, vector<16xf32> -> vector<32xbf16>
      %parallel_loop3A_678 = vector.bitcast %parallel_loop3A_677 : vector<32xbf16> to vector<16xi32>
      %parallel_loop3A_679 = arith.constant 64 : i32
      %parallel_loop3A_680 = arith.addi %parallel_loop3A_679, %parallel_loop3A_522 : i32
      %parallel_loop3A_681 = arith.index_cast %parallel_loop3A_680 : i32 to index
      %parallel_loop3A_682 = arith.constant 96 : index
      %parallel_loop3A_683 = tpu.vector_load %arg11[%parallel_loop3A_681, %parallel_loop3A_682] {strides = array<i32>} : memref<128x128xi32, #tpu.memory_space<vmem>>, vector<16xi32>,
      tpu.vector_store %arg11[%parallel_loop3A_681, %parallel_loop3A_682], %parallel_loop3A_678 {strides = array<i32>} : memref<128x128xi32, #tpu.memory_space<vmem>>, vector<16xi32>,
      %parallel_loop3A_684 = arith.constant 2 : i32
      %parallel_loop3A_685 = arith.muli %parallel_loop3A_684, %parallel_loop3A_522 : i32
      %parallel_loop3A_686 = arith.constant 128 : i32
      %parallel_loop3A_687 = arith.addi %parallel_loop3A_686, %parallel_loop3A_685 : i32
      %parallel_loop3A_688 = arith.index_cast %parallel_loop3A_687 : i32 to index
      %parallel_loop3A_689 = arith.constant 112 : index
      %parallel_loop3A_690 = tpu.vector_load %arg10[%parallel_loop3A_688, %parallel_loop3A_689] {strides = array<i32>} : memref<512x128xf32, #tpu.memory_space<vmem>>, vector<16xf32>,
      %parallel_loop3A_691 = arith.constant 2 : i32
      %parallel_loop3A_692 = arith.muli %parallel_loop3A_691, %parallel_loop3A_522 : i32
      %parallel_loop3A_693 = arith.constant 128 : i32
      %parallel_loop3A_694 = arith.addi %parallel_loop3A_693, %parallel_loop3A_692 : i32
      %parallel_loop3A_695 = arith.constant 1 : i32
      %parallel_loop3A_696 = arith.addi %parallel_loop3A_694, %parallel_loop3A_695 : i32
      %parallel_loop3A_697 = arith.index_cast %parallel_loop3A_696 : i32 to index
      %parallel_loop3A_698 = arith.constant 112 : index
      %parallel_loop3A_699 = tpu.vector_load %arg10[%parallel_loop3A_697, %parallel_loop3A_698] {strides = array<i32>} : memref<512x128xf32, #tpu.memory_space<vmem>>, vector<16xf32>,
      %parallel_loop3A_700 = tpu.pack_subelements %parallel_loop3A_690, %parallel_loop3A_699 {pack_format = #tpu.pack_format<interleaved>, positions = array<i32: 0, 1>} : vector<16xf32>, vector<16xf32> -> vector<32xbf16>
      %parallel_loop3A_701 = vector.bitcast %parallel_loop3A_700 : vector<32xbf16> to vector<16xi32>
      %parallel_loop3A_702 = arith.constant 64 : i32
      %parallel_loop3A_703 = arith.addi %parallel_loop3A_702, %parallel_loop3A_522 : i32
      %parallel_loop3A_704 = arith.index_cast %parallel_loop3A_703 : i32 to index
      %parallel_loop3A_705 = arith.constant 112 : index
      %parallel_loop3A_706 = tpu.vector_load %arg11[%parallel_loop3A_704, %parallel_loop3A_705] {strides = array<i32>} : memref<128x128xi32, #tpu.memory_space<vmem>>, vector<16xi32>,
      tpu.vector_store %arg11[%parallel_loop3A_704, %parallel_loop3A_705], %parallel_loop3A_701 {strides = array<i32>} : memref<128x128xi32, #tpu.memory_space<vmem>>, vector<16xi32>,
    } {sc.loop_unroll_factor = 4 : i64, sc.parallel_access}
    %dma_start3A_250 = arith.constant 1 : i32
    %dma_start3A_251 = arith.constant 128 : i32
    %dma_start3A_252 = arith.constant 0 : i32
    %dma_start3A_253 = tpu.memref_slice %arg10[%dma_start3A_251, %dma_start3A_252] : memref<512x128xf32, #tpu.memory_space<vmem>> -> memref<128x128xf32, #tpu.memory_space<vmem>>
    %dma_start3A_254 = arith.constant 0 : i32
    %dma_start3A_255 = tpu.memref_slice %arg9[%dma_start3A_250, %dma_start3A_254] : memref<4x128xi32, #tpu.memory_space<vmem>> -> memref<1x128xi32, #tpu.memory_space<vmem>>
    %dma_start3A_256 = tpu.memref_squeeze %dma_start3A_255 : memref<1x128xi32, #tpu.memory_space<vmem>> -> memref<128xi32, #tpu.memory_space<vmem>>
    %dma_start3A_257 = arith.constant 0 : i32
    %dma_start3A_258 = arith.constant 0 : i32
    %dma_start3A_259 = tpu.memref_slice %arg5[%dma_start3A_257, %dma_start3A_258] : memref<100000x128xf32, #tpu.memory_space<hbm>> -> memref<100000x128xf32, #tpu.memory_space<hbm>>
    tpu.enqueue_indirect_dma source(%dma_start3A_259 : memref<100000x128xf32, #tpu.memory_space<hbm>>) target(%dma_start3A_253 : memref<128x128xf32, #tpu.memory_space<vmem>>) offsets(%dma_start3A_256 : memref<128xi32, #tpu.memory_space<vmem>>) semaphore(%arg13 : memref<!tpu.dma_semaphore, #tpu.memory_space<semaphore_mem>>)
    %add3A_260 = arith.constant 64 : i32
    %add3A_261 = arith.addi %mul3A_4, %add3A_260 : i32
    %dma_start3A_262 = arith.constant 64 : i32
    %dma_start3A_263 = arith.constant 0 : i32
    %dma_start3A_264 = tpu.memref_slice %arg11[%dma_start3A_262, %dma_start3A_263] : memref<128x128xi32, #tpu.memory_space<vmem>> -> memref<64x128xi32, #tpu.memory_space<vmem>>
    %dma_start3A_265 = arith.constant 0 : i32
    %dma_start3A_266 = tpu.memref_slice %arg6[%add3A_261, %dma_start3A_265] : memref<8192x128xi32, #tpu.memory_space<hbm>> -> memref<64x128xi32, #tpu.memory_space<hbm>>
    %dma_start3A_267 = arith.constant 0 : i32
    %dma_start3A_268 = tpu.memref_slice %arg6[%add3A_261, %dma_start3A_267] : memref<8192x128xi32, #tpu.memory_space<hbm>> -> memref<64x128xi32, #tpu.memory_space<hbm>>
    %dma_start3A_269 = arith.constant 64 : i32
    %dma_start3A_270 = arith.constant 0 : i32
    %dma_start3A_271 = tpu.memref_slice %arg11[%dma_start3A_269, %dma_start3A_270] : memref<128x128xi32, #tpu.memory_space<vmem>> -> memref<64x128xi32, #tpu.memory_space<vmem>>
    tpu.enqueue_dma source(%dma_start3A_271 : memref<64x128xi32, #tpu.memory_space<vmem>>) target(%dma_start3A_268 : memref<64x128xi32, #tpu.memory_space<hbm>>) target_semaphore(%arg15 : memref<!tpu.dma_semaphore, #tpu.memory_space<semaphore_mem>>)
    %dma_wait3A_272 = arith.constant 2 : i32
    %dma_wait3A_273 = arith.constant 256 : i32
    %dma_wait3A_274 = arith.constant 0 : i32
    %dma_wait3A_275 = tpu.memref_slice %arg10[%dma_wait3A_273, %dma_wait3A_274] : memref<512x128xf32, #tpu.memory_space<vmem>> -> memref<128x128xf32, #tpu.memory_space<vmem>>
    %dma_wait3A_276 = arith.constant 0 : i32
    %dma_wait3A_277 = tpu.memref_slice %arg8[%dma_wait3A_272, %dma_wait3A_276] : memref<4x128xi32, #tpu.memory_space<vmem>> -> memref<1x128xi32, #tpu.memory_space<vmem>>
    %dma_wait3A_278 = tpu.memref_squeeze %dma_wait3A_277 : memref<1x128xi32, #tpu.memory_space<vmem>> -> memref<128xi32, #tpu.memory_space<vmem>>
    %dma_wait3A_279 = arith.constant 0 : i32
    %dma_wait3A_280 = arith.constant 0 : i32
    %dma_wait3A_281 = tpu.memref_slice %arg4[%dma_wait3A_279, %dma_wait3A_280] : memref<100000x128xf32, #tpu.memory_space<hbm>> -> memref<100000x128xf32, #tpu.memory_space<hbm>>
    tpu.wait_indirect_dma semaphore(%arg12 : memref<!tpu.dma_semaphore, #tpu.memory_space<semaphore_mem>>) src(%dma_wait3A_281 : memref<100000x128xf32, #tpu.memory_space<hbm>>) dst(%dma_wait3A_275 : memref<128x128xf32, #tpu.memory_space<vmem>>)
    %dma_wait3A_282 = arith.constant 0 : i32
    %dma_wait3A_283 = arith.constant 0 : i32
    %dma_wait3A_284 = tpu.memref_slice %arg11[%dma_wait3A_282, %dma_wait3A_283] : memref<128x128xi32, #tpu.memory_space<vmem>> -> memref<64x128xi32, #tpu.memory_space<vmem>>
    %dma_wait3A_285 = arith.constant 0 : i32
    %dma_wait3A_286 = tpu.memref_slice %arg6[%add3A_226, %dma_wait3A_285] : memref<8192x128xi32, #tpu.memory_space<hbm>> -> memref<64x128xi32, #tpu.memory_space<hbm>>
    %dma_wait3A_287 = arith.constant 0 : i32
    %dma_wait3A_288 = tpu.memref_slice %arg6[%add3A_226, %dma_wait3A_287] : memref<8192x128xi32, #tpu.memory_space<hbm>> -> memref<64x128xi32, #tpu.memory_space<hbm>>
    %dma_wait3A_289 = arith.constant 0 : i32
    %dma_wait3A_290 = arith.constant 0 : i32
    %dma_wait3A_291 = tpu.memref_slice %arg11[%dma_wait3A_289, %dma_wait3A_290] : memref<128x128xi32, #tpu.memory_space<vmem>> -> memref<64x128xi32, #tpu.memory_space<vmem>>
    tpu.wait_dma2 semaphore(%arg14 : memref<!tpu.dma_semaphore, #tpu.memory_space<semaphore_mem>>) src(%dma_wait3A_291 : memref<64x128xi32, #tpu.memory_space<vmem>>) dst(%dma_wait3A_288 : memref<64x128xi32, #tpu.memory_space<hbm>>)
    %parallel_loop3A_292 = arith.constant 0 : i32
    %parallel_loop3A_293 = arith.constant 64 : i32
    %parallel_loop3A_294 = arith.constant 1 : i32
    scf.for %parallel_loop3A_522 = %parallel_loop3A_292 to %parallel_loop3A_293 step %parallel_loop3A_294  : i32 {
      %parallel_loop3A_523 = arith.constant 2 : i32
      %parallel_loop3A_524 = arith.muli %parallel_loop3A_523, %parallel_loop3A_522 : i32
      %parallel_loop3A_525 = arith.constant 256 : i32
      %parallel_loop3A_526 = arith.addi %parallel_loop3A_525, %parallel_loop3A_524 : i32
      %parallel_loop3A_527 = arith.index_cast %parallel_loop3A_526 : i32 to index
      %parallel_loop3A_528 = arith.constant 0 : index
      %parallel_loop3A_529 = tpu.vector_load %arg10[%parallel_loop3A_527, %parallel_loop3A_528] {strides = array<i32>} : memref<512x128xf32, #tpu.memory_space<vmem>>, vector<16xf32>,
      %parallel_loop3A_530 = arith.constant 2 : i32
      %parallel_loop3A_531 = arith.muli %parallel_loop3A_530, %parallel_loop3A_522 : i32
      %parallel_loop3A_532 = arith.constant 256 : i32
      %parallel_loop3A_533 = arith.addi %parallel_loop3A_532, %parallel_loop3A_531 : i32
      %parallel_loop3A_534 = arith.constant 1 : i32
      %parallel_loop3A_535 = arith.addi %parallel_loop3A_533, %parallel_loop3A_534 : i32
      %parallel_loop3A_536 = arith.index_cast %parallel_loop3A_535 : i32 to index
      %parallel_loop3A_537 = arith.constant 0 : index
      %parallel_loop3A_538 = tpu.vector_load %arg10[%parallel_loop3A_536, %parallel_loop3A_537] {strides = array<i32>} : memref<512x128xf32, #tpu.memory_space<vmem>>, vector<16xf32>,
      %parallel_loop3A_539 = tpu.pack_subelements %parallel_loop3A_529, %parallel_loop3A_538 {pack_format = #tpu.pack_format<interleaved>, positions = array<i32: 0, 1>} : vector<16xf32>, vector<16xf32> -> vector<32xbf16>
      %parallel_loop3A_540 = vector.bitcast %parallel_loop3A_539 : vector<32xbf16> to vector<16xi32>
      %parallel_loop3A_541 = arith.constant 0 : i32
      %parallel_loop3A_542 = arith.addi %parallel_loop3A_541, %parallel_loop3A_522 : i32
      %parallel_loop3A_543 = arith.index_cast %parallel_loop3A_542 : i32 to index
      %parallel_loop3A_544 = arith.constant 0 : index
      %parallel_loop3A_545 = tpu.vector_load %arg11[%parallel_loop3A_543, %parallel_loop3A_544] {strides = array<i32>} : memref<128x128xi32, #tpu.memory_space<vmem>>, vector<16xi32>,
      tpu.vector_store %arg11[%parallel_loop3A_543, %parallel_loop3A_544], %parallel_loop3A_540 {strides = array<i32>} : memref<128x128xi32, #tpu.memory_space<vmem>>, vector<16xi32>,
      %parallel_loop3A_546 = arith.constant 2 : i32
      %parallel_loop3A_547 = arith.muli %parallel_loop3A_546, %parallel_loop3A_522 : i32
      %parallel_loop3A_548 = arith.constant 256 : i32
      %parallel_loop3A_549 = arith.addi %parallel_loop3A_548, %parallel_loop3A_547 : i32
      %parallel_loop3A_550 = arith.index_cast %parallel_loop3A_549 : i32 to index
      %parallel_loop3A_551 = arith.constant 16 : index
      %parallel_loop3A_552 = tpu.vector_load %arg10[%parallel_loop3A_550, %parallel_loop3A_551] {strides = array<i32>} : memref<512x128xf32, #tpu.memory_space<vmem>>, vector<16xf32>,
      %parallel_loop3A_553 = arith.constant 2 : i32
      %parallel_loop3A_554 = arith.muli %parallel_loop3A_553, %parallel_loop3A_522 : i32
      %parallel_loop3A_555 = arith.constant 256 : i32
      %parallel_loop3A_556 = arith.addi %parallel_loop3A_555, %parallel_loop3A_554 : i32
      %parallel_loop3A_557 = arith.constant 1 : i32
      %parallel_loop3A_558 = arith.addi %parallel_loop3A_556, %parallel_loop3A_557 : i32
      %parallel_loop3A_559 = arith.index_cast %parallel_loop3A_558 : i32 to index
      %parallel_loop3A_560 = arith.constant 16 : index
      %parallel_loop3A_561 = tpu.vector_load %arg10[%parallel_loop3A_559, %parallel_loop3A_560] {strides = array<i32>} : memref<512x128xf32, #tpu.memory_space<vmem>>, vector<16xf32>,
      %parallel_loop3A_562 = tpu.pack_subelements %parallel_loop3A_552, %parallel_loop3A_561 {pack_format = #tpu.pack_format<interleaved>, positions = array<i32: 0, 1>} : vector<16xf32>, vector<16xf32> -> vector<32xbf16>
      %parallel_loop3A_563 = vector.bitcast %parallel_loop3A_562 : vector<32xbf16> to vector<16xi32>
      %parallel_loop3A_564 = arith.constant 0 : i32
      %parallel_loop3A_565 = arith.addi %parallel_loop3A_564, %parallel_loop3A_522 : i32
      %parallel_loop3A_566 = arith.index_cast %parallel_loop3A_565 : i32 to index
      %parallel_loop3A_567 = arith.constant 16 : index
      %parallel_loop3A_568 = tpu.vector_load %arg11[%parallel_loop3A_566, %parallel_loop3A_567] {strides = array<i32>} : memref<128x128xi32, #tpu.memory_space<vmem>>, vector<16xi32>,
      tpu.vector_store %arg11[%parallel_loop3A_566, %parallel_loop3A_567], %parallel_loop3A_563 {strides = array<i32>} : memref<128x128xi32, #tpu.memory_space<vmem>>, vector<16xi32>,
      %parallel_loop3A_569 = arith.constant 2 : i32
      %parallel_loop3A_570 = arith.muli %parallel_loop3A_569, %parallel_loop3A_522 : i32
      %parallel_loop3A_571 = arith.constant 256 : i32
      %parallel_loop3A_572 = arith.addi %parallel_loop3A_571, %parallel_loop3A_570 : i32
      %parallel_loop3A_573 = arith.index_cast %parallel_loop3A_572 : i32 to index
      %parallel_loop3A_574 = arith.constant 32 : index
      %parallel_loop3A_575 = tpu.vector_load %arg10[%parallel_loop3A_573, %parallel_loop3A_574] {strides = array<i32>} : memref<512x128xf32, #tpu.memory_space<vmem>>, vector<16xf32>,
      %parallel_loop3A_576 = arith.constant 2 : i32
      %parallel_loop3A_577 = arith.muli %parallel_loop3A_576, %parallel_loop3A_522 : i32
      %parallel_loop3A_578 = arith.constant 256 : i32
      %parallel_loop3A_579 = arith.addi %parallel_loop3A_578, %parallel_loop3A_577 : i32
      %parallel_loop3A_580 = arith.constant 1 : i32
      %parallel_loop3A_581 = arith.addi %parallel_loop3A_579, %parallel_loop3A_580 : i32
      %parallel_loop3A_582 = arith.index_cast %parallel_loop3A_581 : i32 to index
      %parallel_loop3A_583 = arith.constant 32 : index
      %parallel_loop3A_584 = tpu.vector_load %arg10[%parallel_loop3A_582, %parallel_loop3A_583] {strides = array<i32>} : memref<512x128xf32, #tpu.memory_space<vmem>>, vector<16xf32>,
      %parallel_loop3A_585 = tpu.pack_subelements %parallel_loop3A_575, %parallel_loop3A_584 {pack_format = #tpu.pack_format<interleaved>, positions = array<i32: 0, 1>} : vector<16xf32>, vector<16xf32> -> vector<32xbf16>
      %parallel_loop3A_586 = vector.bitcast %parallel_loop3A_585 : vector<32xbf16> to vector<16xi32>
      %parallel_loop3A_587 = arith.constant 0 : i32
      %parallel_loop3A_588 = arith.addi %parallel_loop3A_587, %parallel_loop3A_522 : i32
      %parallel_loop3A_589 = arith.index_cast %parallel_loop3A_588 : i32 to index
      %parallel_loop3A_590 = arith.constant 32 : index
      %parallel_loop3A_591 = tpu.vector_load %arg11[%parallel_loop3A_589, %parallel_loop3A_590] {strides = array<i32>} : memref<128x128xi32, #tpu.memory_space<vmem>>, vector<16xi32>,
      tpu.vector_store %arg11[%parallel_loop3A_589, %parallel_loop3A_590], %parallel_loop3A_586 {strides = array<i32>} : memref<128x128xi32, #tpu.memory_space<vmem>>, vector<16xi32>,
      %parallel_loop3A_592 = arith.constant 2 : i32
      %parallel_loop3A_593 = arith.muli %parallel_loop3A_592, %parallel_loop3A_522 : i32
      %parallel_loop3A_594 = arith.constant 256 : i32
      %parallel_loop3A_595 = arith.addi %parallel_loop3A_594, %parallel_loop3A_593 : i32
      %parallel_loop3A_596 = arith.index_cast %parallel_loop3A_595 : i32 to index
      %parallel_loop3A_597 = arith.constant 48 : index
      %parallel_loop3A_598 = tpu.vector_load %arg10[%parallel_loop3A_596, %parallel_loop3A_597] {strides = array<i32>} : memref<512x128xf32, #tpu.memory_space<vmem>>, vector<16xf32>,
      %parallel_loop3A_599 = arith.constant 2 : i32
      %parallel_loop3A_600 = arith.muli %parallel_loop3A_599, %parallel_loop3A_522 : i32
      %parallel_loop3A_601 = arith.constant 256 : i32
      %parallel_loop3A_602 = arith.addi %parallel_loop3A_601, %parallel_loop3A_600 : i32
      %parallel_loop3A_603 = arith.constant 1 : i32
      %parallel_loop3A_604 = arith.addi %parallel_loop3A_602, %parallel_loop3A_603 : i32
      %parallel_loop3A_605 = arith.index_cast %parallel_loop3A_604 : i32 to index
      %parallel_loop3A_606 = arith.constant 48 : index
      %parallel_loop3A_607 = tpu.vector_load %arg10[%parallel_loop3A_605, %parallel_loop3A_606] {strides = array<i32>} : memref<512x128xf32, #tpu.memory_space<vmem>>, vector<16xf32>,
      %parallel_loop3A_608 = tpu.pack_subelements %parallel_loop3A_598, %parallel_loop3A_607 {pack_format = #tpu.pack_format<interleaved>, positions = array<i32: 0, 1>} : vector<16xf32>, vector<16xf32> -> vector<32xbf16>
      %parallel_loop3A_609 = vector.bitcast %parallel_loop3A_608 : vector<32xbf16> to vector<16xi32>
      %parallel_loop3A_610 = arith.constant 0 : i32
      %parallel_loop3A_611 = arith.addi %parallel_loop3A_610, %parallel_loop3A_522 : i32
      %parallel_loop3A_612 = arith.index_cast %parallel_loop3A_611 : i32 to index
      %parallel_loop3A_613 = arith.constant 48 : index
      %parallel_loop3A_614 = tpu.vector_load %arg11[%parallel_loop3A_612, %parallel_loop3A_613] {strides = array<i32>} : memref<128x128xi32, #tpu.memory_space<vmem>>, vector<16xi32>,
      tpu.vector_store %arg11[%parallel_loop3A_612, %parallel_loop3A_613], %parallel_loop3A_609 {strides = array<i32>} : memref<128x128xi32, #tpu.memory_space<vmem>>, vector<16xi32>,
      %parallel_loop3A_615 = arith.constant 2 : i32
      %parallel_loop3A_616 = arith.muli %parallel_loop3A_615, %parallel_loop3A_522 : i32
      %parallel_loop3A_617 = arith.constant 256 : i32
      %parallel_loop3A_618 = arith.addi %parallel_loop3A_617, %parallel_loop3A_616 : i32
      %parallel_loop3A_619 = arith.index_cast %parallel_loop3A_618 : i32 to index
      %parallel_loop3A_620 = arith.constant 64 : index
      %parallel_loop3A_621 = tpu.vector_load %arg10[%parallel_loop3A_619, %parallel_loop3A_620] {strides = array<i32>} : memref<512x128xf32, #tpu.memory_space<vmem>>, vector<16xf32>,
      %parallel_loop3A_622 = arith.constant 2 : i32
      %parallel_loop3A_623 = arith.muli %parallel_loop3A_622, %parallel_loop3A_522 : i32
      %parallel_loop3A_624 = arith.constant 256 : i32
      %parallel_loop3A_625 = arith.addi %parallel_loop3A_624, %parallel_loop3A_623 : i32
      %parallel_loop3A_626 = arith.constant 1 : i32
      %parallel_loop3A_627 = arith.addi %parallel_loop3A_625, %parallel_loop3A_626 : i32
      %parallel_loop3A_628 = arith.index_cast %parallel_loop3A_627 : i32 to index
      %parallel_loop3A_629 = arith.constant 64 : index
      %parallel_loop3A_630 = tpu.vector_load %arg10[%parallel_loop3A_628, %parallel_loop3A_629] {strides = array<i32>} : memref<512x128xf32, #tpu.memory_space<vmem>>, vector<16xf32>,
      %parallel_loop3A_631 = tpu.pack_subelements %parallel_loop3A_621, %parallel_loop3A_630 {pack_format = #tpu.pack_format<interleaved>, positions = array<i32: 0, 1>} : vector<16xf32>, vector<16xf32> -> vector<32xbf16>
      %parallel_loop3A_632 = vector.bitcast %parallel_loop3A_631 : vector<32xbf16> to vector<16xi32>
      %parallel_loop3A_633 = arith.constant 0 : i32
      %parallel_loop3A_634 = arith.addi %parallel_loop3A_633, %parallel_loop3A_522 : i32
      %parallel_loop3A_635 = arith.index_cast %parallel_loop3A_634 : i32 to index
      %parallel_loop3A_636 = arith.constant 64 : index
      %parallel_loop3A_637 = tpu.vector_load %arg11[%parallel_loop3A_635, %parallel_loop3A_636] {strides = array<i32>} : memref<128x128xi32, #tpu.memory_space<vmem>>, vector<16xi32>,
      tpu.vector_store %arg11[%parallel_loop3A_635, %parallel_loop3A_636], %parallel_loop3A_632 {strides = array<i32>} : memref<128x128xi32, #tpu.memory_space<vmem>>, vector<16xi32>,
      %parallel_loop3A_638 = arith.constant 2 : i32
      %parallel_loop3A_639 = arith.muli %parallel_loop3A_638, %parallel_loop3A_522 : i32
      %parallel_loop3A_640 = arith.constant 256 : i32
      %parallel_loop3A_641 = arith.addi %parallel_loop3A_640, %parallel_loop3A_639 : i32
      %parallel_loop3A_642 = arith.index_cast %parallel_loop3A_641 : i32 to index
      %parallel_loop3A_643 = arith.constant 80 : index
      %parallel_loop3A_644 = tpu.vector_load %arg10[%parallel_loop3A_642, %parallel_loop3A_643] {strides = array<i32>} : memref<512x128xf32, #tpu.memory_space<vmem>>, vector<16xf32>,
      %parallel_loop3A_645 = arith.constant 2 : i32
      %parallel_loop3A_646 = arith.muli %parallel_loop3A_645, %parallel_loop3A_522 : i32
      %parallel_loop3A_647 = arith.constant 256 : i32
      %parallel_loop3A_648 = arith.addi %parallel_loop3A_647, %parallel_loop3A_646 : i32
      %parallel_loop3A_649 = arith.constant 1 : i32
      %parallel_loop3A_650 = arith.addi %parallel_loop3A_648, %parallel_loop3A_649 : i32
      %parallel_loop3A_651 = arith.index_cast %parallel_loop3A_650 : i32 to index
      %parallel_loop3A_652 = arith.constant 80 : index
      %parallel_loop3A_653 = tpu.vector_load %arg10[%parallel_loop3A_651, %parallel_loop3A_652] {strides = array<i32>} : memref<512x128xf32, #tpu.memory_space<vmem>>, vector<16xf32>,
      %parallel_loop3A_654 = tpu.pack_subelements %parallel_loop3A_644, %parallel_loop3A_653 {pack_format = #tpu.pack_format<interleaved>, positions = array<i32: 0, 1>} : vector<16xf32>, vector<16xf32> -> vector<32xbf16>
      %parallel_loop3A_655 = vector.bitcast %parallel_loop3A_654 : vector<32xbf16> to vector<16xi32>
      %parallel_loop3A_656 = arith.constant 0 : i32
      %parallel_loop3A_657 = arith.addi %parallel_loop3A_656, %parallel_loop3A_522 : i32
      %parallel_loop3A_658 = arith.index_cast %parallel_loop3A_657 : i32 to index
      %parallel_loop3A_659 = arith.constant 80 : index
      %parallel_loop3A_660 = tpu.vector_load %arg11[%parallel_loop3A_658, %parallel_loop3A_659] {strides = array<i32>} : memref<128x128xi32, #tpu.memory_space<vmem>>, vector<16xi32>,
      tpu.vector_store %arg11[%parallel_loop3A_658, %parallel_loop3A_659], %parallel_loop3A_655 {strides = array<i32>} : memref<128x128xi32, #tpu.memory_space<vmem>>, vector<16xi32>,
      %parallel_loop3A_661 = arith.constant 2 : i32
      %parallel_loop3A_662 = arith.muli %parallel_loop3A_661, %parallel_loop3A_522 : i32
      %parallel_loop3A_663 = arith.constant 256 : i32
      %parallel_loop3A_664 = arith.addi %parallel_loop3A_663, %parallel_loop3A_662 : i32
      %parallel_loop3A_665 = arith.index_cast %parallel_loop3A_664 : i32 to index
      %parallel_loop3A_666 = arith.constant 96 : index
      %parallel_loop3A_667 = tpu.vector_load %arg10[%parallel_loop3A_665, %parallel_loop3A_666] {strides = array<i32>} : memref<512x128xf32, #tpu.memory_space<vmem>>, vector<16xf32>,
      %parallel_loop3A_668 = arith.constant 2 : i32
      %parallel_loop3A_669 = arith.muli %parallel_loop3A_668, %parallel_loop3A_522 : i32
      %parallel_loop3A_670 = arith.constant 256 : i32
      %parallel_loop3A_671 = arith.addi %parallel_loop3A_670, %parallel_loop3A_669 : i32
      %parallel_loop3A_672 = arith.constant 1 : i32
      %parallel_loop3A_673 = arith.addi %parallel_loop3A_671, %parallel_loop3A_672 : i32
      %parallel_loop3A_674 = arith.index_cast %parallel_loop3A_673 : i32 to index
      %parallel_loop3A_675 = arith.constant 96 : index
      %parallel_loop3A_676 = tpu.vector_load %arg10[%parallel_loop3A_674, %parallel_loop3A_675] {strides = array<i32>} : memref<512x128xf32, #tpu.memory_space<vmem>>, vector<16xf32>,
      %parallel_loop3A_677 = tpu.pack_subelements %parallel_loop3A_667, %parallel_loop3A_676 {pack_format = #tpu.pack_format<interleaved>, positions = array<i32: 0, 1>} : vector<16xf32>, vector<16xf32> -> vector<32xbf16>
      %parallel_loop3A_678 = vector.bitcast %parallel_loop3A_677 : vector<32xbf16> to vector<16xi32>
      %parallel_loop3A_679 = arith.constant 0 : i32
      %parallel_loop3A_680 = arith.addi %parallel_loop3A_679, %parallel_loop3A_522 : i32
      %parallel_loop3A_681 = arith.index_cast %parallel_loop3A_680 : i32 to index
      %parallel_loop3A_682 = arith.constant 96 : index
      %parallel_loop3A_683 = tpu.vector_load %arg11[%parallel_loop3A_681, %parallel_loop3A_682] {strides = array<i32>} : memref<128x128xi32, #tpu.memory_space<vmem>>, vector<16xi32>,
      tpu.vector_store %arg11[%parallel_loop3A_681, %parallel_loop3A_682], %parallel_loop3A_678 {strides = array<i32>} : memref<128x128xi32, #tpu.memory_space<vmem>>, vector<16xi32>,
      %parallel_loop3A_684 = arith.constant 2 : i32
      %parallel_loop3A_685 = arith.muli %parallel_loop3A_684, %parallel_loop3A_522 : i32
      %parallel_loop3A_686 = arith.constant 256 : i32
      %parallel_loop3A_687 = arith.addi %parallel_loop3A_686, %parallel_loop3A_685 : i32
      %parallel_loop3A_688 = arith.index_cast %parallel_loop3A_687 : i32 to index
      %parallel_loop3A_689 = arith.constant 112 : index
      %parallel_loop3A_690 = tpu.vector_load %arg10[%parallel_loop3A_688, %parallel_loop3A_689] {strides = array<i32>} : memref<512x128xf32, #tpu.memory_space<vmem>>, vector<16xf32>,
      %parallel_loop3A_691 = arith.constant 2 : i32
      %parallel_loop3A_692 = arith.muli %parallel_loop3A_691, %parallel_loop3A_522 : i32
      %parallel_loop3A_693 = arith.constant 256 : i32
      %parallel_loop3A_694 = arith.addi %parallel_loop3A_693, %parallel_loop3A_692 : i32
      %parallel_loop3A_695 = arith.constant 1 : i32
      %parallel_loop3A_696 = arith.addi %parallel_loop3A_694, %parallel_loop3A_695 : i32
      %parallel_loop3A_697 = arith.index_cast %parallel_loop3A_696 : i32 to index
      %parallel_loop3A_698 = arith.constant 112 : index
      %parallel_loop3A_699 = tpu.vector_load %arg10[%parallel_loop3A_697, %parallel_loop3A_698] {strides = array<i32>} : memref<512x128xf32, #tpu.memory_space<vmem>>, vector<16xf32>,
      %parallel_loop3A_700 = tpu.pack_subelements %parallel_loop3A_690, %parallel_loop3A_699 {pack_format = #tpu.pack_format<interleaved>, positions = array<i32: 0, 1>} : vector<16xf32>, vector<16xf32> -> vector<32xbf16>
      %parallel_loop3A_701 = vector.bitcast %parallel_loop3A_700 : vector<32xbf16> to vector<16xi32>
      %parallel_loop3A_702 = arith.constant 0 : i32
      %parallel_loop3A_703 = arith.addi %parallel_loop3A_702, %parallel_loop3A_522 : i32
      %parallel_loop3A_704 = arith.index_cast %parallel_loop3A_703 : i32 to index
      %parallel_loop3A_705 = arith.constant 112 : index
      %parallel_loop3A_706 = tpu.vector_load %arg11[%parallel_loop3A_704, %parallel_loop3A_705] {strides = array<i32>} : memref<128x128xi32, #tpu.memory_space<vmem>>, vector<16xi32>,
      tpu.vector_store %arg11[%parallel_loop3A_704, %parallel_loop3A_705], %parallel_loop3A_701 {strides = array<i32>} : memref<128x128xi32, #tpu.memory_space<vmem>>, vector<16xi32>,
    } {sc.loop_unroll_factor = 4 : i64, sc.parallel_access}
    %dma_start3A_295 = arith.constant 2 : i32
    %dma_start3A_296 = arith.constant 256 : i32
    %dma_start3A_297 = arith.constant 0 : i32
    %dma_start3A_298 = tpu.memref_slice %arg10[%dma_start3A_296, %dma_start3A_297] : memref<512x128xf32, #tpu.memory_space<vmem>> -> memref<128x128xf32, #tpu.memory_space<vmem>>
    %dma_start3A_299 = arith.constant 0 : i32
    %dma_start3A_300 = tpu.memref_slice %arg9[%dma_start3A_295, %dma_start3A_299] : memref<4x128xi32, #tpu.memory_space<vmem>> -> memref<1x128xi32, #tpu.memory_space<vmem>>
    %dma_start3A_301 = tpu.memref_squeeze %dma_start3A_300 : memref<1x128xi32, #tpu.memory_space<vmem>> -> memref<128xi32, #tpu.memory_space<vmem>>
    %dma_start3A_302 = arith.constant 0 : i32
    %dma_start3A_303 = arith.constant 0 : i32
    %dma_start3A_304 = tpu.memref_slice %arg5[%dma_start3A_302, %dma_start3A_303] : memref<100000x128xf32, #tpu.memory_space<hbm>> -> memref<100000x128xf32, #tpu.memory_space<hbm>>
    tpu.enqueue_indirect_dma source(%dma_start3A_304 : memref<100000x128xf32, #tpu.memory_space<hbm>>) target(%dma_start3A_298 : memref<128x128xf32, #tpu.memory_space<vmem>>) offsets(%dma_start3A_301 : memref<128xi32, #tpu.memory_space<vmem>>) semaphore(%arg13 : memref<!tpu.dma_semaphore, #tpu.memory_space<semaphore_mem>>)
    %add3A_305 = arith.constant 128 : i32
    %add3A_306 = arith.addi %mul3A_4, %add3A_305 : i32
    %dma_start3A_307 = arith.constant 0 : i32
    %dma_start3A_308 = arith.constant 0 : i32
    %dma_start3A_309 = tpu.memref_slice %arg11[%dma_start3A_307, %dma_start3A_308] : memref<128x128xi32, #tpu.memory_space<vmem>> -> memref<64x128xi32, #tpu.memory_space<vmem>>
    %dma_start3A_310 = arith.constant 0 : i32
    %dma_start3A_311 = tpu.memref_slice %arg6[%add3A_306, %dma_start3A_310] : memref<8192x128xi32, #tpu.memory_space<hbm>> -> memref<64x128xi32, #tpu.memory_space<hbm>>
    %dma_start3A_312 = arith.constant 0 : i32
    %dma_start3A_313 = tpu.memref_slice %arg6[%add3A_306, %dma_start3A_312] : memref<8192x128xi32, #tpu.memory_space<hbm>> -> memref<64x128xi32, #tpu.memory_space<hbm>>
    %dma_start3A_314 = arith.constant 0 : i32
    %dma_start3A_315 = arith.constant 0 : i32
    %dma_start3A_316 = tpu.memref_slice %arg11[%dma_start3A_314, %dma_start3A_315] : memref<128x128xi32, #tpu.memory_space<vmem>> -> memref<64x128xi32, #tpu.memory_space<vmem>>
    tpu.enqueue_dma source(%dma_start3A_316 : memref<64x128xi32, #tpu.memory_space<vmem>>) target(%dma_start3A_313 : memref<64x128xi32, #tpu.memory_space<hbm>>) target_semaphore(%arg14 : memref<!tpu.dma_semaphore, #tpu.memory_space<semaphore_mem>>)
    %dma_wait3A_317 = arith.constant 3 : i32
    %dma_wait3A_318 = arith.constant 384 : i32
    %dma_wait3A_319 = arith.constant 0 : i32
    %dma_wait3A_320 = tpu.memref_slice %arg10[%dma_wait3A_318, %dma_wait3A_319] : memref<512x128xf32, #tpu.memory_space<vmem>> -> memref<128x128xf32, #tpu.memory_space<vmem>>
    %dma_wait3A_321 = arith.constant 0 : i32
    %dma_wait3A_322 = tpu.memref_slice %arg8[%dma_wait3A_317, %dma_wait3A_321] : memref<4x128xi32, #tpu.memory_space<vmem>> -> memref<1x128xi32, #tpu.memory_space<vmem>>
    %dma_wait3A_323 = tpu.memref_squeeze %dma_wait3A_322 : memref<1x128xi32, #tpu.memory_space<vmem>> -> memref<128xi32, #tpu.memory_space<vmem>>
    %dma_wait3A_324 = arith.constant 0 : i32
    %dma_wait3A_325 = arith.constant 0 : i32
    %dma_wait3A_326 = tpu.memref_slice %arg4[%dma_wait3A_324, %dma_wait3A_325] : memref<100000x128xf32, #tpu.memory_space<hbm>> -> memref<100000x128xf32, #tpu.memory_space<hbm>>
    tpu.wait_indirect_dma semaphore(%arg12 : memref<!tpu.dma_semaphore, #tpu.memory_space<semaphore_mem>>) src(%dma_wait3A_326 : memref<100000x128xf32, #tpu.memory_space<hbm>>) dst(%dma_wait3A_320 : memref<128x128xf32, #tpu.memory_space<vmem>>)
    %dma_wait3A_327 = arith.constant 64 : i32
    %dma_wait3A_328 = arith.constant 0 : i32
    %dma_wait3A_329 = tpu.memref_slice %arg11[%dma_wait3A_327, %dma_wait3A_328] : memref<128x128xi32, #tpu.memory_space<vmem>> -> memref<64x128xi32, #tpu.memory_space<vmem>>
    %dma_wait3A_330 = arith.constant 0 : i32
    %dma_wait3A_331 = tpu.memref_slice %arg6[%add3A_261, %dma_wait3A_330] : memref<8192x128xi32, #tpu.memory_space<hbm>> -> memref<64x128xi32, #tpu.memory_space<hbm>>
    %dma_wait3A_332 = arith.constant 0 : i32
    %dma_wait3A_333 = tpu.memref_slice %arg6[%add3A_261, %dma_wait3A_332] : memref<8192x128xi32, #tpu.memory_space<hbm>> -> memref<64x128xi32, #tpu.memory_space<hbm>>
    %dma_wait3A_334 = arith.constant 64 : i32
    %dma_wait3A_335 = arith.constant 0 : i32
    %dma_wait3A_336 = tpu.memref_slice %arg11[%dma_wait3A_334, %dma_wait3A_335] : memref<128x128xi32, #tpu.memory_space<vmem>> -> memref<64x128xi32, #tpu.memory_space<vmem>>
    tpu.wait_dma2 semaphore(%arg15 : memref<!tpu.dma_semaphore, #tpu.memory_space<semaphore_mem>>) src(%dma_wait3A_336 : memref<64x128xi32, #tpu.memory_space<vmem>>) dst(%dma_wait3A_333 : memref<64x128xi32, #tpu.memory_space<hbm>>)
    %parallel_loop3A_337 = arith.constant 0 : i32
    %parallel_loop3A_338 = arith.constant 64 : i32
    %parallel_loop3A_339 = arith.constant 1 : i32
    scf.for %parallel_loop3A_522 = %parallel_loop3A_337 to %parallel_loop3A_338 step %parallel_loop3A_339  : i32 {
      %parallel_loop3A_523 = arith.constant 2 : i32
      %parallel_loop3A_524 = arith.muli %parallel_loop3A_523, %parallel_loop3A_522 : i32
      %parallel_loop3A_525 = arith.constant 384 : i32
      %parallel_loop3A_526 = arith.addi %parallel_loop3A_525, %parallel_loop3A_524 : i32
      %parallel_loop3A_527 = arith.index_cast %parallel_loop3A_526 : i32 to index
      %parallel_loop3A_528 = arith.constant 0 : index
      %parallel_loop3A_529 = tpu.vector_load %arg10[%parallel_loop3A_527, %parallel_loop3A_528] {strides = array<i32>} : memref<512x128xf32, #tpu.memory_space<vmem>>, vector<16xf32>,
      %parallel_loop3A_530 = arith.constant 2 : i32
      %parallel_loop3A_531 = arith.muli %parallel_loop3A_530, %parallel_loop3A_522 : i32
      %parallel_loop3A_532 = arith.constant 384 : i32
      %parallel_loop3A_533 = arith.addi %parallel_loop3A_532, %parallel_loop3A_531 : i32
      %parallel_loop3A_534 = arith.constant 1 : i32
      %parallel_loop3A_535 = arith.addi %parallel_loop3A_533, %parallel_loop3A_534 : i32
      %parallel_loop3A_536 = arith.index_cast %parallel_loop3A_535 : i32 to index
      %parallel_loop3A_537 = arith.constant 0 : index
      %parallel_loop3A_538 = tpu.vector_load %arg10[%parallel_loop3A_536, %parallel_loop3A_537] {strides = array<i32>} : memref<512x128xf32, #tpu.memory_space<vmem>>, vector<16xf32>,
      %parallel_loop3A_539 = tpu.pack_subelements %parallel_loop3A_529, %parallel_loop3A_538 {pack_format = #tpu.pack_format<interleaved>, positions = array<i32: 0, 1>} : vector<16xf32>, vector<16xf32> -> vector<32xbf16>
      %parallel_loop3A_540 = vector.bitcast %parallel_loop3A_539 : vector<32xbf16> to vector<16xi32>
      %parallel_loop3A_541 = arith.constant 64 : i32
      %parallel_loop3A_542 = arith.addi %parallel_loop3A_541, %parallel_loop3A_522 : i32
      %parallel_loop3A_543 = arith.index_cast %parallel_loop3A_542 : i32 to index
      %parallel_loop3A_544 = arith.constant 0 : index
      %parallel_loop3A_545 = tpu.vector_load %arg11[%parallel_loop3A_543, %parallel_loop3A_544] {strides = array<i32>} : memref<128x128xi32, #tpu.memory_space<vmem>>, vector<16xi32>,
      tpu.vector_store %arg11[%parallel_loop3A_543, %parallel_loop3A_544], %parallel_loop3A_540 {strides = array<i32>} : memref<128x128xi32, #tpu.memory_space<vmem>>, vector<16xi32>,
      %parallel_loop3A_546 = arith.constant 2 : i32
      %parallel_loop3A_547 = arith.muli %parallel_loop3A_546, %parallel_loop3A_522 : i32
      %parallel_loop3A_548 = arith.constant 384 : i32
      %parallel_loop3A_549 = arith.addi %parallel_loop3A_548, %parallel_loop3A_547 : i32
      %parallel_loop3A_550 = arith.index_cast %parallel_loop3A_549 : i32 to index
      %parallel_loop3A_551 = arith.constant 16 : index
      %parallel_loop3A_552 = tpu.vector_load %arg10[%parallel_loop3A_550, %parallel_loop3A_551] {strides = array<i32>} : memref<512x128xf32, #tpu.memory_space<vmem>>, vector<16xf32>,
      %parallel_loop3A_553 = arith.constant 2 : i32
      %parallel_loop3A_554 = arith.muli %parallel_loop3A_553, %parallel_loop3A_522 : i32
      %parallel_loop3A_555 = arith.constant 384 : i32
      %parallel_loop3A_556 = arith.addi %parallel_loop3A_555, %parallel_loop3A_554 : i32
      %parallel_loop3A_557 = arith.constant 1 : i32
      %parallel_loop3A_558 = arith.addi %parallel_loop3A_556, %parallel_loop3A_557 : i32
      %parallel_loop3A_559 = arith.index_cast %parallel_loop3A_558 : i32 to index
      %parallel_loop3A_560 = arith.constant 16 : index
      %parallel_loop3A_561 = tpu.vector_load %arg10[%parallel_loop3A_559, %parallel_loop3A_560] {strides = array<i32>} : memref<512x128xf32, #tpu.memory_space<vmem>>, vector<16xf32>,
      %parallel_loop3A_562 = tpu.pack_subelements %parallel_loop3A_552, %parallel_loop3A_561 {pack_format = #tpu.pack_format<interleaved>, positions = array<i32: 0, 1>} : vector<16xf32>, vector<16xf32> -> vector<32xbf16>
      %parallel_loop3A_563 = vector.bitcast %parallel_loop3A_562 : vector<32xbf16> to vector<16xi32>
      %parallel_loop3A_564 = arith.constant 64 : i32
      %parallel_loop3A_565 = arith.addi %parallel_loop3A_564, %parallel_loop3A_522 : i32
      %parallel_loop3A_566 = arith.index_cast %parallel_loop3A_565 : i32 to index
      %parallel_loop3A_567 = arith.constant 16 : index
      %parallel_loop3A_568 = tpu.vector_load %arg11[%parallel_loop3A_566, %parallel_loop3A_567] {strides = array<i32>} : memref<128x128xi32, #tpu.memory_space<vmem>>, vector<16xi32>,
      tpu.vector_store %arg11[%parallel_loop3A_566, %parallel_loop3A_567], %parallel_loop3A_563 {strides = array<i32>} : memref<128x128xi32, #tpu.memory_space<vmem>>, vector<16xi32>,
      %parallel_loop3A_569 = arith.constant 2 : i32
      %parallel_loop3A_570 = arith.muli %parallel_loop3A_569, %parallel_loop3A_522 : i32
      %parallel_loop3A_571 = arith.constant 384 : i32
      %parallel_loop3A_572 = arith.addi %parallel_loop3A_571, %parallel_loop3A_570 : i32
      %parallel_loop3A_573 = arith.index_cast %parallel_loop3A_572 : i32 to index
      %parallel_loop3A_574 = arith.constant 32 : index
      %parallel_loop3A_575 = tpu.vector_load %arg10[%parallel_loop3A_573, %parallel_loop3A_574] {strides = array<i32>} : memref<512x128xf32, #tpu.memory_space<vmem>>, vector<16xf32>,
      %parallel_loop3A_576 = arith.constant 2 : i32
      %parallel_loop3A_577 = arith.muli %parallel_loop3A_576, %parallel_loop3A_522 : i32
      %parallel_loop3A_578 = arith.constant 384 : i32
      %parallel_loop3A_579 = arith.addi %parallel_loop3A_578, %parallel_loop3A_577 : i32
      %parallel_loop3A_580 = arith.constant 1 : i32
      %parallel_loop3A_581 = arith.addi %parallel_loop3A_579, %parallel_loop3A_580 : i32
      %parallel_loop3A_582 = arith.index_cast %parallel_loop3A_581 : i32 to index
      %parallel_loop3A_583 = arith.constant 32 : index
      %parallel_loop3A_584 = tpu.vector_load %arg10[%parallel_loop3A_582, %parallel_loop3A_583] {strides = array<i32>} : memref<512x128xf32, #tpu.memory_space<vmem>>, vector<16xf32>,
      %parallel_loop3A_585 = tpu.pack_subelements %parallel_loop3A_575, %parallel_loop3A_584 {pack_format = #tpu.pack_format<interleaved>, positions = array<i32: 0, 1>} : vector<16xf32>, vector<16xf32> -> vector<32xbf16>
      %parallel_loop3A_586 = vector.bitcast %parallel_loop3A_585 : vector<32xbf16> to vector<16xi32>
      %parallel_loop3A_587 = arith.constant 64 : i32
      %parallel_loop3A_588 = arith.addi %parallel_loop3A_587, %parallel_loop3A_522 : i32
      %parallel_loop3A_589 = arith.index_cast %parallel_loop3A_588 : i32 to index
      %parallel_loop3A_590 = arith.constant 32 : index
      %parallel_loop3A_591 = tpu.vector_load %arg11[%parallel_loop3A_589, %parallel_loop3A_590] {strides = array<i32>} : memref<128x128xi32, #tpu.memory_space<vmem>>, vector<16xi32>,
      tpu.vector_store %arg11[%parallel_loop3A_589, %parallel_loop3A_590], %parallel_loop3A_586 {strides = array<i32>} : memref<128x128xi32, #tpu.memory_space<vmem>>, vector<16xi32>,
      %parallel_loop3A_592 = arith.constant 2 : i32
      %parallel_loop3A_593 = arith.muli %parallel_loop3A_592, %parallel_loop3A_522 : i32
      %parallel_loop3A_594 = arith.constant 384 : i32
      %parallel_loop3A_595 = arith.addi %parallel_loop3A_594, %parallel_loop3A_593 : i32
      %parallel_loop3A_596 = arith.index_cast %parallel_loop3A_595 : i32 to index
      %parallel_loop3A_597 = arith.constant 48 : index
      %parallel_loop3A_598 = tpu.vector_load %arg10[%parallel_loop3A_596, %parallel_loop3A_597] {strides = array<i32>} : memref<512x128xf32, #tpu.memory_space<vmem>>, vector<16xf32>,
      %parallel_loop3A_599 = arith.constant 2 : i32
      %parallel_loop3A_600 = arith.muli %parallel_loop3A_599, %parallel_loop3A_522 : i32
      %parallel_loop3A_601 = arith.constant 384 : i32
      %parallel_loop3A_602 = arith.addi %parallel_loop3A_601, %parallel_loop3A_600 : i32
      %parallel_loop3A_603 = arith.constant 1 : i32
      %parallel_loop3A_604 = arith.addi %parallel_loop3A_602, %parallel_loop3A_603 : i32
      %parallel_loop3A_605 = arith.index_cast %parallel_loop3A_604 : i32 to index
      %parallel_loop3A_606 = arith.constant 48 : index
      %parallel_loop3A_607 = tpu.vector_load %arg10[%parallel_loop3A_605, %parallel_loop3A_606] {strides = array<i32>} : memref<512x128xf32, #tpu.memory_space<vmem>>, vector<16xf32>,
      %parallel_loop3A_608 = tpu.pack_subelements %parallel_loop3A_598, %parallel_loop3A_607 {pack_format = #tpu.pack_format<interleaved>, positions = array<i32: 0, 1>} : vector<16xf32>, vector<16xf32> -> vector<32xbf16>
      %parallel_loop3A_609 = vector.bitcast %parallel_loop3A_608 : vector<32xbf16> to vector<16xi32>
      %parallel_loop3A_610 = arith.constant 64 : i32
      %parallel_loop3A_611 = arith.addi %parallel_loop3A_610, %parallel_loop3A_522 : i32
      %parallel_loop3A_612 = arith.index_cast %parallel_loop3A_611 : i32 to index
      %parallel_loop3A_613 = arith.constant 48 : index
      %parallel_loop3A_614 = tpu.vector_load %arg11[%parallel_loop3A_612, %parallel_loop3A_613] {strides = array<i32>} : memref<128x128xi32, #tpu.memory_space<vmem>>, vector<16xi32>,
      tpu.vector_store %arg11[%parallel_loop3A_612, %parallel_loop3A_613], %parallel_loop3A_609 {strides = array<i32>} : memref<128x128xi32, #tpu.memory_space<vmem>>, vector<16xi32>,
      %parallel_loop3A_615 = arith.constant 2 : i32
      %parallel_loop3A_616 = arith.muli %parallel_loop3A_615, %parallel_loop3A_522 : i32
      %parallel_loop3A_617 = arith.constant 384 : i32
      %parallel_loop3A_618 = arith.addi %parallel_loop3A_617, %parallel_loop3A_616 : i32
      %parallel_loop3A_619 = arith.index_cast %parallel_loop3A_618 : i32 to index
      %parallel_loop3A_620 = arith.constant 64 : index
      %parallel_loop3A_621 = tpu.vector_load %arg10[%parallel_loop3A_619, %parallel_loop3A_620] {strides = array<i32>} : memref<512x128xf32, #tpu.memory_space<vmem>>, vector<16xf32>,
      %parallel_loop3A_622 = arith.constant 2 : i32
      %parallel_loop3A_623 = arith.muli %parallel_loop3A_622, %parallel_loop3A_522 : i32
      %parallel_loop3A_624 = arith.constant 384 : i32
      %parallel_loop3A_625 = arith.addi %parallel_loop3A_624, %parallel_loop3A_623 : i32
      %parallel_loop3A_626 = arith.constant 1 : i32
      %parallel_loop3A_627 = arith.addi %parallel_loop3A_625, %parallel_loop3A_626 : i32
      %parallel_loop3A_628 = arith.index_cast %parallel_loop3A_627 : i32 to index
      %parallel_loop3A_629 = arith.constant 64 : index
      %parallel_loop3A_630 = tpu.vector_load %arg10[%parallel_loop3A_628, %parallel_loop3A_629] {strides = array<i32>} : memref<512x128xf32, #tpu.memory_space<vmem>>, vector<16xf32>,
      %parallel_loop3A_631 = tpu.pack_subelements %parallel_loop3A_621, %parallel_loop3A_630 {pack_format = #tpu.pack_format<interleaved>, positions = array<i32: 0, 1>} : vector<16xf32>, vector<16xf32> -> vector<32xbf16>
      %parallel_loop3A_632 = vector.bitcast %parallel_loop3A_631 : vector<32xbf16> to vector<16xi32>
      %parallel_loop3A_633 = arith.constant 64 : i32
      %parallel_loop3A_634 = arith.addi %parallel_loop3A_633, %parallel_loop3A_522 : i32
      %parallel_loop3A_635 = arith.index_cast %parallel_loop3A_634 : i32 to index
      %parallel_loop3A_636 = arith.constant 64 : index
      %parallel_loop3A_637 = tpu.vector_load %arg11[%parallel_loop3A_635, %parallel_loop3A_636] {strides = array<i32>} : memref<128x128xi32, #tpu.memory_space<vmem>>, vector<16xi32>,
      tpu.vector_store %arg11[%parallel_loop3A_635, %parallel_loop3A_636], %parallel_loop3A_632 {strides = array<i32>} : memref<128x128xi32, #tpu.memory_space<vmem>>, vector<16xi32>,
      %parallel_loop3A_638 = arith.constant 2 : i32
      %parallel_loop3A_639 = arith.muli %parallel_loop3A_638, %parallel_loop3A_522 : i32
      %parallel_loop3A_640 = arith.constant 384 : i32
      %parallel_loop3A_641 = arith.addi %parallel_loop3A_640, %parallel_loop3A_639 : i32
      %parallel_loop3A_642 = arith.index_cast %parallel_loop3A_641 : i32 to index
      %parallel_loop3A_643 = arith.constant 80 : index
      %parallel_loop3A_644 = tpu.vector_load %arg10[%parallel_loop3A_642, %parallel_loop3A_643] {strides = array<i32>} : memref<512x128xf32, #tpu.memory_space<vmem>>, vector<16xf32>,
      %parallel_loop3A_645 = arith.constant 2 : i32
      %parallel_loop3A_646 = arith.muli %parallel_loop3A_645, %parallel_loop3A_522 : i32
      %parallel_loop3A_647 = arith.constant 384 : i32
      %parallel_loop3A_648 = arith.addi %parallel_loop3A_647, %parallel_loop3A_646 : i32
      %parallel_loop3A_649 = arith.constant 1 : i32
      %parallel_loop3A_650 = arith.addi %parallel_loop3A_648, %parallel_loop3A_649 : i32
      %parallel_loop3A_651 = arith.index_cast %parallel_loop3A_650 : i32 to index
      %parallel_loop3A_652 = arith.constant 80 : index
      %parallel_loop3A_653 = tpu.vector_load %arg10[%parallel_loop3A_651, %parallel_loop3A_652] {strides = array<i32>} : memref<512x128xf32, #tpu.memory_space<vmem>>, vector<16xf32>,
      %parallel_loop3A_654 = tpu.pack_subelements %parallel_loop3A_644, %parallel_loop3A_653 {pack_format = #tpu.pack_format<interleaved>, positions = array<i32: 0, 1>} : vector<16xf32>, vector<16xf32> -> vector<32xbf16>
      %parallel_loop3A_655 = vector.bitcast %parallel_loop3A_654 : vector<32xbf16> to vector<16xi32>
      %parallel_loop3A_656 = arith.constant 64 : i32
      %parallel_loop3A_657 = arith.addi %parallel_loop3A_656, %parallel_loop3A_522 : i32
      %parallel_loop3A_658 = arith.index_cast %parallel_loop3A_657 : i32 to index
      %parallel_loop3A_659 = arith.constant 80 : index
      %parallel_loop3A_660 = tpu.vector_load %arg11[%parallel_loop3A_658, %parallel_loop3A_659] {strides = array<i32>} : memref<128x128xi32, #tpu.memory_space<vmem>>, vector<16xi32>,
      tpu.vector_store %arg11[%parallel_loop3A_658, %parallel_loop3A_659], %parallel_loop3A_655 {strides = array<i32>} : memref<128x128xi32, #tpu.memory_space<vmem>>, vector<16xi32>,
      %parallel_loop3A_661 = arith.constant 2 : i32
      %parallel_loop3A_662 = arith.muli %parallel_loop3A_661, %parallel_loop3A_522 : i32
      %parallel_loop3A_663 = arith.constant 384 : i32
      %parallel_loop3A_664 = arith.addi %parallel_loop3A_663, %parallel_loop3A_662 : i32
      %parallel_loop3A_665 = arith.index_cast %parallel_loop3A_664 : i32 to index
      %parallel_loop3A_666 = arith.constant 96 : index
      %parallel_loop3A_667 = tpu.vector_load %arg10[%parallel_loop3A_665, %parallel_loop3A_666] {strides = array<i32>} : memref<512x128xf32, #tpu.memory_space<vmem>>, vector<16xf32>,
      %parallel_loop3A_668 = arith.constant 2 : i32
      %parallel_loop3A_669 = arith.muli %parallel_loop3A_668, %parallel_loop3A_522 : i32
      %parallel_loop3A_670 = arith.constant 384 : i32
      %parallel_loop3A_671 = arith.addi %parallel_loop3A_670, %parallel_loop3A_669 : i32
      %parallel_loop3A_672 = arith.constant 1 : i32
      %parallel_loop3A_673 = arith.addi %parallel_loop3A_671, %parallel_loop3A_672 : i32
      %parallel_loop3A_674 = arith.index_cast %parallel_loop3A_673 : i32 to index
      %parallel_loop3A_675 = arith.constant 96 : index
      %parallel_loop3A_676 = tpu.vector_load %arg10[%parallel_loop3A_674, %parallel_loop3A_675] {strides = array<i32>} : memref<512x128xf32, #tpu.memory_space<vmem>>, vector<16xf32>,
      %parallel_loop3A_677 = tpu.pack_subelements %parallel_loop3A_667, %parallel_loop3A_676 {pack_format = #tpu.pack_format<interleaved>, positions = array<i32: 0, 1>} : vector<16xf32>, vector<16xf32> -> vector<32xbf16>
      %parallel_loop3A_678 = vector.bitcast %parallel_loop3A_677 : vector<32xbf16> to vector<16xi32>
      %parallel_loop3A_679 = arith.constant 64 : i32
      %parallel_loop3A_680 = arith.addi %parallel_loop3A_679, %parallel_loop3A_522 : i32
      %parallel_loop3A_681 = arith.index_cast %parallel_loop3A_680 : i32 to index
      %parallel_loop3A_682 = arith.constant 96 : index
      %parallel_loop3A_683 = tpu.vector_load %arg11[%parallel_loop3A_681, %parallel_loop3A_682] {strides = array<i32>} : memref<128x128xi32, #tpu.memory_space<vmem>>, vector<16xi32>,
      tpu.vector_store %arg11[%parallel_loop3A_681, %parallel_loop3A_682], %parallel_loop3A_678 {strides = array<i32>} : memref<128x128xi32, #tpu.memory_space<vmem>>, vector<16xi32>,
      %parallel_loop3A_684 = arith.constant 2 : i32
      %parallel_loop3A_685 = arith.muli %parallel_loop3A_684, %parallel_loop3A_522 : i32
      %parallel_loop3A_686 = arith.constant 384 : i32
      %parallel_loop3A_687 = arith.addi %parallel_loop3A_686, %parallel_loop3A_685 : i32
      %parallel_loop3A_688 = arith.index_cast %parallel_loop3A_687 : i32 to index
      %parallel_loop3A_689 = arith.constant 112 : index
      %parallel_loop3A_690 = tpu.vector_load %arg10[%parallel_loop3A_688, %parallel_loop3A_689] {strides = array<i32>} : memref<512x128xf32, #tpu.memory_space<vmem>>, vector<16xf32>,
      %parallel_loop3A_691 = arith.constant 2 : i32
      %parallel_loop3A_692 = arith.muli %parallel_loop3A_691, %parallel_loop3A_522 : i32
      %parallel_loop3A_693 = arith.constant 384 : i32
      %parallel_loop3A_694 = arith.addi %parallel_loop3A_693, %parallel_loop3A_692 : i32
      %parallel_loop3A_695 = arith.constant 1 : i32
      %parallel_loop3A_696 = arith.addi %parallel_loop3A_694, %parallel_loop3A_695 : i32
      %parallel_loop3A_697 = arith.index_cast %parallel_loop3A_696 : i32 to index
      %parallel_loop3A_698 = arith.constant 112 : index
      %parallel_loop3A_699 = tpu.vector_load %arg10[%parallel_loop3A_697, %parallel_loop3A_698] {strides = array<i32>} : memref<512x128xf32, #tpu.memory_space<vmem>>, vector<16xf32>,
      %parallel_loop3A_700 = tpu.pack_subelements %parallel_loop3A_690, %parallel_loop3A_699 {pack_format = #tpu.pack_format<interleaved>, positions = array<i32: 0, 1>} : vector<16xf32>, vector<16xf32> -> vector<32xbf16>
      %parallel_loop3A_701 = vector.bitcast %parallel_loop3A_700 : vector<32xbf16> to vector<16xi32>
      %parallel_loop3A_702 = arith.constant 64 : i32
      %parallel_loop3A_703 = arith.addi %parallel_loop3A_702, %parallel_loop3A_522 : i32
      %parallel_loop3A_704 = arith.index_cast %parallel_loop3A_703 : i32 to index
      %parallel_loop3A_705 = arith.constant 112 : index
      %parallel_loop3A_706 = tpu.vector_load %arg11[%parallel_loop3A_704, %parallel_loop3A_705] {strides = array<i32>} : memref<128x128xi32, #tpu.memory_space<vmem>>, vector<16xi32>,
      tpu.vector_store %arg11[%parallel_loop3A_704, %parallel_loop3A_705], %parallel_loop3A_701 {strides = array<i32>} : memref<128x128xi32, #tpu.memory_space<vmem>>, vector<16xi32>,
    } {sc.loop_unroll_factor = 4 : i64, sc.parallel_access}
    %dma_start3A_340 = arith.constant 3 : i32
    %dma_start3A_341 = arith.constant 384 : i32
    %dma_start3A_342 = arith.constant 0 : i32
    %dma_start3A_343 = tpu.memref_slice %arg10[%dma_start3A_341, %dma_start3A_342] : memref<512x128xf32, #tpu.memory_space<vmem>> -> memref<128x128xf32, #tpu.memory_space<vmem>>
    %dma_start3A_344 = arith.constant 0 : i32
    %dma_start3A_345 = tpu.memref_slice %arg9[%dma_start3A_340, %dma_start3A_344] : memref<4x128xi32, #tpu.memory_space<vmem>> -> memref<1x128xi32, #tpu.memory_space<vmem>>
    %dma_start3A_346 = tpu.memref_squeeze %dma_start3A_345 : memref<1x128xi32, #tpu.memory_space<vmem>> -> memref<128xi32, #tpu.memory_space<vmem>>
    %dma_start3A_347 = arith.constant 0 : i32
    %dma_start3A_348 = arith.constant 0 : i32
    %dma_start3A_349 = tpu.memref_slice %arg5[%dma_start3A_347, %dma_start3A_348] : memref<100000x128xf32, #tpu.memory_space<hbm>> -> memref<100000x128xf32, #tpu.memory_space<hbm>>
    tpu.enqueue_indirect_dma source(%dma_start3A_349 : memref<100000x128xf32, #tpu.memory_space<hbm>>) target(%dma_start3A_343 : memref<128x128xf32, #tpu.memory_space<vmem>>) offsets(%dma_start3A_346 : memref<128xi32, #tpu.memory_space<vmem>>) semaphore(%arg13 : memref<!tpu.dma_semaphore, #tpu.memory_space<semaphore_mem>>)
    %add3A_350 = arith.constant 192 : i32
    %add3A_351 = arith.addi %mul3A_4, %add3A_350 : i32
    %dma_start3A_352 = arith.constant 64 : i32
    %dma_start3A_353 = arith.constant 0 : i32
    %dma_start3A_354 = tpu.memref_slice %arg11[%dma_start3A_352, %dma_start3A_353] : memref<128x128xi32, #tpu.memory_space<vmem>> -> memref<64x128xi32, #tpu.memory_space<vmem>>
    %dma_start3A_355 = arith.constant 0 : i32
    %dma_start3A_356 = tpu.memref_slice %arg6[%add3A_351, %dma_start3A_355] : memref<8192x128xi32, #tpu.memory_space<hbm>> -> memref<64x128xi32, #tpu.memory_space<hbm>>
    %dma_start3A_357 = arith.constant 0 : i32
    %dma_start3A_358 = tpu.memref_slice %arg6[%add3A_351, %dma_start3A_357] : memref<8192x128xi32, #tpu.memory_space<hbm>> -> memref<64x128xi32, #tpu.memory_space<hbm>>
    %dma_start3A_359 = arith.constant 64 : i32
    %dma_start3A_360 = arith.constant 0 : i32
    %dma_start3A_361 = tpu.memref_slice %arg11[%dma_start3A_359, %dma_start3A_360] : memref<128x128xi32, #tpu.memory_space<vmem>> -> memref<64x128xi32, #tpu.memory_space<vmem>>
    tpu.enqueue_dma source(%dma_start3A_361 : memref<64x128xi32, #tpu.memory_space<vmem>>) target(%dma_start3A_358 : memref<64x128xi32, #tpu.memory_space<hbm>>) target_semaphore(%arg15 : memref<!tpu.dma_semaphore, #tpu.memory_space<semaphore_mem>>)
    %dma_wait3A_362 = arith.constant 0 : i32
    %dma_wait3A_363 = arith.constant 0 : i32
    %dma_wait3A_364 = arith.constant 0 : i32
    %dma_wait3A_365 = tpu.memref_slice %arg10[%dma_wait3A_363, %dma_wait3A_364] : memref<512x128xf32, #tpu.memory_space<vmem>> -> memref<128x128xf32, #tpu.memory_space<vmem>>
    %dma_wait3A_366 = arith.constant 0 : i32
    %dma_wait3A_367 = tpu.memref_slice %arg9[%dma_wait3A_362, %dma_wait3A_366] : memref<4x128xi32, #tpu.memory_space<vmem>> -> memref<1x128xi32, #tpu.memory_space<vmem>>
    %dma_wait3A_368 = tpu.memref_squeeze %dma_wait3A_367 : memref<1x128xi32, #tpu.memory_space<vmem>> -> memref<128xi32, #tpu.memory_space<vmem>>
    %dma_wait3A_369 = arith.constant 0 : i32
    %dma_wait3A_370 = arith.constant 0 : i32
    %dma_wait3A_371 = tpu.memref_slice %arg5[%dma_wait3A_369, %dma_wait3A_370] : memref<100000x128xf32, #tpu.memory_space<hbm>> -> memref<100000x128xf32, #tpu.memory_space<hbm>>
    tpu.wait_indirect_dma semaphore(%arg13 : memref<!tpu.dma_semaphore, #tpu.memory_space<semaphore_mem>>) src(%dma_wait3A_371 : memref<100000x128xf32, #tpu.memory_space<hbm>>) dst(%dma_wait3A_365 : memref<128x128xf32, #tpu.memory_space<vmem>>)
    %dma_wait3A_372 = arith.constant 0 : i32
    %dma_wait3A_373 = arith.constant 0 : i32
    %dma_wait3A_374 = tpu.memref_slice %arg11[%dma_wait3A_372, %dma_wait3A_373] : memref<128x128xi32, #tpu.memory_space<vmem>> -> memref<64x128xi32, #tpu.memory_space<vmem>>
    %dma_wait3A_375 = arith.constant 0 : i32
    %dma_wait3A_376 = tpu.memref_slice %arg6[%add3A_306, %dma_wait3A_375] : memref<8192x128xi32, #tpu.memory_space<hbm>> -> memref<64x128xi32, #tpu.memory_space<hbm>>
    %dma_wait3A_377 = arith.constant 0 : i32
    %dma_wait3A_378 = tpu.memref_slice %arg6[%add3A_306, %dma_wait3A_377] : memref<8192x128xi32, #tpu.memory_space<hbm>> -> memref<64x128xi32, #tpu.memory_space<hbm>>
    %dma_wait3A_379 = arith.constant 0 : i32
    %dma_wait3A_380 = arith.constant 0 : i32
    %dma_wait3A_381 = tpu.memref_slice %arg11[%dma_wait3A_379, %dma_wait3A_380] : memref<128x128xi32, #tpu.memory_space<vmem>> -> memref<64x128xi32, #tpu.memory_space<vmem>>
    tpu.wait_dma2 semaphore(%arg14 : memref<!tpu.dma_semaphore, #tpu.memory_space<semaphore_mem>>) src(%dma_wait3A_381 : memref<64x128xi32, #tpu.memory_space<vmem>>) dst(%dma_wait3A_378 : memref<64x128xi32, #tpu.memory_space<hbm>>)
    %parallel_loop3A_382 = arith.constant 0 : i32
    %parallel_loop3A_383 = arith.constant 64 : i32
    %parallel_loop3A_384 = arith.constant 1 : i32
    scf.for %parallel_loop3A_522 = %parallel_loop3A_382 to %parallel_loop3A_383 step %parallel_loop3A_384  : i32 {
      %parallel_loop3A_523 = arith.constant 2 : i32
      %parallel_loop3A_524 = arith.muli %parallel_loop3A_523, %parallel_loop3A_522 : i32
      %parallel_loop3A_525 = arith.constant 0 : i32
      %parallel_loop3A_526 = arith.addi %parallel_loop3A_525, %parallel_loop3A_524 : i32
      %parallel_loop3A_527 = arith.index_cast %parallel_loop3A_526 : i32 to index
      %parallel_loop3A_528 = arith.constant 0 : index
      %parallel_loop3A_529 = tpu.vector_load %arg10[%parallel_loop3A_527, %parallel_loop3A_528] {strides = array<i32>} : memref<512x128xf32, #tpu.memory_space<vmem>>, vector<16xf32>,
      %parallel_loop3A_530 = arith.constant 2 : i32
      %parallel_loop3A_531 = arith.muli %parallel_loop3A_530, %parallel_loop3A_522 : i32
      %parallel_loop3A_532 = arith.constant 0 : i32
      %parallel_loop3A_533 = arith.addi %parallel_loop3A_532, %parallel_loop3A_531 : i32
      %parallel_loop3A_534 = arith.constant 1 : i32
      %parallel_loop3A_535 = arith.addi %parallel_loop3A_533, %parallel_loop3A_534 : i32
      %parallel_loop3A_536 = arith.index_cast %parallel_loop3A_535 : i32 to index
      %parallel_loop3A_537 = arith.constant 0 : index
      %parallel_loop3A_538 = tpu.vector_load %arg10[%parallel_loop3A_536, %parallel_loop3A_537] {strides = array<i32>} : memref<512x128xf32, #tpu.memory_space<vmem>>, vector<16xf32>,
      %parallel_loop3A_539 = tpu.pack_subelements %parallel_loop3A_529, %parallel_loop3A_538 {pack_format = #tpu.pack_format<interleaved>, positions = array<i32: 0, 1>} : vector<16xf32>, vector<16xf32> -> vector<32xbf16>
      %parallel_loop3A_540 = vector.bitcast %parallel_loop3A_539 : vector<32xbf16> to vector<16xi32>
      %parallel_loop3A_541 = arith.constant 0 : i32
      %parallel_loop3A_542 = arith.addi %parallel_loop3A_541, %parallel_loop3A_522 : i32
      %parallel_loop3A_543 = arith.index_cast %parallel_loop3A_542 : i32 to index
      %parallel_loop3A_544 = arith.constant 0 : index
      %parallel_loop3A_545 = tpu.vector_load %arg11[%parallel_loop3A_543, %parallel_loop3A_544] {strides = array<i32>} : memref<128x128xi32, #tpu.memory_space<vmem>>, vector<16xi32>,
      tpu.vector_store %arg11[%parallel_loop3A_543, %parallel_loop3A_544], %parallel_loop3A_540 {strides = array<i32>} : memref<128x128xi32, #tpu.memory_space<vmem>>, vector<16xi32>,
      %parallel_loop3A_546 = arith.constant 2 : i32
      %parallel_loop3A_547 = arith.muli %parallel_loop3A_546, %parallel_loop3A_522 : i32
      %parallel_loop3A_548 = arith.constant 0 : i32
      %parallel_loop3A_549 = arith.addi %parallel_loop3A_548, %parallel_loop3A_547 : i32
      %parallel_loop3A_550 = arith.index_cast %parallel_loop3A_549 : i32 to index
      %parallel_loop3A_551 = arith.constant 16 : index
      %parallel_loop3A_552 = tpu.vector_load %arg10[%parallel_loop3A_550, %parallel_loop3A_551] {strides = array<i32>} : memref<512x128xf32, #tpu.memory_space<vmem>>, vector<16xf32>,
      %parallel_loop3A_553 = arith.constant 2 : i32
      %parallel_loop3A_554 = arith.muli %parallel_loop3A_553, %parallel_loop3A_522 : i32
      %parallel_loop3A_555 = arith.constant 0 : i32
      %parallel_loop3A_556 = arith.addi %parallel_loop3A_555, %parallel_loop3A_554 : i32
      %parallel_loop3A_557 = arith.constant 1 : i32
      %parallel_loop3A_558 = arith.addi %parallel_loop3A_556, %parallel_loop3A_557 : i32
      %parallel_loop3A_559 = arith.index_cast %parallel_loop3A_558 : i32 to index
      %parallel_loop3A_560 = arith.constant 16 : index
      %parallel_loop3A_561 = tpu.vector_load %arg10[%parallel_loop3A_559, %parallel_loop3A_560] {strides = array<i32>} : memref<512x128xf32, #tpu.memory_space<vmem>>, vector<16xf32>,
      %parallel_loop3A_562 = tpu.pack_subelements %parallel_loop3A_552, %parallel_loop3A_561 {pack_format = #tpu.pack_format<interleaved>, positions = array<i32: 0, 1>} : vector<16xf32>, vector<16xf32> -> vector<32xbf16>
      %parallel_loop3A_563 = vector.bitcast %parallel_loop3A_562 : vector<32xbf16> to vector<16xi32>
      %parallel_loop3A_564 = arith.constant 0 : i32
      %parallel_loop3A_565 = arith.addi %parallel_loop3A_564, %parallel_loop3A_522 : i32
      %parallel_loop3A_566 = arith.index_cast %parallel_loop3A_565 : i32 to index
      %parallel_loop3A_567 = arith.constant 16 : index
      %parallel_loop3A_568 = tpu.vector_load %arg11[%parallel_loop3A_566, %parallel_loop3A_567] {strides = array<i32>} : memref<128x128xi32, #tpu.memory_space<vmem>>, vector<16xi32>,
      tpu.vector_store %arg11[%parallel_loop3A_566, %parallel_loop3A_567], %parallel_loop3A_563 {strides = array<i32>} : memref<128x128xi32, #tpu.memory_space<vmem>>, vector<16xi32>,
      %parallel_loop3A_569 = arith.constant 2 : i32
      %parallel_loop3A_570 = arith.muli %parallel_loop3A_569, %parallel_loop3A_522 : i32
      %parallel_loop3A_571 = arith.constant 0 : i32
      %parallel_loop3A_572 = arith.addi %parallel_loop3A_571, %parallel_loop3A_570 : i32
      %parallel_loop3A_573 = arith.index_cast %parallel_loop3A_572 : i32 to index
      %parallel_loop3A_574 = arith.constant 32 : index
      %parallel_loop3A_575 = tpu.vector_load %arg10[%parallel_loop3A_573, %parallel_loop3A_574] {strides = array<i32>} : memref<512x128xf32, #tpu.memory_space<vmem>>, vector<16xf32>,
      %parallel_loop3A_576 = arith.constant 2 : i32
      %parallel_loop3A_577 = arith.muli %parallel_loop3A_576, %parallel_loop3A_522 : i32
      %parallel_loop3A_578 = arith.constant 0 : i32
      %parallel_loop3A_579 = arith.addi %parallel_loop3A_578, %parallel_loop3A_577 : i32
      %parallel_loop3A_580 = arith.constant 1 : i32
      %parallel_loop3A_581 = arith.addi %parallel_loop3A_579, %parallel_loop3A_580 : i32
      %parallel_loop3A_582 = arith.index_cast %parallel_loop3A_581 : i32 to index
      %parallel_loop3A_583 = arith.constant 32 : index
      %parallel_loop3A_584 = tpu.vector_load %arg10[%parallel_loop3A_582, %parallel_loop3A_583] {strides = array<i32>} : memref<512x128xf32, #tpu.memory_space<vmem>>, vector<16xf32>,
      %parallel_loop3A_585 = tpu.pack_subelements %parallel_loop3A_575, %parallel_loop3A_584 {pack_format = #tpu.pack_format<interleaved>, positions = array<i32: 0, 1>} : vector<16xf32>, vector<16xf32> -> vector<32xbf16>
      %parallel_loop3A_586 = vector.bitcast %parallel_loop3A_585 : vector<32xbf16> to vector<16xi32>
      %parallel_loop3A_587 = arith.constant 0 : i32
      %parallel_loop3A_588 = arith.addi %parallel_loop3A_587, %parallel_loop3A_522 : i32
      %parallel_loop3A_589 = arith.index_cast %parallel_loop3A_588 : i32 to index
      %parallel_loop3A_590 = arith.constant 32 : index
      %parallel_loop3A_591 = tpu.vector_load %arg11[%parallel_loop3A_589, %parallel_loop3A_590] {strides = array<i32>} : memref<128x128xi32, #tpu.memory_space<vmem>>, vector<16xi32>,
      tpu.vector_store %arg11[%parallel_loop3A_589, %parallel_loop3A_590], %parallel_loop3A_586 {strides = array<i32>} : memref<128x128xi32, #tpu.memory_space<vmem>>, vector<16xi32>,
      %parallel_loop3A_592 = arith.constant 2 : i32
      %parallel_loop3A_593 = arith.muli %parallel_loop3A_592, %parallel_loop3A_522 : i32
      %parallel_loop3A_594 = arith.constant 0 : i32
      %parallel_loop3A_595 = arith.addi %parallel_loop3A_594, %parallel_loop3A_593 : i32
      %parallel_loop3A_596 = arith.index_cast %parallel_loop3A_595 : i32 to index
      %parallel_loop3A_597 = arith.constant 48 : index
      %parallel_loop3A_598 = tpu.vector_load %arg10[%parallel_loop3A_596, %parallel_loop3A_597] {strides = array<i32>} : memref<512x128xf32, #tpu.memory_space<vmem>>, vector<16xf32>,
      %parallel_loop3A_599 = arith.constant 2 : i32
      %parallel_loop3A_600 = arith.muli %parallel_loop3A_599, %parallel_loop3A_522 : i32
      %parallel_loop3A_601 = arith.constant 0 : i32
      %parallel_loop3A_602 = arith.addi %parallel_loop3A_601, %parallel_loop3A_600 : i32
      %parallel_loop3A_603 = arith.constant 1 : i32
      %parallel_loop3A_604 = arith.addi %parallel_loop3A_602, %parallel_loop3A_603 : i32
      %parallel_loop3A_605 = arith.index_cast %parallel_loop3A_604 : i32 to index
      %parallel_loop3A_606 = arith.constant 48 : index
      %parallel_loop3A_607 = tpu.vector_load %arg10[%parallel_loop3A_605, %parallel_loop3A_606] {strides = array<i32>} : memref<512x128xf32, #tpu.memory_space<vmem>>, vector<16xf32>,
      %parallel_loop3A_608 = tpu.pack_subelements %parallel_loop3A_598, %parallel_loop3A_607 {pack_format = #tpu.pack_format<interleaved>, positions = array<i32: 0, 1>} : vector<16xf32>, vector<16xf32> -> vector<32xbf16>
      %parallel_loop3A_609 = vector.bitcast %parallel_loop3A_608 : vector<32xbf16> to vector<16xi32>
      %parallel_loop3A_610 = arith.constant 0 : i32
      %parallel_loop3A_611 = arith.addi %parallel_loop3A_610, %parallel_loop3A_522 : i32
      %parallel_loop3A_612 = arith.index_cast %parallel_loop3A_611 : i32 to index
      %parallel_loop3A_613 = arith.constant 48 : index
      %parallel_loop3A_614 = tpu.vector_load %arg11[%parallel_loop3A_612, %parallel_loop3A_613] {strides = array<i32>} : memref<128x128xi32, #tpu.memory_space<vmem>>, vector<16xi32>,
      tpu.vector_store %arg11[%parallel_loop3A_612, %parallel_loop3A_613], %parallel_loop3A_609 {strides = array<i32>} : memref<128x128xi32, #tpu.memory_space<vmem>>, vector<16xi32>,
      %parallel_loop3A_615 = arith.constant 2 : i32
      %parallel_loop3A_616 = arith.muli %parallel_loop3A_615, %parallel_loop3A_522 : i32
      %parallel_loop3A_617 = arith.constant 0 : i32
      %parallel_loop3A_618 = arith.addi %parallel_loop3A_617, %parallel_loop3A_616 : i32
      %parallel_loop3A_619 = arith.index_cast %parallel_loop3A_618 : i32 to index
      %parallel_loop3A_620 = arith.constant 64 : index
      %parallel_loop3A_621 = tpu.vector_load %arg10[%parallel_loop3A_619, %parallel_loop3A_620] {strides = array<i32>} : memref<512x128xf32, #tpu.memory_space<vmem>>, vector<16xf32>,
      %parallel_loop3A_622 = arith.constant 2 : i32
      %parallel_loop3A_623 = arith.muli %parallel_loop3A_622, %parallel_loop3A_522 : i32
      %parallel_loop3A_624 = arith.constant 0 : i32
      %parallel_loop3A_625 = arith.addi %parallel_loop3A_624, %parallel_loop3A_623 : i32
      %parallel_loop3A_626 = arith.constant 1 : i32
      %parallel_loop3A_627 = arith.addi %parallel_loop3A_625, %parallel_loop3A_626 : i32
      %parallel_loop3A_628 = arith.index_cast %parallel_loop3A_627 : i32 to index
      %parallel_loop3A_629 = arith.constant 64 : index
      %parallel_loop3A_630 = tpu.vector_load %arg10[%parallel_loop3A_628, %parallel_loop3A_629] {strides = array<i32>} : memref<512x128xf32, #tpu.memory_space<vmem>>, vector<16xf32>,
      %parallel_loop3A_631 = tpu.pack_subelements %parallel_loop3A_621, %parallel_loop3A_630 {pack_format = #tpu.pack_format<interleaved>, positions = array<i32: 0, 1>} : vector<16xf32>, vector<16xf32> -> vector<32xbf16>
      %parallel_loop3A_632 = vector.bitcast %parallel_loop3A_631 : vector<32xbf16> to vector<16xi32>
      %parallel_loop3A_633 = arith.constant 0 : i32
      %parallel_loop3A_634 = arith.addi %parallel_loop3A_633, %parallel_loop3A_522 : i32
      %parallel_loop3A_635 = arith.index_cast %parallel_loop3A_634 : i32 to index
      %parallel_loop3A_636 = arith.constant 64 : index
      %parallel_loop3A_637 = tpu.vector_load %arg11[%parallel_loop3A_635, %parallel_loop3A_636] {strides = array<i32>} : memref<128x128xi32, #tpu.memory_space<vmem>>, vector<16xi32>,
      tpu.vector_store %arg11[%parallel_loop3A_635, %parallel_loop3A_636], %parallel_loop3A_632 {strides = array<i32>} : memref<128x128xi32, #tpu.memory_space<vmem>>, vector<16xi32>,
      %parallel_loop3A_638 = arith.constant 2 : i32
      %parallel_loop3A_639 = arith.muli %parallel_loop3A_638, %parallel_loop3A_522 : i32
      %parallel_loop3A_640 = arith.constant 0 : i32
      %parallel_loop3A_641 = arith.addi %parallel_loop3A_640, %parallel_loop3A_639 : i32
      %parallel_loop3A_642 = arith.index_cast %parallel_loop3A_641 : i32 to index
      %parallel_loop3A_643 = arith.constant 80 : index
      %parallel_loop3A_644 = tpu.vector_load %arg10[%parallel_loop3A_642, %parallel_loop3A_643] {strides = array<i32>} : memref<512x128xf32, #tpu.memory_space<vmem>>, vector<16xf32>,
      %parallel_loop3A_645 = arith.constant 2 : i32
      %parallel_loop3A_646 = arith.muli %parallel_loop3A_645, %parallel_loop3A_522 : i32
      %parallel_loop3A_647 = arith.constant 0 : i32
      %parallel_loop3A_648 = arith.addi %parallel_loop3A_647, %parallel_loop3A_646 : i32
      %parallel_loop3A_649 = arith.constant 1 : i32
      %parallel_loop3A_650 = arith.addi %parallel_loop3A_648, %parallel_loop3A_649 : i32
      %parallel_loop3A_651 = arith.index_cast %parallel_loop3A_650 : i32 to index
      %parallel_loop3A_652 = arith.constant 80 : index
      %parallel_loop3A_653 = tpu.vector_load %arg10[%parallel_loop3A_651, %parallel_loop3A_652] {strides = array<i32>} : memref<512x128xf32, #tpu.memory_space<vmem>>, vector<16xf32>,
      %parallel_loop3A_654 = tpu.pack_subelements %parallel_loop3A_644, %parallel_loop3A_653 {pack_format = #tpu.pack_format<interleaved>, positions = array<i32: 0, 1>} : vector<16xf32>, vector<16xf32> -> vector<32xbf16>
      %parallel_loop3A_655 = vector.bitcast %parallel_loop3A_654 : vector<32xbf16> to vector<16xi32>
      %parallel_loop3A_656 = arith.constant 0 : i32
      %parallel_loop3A_657 = arith.addi %parallel_loop3A_656, %parallel_loop3A_522 : i32
      %parallel_loop3A_658 = arith.index_cast %parallel_loop3A_657 : i32 to index
      %parallel_loop3A_659 = arith.constant 80 : index
      %parallel_loop3A_660 = tpu.vector_load %arg11[%parallel_loop3A_658, %parallel_loop3A_659] {strides = array<i32>} : memref<128x128xi32, #tpu.memory_space<vmem>>, vector<16xi32>,
      tpu.vector_store %arg11[%parallel_loop3A_658, %parallel_loop3A_659], %parallel_loop3A_655 {strides = array<i32>} : memref<128x128xi32, #tpu.memory_space<vmem>>, vector<16xi32>,
      %parallel_loop3A_661 = arith.constant 2 : i32
      %parallel_loop3A_662 = arith.muli %parallel_loop3A_661, %parallel_loop3A_522 : i32
      %parallel_loop3A_663 = arith.constant 0 : i32
      %parallel_loop3A_664 = arith.addi %parallel_loop3A_663, %parallel_loop3A_662 : i32
      %parallel_loop3A_665 = arith.index_cast %parallel_loop3A_664 : i32 to index
      %parallel_loop3A_666 = arith.constant 96 : index
      %parallel_loop3A_667 = tpu.vector_load %arg10[%parallel_loop3A_665, %parallel_loop3A_666] {strides = array<i32>} : memref<512x128xf32, #tpu.memory_space<vmem>>, vector<16xf32>,
      %parallel_loop3A_668 = arith.constant 2 : i32
      %parallel_loop3A_669 = arith.muli %parallel_loop3A_668, %parallel_loop3A_522 : i32
      %parallel_loop3A_670 = arith.constant 0 : i32
      %parallel_loop3A_671 = arith.addi %parallel_loop3A_670, %parallel_loop3A_669 : i32
      %parallel_loop3A_672 = arith.constant 1 : i32
      %parallel_loop3A_673 = arith.addi %parallel_loop3A_671, %parallel_loop3A_672 : i32
      %parallel_loop3A_674 = arith.index_cast %parallel_loop3A_673 : i32 to index
      %parallel_loop3A_675 = arith.constant 96 : index
      %parallel_loop3A_676 = tpu.vector_load %arg10[%parallel_loop3A_674, %parallel_loop3A_675] {strides = array<i32>} : memref<512x128xf32, #tpu.memory_space<vmem>>, vector<16xf32>,
      %parallel_loop3A_677 = tpu.pack_subelements %parallel_loop3A_667, %parallel_loop3A_676 {pack_format = #tpu.pack_format<interleaved>, positions = array<i32: 0, 1>} : vector<16xf32>, vector<16xf32> -> vector<32xbf16>
      %parallel_loop3A_678 = vector.bitcast %parallel_loop3A_677 : vector<32xbf16> to vector<16xi32>
      %parallel_loop3A_679 = arith.constant 0 : i32
      %parallel_loop3A_680 = arith.addi %parallel_loop3A_679, %parallel_loop3A_522 : i32
      %parallel_loop3A_681 = arith.index_cast %parallel_loop3A_680 : i32 to index
      %parallel_loop3A_682 = arith.constant 96 : index
      %parallel_loop3A_683 = tpu.vector_load %arg11[%parallel_loop3A_681, %parallel_loop3A_682] {strides = array<i32>} : memref<128x128xi32, #tpu.memory_space<vmem>>, vector<16xi32>,
      tpu.vector_store %arg11[%parallel_loop3A_681, %parallel_loop3A_682], %parallel_loop3A_678 {strides = array<i32>} : memref<128x128xi32, #tpu.memory_space<vmem>>, vector<16xi32>,
      %parallel_loop3A_684 = arith.constant 2 : i32
      %parallel_loop3A_685 = arith.muli %parallel_loop3A_684, %parallel_loop3A_522 : i32
      %parallel_loop3A_686 = arith.constant 0 : i32
      %parallel_loop3A_687 = arith.addi %parallel_loop3A_686, %parallel_loop3A_685 : i32
      %parallel_loop3A_688 = arith.index_cast %parallel_loop3A_687 : i32 to index
      %parallel_loop3A_689 = arith.constant 112 : index
      %parallel_loop3A_690 = tpu.vector_load %arg10[%parallel_loop3A_688, %parallel_loop3A_689] {strides = array<i32>} : memref<512x128xf32, #tpu.memory_space<vmem>>, vector<16xf32>,
      %parallel_loop3A_691 = arith.constant 2 : i32
      %parallel_loop3A_692 = arith.muli %parallel_loop3A_691, %parallel_loop3A_522 : i32
      %parallel_loop3A_693 = arith.constant 0 : i32
      %parallel_loop3A_694 = arith.addi %parallel_loop3A_693, %parallel_loop3A_692 : i32
      %parallel_loop3A_695 = arith.constant 1 : i32
      %parallel_loop3A_696 = arith.addi %parallel_loop3A_694, %parallel_loop3A_695 : i32
      %parallel_loop3A_697 = arith.index_cast %parallel_loop3A_696 : i32 to index
      %parallel_loop3A_698 = arith.constant 112 : index
      %parallel_loop3A_699 = tpu.vector_load %arg10[%parallel_loop3A_697, %parallel_loop3A_698] {strides = array<i32>} : memref<512x128xf32, #tpu.memory_space<vmem>>, vector<16xf32>,
      %parallel_loop3A_700 = tpu.pack_subelements %parallel_loop3A_690, %parallel_loop3A_699 {pack_format = #tpu.pack_format<interleaved>, positions = array<i32: 0, 1>} : vector<16xf32>, vector<16xf32> -> vector<32xbf16>
      %parallel_loop3A_701 = vector.bitcast %parallel_loop3A_700 : vector<32xbf16> to vector<16xi32>
      %parallel_loop3A_702 = arith.constant 0 : i32
      %parallel_loop3A_703 = arith.addi %parallel_loop3A_702, %parallel_loop3A_522 : i32
      %parallel_loop3A_704 = arith.index_cast %parallel_loop3A_703 : i32 to index
      %parallel_loop3A_705 = arith.constant 112 : index
      %parallel_loop3A_706 = tpu.vector_load %arg11[%parallel_loop3A_704, %parallel_loop3A_705] {strides = array<i32>} : memref<128x128xi32, #tpu.memory_space<vmem>>, vector<16xi32>,
      tpu.vector_store %arg11[%parallel_loop3A_704, %parallel_loop3A_705], %parallel_loop3A_701 {strides = array<i32>} : memref<128x128xi32, #tpu.memory_space<vmem>>, vector<16xi32>,
    } {sc.loop_unroll_factor = 4 : i64, sc.parallel_access}
    %add3A_385 = arith.constant 0 : i32
    %add3A_386 = arith.addi %mul3A_4, %add3A_385 : i32
    %dma_start3A_387 = arith.constant 0 : i32
    %dma_start3A_388 = arith.constant 0 : i32
    %dma_start3A_389 = tpu.memref_slice %arg11[%dma_start3A_387, %dma_start3A_388] : memref<128x128xi32, #tpu.memory_space<vmem>> -> memref<64x128xi32, #tpu.memory_space<vmem>>
    %dma_start3A_390 = arith.constant 0 : i32
    %dma_start3A_391 = tpu.memref_slice %arg7[%add3A_386, %dma_start3A_390] : memref<8192x128xi32, #tpu.memory_space<hbm>> -> memref<64x128xi32, #tpu.memory_space<hbm>>
    %dma_start3A_392 = arith.constant 0 : i32
    %dma_start3A_393 = tpu.memref_slice %arg7[%add3A_386, %dma_start3A_392] : memref<8192x128xi32, #tpu.memory_space<hbm>> -> memref<64x128xi32, #tpu.memory_space<hbm>>
    %dma_start3A_394 = arith.constant 0 : i32
    %dma_start3A_395 = arith.constant 0 : i32
    %dma_start3A_396 = tpu.memref_slice %arg11[%dma_start3A_394, %dma_start3A_395] : memref<128x128xi32, #tpu.memory_space<vmem>> -> memref<64x128xi32, #tpu.memory_space<vmem>>
    tpu.enqueue_dma source(%dma_start3A_396 : memref<64x128xi32, #tpu.memory_space<vmem>>) target(%dma_start3A_393 : memref<64x128xi32, #tpu.memory_space<hbm>>) target_semaphore(%arg14 : memref<!tpu.dma_semaphore, #tpu.memory_space<semaphore_mem>>)
    %dma_wait3A_397 = arith.constant 1 : i32
    %dma_wait3A_398 = arith.constant 128 : i32
    %dma_wait3A_399 = arith.constant 0 : i32
    %dma_wait3A_400 = tpu.memref_slice %arg10[%dma_wait3A_398, %dma_wait3A_399] : memref<512x128xf32, #tpu.memory_space<vmem>> -> memref<128x128xf32, #tpu.memory_space<vmem>>
    %dma_wait3A_401 = arith.constant 0 : i32
    %dma_wait3A_402 = tpu.memref_slice %arg9[%dma_wait3A_397, %dma_wait3A_401] : memref<4x128xi32, #tpu.memory_space<vmem>> -> memref<1x128xi32, #tpu.memory_space<vmem>>
    %dma_wait3A_403 = tpu.memref_squeeze %dma_wait3A_402 : memref<1x128xi32, #tpu.memory_space<vmem>> -> memref<128xi32, #tpu.memory_space<vmem>>
    %dma_wait3A_404 = arith.constant 0 : i32
    %dma_wait3A_405 = arith.constant 0 : i32
    %dma_wait3A_406 = tpu.memref_slice %arg5[%dma_wait3A_404, %dma_wait3A_405] : memref<100000x128xf32, #tpu.memory_space<hbm>> -> memref<100000x128xf32, #tpu.memory_space<hbm>>
    tpu.wait_indirect_dma semaphore(%arg13 : memref<!tpu.dma_semaphore, #tpu.memory_space<semaphore_mem>>) src(%dma_wait3A_406 : memref<100000x128xf32, #tpu.memory_space<hbm>>) dst(%dma_wait3A_400 : memref<128x128xf32, #tpu.memory_space<vmem>>)
    %dma_wait3A_407 = arith.constant 64 : i32
    %dma_wait3A_408 = arith.constant 0 : i32
    %dma_wait3A_409 = tpu.memref_slice %arg11[%dma_wait3A_407, %dma_wait3A_408] : memref<128x128xi32, #tpu.memory_space<vmem>> -> memref<64x128xi32, #tpu.memory_space<vmem>>
    %dma_wait3A_410 = arith.constant 0 : i32
    %dma_wait3A_411 = tpu.memref_slice %arg6[%add3A_351, %dma_wait3A_410] : memref<8192x128xi32, #tpu.memory_space<hbm>> -> memref<64x128xi32, #tpu.memory_space<hbm>>
    %dma_wait3A_412 = arith.constant 0 : i32
    %dma_wait3A_413 = tpu.memref_slice %arg6[%add3A_351, %dma_wait3A_412] : memref<8192x128xi32, #tpu.memory_space<hbm>> -> memref<64x128xi32, #tpu.memory_space<hbm>>
    %dma_wait3A_414 = arith.constant 64 : i32
    %dma_wait3A_415 = arith.constant 0 : i32
    %dma_wait3A_416 = tpu.memref_slice %arg11[%dma_wait3A_414, %dma_wait3A_415] : memref<128x128xi32, #tpu.memory_space<vmem>> -> memref<64x128xi32, #tpu.memory_space<vmem>>
    tpu.wait_dma2 semaphore(%arg15 : memref<!tpu.dma_semaphore, #tpu.memory_space<semaphore_mem>>) src(%dma_wait3A_416 : memref<64x128xi32, #tpu.memory_space<vmem>>) dst(%dma_wait3A_413 : memref<64x128xi32, #tpu.memory_space<hbm>>)
    %parallel_loop3A_417 = arith.constant 0 : i32
    %parallel_loop3A_418 = arith.constant 64 : i32
    %parallel_loop3A_419 = arith.constant 1 : i32
    scf.for %parallel_loop3A_522 = %parallel_loop3A_417 to %parallel_loop3A_418 step %parallel_loop3A_419  : i32 {
      %parallel_loop3A_523 = arith.constant 2 : i32
      %parallel_loop3A_524 = arith.muli %parallel_loop3A_523, %parallel_loop3A_522 : i32
      %parallel_loop3A_525 = arith.constant 128 : i32
      %parallel_loop3A_526 = arith.addi %parallel_loop3A_525, %parallel_loop3A_524 : i32
      %parallel_loop3A_527 = arith.index_cast %parallel_loop3A_526 : i32 to index
      %parallel_loop3A_528 = arith.constant 0 : index
      %parallel_loop3A_529 = tpu.vector_load %arg10[%parallel_loop3A_527, %parallel_loop3A_528] {strides = array<i32>} : memref<512x128xf32, #tpu.memory_space<vmem>>, vector<16xf32>,
      %parallel_loop3A_530 = arith.constant 2 : i32
      %parallel_loop3A_531 = arith.muli %parallel_loop3A_530, %parallel_loop3A_522 : i32
      %parallel_loop3A_532 = arith.constant 128 : i32
      %parallel_loop3A_533 = arith.addi %parallel_loop3A_532, %parallel_loop3A_531 : i32
      %parallel_loop3A_534 = arith.constant 1 : i32
      %parallel_loop3A_535 = arith.addi %parallel_loop3A_533, %parallel_loop3A_534 : i32
      %parallel_loop3A_536 = arith.index_cast %parallel_loop3A_535 : i32 to index
      %parallel_loop3A_537 = arith.constant 0 : index
      %parallel_loop3A_538 = tpu.vector_load %arg10[%parallel_loop3A_536, %parallel_loop3A_537] {strides = array<i32>} : memref<512x128xf32, #tpu.memory_space<vmem>>, vector<16xf32>,
      %parallel_loop3A_539 = tpu.pack_subelements %parallel_loop3A_529, %parallel_loop3A_538 {pack_format = #tpu.pack_format<interleaved>, positions = array<i32: 0, 1>} : vector<16xf32>, vector<16xf32> -> vector<32xbf16>
      %parallel_loop3A_540 = vector.bitcast %parallel_loop3A_539 : vector<32xbf16> to vector<16xi32>
      %parallel_loop3A_541 = arith.constant 64 : i32
      %parallel_loop3A_542 = arith.addi %parallel_loop3A_541, %parallel_loop3A_522 : i32
      %parallel_loop3A_543 = arith.index_cast %parallel_loop3A_542 : i32 to index
      %parallel_loop3A_544 = arith.constant 0 : index
      %parallel_loop3A_545 = tpu.vector_load %arg11[%parallel_loop3A_543, %parallel_loop3A_544] {strides = array<i32>} : memref<128x128xi32, #tpu.memory_space<vmem>>, vector<16xi32>,
      tpu.vector_store %arg11[%parallel_loop3A_543, %parallel_loop3A_544], %parallel_loop3A_540 {strides = array<i32>} : memref<128x128xi32, #tpu.memory_space<vmem>>, vector<16xi32>,
      %parallel_loop3A_546 = arith.constant 2 : i32
      %parallel_loop3A_547 = arith.muli %parallel_loop3A_546, %parallel_loop3A_522 : i32
      %parallel_loop3A_548 = arith.constant 128 : i32
      %parallel_loop3A_549 = arith.addi %parallel_loop3A_548, %parallel_loop3A_547 : i32
      %parallel_loop3A_550 = arith.index_cast %parallel_loop3A_549 : i32 to index
      %parallel_loop3A_551 = arith.constant 16 : index
      %parallel_loop3A_552 = tpu.vector_load %arg10[%parallel_loop3A_550, %parallel_loop3A_551] {strides = array<i32>} : memref<512x128xf32, #tpu.memory_space<vmem>>, vector<16xf32>,
      %parallel_loop3A_553 = arith.constant 2 : i32
      %parallel_loop3A_554 = arith.muli %parallel_loop3A_553, %parallel_loop3A_522 : i32
      %parallel_loop3A_555 = arith.constant 128 : i32
      %parallel_loop3A_556 = arith.addi %parallel_loop3A_555, %parallel_loop3A_554 : i32
      %parallel_loop3A_557 = arith.constant 1 : i32
      %parallel_loop3A_558 = arith.addi %parallel_loop3A_556, %parallel_loop3A_557 : i32
      %parallel_loop3A_559 = arith.index_cast %parallel_loop3A_558 : i32 to index
      %parallel_loop3A_560 = arith.constant 16 : index
      %parallel_loop3A_561 = tpu.vector_load %arg10[%parallel_loop3A_559, %parallel_loop3A_560] {strides = array<i32>} : memref<512x128xf32, #tpu.memory_space<vmem>>, vector<16xf32>,
      %parallel_loop3A_562 = tpu.pack_subelements %parallel_loop3A_552, %parallel_loop3A_561 {pack_format = #tpu.pack_format<interleaved>, positions = array<i32: 0, 1>} : vector<16xf32>, vector<16xf32> -> vector<32xbf16>
      %parallel_loop3A_563 = vector.bitcast %parallel_loop3A_562 : vector<32xbf16> to vector<16xi32>
      %parallel_loop3A_564 = arith.constant 64 : i32
      %parallel_loop3A_565 = arith.addi %parallel_loop3A_564, %parallel_loop3A_522 : i32
      %parallel_loop3A_566 = arith.index_cast %parallel_loop3A_565 : i32 to index
      %parallel_loop3A_567 = arith.constant 16 : index
      %parallel_loop3A_568 = tpu.vector_load %arg11[%parallel_loop3A_566, %parallel_loop3A_567] {strides = array<i32>} : memref<128x128xi32, #tpu.memory_space<vmem>>, vector<16xi32>,
      tpu.vector_store %arg11[%parallel_loop3A_566, %parallel_loop3A_567], %parallel_loop3A_563 {strides = array<i32>} : memref<128x128xi32, #tpu.memory_space<vmem>>, vector<16xi32>,
      %parallel_loop3A_569 = arith.constant 2 : i32
      %parallel_loop3A_570 = arith.muli %parallel_loop3A_569, %parallel_loop3A_522 : i32
      %parallel_loop3A_571 = arith.constant 128 : i32
      %parallel_loop3A_572 = arith.addi %parallel_loop3A_571, %parallel_loop3A_570 : i32
      %parallel_loop3A_573 = arith.index_cast %parallel_loop3A_572 : i32 to index
      %parallel_loop3A_574 = arith.constant 32 : index
      %parallel_loop3A_575 = tpu.vector_load %arg10[%parallel_loop3A_573, %parallel_loop3A_574] {strides = array<i32>} : memref<512x128xf32, #tpu.memory_space<vmem>>, vector<16xf32>,
      %parallel_loop3A_576 = arith.constant 2 : i32
      %parallel_loop3A_577 = arith.muli %parallel_loop3A_576, %parallel_loop3A_522 : i32
      %parallel_loop3A_578 = arith.constant 128 : i32
      %parallel_loop3A_579 = arith.addi %parallel_loop3A_578, %parallel_loop3A_577 : i32
      %parallel_loop3A_580 = arith.constant 1 : i32
      %parallel_loop3A_581 = arith.addi %parallel_loop3A_579, %parallel_loop3A_580 : i32
      %parallel_loop3A_582 = arith.index_cast %parallel_loop3A_581 : i32 to index
      %parallel_loop3A_583 = arith.constant 32 : index
      %parallel_loop3A_584 = tpu.vector_load %arg10[%parallel_loop3A_582, %parallel_loop3A_583] {strides = array<i32>} : memref<512x128xf32, #tpu.memory_space<vmem>>, vector<16xf32>,
      %parallel_loop3A_585 = tpu.pack_subelements %parallel_loop3A_575, %parallel_loop3A_584 {pack_format = #tpu.pack_format<interleaved>, positions = array<i32: 0, 1>} : vector<16xf32>, vector<16xf32> -> vector<32xbf16>
      %parallel_loop3A_586 = vector.bitcast %parallel_loop3A_585 : vector<32xbf16> to vector<16xi32>
      %parallel_loop3A_587 = arith.constant 64 : i32
      %parallel_loop3A_588 = arith.addi %parallel_loop3A_587, %parallel_loop3A_522 : i32
      %parallel_loop3A_589 = arith.index_cast %parallel_loop3A_588 : i32 to index
      %parallel_loop3A_590 = arith.constant 32 : index
      %parallel_loop3A_591 = tpu.vector_load %arg11[%parallel_loop3A_589, %parallel_loop3A_590] {strides = array<i32>} : memref<128x128xi32, #tpu.memory_space<vmem>>, vector<16xi32>,
      tpu.vector_store %arg11[%parallel_loop3A_589, %parallel_loop3A_590], %parallel_loop3A_586 {strides = array<i32>} : memref<128x128xi32, #tpu.memory_space<vmem>>, vector<16xi32>,
      %parallel_loop3A_592 = arith.constant 2 : i32
      %parallel_loop3A_593 = arith.muli %parallel_loop3A_592, %parallel_loop3A_522 : i32
      %parallel_loop3A_594 = arith.constant 128 : i32
      %parallel_loop3A_595 = arith.addi %parallel_loop3A_594, %parallel_loop3A_593 : i32
      %parallel_loop3A_596 = arith.index_cast %parallel_loop3A_595 : i32 to index
      %parallel_loop3A_597 = arith.constant 48 : index
      %parallel_loop3A_598 = tpu.vector_load %arg10[%parallel_loop3A_596, %parallel_loop3A_597] {strides = array<i32>} : memref<512x128xf32, #tpu.memory_space<vmem>>, vector<16xf32>,
      %parallel_loop3A_599 = arith.constant 2 : i32
      %parallel_loop3A_600 = arith.muli %parallel_loop3A_599, %parallel_loop3A_522 : i32
      %parallel_loop3A_601 = arith.constant 128 : i32
      %parallel_loop3A_602 = arith.addi %parallel_loop3A_601, %parallel_loop3A_600 : i32
      %parallel_loop3A_603 = arith.constant 1 : i32
      %parallel_loop3A_604 = arith.addi %parallel_loop3A_602, %parallel_loop3A_603 : i32
      %parallel_loop3A_605 = arith.index_cast %parallel_loop3A_604 : i32 to index
      %parallel_loop3A_606 = arith.constant 48 : index
      %parallel_loop3A_607 = tpu.vector_load %arg10[%parallel_loop3A_605, %parallel_loop3A_606] {strides = array<i32>} : memref<512x128xf32, #tpu.memory_space<vmem>>, vector<16xf32>,
      %parallel_loop3A_608 = tpu.pack_subelements %parallel_loop3A_598, %parallel_loop3A_607 {pack_format = #tpu.pack_format<interleaved>, positions = array<i32: 0, 1>} : vector<16xf32>, vector<16xf32> -> vector<32xbf16>
      %parallel_loop3A_609 = vector.bitcast %parallel_loop3A_608 : vector<32xbf16> to vector<16xi32>
      %parallel_loop3A_610 = arith.constant 64 : i32
      %parallel_loop3A_611 = arith.addi %parallel_loop3A_610, %parallel_loop3A_522 : i32
      %parallel_loop3A_612 = arith.index_cast %parallel_loop3A_611 : i32 to index
      %parallel_loop3A_613 = arith.constant 48 : index
      %parallel_loop3A_614 = tpu.vector_load %arg11[%parallel_loop3A_612, %parallel_loop3A_613] {strides = array<i32>} : memref<128x128xi32, #tpu.memory_space<vmem>>, vector<16xi32>,
      tpu.vector_store %arg11[%parallel_loop3A_612, %parallel_loop3A_613], %parallel_loop3A_609 {strides = array<i32>} : memref<128x128xi32, #tpu.memory_space<vmem>>, vector<16xi32>,
      %parallel_loop3A_615 = arith.constant 2 : i32
      %parallel_loop3A_616 = arith.muli %parallel_loop3A_615, %parallel_loop3A_522 : i32
      %parallel_loop3A_617 = arith.constant 128 : i32
      %parallel_loop3A_618 = arith.addi %parallel_loop3A_617, %parallel_loop3A_616 : i32
      %parallel_loop3A_619 = arith.index_cast %parallel_loop3A_618 : i32 to index
      %parallel_loop3A_620 = arith.constant 64 : index
      %parallel_loop3A_621 = tpu.vector_load %arg10[%parallel_loop3A_619, %parallel_loop3A_620] {strides = array<i32>} : memref<512x128xf32, #tpu.memory_space<vmem>>, vector<16xf32>,
      %parallel_loop3A_622 = arith.constant 2 : i32
      %parallel_loop3A_623 = arith.muli %parallel_loop3A_622, %parallel_loop3A_522 : i32
      %parallel_loop3A_624 = arith.constant 128 : i32
      %parallel_loop3A_625 = arith.addi %parallel_loop3A_624, %parallel_loop3A_623 : i32
      %parallel_loop3A_626 = arith.constant 1 : i32
      %parallel_loop3A_627 = arith.addi %parallel_loop3A_625, %parallel_loop3A_626 : i32
      %parallel_loop3A_628 = arith.index_cast %parallel_loop3A_627 : i32 to index
      %parallel_loop3A_629 = arith.constant 64 : index
      %parallel_loop3A_630 = tpu.vector_load %arg10[%parallel_loop3A_628, %parallel_loop3A_629] {strides = array<i32>} : memref<512x128xf32, #tpu.memory_space<vmem>>, vector<16xf32>,
      %parallel_loop3A_631 = tpu.pack_subelements %parallel_loop3A_621, %parallel_loop3A_630 {pack_format = #tpu.pack_format<interleaved>, positions = array<i32: 0, 1>} : vector<16xf32>, vector<16xf32> -> vector<32xbf16>
      %parallel_loop3A_632 = vector.bitcast %parallel_loop3A_631 : vector<32xbf16> to vector<16xi32>
      %parallel_loop3A_633 = arith.constant 64 : i32
      %parallel_loop3A_634 = arith.addi %parallel_loop3A_633, %parallel_loop3A_522 : i32
      %parallel_loop3A_635 = arith.index_cast %parallel_loop3A_634 : i32 to index
      %parallel_loop3A_636 = arith.constant 64 : index
      %parallel_loop3A_637 = tpu.vector_load %arg11[%parallel_loop3A_635, %parallel_loop3A_636] {strides = array<i32>} : memref<128x128xi32, #tpu.memory_space<vmem>>, vector<16xi32>,
      tpu.vector_store %arg11[%parallel_loop3A_635, %parallel_loop3A_636], %parallel_loop3A_632 {strides = array<i32>} : memref<128x128xi32, #tpu.memory_space<vmem>>, vector<16xi32>,
      %parallel_loop3A_638 = arith.constant 2 : i32
      %parallel_loop3A_639 = arith.muli %parallel_loop3A_638, %parallel_loop3A_522 : i32
      %parallel_loop3A_640 = arith.constant 128 : i32
      %parallel_loop3A_641 = arith.addi %parallel_loop3A_640, %parallel_loop3A_639 : i32
      %parallel_loop3A_642 = arith.index_cast %parallel_loop3A_641 : i32 to index
      %parallel_loop3A_643 = arith.constant 80 : index
      %parallel_loop3A_644 = tpu.vector_load %arg10[%parallel_loop3A_642, %parallel_loop3A_643] {strides = array<i32>} : memref<512x128xf32, #tpu.memory_space<vmem>>, vector<16xf32>,
      %parallel_loop3A_645 = arith.constant 2 : i32
      %parallel_loop3A_646 = arith.muli %parallel_loop3A_645, %parallel_loop3A_522 : i32
      %parallel_loop3A_647 = arith.constant 128 : i32
      %parallel_loop3A_648 = arith.addi %parallel_loop3A_647, %parallel_loop3A_646 : i32
      %parallel_loop3A_649 = arith.constant 1 : i32
      %parallel_loop3A_650 = arith.addi %parallel_loop3A_648, %parallel_loop3A_649 : i32
      %parallel_loop3A_651 = arith.index_cast %parallel_loop3A_650 : i32 to index
      %parallel_loop3A_652 = arith.constant 80 : index
      %parallel_loop3A_653 = tpu.vector_load %arg10[%parallel_loop3A_651, %parallel_loop3A_652] {strides = array<i32>} : memref<512x128xf32, #tpu.memory_space<vmem>>, vector<16xf32>,
      %parallel_loop3A_654 = tpu.pack_subelements %parallel_loop3A_644, %parallel_loop3A_653 {pack_format = #tpu.pack_format<interleaved>, positions = array<i32: 0, 1>} : vector<16xf32>, vector<16xf32> -> vector<32xbf16>
      %parallel_loop3A_655 = vector.bitcast %parallel_loop3A_654 : vector<32xbf16> to vector<16xi32>
      %parallel_loop3A_656 = arith.constant 64 : i32
      %parallel_loop3A_657 = arith.addi %parallel_loop3A_656, %parallel_loop3A_522 : i32
      %parallel_loop3A_658 = arith.index_cast %parallel_loop3A_657 : i32 to index
      %parallel_loop3A_659 = arith.constant 80 : index
      %parallel_loop3A_660 = tpu.vector_load %arg11[%parallel_loop3A_658, %parallel_loop3A_659] {strides = array<i32>} : memref<128x128xi32, #tpu.memory_space<vmem>>, vector<16xi32>,
      tpu.vector_store %arg11[%parallel_loop3A_658, %parallel_loop3A_659], %parallel_loop3A_655 {strides = array<i32>} : memref<128x128xi32, #tpu.memory_space<vmem>>, vector<16xi32>,
      %parallel_loop3A_661 = arith.constant 2 : i32
      %parallel_loop3A_662 = arith.muli %parallel_loop3A_661, %parallel_loop3A_522 : i32
      %parallel_loop3A_663 = arith.constant 128 : i32
      %parallel_loop3A_664 = arith.addi %parallel_loop3A_663, %parallel_loop3A_662 : i32
      %parallel_loop3A_665 = arith.index_cast %parallel_loop3A_664 : i32 to index
      %parallel_loop3A_666 = arith.constant 96 : index
      %parallel_loop3A_667 = tpu.vector_load %arg10[%parallel_loop3A_665, %parallel_loop3A_666] {strides = array<i32>} : memref<512x128xf32, #tpu.memory_space<vmem>>, vector<16xf32>,
      %parallel_loop3A_668 = arith.constant 2 : i32
      %parallel_loop3A_669 = arith.muli %parallel_loop3A_668, %parallel_loop3A_522 : i32
      %parallel_loop3A_670 = arith.constant 128 : i32
      %parallel_loop3A_671 = arith.addi %parallel_loop3A_670, %parallel_loop3A_669 : i32
      %parallel_loop3A_672 = arith.constant 1 : i32
      %parallel_loop3A_673 = arith.addi %parallel_loop3A_671, %parallel_loop3A_672 : i32
      %parallel_loop3A_674 = arith.index_cast %parallel_loop3A_673 : i32 to index
      %parallel_loop3A_675 = arith.constant 96 : index
      %parallel_loop3A_676 = tpu.vector_load %arg10[%parallel_loop3A_674, %parallel_loop3A_675] {strides = array<i32>} : memref<512x128xf32, #tpu.memory_space<vmem>>, vector<16xf32>,
      %parallel_loop3A_677 = tpu.pack_subelements %parallel_loop3A_667, %parallel_loop3A_676 {pack_format = #tpu.pack_format<interleaved>, positions = array<i32: 0, 1>} : vector<16xf32>, vector<16xf32> -> vector<32xbf16>
      %parallel_loop3A_678 = vector.bitcast %parallel_loop3A_677 : vector<32xbf16> to vector<16xi32>
      %parallel_loop3A_679 = arith.constant 64 : i32
      %parallel_loop3A_680 = arith.addi %parallel_loop3A_679, %parallel_loop3A_522 : i32
      %parallel_loop3A_681 = arith.index_cast %parallel_loop3A_680 : i32 to index
      %parallel_loop3A_682 = arith.constant 96 : index
      %parallel_loop3A_683 = tpu.vector_load %arg11[%parallel_loop3A_681, %parallel_loop3A_682] {strides = array<i32>} : memref<128x128xi32, #tpu.memory_space<vmem>>, vector<16xi32>,
      tpu.vector_store %arg11[%parallel_loop3A_681, %parallel_loop3A_682], %parallel_loop3A_678 {strides = array<i32>} : memref<128x128xi32, #tpu.memory_space<vmem>>, vector<16xi32>,
      %parallel_loop3A_684 = arith.constant 2 : i32
      %parallel_loop3A_685 = arith.muli %parallel_loop3A_684, %parallel_loop3A_522 : i32
      %parallel_loop3A_686 = arith.constant 128 : i32
      %parallel_loop3A_687 = arith.addi %parallel_loop3A_686, %parallel_loop3A_685 : i32
      %parallel_loop3A_688 = arith.index_cast %parallel_loop3A_687 : i32 to index
      %parallel_loop3A_689 = arith.constant 112 : index
      %parallel_loop3A_690 = tpu.vector_load %arg10[%parallel_loop3A_688, %parallel_loop3A_689] {strides = array<i32>} : memref<512x128xf32, #tpu.memory_space<vmem>>, vector<16xf32>,
      %parallel_loop3A_691 = arith.constant 2 : i32
      %parallel_loop3A_692 = arith.muli %parallel_loop3A_691, %parallel_loop3A_522 : i32
      %parallel_loop3A_693 = arith.constant 128 : i32
      %parallel_loop3A_694 = arith.addi %parallel_loop3A_693, %parallel_loop3A_692 : i32
      %parallel_loop3A_695 = arith.constant 1 : i32
      %parallel_loop3A_696 = arith.addi %parallel_loop3A_694, %parallel_loop3A_695 : i32
      %parallel_loop3A_697 = arith.index_cast %parallel_loop3A_696 : i32 to index
      %parallel_loop3A_698 = arith.constant 112 : index
      %parallel_loop3A_699 = tpu.vector_load %arg10[%parallel_loop3A_697, %parallel_loop3A_698] {strides = array<i32>} : memref<512x128xf32, #tpu.memory_space<vmem>>, vector<16xf32>,
      %parallel_loop3A_700 = tpu.pack_subelements %parallel_loop3A_690, %parallel_loop3A_699 {pack_format = #tpu.pack_format<interleaved>, positions = array<i32: 0, 1>} : vector<16xf32>, vector<16xf32> -> vector<32xbf16>
      %parallel_loop3A_701 = vector.bitcast %parallel_loop3A_700 : vector<32xbf16> to vector<16xi32>
      %parallel_loop3A_702 = arith.constant 64 : i32
      %parallel_loop3A_703 = arith.addi %parallel_loop3A_702, %parallel_loop3A_522 : i32
      %parallel_loop3A_704 = arith.index_cast %parallel_loop3A_703 : i32 to index
      %parallel_loop3A_705 = arith.constant 112 : index
      %parallel_loop3A_706 = tpu.vector_load %arg11[%parallel_loop3A_704, %parallel_loop3A_705] {strides = array<i32>} : memref<128x128xi32, #tpu.memory_space<vmem>>, vector<16xi32>,
      tpu.vector_store %arg11[%parallel_loop3A_704, %parallel_loop3A_705], %parallel_loop3A_701 {strides = array<i32>} : memref<128x128xi32, #tpu.memory_space<vmem>>, vector<16xi32>,
    } {sc.loop_unroll_factor = 4 : i64, sc.parallel_access}
    %add3A_420 = arith.constant 64 : i32
    %add3A_421 = arith.addi %mul3A_4, %add3A_420 : i32
    %dma_start3A_422 = arith.constant 64 : i32
    %dma_start3A_423 = arith.constant 0 : i32
    %dma_start3A_424 = tpu.memref_slice %arg11[%dma_start3A_422, %dma_start3A_423] : memref<128x128xi32, #tpu.memory_space<vmem>> -> memref<64x128xi32, #tpu.memory_space<vmem>>
    %dma_start3A_425 = arith.constant 0 : i32
    %dma_start3A_426 = tpu.memref_slice %arg7[%add3A_421, %dma_start3A_425] : memref<8192x128xi32, #tpu.memory_space<hbm>> -> memref<64x128xi32, #tpu.memory_space<hbm>>
    %dma_start3A_427 = arith.constant 0 : i32
    %dma_start3A_428 = tpu.memref_slice %arg7[%add3A_421, %dma_start3A_427] : memref<8192x128xi32, #tpu.memory_space<hbm>> -> memref<64x128xi32, #tpu.memory_space<hbm>>
    %dma_start3A_429 = arith.constant 64 : i32
    %dma_start3A_430 = arith.constant 0 : i32
    %dma_start3A_431 = tpu.memref_slice %arg11[%dma_start3A_429, %dma_start3A_430] : memref<128x128xi32, #tpu.memory_space<vmem>> -> memref<64x128xi32, #tpu.memory_space<vmem>>
    tpu.enqueue_dma source(%dma_start3A_431 : memref<64x128xi32, #tpu.memory_space<vmem>>) target(%dma_start3A_428 : memref<64x128xi32, #tpu.memory_space<hbm>>) target_semaphore(%arg15 : memref<!tpu.dma_semaphore, #tpu.memory_space<semaphore_mem>>)
    %dma_wait3A_432 = arith.constant 2 : i32
    %dma_wait3A_433 = arith.constant 256 : i32
    %dma_wait3A_434 = arith.constant 0 : i32
    %dma_wait3A_435 = tpu.memref_slice %arg10[%dma_wait3A_433, %dma_wait3A_434] : memref<512x128xf32, #tpu.memory_space<vmem>> -> memref<128x128xf32, #tpu.memory_space<vmem>>
    %dma_wait3A_436 = arith.constant 0 : i32
    %dma_wait3A_437 = tpu.memref_slice %arg9[%dma_wait3A_432, %dma_wait3A_436] : memref<4x128xi32, #tpu.memory_space<vmem>> -> memref<1x128xi32, #tpu.memory_space<vmem>>
    %dma_wait3A_438 = tpu.memref_squeeze %dma_wait3A_437 : memref<1x128xi32, #tpu.memory_space<vmem>> -> memref<128xi32, #tpu.memory_space<vmem>>
    %dma_wait3A_439 = arith.constant 0 : i32
    %dma_wait3A_440 = arith.constant 0 : i32
    %dma_wait3A_441 = tpu.memref_slice %arg5[%dma_wait3A_439, %dma_wait3A_440] : memref<100000x128xf32, #tpu.memory_space<hbm>> -> memref<100000x128xf32, #tpu.memory_space<hbm>>
    tpu.wait_indirect_dma semaphore(%arg13 : memref<!tpu.dma_semaphore, #tpu.memory_space<semaphore_mem>>) src(%dma_wait3A_441 : memref<100000x128xf32, #tpu.memory_space<hbm>>) dst(%dma_wait3A_435 : memref<128x128xf32, #tpu.memory_space<vmem>>)
    %dma_wait3A_442 = arith.constant 0 : i32
    %dma_wait3A_443 = arith.constant 0 : i32
    %dma_wait3A_444 = tpu.memref_slice %arg11[%dma_wait3A_442, %dma_wait3A_443] : memref<128x128xi32, #tpu.memory_space<vmem>> -> memref<64x128xi32, #tpu.memory_space<vmem>>
    %dma_wait3A_445 = arith.constant 0 : i32
    %dma_wait3A_446 = tpu.memref_slice %arg7[%add3A_386, %dma_wait3A_445] : memref<8192x128xi32, #tpu.memory_space<hbm>> -> memref<64x128xi32, #tpu.memory_space<hbm>>
    %dma_wait3A_447 = arith.constant 0 : i32
    %dma_wait3A_448 = tpu.memref_slice %arg7[%add3A_386, %dma_wait3A_447] : memref<8192x128xi32, #tpu.memory_space<hbm>> -> memref<64x128xi32, #tpu.memory_space<hbm>>
    %dma_wait3A_449 = arith.constant 0 : i32
    %dma_wait3A_450 = arith.constant 0 : i32
    %dma_wait3A_451 = tpu.memref_slice %arg11[%dma_wait3A_449, %dma_wait3A_450] : memref<128x128xi32, #tpu.memory_space<vmem>> -> memref<64x128xi32, #tpu.memory_space<vmem>>
    tpu.wait_dma2 semaphore(%arg14 : memref<!tpu.dma_semaphore, #tpu.memory_space<semaphore_mem>>) src(%dma_wait3A_451 : memref<64x128xi32, #tpu.memory_space<vmem>>) dst(%dma_wait3A_448 : memref<64x128xi32, #tpu.memory_space<hbm>>)
    %parallel_loop3A_452 = arith.constant 0 : i32
    %parallel_loop3A_453 = arith.constant 64 : i32
    %parallel_loop3A_454 = arith.constant 1 : i32
    scf.for %parallel_loop3A_522 = %parallel_loop3A_452 to %parallel_loop3A_453 step %parallel_loop3A_454  : i32 {
      %parallel_loop3A_523 = arith.constant 2 : i32
      %parallel_loop3A_524 = arith.muli %parallel_loop3A_523, %parallel_loop3A_522 : i32
      %parallel_loop3A_525 = arith.constant 256 : i32
      %parallel_loop3A_526 = arith.addi %parallel_loop3A_525, %parallel_loop3A_524 : i32
      %parallel_loop3A_527 = arith.index_cast %parallel_loop3A_526 : i32 to index
      %parallel_loop3A_528 = arith.constant 0 : index
      %parallel_loop3A_529 = tpu.vector_load %arg10[%parallel_loop3A_527, %parallel_loop3A_528] {strides = array<i32>} : memref<512x128xf32, #tpu.memory_space<vmem>>, vector<16xf32>,
      %parallel_loop3A_530 = arith.constant 2 : i32
      %parallel_loop3A_531 = arith.muli %parallel_loop3A_530, %parallel_loop3A_522 : i32
      %parallel_loop3A_532 = arith.constant 256 : i32
      %parallel_loop3A_533 = arith.addi %parallel_loop3A_532, %parallel_loop3A_531 : i32
      %parallel_loop3A_534 = arith.constant 1 : i32
      %parallel_loop3A_535 = arith.addi %parallel_loop3A_533, %parallel_loop3A_534 : i32
      %parallel_loop3A_536 = arith.index_cast %parallel_loop3A_535 : i32 to index
      %parallel_loop3A_537 = arith.constant 0 : index
      %parallel_loop3A_538 = tpu.vector_load %arg10[%parallel_loop3A_536, %parallel_loop3A_537] {strides = array<i32>} : memref<512x128xf32, #tpu.memory_space<vmem>>, vector<16xf32>,
      %parallel_loop3A_539 = tpu.pack_subelements %parallel_loop3A_529, %parallel_loop3A_538 {pack_format = #tpu.pack_format<interleaved>, positions = array<i32: 0, 1>} : vector<16xf32>, vector<16xf32> -> vector<32xbf16>
      %parallel_loop3A_540 = vector.bitcast %parallel_loop3A_539 : vector<32xbf16> to vector<16xi32>
      %parallel_loop3A_541 = arith.constant 0 : i32
      %parallel_loop3A_542 = arith.addi %parallel_loop3A_541, %parallel_loop3A_522 : i32
      %parallel_loop3A_543 = arith.index_cast %parallel_loop3A_542 : i32 to index
      %parallel_loop3A_544 = arith.constant 0 : index
      %parallel_loop3A_545 = tpu.vector_load %arg11[%parallel_loop3A_543, %parallel_loop3A_544] {strides = array<i32>} : memref<128x128xi32, #tpu.memory_space<vmem>>, vector<16xi32>,
      tpu.vector_store %arg11[%parallel_loop3A_543, %parallel_loop3A_544], %parallel_loop3A_540 {strides = array<i32>} : memref<128x128xi32, #tpu.memory_space<vmem>>, vector<16xi32>,
      %parallel_loop3A_546 = arith.constant 2 : i32
      %parallel_loop3A_547 = arith.muli %parallel_loop3A_546, %parallel_loop3A_522 : i32
      %parallel_loop3A_548 = arith.constant 256 : i32
      %parallel_loop3A_549 = arith.addi %parallel_loop3A_548, %parallel_loop3A_547 : i32
      %parallel_loop3A_550 = arith.index_cast %parallel_loop3A_549 : i32 to index
      %parallel_loop3A_551 = arith.constant 16 : index
      %parallel_loop3A_552 = tpu.vector_load %arg10[%parallel_loop3A_550, %parallel_loop3A_551] {strides = array<i32>} : memref<512x128xf32, #tpu.memory_space<vmem>>, vector<16xf32>,
      %parallel_loop3A_553 = arith.constant 2 : i32
      %parallel_loop3A_554 = arith.muli %parallel_loop3A_553, %parallel_loop3A_522 : i32
      %parallel_loop3A_555 = arith.constant 256 : i32
      %parallel_loop3A_556 = arith.addi %parallel_loop3A_555, %parallel_loop3A_554 : i32
      %parallel_loop3A_557 = arith.constant 1 : i32
      %parallel_loop3A_558 = arith.addi %parallel_loop3A_556, %parallel_loop3A_557 : i32
      %parallel_loop3A_559 = arith.index_cast %parallel_loop3A_558 : i32 to index
      %parallel_loop3A_560 = arith.constant 16 : index
      %parallel_loop3A_561 = tpu.vector_load %arg10[%parallel_loop3A_559, %parallel_loop3A_560] {strides = array<i32>} : memref<512x128xf32, #tpu.memory_space<vmem>>, vector<16xf32>,
      %parallel_loop3A_562 = tpu.pack_subelements %parallel_loop3A_552, %parallel_loop3A_561 {pack_format = #tpu.pack_format<interleaved>, positions = array<i32: 0, 1>} : vector<16xf32>, vector<16xf32> -> vector<32xbf16>
      %parallel_loop3A_563 = vector.bitcast %parallel_loop3A_562 : vector<32xbf16> to vector<16xi32>
      %parallel_loop3A_564 = arith.constant 0 : i32
      %parallel_loop3A_565 = arith.addi %parallel_loop3A_564, %parallel_loop3A_522 : i32
      %parallel_loop3A_566 = arith.index_cast %parallel_loop3A_565 : i32 to index
      %parallel_loop3A_567 = arith.constant 16 : index
      %parallel_loop3A_568 = tpu.vector_load %arg11[%parallel_loop3A_566, %parallel_loop3A_567] {strides = array<i32>} : memref<128x128xi32, #tpu.memory_space<vmem>>, vector<16xi32>,
      tpu.vector_store %arg11[%parallel_loop3A_566, %parallel_loop3A_567], %parallel_loop3A_563 {strides = array<i32>} : memref<128x128xi32, #tpu.memory_space<vmem>>, vector<16xi32>,
      %parallel_loop3A_569 = arith.constant 2 : i32
      %parallel_loop3A_570 = arith.muli %parallel_loop3A_569, %parallel_loop3A_522 : i32
      %parallel_loop3A_571 = arith.constant 256 : i32
      %parallel_loop3A_572 = arith.addi %parallel_loop3A_571, %parallel_loop3A_570 : i32
      %parallel_loop3A_573 = arith.index_cast %parallel_loop3A_572 : i32 to index
      %parallel_loop3A_574 = arith.constant 32 : index
      %parallel_loop3A_575 = tpu.vector_load %arg10[%parallel_loop3A_573, %parallel_loop3A_574] {strides = array<i32>} : memref<512x128xf32, #tpu.memory_space<vmem>>, vector<16xf32>,
      %parallel_loop3A_576 = arith.constant 2 : i32
      %parallel_loop3A_577 = arith.muli %parallel_loop3A_576, %parallel_loop3A_522 : i32
      %parallel_loop3A_578 = arith.constant 256 : i32
      %parallel_loop3A_579 = arith.addi %parallel_loop3A_578, %parallel_loop3A_577 : i32
      %parallel_loop3A_580 = arith.constant 1 : i32
      %parallel_loop3A_581 = arith.addi %parallel_loop3A_579, %parallel_loop3A_580 : i32
      %parallel_loop3A_582 = arith.index_cast %parallel_loop3A_581 : i32 to index
      %parallel_loop3A_583 = arith.constant 32 : index
      %parallel_loop3A_584 = tpu.vector_load %arg10[%parallel_loop3A_582, %parallel_loop3A_583] {strides = array<i32>} : memref<512x128xf32, #tpu.memory_space<vmem>>, vector<16xf32>,
      %parallel_loop3A_585 = tpu.pack_subelements %parallel_loop3A_575, %parallel_loop3A_584 {pack_format = #tpu.pack_format<interleaved>, positions = array<i32: 0, 1>} : vector<16xf32>, vector<16xf32> -> vector<32xbf16>
      %parallel_loop3A_586 = vector.bitcast %parallel_loop3A_585 : vector<32xbf16> to vector<16xi32>
      %parallel_loop3A_587 = arith.constant 0 : i32
      %parallel_loop3A_588 = arith.addi %parallel_loop3A_587, %parallel_loop3A_522 : i32
      %parallel_loop3A_589 = arith.index_cast %parallel_loop3A_588 : i32 to index
      %parallel_loop3A_590 = arith.constant 32 : index
      %parallel_loop3A_591 = tpu.vector_load %arg11[%parallel_loop3A_589, %parallel_loop3A_590] {strides = array<i32>} : memref<128x128xi32, #tpu.memory_space<vmem>>, vector<16xi32>,
      tpu.vector_store %arg11[%parallel_loop3A_589, %parallel_loop3A_590], %parallel_loop3A_586 {strides = array<i32>} : memref<128x128xi32, #tpu.memory_space<vmem>>, vector<16xi32>,
      %parallel_loop3A_592 = arith.constant 2 : i32
      %parallel_loop3A_593 = arith.muli %parallel_loop3A_592, %parallel_loop3A_522 : i32
      %parallel_loop3A_594 = arith.constant 256 : i32
      %parallel_loop3A_595 = arith.addi %parallel_loop3A_594, %parallel_loop3A_593 : i32
      %parallel_loop3A_596 = arith.index_cast %parallel_loop3A_595 : i32 to index
      %parallel_loop3A_597 = arith.constant 48 : index
      %parallel_loop3A_598 = tpu.vector_load %arg10[%parallel_loop3A_596, %parallel_loop3A_597] {strides = array<i32>} : memref<512x128xf32, #tpu.memory_space<vmem>>, vector<16xf32>,
      %parallel_loop3A_599 = arith.constant 2 : i32
      %parallel_loop3A_600 = arith.muli %parallel_loop3A_599, %parallel_loop3A_522 : i32
      %parallel_loop3A_601 = arith.constant 256 : i32
      %parallel_loop3A_602 = arith.addi %parallel_loop3A_601, %parallel_loop3A_600 : i32
      %parallel_loop3A_603 = arith.constant 1 : i32
      %parallel_loop3A_604 = arith.addi %parallel_loop3A_602, %parallel_loop3A_603 : i32
      %parallel_loop3A_605 = arith.index_cast %parallel_loop3A_604 : i32 to index
      %parallel_loop3A_606 = arith.constant 48 : index
      %parallel_loop3A_607 = tpu.vector_load %arg10[%parallel_loop3A_605, %parallel_loop3A_606] {strides = array<i32>} : memref<512x128xf32, #tpu.memory_space<vmem>>, vector<16xf32>,
      %parallel_loop3A_608 = tpu.pack_subelements %parallel_loop3A_598, %parallel_loop3A_607 {pack_format = #tpu.pack_format<interleaved>, positions = array<i32: 0, 1>} : vector<16xf32>, vector<16xf32> -> vector<32xbf16>
      %parallel_loop3A_609 = vector.bitcast %parallel_loop3A_608 : vector<32xbf16> to vector<16xi32>
      %parallel_loop3A_610 = arith.constant 0 : i32
      %parallel_loop3A_611 = arith.addi %parallel_loop3A_610, %parallel_loop3A_522 : i32
      %parallel_loop3A_612 = arith.index_cast %parallel_loop3A_611 : i32 to index
      %parallel_loop3A_613 = arith.constant 48 : index
      %parallel_loop3A_614 = tpu.vector_load %arg11[%parallel_loop3A_612, %parallel_loop3A_613] {strides = array<i32>} : memref<128x128xi32, #tpu.memory_space<vmem>>, vector<16xi32>,
      tpu.vector_store %arg11[%parallel_loop3A_612, %parallel_loop3A_613], %parallel_loop3A_609 {strides = array<i32>} : memref<128x128xi32, #tpu.memory_space<vmem>>, vector<16xi32>,
      %parallel_loop3A_615 = arith.constant 2 : i32
      %parallel_loop3A_616 = arith.muli %parallel_loop3A_615, %parallel_loop3A_522 : i32
      %parallel_loop3A_617 = arith.constant 256 : i32
      %parallel_loop3A_618 = arith.addi %parallel_loop3A_617, %parallel_loop3A_616 : i32
      %parallel_loop3A_619 = arith.index_cast %parallel_loop3A_618 : i32 to index
      %parallel_loop3A_620 = arith.constant 64 : index
      %parallel_loop3A_621 = tpu.vector_load %arg10[%parallel_loop3A_619, %parallel_loop3A_620] {strides = array<i32>} : memref<512x128xf32, #tpu.memory_space<vmem>>, vector<16xf32>,
      %parallel_loop3A_622 = arith.constant 2 : i32
      %parallel_loop3A_623 = arith.muli %parallel_loop3A_622, %parallel_loop3A_522 : i32
      %parallel_loop3A_624 = arith.constant 256 : i32
      %parallel_loop3A_625 = arith.addi %parallel_loop3A_624, %parallel_loop3A_623 : i32
      %parallel_loop3A_626 = arith.constant 1 : i32
      %parallel_loop3A_627 = arith.addi %parallel_loop3A_625, %parallel_loop3A_626 : i32
      %parallel_loop3A_628 = arith.index_cast %parallel_loop3A_627 : i32 to index
      %parallel_loop3A_629 = arith.constant 64 : index
      %parallel_loop3A_630 = tpu.vector_load %arg10[%parallel_loop3A_628, %parallel_loop3A_629] {strides = array<i32>} : memref<512x128xf32, #tpu.memory_space<vmem>>, vector<16xf32>,
      %parallel_loop3A_631 = tpu.pack_subelements %parallel_loop3A_621, %parallel_loop3A_630 {pack_format = #tpu.pack_format<interleaved>, positions = array<i32: 0, 1>} : vector<16xf32>, vector<16xf32> -> vector<32xbf16>
      %parallel_loop3A_632 = vector.bitcast %parallel_loop3A_631 : vector<32xbf16> to vector<16xi32>
      %parallel_loop3A_633 = arith.constant 0 : i32
      %parallel_loop3A_634 = arith.addi %parallel_loop3A_633, %parallel_loop3A_522 : i32
      %parallel_loop3A_635 = arith.index_cast %parallel_loop3A_634 : i32 to index
      %parallel_loop3A_636 = arith.constant 64 : index
      %parallel_loop3A_637 = tpu.vector_load %arg11[%parallel_loop3A_635, %parallel_loop3A_636] {strides = array<i32>} : memref<128x128xi32, #tpu.memory_space<vmem>>, vector<16xi32>,
      tpu.vector_store %arg11[%parallel_loop3A_635, %parallel_loop3A_636], %parallel_loop3A_632 {strides = array<i32>} : memref<128x128xi32, #tpu.memory_space<vmem>>, vector<16xi32>,
      %parallel_loop3A_638 = arith.constant 2 : i32
      %parallel_loop3A_639 = arith.muli %parallel_loop3A_638, %parallel_loop3A_522 : i32
      %parallel_loop3A_640 = arith.constant 256 : i32
      %parallel_loop3A_641 = arith.addi %parallel_loop3A_640, %parallel_loop3A_639 : i32
      %parallel_loop3A_642 = arith.index_cast %parallel_loop3A_641 : i32 to index
      %parallel_loop3A_643 = arith.constant 80 : index
      %parallel_loop3A_644 = tpu.vector_load %arg10[%parallel_loop3A_642, %parallel_loop3A_643] {strides = array<i32>} : memref<512x128xf32, #tpu.memory_space<vmem>>, vector<16xf32>,
      %parallel_loop3A_645 = arith.constant 2 : i32
      %parallel_loop3A_646 = arith.muli %parallel_loop3A_645, %parallel_loop3A_522 : i32
      %parallel_loop3A_647 = arith.constant 256 : i32
      %parallel_loop3A_648 = arith.addi %parallel_loop3A_647, %parallel_loop3A_646 : i32
      %parallel_loop3A_649 = arith.constant 1 : i32
      %parallel_loop3A_650 = arith.addi %parallel_loop3A_648, %parallel_loop3A_649 : i32
      %parallel_loop3A_651 = arith.index_cast %parallel_loop3A_650 : i32 to index
      %parallel_loop3A_652 = arith.constant 80 : index
      %parallel_loop3A_653 = tpu.vector_load %arg10[%parallel_loop3A_651, %parallel_loop3A_652] {strides = array<i32>} : memref<512x128xf32, #tpu.memory_space<vmem>>, vector<16xf32>,
      %parallel_loop3A_654 = tpu.pack_subelements %parallel_loop3A_644, %parallel_loop3A_653 {pack_format = #tpu.pack_format<interleaved>, positions = array<i32: 0, 1>} : vector<16xf32>, vector<16xf32> -> vector<32xbf16>
      %parallel_loop3A_655 = vector.bitcast %parallel_loop3A_654 : vector<32xbf16> to vector<16xi32>
      %parallel_loop3A_656 = arith.constant 0 : i32
      %parallel_loop3A_657 = arith.addi %parallel_loop3A_656, %parallel_loop3A_522 : i32
      %parallel_loop3A_658 = arith.index_cast %parallel_loop3A_657 : i32 to index
      %parallel_loop3A_659 = arith.constant 80 : index
      %parallel_loop3A_660 = tpu.vector_load %arg11[%parallel_loop3A_658, %parallel_loop3A_659] {strides = array<i32>} : memref<128x128xi32, #tpu.memory_space<vmem>>, vector<16xi32>,
      tpu.vector_store %arg11[%parallel_loop3A_658, %parallel_loop3A_659], %parallel_loop3A_655 {strides = array<i32>} : memref<128x128xi32, #tpu.memory_space<vmem>>, vector<16xi32>,
      %parallel_loop3A_661 = arith.constant 2 : i32
      %parallel_loop3A_662 = arith.muli %parallel_loop3A_661, %parallel_loop3A_522 : i32
      %parallel_loop3A_663 = arith.constant 256 : i32
      %parallel_loop3A_664 = arith.addi %parallel_loop3A_663, %parallel_loop3A_662 : i32
      %parallel_loop3A_665 = arith.index_cast %parallel_loop3A_664 : i32 to index
      %parallel_loop3A_666 = arith.constant 96 : index
      %parallel_loop3A_667 = tpu.vector_load %arg10[%parallel_loop3A_665, %parallel_loop3A_666] {strides = array<i32>} : memref<512x128xf32, #tpu.memory_space<vmem>>, vector<16xf32>,
      %parallel_loop3A_668 = arith.constant 2 : i32
      %parallel_loop3A_669 = arith.muli %parallel_loop3A_668, %parallel_loop3A_522 : i32
      %parallel_loop3A_670 = arith.constant 256 : i32
      %parallel_loop3A_671 = arith.addi %parallel_loop3A_670, %parallel_loop3A_669 : i32
      %parallel_loop3A_672 = arith.constant 1 : i32
      %parallel_loop3A_673 = arith.addi %parallel_loop3A_671, %parallel_loop3A_672 : i32
      %parallel_loop3A_674 = arith.index_cast %parallel_loop3A_673 : i32 to index
      %parallel_loop3A_675 = arith.constant 96 : index
      %parallel_loop3A_676 = tpu.vector_load %arg10[%parallel_loop3A_674, %parallel_loop3A_675] {strides = array<i32>} : memref<512x128xf32, #tpu.memory_space<vmem>>, vector<16xf32>,
      %parallel_loop3A_677 = tpu.pack_subelements %parallel_loop3A_667, %parallel_loop3A_676 {pack_format = #tpu.pack_format<interleaved>, positions = array<i32: 0, 1>} : vector<16xf32>, vector<16xf32> -> vector<32xbf16>
      %parallel_loop3A_678 = vector.bitcast %parallel_loop3A_677 : vector<32xbf16> to vector<16xi32>
      %parallel_loop3A_679 = arith.constant 0 : i32
      %parallel_loop3A_680 = arith.addi %parallel_loop3A_679, %parallel_loop3A_522 : i32
      %parallel_loop3A_681 = arith.index_cast %parallel_loop3A_680 : i32 to index
      %parallel_loop3A_682 = arith.constant 96 : index
      %parallel_loop3A_683 = tpu.vector_load %arg11[%parallel_loop3A_681, %parallel_loop3A_682] {strides = array<i32>} : memref<128x128xi32, #tpu.memory_space<vmem>>, vector<16xi32>,
      tpu.vector_store %arg11[%parallel_loop3A_681, %parallel_loop3A_682], %parallel_loop3A_678 {strides = array<i32>} : memref<128x128xi32, #tpu.memory_space<vmem>>, vector<16xi32>,
      %parallel_loop3A_684 = arith.constant 2 : i32
      %parallel_loop3A_685 = arith.muli %parallel_loop3A_684, %parallel_loop3A_522 : i32
      %parallel_loop3A_686 = arith.constant 256 : i32
      %parallel_loop3A_687 = arith.addi %parallel_loop3A_686, %parallel_loop3A_685 : i32
      %parallel_loop3A_688 = arith.index_cast %parallel_loop3A_687 : i32 to index
      %parallel_loop3A_689 = arith.constant 112 : index
      %parallel_loop3A_690 = tpu.vector_load %arg10[%parallel_loop3A_688, %parallel_loop3A_689] {strides = array<i32>} : memref<512x128xf32, #tpu.memory_space<vmem>>, vector<16xf32>,
      %parallel_loop3A_691 = arith.constant 2 : i32
      %parallel_loop3A_692 = arith.muli %parallel_loop3A_691, %parallel_loop3A_522 : i32
      %parallel_loop3A_693 = arith.constant 256 : i32
      %parallel_loop3A_694 = arith.addi %parallel_loop3A_693, %parallel_loop3A_692 : i32
      %parallel_loop3A_695 = arith.constant 1 : i32
      %parallel_loop3A_696 = arith.addi %parallel_loop3A_694, %parallel_loop3A_695 : i32
      %parallel_loop3A_697 = arith.index_cast %parallel_loop3A_696 : i32 to index
      %parallel_loop3A_698 = arith.constant 112 : index
      %parallel_loop3A_699 = tpu.vector_load %arg10[%parallel_loop3A_697, %parallel_loop3A_698] {strides = array<i32>} : memref<512x128xf32, #tpu.memory_space<vmem>>, vector<16xf32>,
      %parallel_loop3A_700 = tpu.pack_subelements %parallel_loop3A_690, %parallel_loop3A_699 {pack_format = #tpu.pack_format<interleaved>, positions = array<i32: 0, 1>} : vector<16xf32>, vector<16xf32> -> vector<32xbf16>
      %parallel_loop3A_701 = vector.bitcast %parallel_loop3A_700 : vector<32xbf16> to vector<16xi32>
      %parallel_loop3A_702 = arith.constant 0 : i32
      %parallel_loop3A_703 = arith.addi %parallel_loop3A_702, %parallel_loop3A_522 : i32
      %parallel_loop3A_704 = arith.index_cast %parallel_loop3A_703 : i32 to index
      %parallel_loop3A_705 = arith.constant 112 : index
      %parallel_loop3A_706 = tpu.vector_load %arg11[%parallel_loop3A_704, %parallel_loop3A_705] {strides = array<i32>} : memref<128x128xi32, #tpu.memory_space<vmem>>, vector<16xi32>,
      tpu.vector_store %arg11[%parallel_loop3A_704, %parallel_loop3A_705], %parallel_loop3A_701 {strides = array<i32>} : memref<128x128xi32, #tpu.memory_space<vmem>>, vector<16xi32>,
    } {sc.loop_unroll_factor = 4 : i64, sc.parallel_access}
    %add3A_455 = arith.constant 128 : i32
    %add3A_456 = arith.addi %mul3A_4, %add3A_455 : i32
    %dma_start3A_457 = arith.constant 0 : i32
    %dma_start3A_458 = arith.constant 0 : i32
    %dma_start3A_459 = tpu.memref_slice %arg11[%dma_start3A_457, %dma_start3A_458] : memref<128x128xi32, #tpu.memory_space<vmem>> -> memref<64x128xi32, #tpu.memory_space<vmem>>
    %dma_start3A_460 = arith.constant 0 : i32
    %dma_start3A_461 = tpu.memref_slice %arg7[%add3A_456, %dma_start3A_460] : memref<8192x128xi32, #tpu.memory_space<hbm>> -> memref<64x128xi32, #tpu.memory_space<hbm>>
    %dma_start3A_462 = arith.constant 0 : i32
    %dma_start3A_463 = tpu.memref_slice %arg7[%add3A_456, %dma_start3A_462] : memref<8192x128xi32, #tpu.memory_space<hbm>> -> memref<64x128xi32, #tpu.memory_space<hbm>>
    %dma_start3A_464 = arith.constant 0 : i32
    %dma_start3A_465 = arith.constant 0 : i32
    %dma_start3A_466 = tpu.memref_slice %arg11[%dma_start3A_464, %dma_start3A_465] : memref<128x128xi32, #tpu.memory_space<vmem>> -> memref<64x128xi32, #tpu.memory_space<vmem>>
    tpu.enqueue_dma source(%dma_start3A_466 : memref<64x128xi32, #tpu.memory_space<vmem>>) target(%dma_start3A_463 : memref<64x128xi32, #tpu.memory_space<hbm>>) target_semaphore(%arg14 : memref<!tpu.dma_semaphore, #tpu.memory_space<semaphore_mem>>)
    %dma_wait3A_467 = arith.constant 3 : i32
    %dma_wait3A_468 = arith.constant 384 : i32
    %dma_wait3A_469 = arith.constant 0 : i32
    %dma_wait3A_470 = tpu.memref_slice %arg10[%dma_wait3A_468, %dma_wait3A_469] : memref<512x128xf32, #tpu.memory_space<vmem>> -> memref<128x128xf32, #tpu.memory_space<vmem>>
    %dma_wait3A_471 = arith.constant 0 : i32
    %dma_wait3A_472 = tpu.memref_slice %arg9[%dma_wait3A_467, %dma_wait3A_471] : memref<4x128xi32, #tpu.memory_space<vmem>> -> memref<1x128xi32, #tpu.memory_space<vmem>>
    %dma_wait3A_473 = tpu.memref_squeeze %dma_wait3A_472 : memref<1x128xi32, #tpu.memory_space<vmem>> -> memref<128xi32, #tpu.memory_space<vmem>>
    %dma_wait3A_474 = arith.constant 0 : i32
    %dma_wait3A_475 = arith.constant 0 : i32
    %dma_wait3A_476 = tpu.memref_slice %arg5[%dma_wait3A_474, %dma_wait3A_475] : memref<100000x128xf32, #tpu.memory_space<hbm>> -> memref<100000x128xf32, #tpu.memory_space<hbm>>
    tpu.wait_indirect_dma semaphore(%arg13 : memref<!tpu.dma_semaphore, #tpu.memory_space<semaphore_mem>>) src(%dma_wait3A_476 : memref<100000x128xf32, #tpu.memory_space<hbm>>) dst(%dma_wait3A_470 : memref<128x128xf32, #tpu.memory_space<vmem>>)
    %dma_wait3A_477 = arith.constant 64 : i32
    %dma_wait3A_478 = arith.constant 0 : i32
    %dma_wait3A_479 = tpu.memref_slice %arg11[%dma_wait3A_477, %dma_wait3A_478] : memref<128x128xi32, #tpu.memory_space<vmem>> -> memref<64x128xi32, #tpu.memory_space<vmem>>
    %dma_wait3A_480 = arith.constant 0 : i32
    %dma_wait3A_481 = tpu.memref_slice %arg7[%add3A_421, %dma_wait3A_480] : memref<8192x128xi32, #tpu.memory_space<hbm>> -> memref<64x128xi32, #tpu.memory_space<hbm>>
    %dma_wait3A_482 = arith.constant 0 : i32
    %dma_wait3A_483 = tpu.memref_slice %arg7[%add3A_421, %dma_wait3A_482] : memref<8192x128xi32, #tpu.memory_space<hbm>> -> memref<64x128xi32, #tpu.memory_space<hbm>>
    %dma_wait3A_484 = arith.constant 64 : i32
    %dma_wait3A_485 = arith.constant 0 : i32
    %dma_wait3A_486 = tpu.memref_slice %arg11[%dma_wait3A_484, %dma_wait3A_485] : memref<128x128xi32, #tpu.memory_space<vmem>> -> memref<64x128xi32, #tpu.memory_space<vmem>>
    tpu.wait_dma2 semaphore(%arg15 : memref<!tpu.dma_semaphore, #tpu.memory_space<semaphore_mem>>) src(%dma_wait3A_486 : memref<64x128xi32, #tpu.memory_space<vmem>>) dst(%dma_wait3A_483 : memref<64x128xi32, #tpu.memory_space<hbm>>)
    %parallel_loop3A_487 = arith.constant 0 : i32
    %parallel_loop3A_488 = arith.constant 64 : i32
    %parallel_loop3A_489 = arith.constant 1 : i32
    scf.for %parallel_loop3A_522 = %parallel_loop3A_487 to %parallel_loop3A_488 step %parallel_loop3A_489  : i32 {
      %parallel_loop3A_523 = arith.constant 2 : i32
      %parallel_loop3A_524 = arith.muli %parallel_loop3A_523, %parallel_loop3A_522 : i32
      %parallel_loop3A_525 = arith.constant 384 : i32
      %parallel_loop3A_526 = arith.addi %parallel_loop3A_525, %parallel_loop3A_524 : i32
      %parallel_loop3A_527 = arith.index_cast %parallel_loop3A_526 : i32 to index
      %parallel_loop3A_528 = arith.constant 0 : index
      %parallel_loop3A_529 = tpu.vector_load %arg10[%parallel_loop3A_527, %parallel_loop3A_528] {strides = array<i32>} : memref<512x128xf32, #tpu.memory_space<vmem>>, vector<16xf32>,
      %parallel_loop3A_530 = arith.constant 2 : i32
      %parallel_loop3A_531 = arith.muli %parallel_loop3A_530, %parallel_loop3A_522 : i32
      %parallel_loop3A_532 = arith.constant 384 : i32
      %parallel_loop3A_533 = arith.addi %parallel_loop3A_532, %parallel_loop3A_531 : i32
      %parallel_loop3A_534 = arith.constant 1 : i32
      %parallel_loop3A_535 = arith.addi %parallel_loop3A_533, %parallel_loop3A_534 : i32
      %parallel_loop3A_536 = arith.index_cast %parallel_loop3A_535 : i32 to index
      %parallel_loop3A_537 = arith.constant 0 : index
      %parallel_loop3A_538 = tpu.vector_load %arg10[%parallel_loop3A_536, %parallel_loop3A_537] {strides = array<i32>} : memref<512x128xf32, #tpu.memory_space<vmem>>, vector<16xf32>,
      %parallel_loop3A_539 = tpu.pack_subelements %parallel_loop3A_529, %parallel_loop3A_538 {pack_format = #tpu.pack_format<interleaved>, positions = array<i32: 0, 1>} : vector<16xf32>, vector<16xf32> -> vector<32xbf16>
      %parallel_loop3A_540 = vector.bitcast %parallel_loop3A_539 : vector<32xbf16> to vector<16xi32>
      %parallel_loop3A_541 = arith.constant 64 : i32
      %parallel_loop3A_542 = arith.addi %parallel_loop3A_541, %parallel_loop3A_522 : i32
      %parallel_loop3A_543 = arith.index_cast %parallel_loop3A_542 : i32 to index
      %parallel_loop3A_544 = arith.constant 0 : index
      %parallel_loop3A_545 = tpu.vector_load %arg11[%parallel_loop3A_543, %parallel_loop3A_544] {strides = array<i32>} : memref<128x128xi32, #tpu.memory_space<vmem>>, vector<16xi32>,
      tpu.vector_store %arg11[%parallel_loop3A_543, %parallel_loop3A_544], %parallel_loop3A_540 {strides = array<i32>} : memref<128x128xi32, #tpu.memory_space<vmem>>, vector<16xi32>,
      %parallel_loop3A_546 = arith.constant 2 : i32
      %parallel_loop3A_547 = arith.muli %parallel_loop3A_546, %parallel_loop3A_522 : i32
      %parallel_loop3A_548 = arith.constant 384 : i32
      %parallel_loop3A_549 = arith.addi %parallel_loop3A_548, %parallel_loop3A_547 : i32
      %parallel_loop3A_550 = arith.index_cast %parallel_loop3A_549 : i32 to index
      %parallel_loop3A_551 = arith.constant 16 : index
      %parallel_loop3A_552 = tpu.vector_load %arg10[%parallel_loop3A_550, %parallel_loop3A_551] {strides = array<i32>} : memref<512x128xf32, #tpu.memory_space<vmem>>, vector<16xf32>,
      %parallel_loop3A_553 = arith.constant 2 : i32
      %parallel_loop3A_554 = arith.muli %parallel_loop3A_553, %parallel_loop3A_522 : i32
      %parallel_loop3A_555 = arith.constant 384 : i32
      %parallel_loop3A_556 = arith.addi %parallel_loop3A_555, %parallel_loop3A_554 : i32
      %parallel_loop3A_557 = arith.constant 1 : i32
      %parallel_loop3A_558 = arith.addi %parallel_loop3A_556, %parallel_loop3A_557 : i32
      %parallel_loop3A_559 = arith.index_cast %parallel_loop3A_558 : i32 to index
      %parallel_loop3A_560 = arith.constant 16 : index
      %parallel_loop3A_561 = tpu.vector_load %arg10[%parallel_loop3A_559, %parallel_loop3A_560] {strides = array<i32>} : memref<512x128xf32, #tpu.memory_space<vmem>>, vector<16xf32>,
      %parallel_loop3A_562 = tpu.pack_subelements %parallel_loop3A_552, %parallel_loop3A_561 {pack_format = #tpu.pack_format<interleaved>, positions = array<i32: 0, 1>} : vector<16xf32>, vector<16xf32> -> vector<32xbf16>
      %parallel_loop3A_563 = vector.bitcast %parallel_loop3A_562 : vector<32xbf16> to vector<16xi32>
      %parallel_loop3A_564 = arith.constant 64 : i32
      %parallel_loop3A_565 = arith.addi %parallel_loop3A_564, %parallel_loop3A_522 : i32
      %parallel_loop3A_566 = arith.index_cast %parallel_loop3A_565 : i32 to index
      %parallel_loop3A_567 = arith.constant 16 : index
      %parallel_loop3A_568 = tpu.vector_load %arg11[%parallel_loop3A_566, %parallel_loop3A_567] {strides = array<i32>} : memref<128x128xi32, #tpu.memory_space<vmem>>, vector<16xi32>,
      tpu.vector_store %arg11[%parallel_loop3A_566, %parallel_loop3A_567], %parallel_loop3A_563 {strides = array<i32>} : memref<128x128xi32, #tpu.memory_space<vmem>>, vector<16xi32>,
      %parallel_loop3A_569 = arith.constant 2 : i32
      %parallel_loop3A_570 = arith.muli %parallel_loop3A_569, %parallel_loop3A_522 : i32
      %parallel_loop3A_571 = arith.constant 384 : i32
      %parallel_loop3A_572 = arith.addi %parallel_loop3A_571, %parallel_loop3A_570 : i32
      %parallel_loop3A_573 = arith.index_cast %parallel_loop3A_572 : i32 to index
      %parallel_loop3A_574 = arith.constant 32 : index
      %parallel_loop3A_575 = tpu.vector_load %arg10[%parallel_loop3A_573, %parallel_loop3A_574] {strides = array<i32>} : memref<512x128xf32, #tpu.memory_space<vmem>>, vector<16xf32>,
      %parallel_loop3A_576 = arith.constant 2 : i32
      %parallel_loop3A_577 = arith.muli %parallel_loop3A_576, %parallel_loop3A_522 : i32
      %parallel_loop3A_578 = arith.constant 384 : i32
      %parallel_loop3A_579 = arith.addi %parallel_loop3A_578, %parallel_loop3A_577 : i32
      %parallel_loop3A_580 = arith.constant 1 : i32
      %parallel_loop3A_581 = arith.addi %parallel_loop3A_579, %parallel_loop3A_580 : i32
      %parallel_loop3A_582 = arith.index_cast %parallel_loop3A_581 : i32 to index
      %parallel_loop3A_583 = arith.constant 32 : index
      %parallel_loop3A_584 = tpu.vector_load %arg10[%parallel_loop3A_582, %parallel_loop3A_583] {strides = array<i32>} : memref<512x128xf32, #tpu.memory_space<vmem>>, vector<16xf32>,
      %parallel_loop3A_585 = tpu.pack_subelements %parallel_loop3A_575, %parallel_loop3A_584 {pack_format = #tpu.pack_format<interleaved>, positions = array<i32: 0, 1>} : vector<16xf32>, vector<16xf32> -> vector<32xbf16>
      %parallel_loop3A_586 = vector.bitcast %parallel_loop3A_585 : vector<32xbf16> to vector<16xi32>
      %parallel_loop3A_587 = arith.constant 64 : i32
      %parallel_loop3A_588 = arith.addi %parallel_loop3A_587, %parallel_loop3A_522 : i32
      %parallel_loop3A_589 = arith.index_cast %parallel_loop3A_588 : i32 to index
      %parallel_loop3A_590 = arith.constant 32 : index
      %parallel_loop3A_591 = tpu.vector_load %arg11[%parallel_loop3A_589, %parallel_loop3A_590] {strides = array<i32>} : memref<128x128xi32, #tpu.memory_space<vmem>>, vector<16xi32>,
      tpu.vector_store %arg11[%parallel_loop3A_589, %parallel_loop3A_590], %parallel_loop3A_586 {strides = array<i32>} : memref<128x128xi32, #tpu.memory_space<vmem>>, vector<16xi32>,
      %parallel_loop3A_592 = arith.constant 2 : i32
      %parallel_loop3A_593 = arith.muli %parallel_loop3A_592, %parallel_loop3A_522 : i32
      %parallel_loop3A_594 = arith.constant 384 : i32
      %parallel_loop3A_595 = arith.addi %parallel_loop3A_594, %parallel_loop3A_593 : i32
      %parallel_loop3A_596 = arith.index_cast %parallel_loop3A_595 : i32 to index
      %parallel_loop3A_597 = arith.constant 48 : index
      %parallel_loop3A_598 = tpu.vector_load %arg10[%parallel_loop3A_596, %parallel_loop3A_597] {strides = array<i32>} : memref<512x128xf32, #tpu.memory_space<vmem>>, vector<16xf32>,
      %parallel_loop3A_599 = arith.constant 2 : i32
      %parallel_loop3A_600 = arith.muli %parallel_loop3A_599, %parallel_loop3A_522 : i32
      %parallel_loop3A_601 = arith.constant 384 : i32
      %parallel_loop3A_602 = arith.addi %parallel_loop3A_601, %parallel_loop3A_600 : i32
      %parallel_loop3A_603 = arith.constant 1 : i32
      %parallel_loop3A_604 = arith.addi %parallel_loop3A_602, %parallel_loop3A_603 : i32
      %parallel_loop3A_605 = arith.index_cast %parallel_loop3A_604 : i32 to index
      %parallel_loop3A_606 = arith.constant 48 : index
      %parallel_loop3A_607 = tpu.vector_load %arg10[%parallel_loop3A_605, %parallel_loop3A_606] {strides = array<i32>} : memref<512x128xf32, #tpu.memory_space<vmem>>, vector<16xf32>,
      %parallel_loop3A_608 = tpu.pack_subelements %parallel_loop3A_598, %parallel_loop3A_607 {pack_format = #tpu.pack_format<interleaved>, positions = array<i32: 0, 1>} : vector<16xf32>, vector<16xf32> -> vector<32xbf16>
      %parallel_loop3A_609 = vector.bitcast %parallel_loop3A_608 : vector<32xbf16> to vector<16xi32>
      %parallel_loop3A_610 = arith.constant 64 : i32
      %parallel_loop3A_611 = arith.addi %parallel_loop3A_610, %parallel_loop3A_522 : i32
      %parallel_loop3A_612 = arith.index_cast %parallel_loop3A_611 : i32 to index
      %parallel_loop3A_613 = arith.constant 48 : index
      %parallel_loop3A_614 = tpu.vector_load %arg11[%parallel_loop3A_612, %parallel_loop3A_613] {strides = array<i32>} : memref<128x128xi32, #tpu.memory_space<vmem>>, vector<16xi32>,
      tpu.vector_store %arg11[%parallel_loop3A_612, %parallel_loop3A_613], %parallel_loop3A_609 {strides = array<i32>} : memref<128x128xi32, #tpu.memory_space<vmem>>, vector<16xi32>,
      %parallel_loop3A_615 = arith.constant 2 : i32
      %parallel_loop3A_616 = arith.muli %parallel_loop3A_615, %parallel_loop3A_522 : i32
      %parallel_loop3A_617 = arith.constant 384 : i32
      %parallel_loop3A_618 = arith.addi %parallel_loop3A_617, %parallel_loop3A_616 : i32
      %parallel_loop3A_619 = arith.index_cast %parallel_loop3A_618 : i32 to index
      %parallel_loop3A_620 = arith.constant 64 : index
      %parallel_loop3A_621 = tpu.vector_load %arg10[%parallel_loop3A_619, %parallel_loop3A_620] {strides = array<i32>} : memref<512x128xf32, #tpu.memory_space<vmem>>, vector<16xf32>,
      %parallel_loop3A_622 = arith.constant 2 : i32
      %parallel_loop3A_623 = arith.muli %parallel_loop3A_622, %parallel_loop3A_522 : i32
      %parallel_loop3A_624 = arith.constant 384 : i32
      %parallel_loop3A_625 = arith.addi %parallel_loop3A_624, %parallel_loop3A_623 : i32
      %parallel_loop3A_626 = arith.constant 1 : i32
      %parallel_loop3A_627 = arith.addi %parallel_loop3A_625, %parallel_loop3A_626 : i32
      %parallel_loop3A_628 = arith.index_cast %parallel_loop3A_627 : i32 to index
      %parallel_loop3A_629 = arith.constant 64 : index
      %parallel_loop3A_630 = tpu.vector_load %arg10[%parallel_loop3A_628, %parallel_loop3A_629] {strides = array<i32>} : memref<512x128xf32, #tpu.memory_space<vmem>>, vector<16xf32>,
      %parallel_loop3A_631 = tpu.pack_subelements %parallel_loop3A_621, %parallel_loop3A_630 {pack_format = #tpu.pack_format<interleaved>, positions = array<i32: 0, 1>} : vector<16xf32>, vector<16xf32> -> vector<32xbf16>
      %parallel_loop3A_632 = vector.bitcast %parallel_loop3A_631 : vector<32xbf16> to vector<16xi32>
      %parallel_loop3A_633 = arith.constant 64 : i32
      %parallel_loop3A_634 = arith.addi %parallel_loop3A_633, %parallel_loop3A_522 : i32
      %parallel_loop3A_635 = arith.index_cast %parallel_loop3A_634 : i32 to index
      %parallel_loop3A_636 = arith.constant 64 : index
      %parallel_loop3A_637 = tpu.vector_load %arg11[%parallel_loop3A_635, %parallel_loop3A_636] {strides = array<i32>} : memref<128x128xi32, #tpu.memory_space<vmem>>, vector<16xi32>,
      tpu.vector_store %arg11[%parallel_loop3A_635, %parallel_loop3A_636], %parallel_loop3A_632 {strides = array<i32>} : memref<128x128xi32, #tpu.memory_space<vmem>>, vector<16xi32>,
      %parallel_loop3A_638 = arith.constant 2 : i32
      %parallel_loop3A_639 = arith.muli %parallel_loop3A_638, %parallel_loop3A_522 : i32
      %parallel_loop3A_640 = arith.constant 384 : i32
      %parallel_loop3A_641 = arith.addi %parallel_loop3A_640, %parallel_loop3A_639 : i32
      %parallel_loop3A_642 = arith.index_cast %parallel_loop3A_641 : i32 to index
      %parallel_loop3A_643 = arith.constant 80 : index
      %parallel_loop3A_644 = tpu.vector_load %arg10[%parallel_loop3A_642, %parallel_loop3A_643] {strides = array<i32>} : memref<512x128xf32, #tpu.memory_space<vmem>>, vector<16xf32>,
      %parallel_loop3A_645 = arith.constant 2 : i32
      %parallel_loop3A_646 = arith.muli %parallel_loop3A_645, %parallel_loop3A_522 : i32
      %parallel_loop3A_647 = arith.constant 384 : i32
      %parallel_loop3A_648 = arith.addi %parallel_loop3A_647, %parallel_loop3A_646 : i32
      %parallel_loop3A_649 = arith.constant 1 : i32
      %parallel_loop3A_650 = arith.addi %parallel_loop3A_648, %parallel_loop3A_649 : i32
      %parallel_loop3A_651 = arith.index_cast %parallel_loop3A_650 : i32 to index
      %parallel_loop3A_652 = arith.constant 80 : index
      %parallel_loop3A_653 = tpu.vector_load %arg10[%parallel_loop3A_651, %parallel_loop3A_652] {strides = array<i32>} : memref<512x128xf32, #tpu.memory_space<vmem>>, vector<16xf32>,
      %parallel_loop3A_654 = tpu.pack_subelements %parallel_loop3A_644, %parallel_loop3A_653 {pack_format = #tpu.pack_format<interleaved>, positions = array<i32: 0, 1>} : vector<16xf32>, vector<16xf32> -> vector<32xbf16>
      %parallel_loop3A_655 = vector.bitcast %parallel_loop3A_654 : vector<32xbf16> to vector<16xi32>
      %parallel_loop3A_656 = arith.constant 64 : i32
      %parallel_loop3A_657 = arith.addi %parallel_loop3A_656, %parallel_loop3A_522 : i32
      %parallel_loop3A_658 = arith.index_cast %parallel_loop3A_657 : i32 to index
      %parallel_loop3A_659 = arith.constant 80 : index
      %parallel_loop3A_660 = tpu.vector_load %arg11[%parallel_loop3A_658, %parallel_loop3A_659] {strides = array<i32>} : memref<128x128xi32, #tpu.memory_space<vmem>>, vector<16xi32>,
      tpu.vector_store %arg11[%parallel_loop3A_658, %parallel_loop3A_659], %parallel_loop3A_655 {strides = array<i32>} : memref<128x128xi32, #tpu.memory_space<vmem>>, vector<16xi32>,
      %parallel_loop3A_661 = arith.constant 2 : i32
      %parallel_loop3A_662 = arith.muli %parallel_loop3A_661, %parallel_loop3A_522 : i32
      %parallel_loop3A_663 = arith.constant 384 : i32
      %parallel_loop3A_664 = arith.addi %parallel_loop3A_663, %parallel_loop3A_662 : i32
      %parallel_loop3A_665 = arith.index_cast %parallel_loop3A_664 : i32 to index
      %parallel_loop3A_666 = arith.constant 96 : index
      %parallel_loop3A_667 = tpu.vector_load %arg10[%parallel_loop3A_665, %parallel_loop3A_666] {strides = array<i32>} : memref<512x128xf32, #tpu.memory_space<vmem>>, vector<16xf32>,
      %parallel_loop3A_668 = arith.constant 2 : i32
      %parallel_loop3A_669 = arith.muli %parallel_loop3A_668, %parallel_loop3A_522 : i32
      %parallel_loop3A_670 = arith.constant 384 : i32
      %parallel_loop3A_671 = arith.addi %parallel_loop3A_670, %parallel_loop3A_669 : i32
      %parallel_loop3A_672 = arith.constant 1 : i32
      %parallel_loop3A_673 = arith.addi %parallel_loop3A_671, %parallel_loop3A_672 : i32
      %parallel_loop3A_674 = arith.index_cast %parallel_loop3A_673 : i32 to index
      %parallel_loop3A_675 = arith.constant 96 : index
      %parallel_loop3A_676 = tpu.vector_load %arg10[%parallel_loop3A_674, %parallel_loop3A_675] {strides = array<i32>} : memref<512x128xf32, #tpu.memory_space<vmem>>, vector<16xf32>,
      %parallel_loop3A_677 = tpu.pack_subelements %parallel_loop3A_667, %parallel_loop3A_676 {pack_format = #tpu.pack_format<interleaved>, positions = array<i32: 0, 1>} : vector<16xf32>, vector<16xf32> -> vector<32xbf16>
      %parallel_loop3A_678 = vector.bitcast %parallel_loop3A_677 : vector<32xbf16> to vector<16xi32>
      %parallel_loop3A_679 = arith.constant 64 : i32
      %parallel_loop3A_680 = arith.addi %parallel_loop3A_679, %parallel_loop3A_522 : i32
      %parallel_loop3A_681 = arith.index_cast %parallel_loop3A_680 : i32 to index
      %parallel_loop3A_682 = arith.constant 96 : index
      %parallel_loop3A_683 = tpu.vector_load %arg11[%parallel_loop3A_681, %parallel_loop3A_682] {strides = array<i32>} : memref<128x128xi32, #tpu.memory_space<vmem>>, vector<16xi32>,
      tpu.vector_store %arg11[%parallel_loop3A_681, %parallel_loop3A_682], %parallel_loop3A_678 {strides = array<i32>} : memref<128x128xi32, #tpu.memory_space<vmem>>, vector<16xi32>,
      %parallel_loop3A_684 = arith.constant 2 : i32
      %parallel_loop3A_685 = arith.muli %parallel_loop3A_684, %parallel_loop3A_522 : i32
      %parallel_loop3A_686 = arith.constant 384 : i32
      %parallel_loop3A_687 = arith.addi %parallel_loop3A_686, %parallel_loop3A_685 : i32
      %parallel_loop3A_688 = arith.index_cast %parallel_loop3A_687 : i32 to index
      %parallel_loop3A_689 = arith.constant 112 : index
      %parallel_loop3A_690 = tpu.vector_load %arg10[%parallel_loop3A_688, %parallel_loop3A_689] {strides = array<i32>} : memref<512x128xf32, #tpu.memory_space<vmem>>, vector<16xf32>,
      %parallel_loop3A_691 = arith.constant 2 : i32
      %parallel_loop3A_692 = arith.muli %parallel_loop3A_691, %parallel_loop3A_522 : i32
      %parallel_loop3A_693 = arith.constant 384 : i32
      %parallel_loop3A_694 = arith.addi %parallel_loop3A_693, %parallel_loop3A_692 : i32
      %parallel_loop3A_695 = arith.constant 1 : i32
      %parallel_loop3A_696 = arith.addi %parallel_loop3A_694, %parallel_loop3A_695 : i32
      %parallel_loop3A_697 = arith.index_cast %parallel_loop3A_696 : i32 to index
      %parallel_loop3A_698 = arith.constant 112 : index
      %parallel_loop3A_699 = tpu.vector_load %arg10[%parallel_loop3A_697, %parallel_loop3A_698] {strides = array<i32>} : memref<512x128xf32, #tpu.memory_space<vmem>>, vector<16xf32>,
      %parallel_loop3A_700 = tpu.pack_subelements %parallel_loop3A_690, %parallel_loop3A_699 {pack_format = #tpu.pack_format<interleaved>, positions = array<i32: 0, 1>} : vector<16xf32>, vector<16xf32> -> vector<32xbf16>
      %parallel_loop3A_701 = vector.bitcast %parallel_loop3A_700 : vector<32xbf16> to vector<16xi32>
      %parallel_loop3A_702 = arith.constant 64 : i32
      %parallel_loop3A_703 = arith.addi %parallel_loop3A_702, %parallel_loop3A_522 : i32
      %parallel_loop3A_704 = arith.index_cast %parallel_loop3A_703 : i32 to index
      %parallel_loop3A_705 = arith.constant 112 : index
      %parallel_loop3A_706 = tpu.vector_load %arg11[%parallel_loop3A_704, %parallel_loop3A_705] {strides = array<i32>} : memref<128x128xi32, #tpu.memory_space<vmem>>, vector<16xi32>,
      tpu.vector_store %arg11[%parallel_loop3A_704, %parallel_loop3A_705], %parallel_loop3A_701 {strides = array<i32>} : memref<128x128xi32, #tpu.memory_space<vmem>>, vector<16xi32>,
    } {sc.loop_unroll_factor = 4 : i64, sc.parallel_access}
    %add3A_490 = arith.constant 192 : i32
    %add3A_491 = arith.addi %mul3A_4, %add3A_490 : i32
    %dma_start3A_492 = arith.constant 64 : i32
    %dma_start3A_493 = arith.constant 0 : i32
    %dma_start3A_494 = tpu.memref_slice %arg11[%dma_start3A_492, %dma_start3A_493] : memref<128x128xi32, #tpu.memory_space<vmem>> -> memref<64x128xi32, #tpu.memory_space<vmem>>
    %dma_start3A_495 = arith.constant 0 : i32
    %dma_start3A_496 = tpu.memref_slice %arg7[%add3A_491, %dma_start3A_495] : memref<8192x128xi32, #tpu.memory_space<hbm>> -> memref<64x128xi32, #tpu.memory_space<hbm>>
    %dma_start3A_497 = arith.constant 0 : i32
    %dma_start3A_498 = tpu.memref_slice %arg7[%add3A_491, %dma_start3A_497] : memref<8192x128xi32, #tpu.memory_space<hbm>> -> memref<64x128xi32, #tpu.memory_space<hbm>>
    %dma_start3A_499 = arith.constant 64 : i32
    %dma_start3A_500 = arith.constant 0 : i32
    %dma_start3A_501 = tpu.memref_slice %arg11[%dma_start3A_499, %dma_start3A_500] : memref<128x128xi32, #tpu.memory_space<vmem>> -> memref<64x128xi32, #tpu.memory_space<vmem>>
    tpu.enqueue_dma source(%dma_start3A_501 : memref<64x128xi32, #tpu.memory_space<vmem>>) target(%dma_start3A_498 : memref<64x128xi32, #tpu.memory_space<hbm>>) target_semaphore(%arg15 : memref<!tpu.dma_semaphore, #tpu.memory_space<semaphore_mem>>)
    %dma_wait3A_502 = arith.constant 0 : i32
    %dma_wait3A_503 = arith.constant 0 : i32
    %dma_wait3A_504 = tpu.memref_slice %arg11[%dma_wait3A_502, %dma_wait3A_503] : memref<128x128xi32, #tpu.memory_space<vmem>> -> memref<64x128xi32, #tpu.memory_space<vmem>>
    %dma_wait3A_505 = arith.constant 0 : i32
    %dma_wait3A_506 = tpu.memref_slice %arg7[%add3A_456, %dma_wait3A_505] : memref<8192x128xi32, #tpu.memory_space<hbm>> -> memref<64x128xi32, #tpu.memory_space<hbm>>
    %dma_wait3A_507 = arith.constant 0 : i32
    %dma_wait3A_508 = tpu.memref_slice %arg7[%add3A_456, %dma_wait3A_507] : memref<8192x128xi32, #tpu.memory_space<hbm>> -> memref<64x128xi32, #tpu.memory_space<hbm>>
    %dma_wait3A_509 = arith.constant 0 : i32
    %dma_wait3A_510 = arith.constant 0 : i32
    %dma_wait3A_511 = tpu.memref_slice %arg11[%dma_wait3A_509, %dma_wait3A_510] : memref<128x128xi32, #tpu.memory_space<vmem>> -> memref<64x128xi32, #tpu.memory_space<vmem>>
    tpu.wait_dma2 semaphore(%arg14 : memref<!tpu.dma_semaphore, #tpu.memory_space<semaphore_mem>>) src(%dma_wait3A_511 : memref<64x128xi32, #tpu.memory_space<vmem>>) dst(%dma_wait3A_508 : memref<64x128xi32, #tpu.memory_space<hbm>>)
    %dma_wait3A_512 = arith.constant 64 : i32
    %dma_wait3A_513 = arith.constant 0 : i32
    %dma_wait3A_514 = tpu.memref_slice %arg11[%dma_wait3A_512, %dma_wait3A_513] : memref<128x128xi32, #tpu.memory_space<vmem>> -> memref<64x128xi32, #tpu.memory_space<vmem>>
    %dma_wait3A_515 = arith.constant 0 : i32
    %dma_wait3A_516 = tpu.memref_slice %arg7[%add3A_491, %dma_wait3A_515] : memref<8192x128xi32, #tpu.memory_space<hbm>> -> memref<64x128xi32, #tpu.memory_space<hbm>>
    %dma_wait3A_517 = arith.constant 0 : i32
    %dma_wait3A_518 = tpu.memref_slice %arg7[%add3A_491, %dma_wait3A_517] : memref<8192x128xi32, #tpu.memory_space<hbm>> -> memref<64x128xi32, #tpu.memory_space<hbm>>
    %dma_wait3A_519 = arith.constant 64 : i32
    %dma_wait3A_520 = arith.constant 0 : i32
    %dma_wait3A_521 = tpu.memref_slice %arg11[%dma_wait3A_519, %dma_wait3A_520] : memref<128x128xi32, #tpu.memory_space<vmem>> -> memref<64x128xi32, #tpu.memory_space<vmem>>
    tpu.wait_dma2 semaphore(%arg15 : memref<!tpu.dma_semaphore, #tpu.memory_space<semaphore_mem>>) src(%dma_wait3A_521 : memref<64x128xi32, #tpu.memory_space<vmem>>) dst(%dma_wait3A_518 : memref<64x128xi32, #tpu.memory_space<hbm>>)
    return
  }
}

module attributes {stable_mosaic.version = 14 : i64} {
  func.func @_mlp_body(%arg0: i32, %arg1: memref<1024x128xi32, #tpu.memory_space<vmem>>, %arg2: memref<1024x128xi32, #tpu.memory_space<vmem>>, %arg3: memref<256x64xbf16, #tpu.memory_space<vmem>>, %arg4: memref<1x64xf32, #tpu.memory_space<vmem>>, %arg5: memref<64x32xf32, #tpu.memory_space<vmem>>, %arg6: memref<1x32xf32, #tpu.memory_space<vmem>>, %arg7: memref<32x1xf32, #tpu.memory_space<vmem>>, %arg8: memref<1x1xf32, #tpu.memory_space<vmem>>, %arg9: memref<1x1x2048xf32, #tpu.memory_space<vmem>>) attributes {dimension_semantics = [#tpu.dimension_semantics<arbitrary>], iteration_bounds = array<i64: 8>, scalar_prefetch = 0 : i64, scratch_operands = 0 : i64, tpu.core_type = #tpu.core_type<tc>, window_params = [{transform_indices = @transform_0, window_bounds = array<i64: 1024, 128>}, {transform_indices = @transform_1, window_bounds = array<i64: 1024, 128>}, {pipeline_mode = #tpu.pipeline_mode<synchronous>, transform_indices = @transform_2, window_bounds = array<i64: 256, 64>}, {pipeline_mode = #tpu.pipeline_mode<synchronous>, transform_indices = @transform_3, window_bounds = array<i64: 1, 64>}, {pipeline_mode = #tpu.pipeline_mode<synchronous>, transform_indices = @transform_4, window_bounds = array<i64: 64, 32>}, {pipeline_mode = #tpu.pipeline_mode<synchronous>, transform_indices = @transform_5, window_bounds = array<i64: 1, 32>}, {pipeline_mode = #tpu.pipeline_mode<synchronous>, transform_indices = @transform_6, window_bounds = array<i64: 32, 1>}, {pipeline_mode = #tpu.pipeline_mode<synchronous>, transform_indices = @transform_7, window_bounds = array<i64: 1, 1>}, {transform_indices = @transform_8, window_bounds = array<i64: 1, 1, 2048>}]} {
    %get3A = arith.constant 0 : index
    %get3A_0 = arith.constant 0 : index
    %get3A_1 = vector.load %arg1[%get3A, %get3A_0] : memref<1024x128xi32, #tpu.memory_space<vmem>>, vector<1024x128xi32>
    %bitcast3A = tpu.bitcast %get3A_1 : vector<1024x128xi32> -> vector<2048x128xbf16>
    %get3A_2 = arith.constant 0 : index
    %get3A_3 = arith.constant 0 : index
    %get3A_4 = vector.load %arg2[%get3A_2, %get3A_3] : memref<1024x128xi32, #tpu.memory_space<vmem>>, vector<1024x128xi32>
    %bitcast3A_5 = tpu.bitcast %get3A_4 : vector<1024x128xi32> -> vector<2048x128xbf16>
    %get3A_6 = arith.constant 0 : index
    %get3A_7 = arith.constant 0 : index
    %get3A_8 = vector.load %arg3[%get3A_6, %get3A_7] : memref<256x64xbf16, #tpu.memory_space<vmem>>, vector<128x64xbf16>
    %dot_general3A = arith.constant dense<0.000000e+00> : vector<2048x64xf32>
    %dot_general3A_9 = tpu.matmul %bitcast3A, %get3A_8, %dot_general3A {dimension_numbers = #tpu.dot_dimension_numbers<[1], [0], [0], [1], [0, 0, 1, 1], [], []>, transpose_lhs_hint = false} : vector<2048x128xbf16>, vector<128x64xbf16>, vector<2048x64xf32> -> vector<2048x64xf32>
    %get3A_10 = arith.constant 128 : index
    %get3A_11 = arith.constant 0 : index
    %get3A_12 = vector.load %arg3[%get3A_10, %get3A_11] : memref<256x64xbf16, #tpu.memory_space<vmem>>, vector<128x64xbf16>
    %dot_general3A_13 = arith.constant dense<0.000000e+00> : vector<2048x64xf32>
    %dot_general3A_14 = tpu.matmul %bitcast3A_5, %get3A_12, %dot_general3A_13 {dimension_numbers = #tpu.dot_dimension_numbers<[1], [0], [0], [1], [0, 0, 1, 1], [], []>, transpose_lhs_hint = false} : vector<2048x128xbf16>, vector<128x64xbf16>, vector<2048x64xf32> -> vector<2048x64xf32>
    %add3A = arith.addf %dot_general3A_9, %dot_general3A_14 : vector<2048x64xf32>
    %get3A_15 = arith.constant 0 : index
    %get3A_16 = arith.constant 0 : index
    %get3A_17 = vector.load %arg4[%get3A_15, %get3A_16] : memref<1x64xf32, #tpu.memory_space<vmem>>, vector<1x64xf32>
    %add3A_18 = vector.broadcast %get3A_17 : vector<1x64xf32> to vector<2048x64xf32>
    %add3A_19 = arith.addf %add3A, %add3A_18 : vector<2048x64xf32>
    %max3A = arith.constant 0.000000e+00 : f32
    %max3A_20 = vector.broadcast %max3A : f32 to vector<2048x64xf32>
    %max3A_21 = arith.maximumf %add3A_19, %max3A_20 : vector<2048x64xf32>
    %get3A_22 = arith.constant 0 : index
    %get3A_23 = arith.constant 0 : index
    %get3A_24 = vector.load %arg5[%get3A_22, %get3A_23] : memref<64x32xf32, #tpu.memory_space<vmem>>, vector<64x32xf32>
    %dot_general3A_25 = arith.constant dense<0.000000e+00> : vector<2048x32xf32>
    %dot_general3A_26 = tpu.matmul %max3A_21, %get3A_24, %dot_general3A_25 {dimension_numbers = #tpu.dot_dimension_numbers<[1], [0], [0], [1], [0, 0, 1, 1], [], []>, transpose_lhs_hint = false} : vector<2048x64xf32>, vector<64x32xf32>, vector<2048x32xf32> -> vector<2048x32xf32>
    %get3A_27 = arith.constant 0 : index
    %get3A_28 = arith.constant 0 : index
    %get3A_29 = vector.load %arg6[%get3A_27, %get3A_28] : memref<1x32xf32, #tpu.memory_space<vmem>>, vector<1x32xf32>
    %add3A_30 = vector.broadcast %get3A_29 : vector<1x32xf32> to vector<2048x32xf32>
    %add3A_31 = arith.addf %dot_general3A_26, %add3A_30 : vector<2048x32xf32>
    %max3A_32 = arith.constant 0.000000e+00 : f32
    %max3A_33 = vector.broadcast %max3A_32 : f32 to vector<2048x32xf32>
    %max3A_34 = arith.maximumf %add3A_31, %max3A_33 : vector<2048x32xf32>
    %get3A_35 = arith.constant 0 : index
    %get3A_36 = arith.constant 0 : index
    %get3A_37 = vector.load %arg7[%get3A_35, %get3A_36] : memref<32x1xf32, #tpu.memory_space<vmem>>, vector<32x1xf32>
    %dot_general3A_38 = arith.constant dense<0.000000e+00> : vector<1x2048xf32>
    %dot_general3A_39 = tpu.matmul %get3A_37, %max3A_34, %dot_general3A_38 {dimension_numbers = #tpu.dot_dimension_numbers<[0], [1], [1], [0], [0, 1, 1, 0], [], []>, transpose_lhs_hint = false} : vector<32x1xf32>, vector<2048x32xf32>, vector<1x2048xf32> -> vector<1x2048xf32>
    %get3A_40 = arith.constant 0 : index
    %get3A_41 = arith.constant 0 : index
    %get3A_42 = vector.load %arg8[%get3A_40, %get3A_41] : memref<1x1xf32, #tpu.memory_space<vmem>>, vector<1x1xf32>
    %add3A_43 = vector.broadcast %get3A_42 : vector<1x1xf32> to vector<1x2048xf32>
    %add3A_44 = arith.addf %dot_general3A_39, %add3A_43 : vector<1x2048xf32>
    %max3A_45 = arith.constant 0.000000e+00 : f32
    %max3A_46 = vector.broadcast %max3A_45 : f32 to vector<1x2048xf32>
    %max3A_47 = arith.maximumf %add3A_44, %max3A_46 : vector<1x2048xf32>
    %broadcast_in_dim3A = vector.shape_cast %max3A_47 : vector<1x2048xf32> to vector<1x1x2048xf32>
    %swap3A = arith.constant 0 : index
    %swap3A_48 = arith.constant 0 : index
    %swap3A_49 = arith.constant 0 : index
    %swap3A_50 = vector.load %arg9[%swap3A, %swap3A_48, %swap3A_49] : memref<1x1x2048xf32, #tpu.memory_space<vmem>>, vector<1x1x2048xf32>
    tpu.vector_store %arg9[%swap3A, %swap3A_48, %swap3A_49], %broadcast_in_dim3A {strides = array<i32>} : memref<1x1x2048xf32, #tpu.memory_space<vmem>>, vector<1x1x2048xf32>,
    return
  }
  func.func @transform_0(%arg0: i32) -> (i32, i32) {
    %c0_i32 = arith.constant 0 : i32
    %c0_i32_0 = arith.constant 0 : i32
    return %arg0, %c0_i32 : i32, i32
  }
  func.func @transform_1(%arg0: i32) -> (i32, i32) {
    %c0_i32 = arith.constant 0 : i32
    %c0_i32_0 = arith.constant 0 : i32
    return %arg0, %c0_i32 : i32, i32
  }
  func.func @transform_2(%arg0: i32) -> (i32, i32) {
    %c0_i32 = arith.constant 0 : i32
    %c0_i32_0 = arith.constant 0 : i32
    %c0_i32_1 = arith.constant 0 : i32
    return %c0_i32, %c0_i32_0 : i32, i32
  }
  func.func @transform_3(%arg0: i32) -> (i32, i32) {
    %c0_i32 = arith.constant 0 : i32
    %c0_i32_0 = arith.constant 0 : i32
    %c0_i32_1 = arith.constant 0 : i32
    return %c0_i32, %c0_i32_0 : i32, i32
  }
  func.func @transform_4(%arg0: i32) -> (i32, i32) {
    %c0_i32 = arith.constant 0 : i32
    %c0_i32_0 = arith.constant 0 : i32
    %c0_i32_1 = arith.constant 0 : i32
    return %c0_i32, %c0_i32_0 : i32, i32
  }
  func.func @transform_5(%arg0: i32) -> (i32, i32) {
    %c0_i32 = arith.constant 0 : i32
    %c0_i32_0 = arith.constant 0 : i32
    %c0_i32_1 = arith.constant 0 : i32
    return %c0_i32, %c0_i32_0 : i32, i32
  }
  func.func @transform_6(%arg0: i32) -> (i32, i32) {
    %c0_i32 = arith.constant 0 : i32
    %c0_i32_0 = arith.constant 0 : i32
    %c0_i32_1 = arith.constant 0 : i32
    return %c0_i32, %c0_i32_0 : i32, i32
  }
  func.func @transform_7(%arg0: i32) -> (i32, i32) {
    %c0_i32 = arith.constant 0 : i32
    %c0_i32_0 = arith.constant 0 : i32
    %c0_i32_1 = arith.constant 0 : i32
    return %c0_i32, %c0_i32_0 : i32, i32
  }
  func.func @transform_8(%arg0: i32) -> (i32, i32, i32) {
    %c0_i32 = arith.constant 0 : i32
    %c0_i32_0 = arith.constant 0 : i32
    %c0_i32_1 = arith.constant 0 : i32
    return %arg0, %c0_i32, %c0_i32_0 : i32, i32, i32
  }
}

</mosaic_0001>

<sc_bundles>
// kernel: kernel.4.cloned.1.call-start
scs
__scs_entry_jumppad:
0x0: {  	(pc) =	sbr.rel $0x88, $3  }
0x1: {  	(tag) =	ssettag $0x0;
	lr =	simm.s32 $0x1  }
0x2: {  	[smem:$0x3F97] =	sst lr;
	_ =	strace $0xD0000000  }
0x3: {  	_ = 	snop  }
0x4: {  	_ = 	snop  }
0x5: {  	_ = 	snop  }
0x6: {  	_ = 	snop  }
0x7: {  	_ = 	snop  }
__scs_overlays_trampoline_lowered:
0x8: {  	[smem:$0x3FA6] =	sst s0  }
0x9: {  	[smem:$0x3FA7] =	sst s1  }
0xa: {  	[smem:$0x3FA8] =	sst s2  }
0xb: {  	[smem:$0x3FA9] =	sst s3  }
0xc: {  	[smem:$0x3FAA] =	sst s4  }
0xd: {  	[smem:$0x3FAB] =	sst s5  }
0xe: {  	[smem:$0x3FAC] =	sst s6  }
0xf: {  	[smem:$0x3FAD] =	sst s7  }
0x10: {  	[smem:$0x3FAE] =	sst s8  }
0x11: {  	[smem:$0x3FAF] =	sst s9;
	s0 =	simm.s32 @!p0 $0x0  }
0x12: {  	s1 =	sld [smem:$0x3F95];
	s0 =	simm.s32 @p0 $0x1  }
0x13: {  	[smem:$0x3FB0] =	sst s0;
	s0 =	simm.s32 @!p1 $0x0  }
0x14: {  	s2 =	sld [smem:$0x3F94];
	s0 =	simm.s32 @p1 $0x1  }
0x15: {  	[smem:$0x3FB1] =	sst s0;
	s0 =	simm.s32 @!p2 $0x0  }
0x16: {  	s3 =	sld [smem:$0x3FDB];
	s0 =	simm.s32 @p2 $0x1  }
0x17: {  	s4 =	simm.s32 $0x1BF5;
	[smem:$0x3FB3] =	sst s0  }
0x18: {  	s0 =	sld [smem:$0x3F96];
	_ =	swait.ge [sflag:s4], $0x0  }
0x19: {  	s7 =	sld [smem:$0x3F97]  }
0x1a: {  	s8 =	sadd.s32 $0xFFFFE003, lr  }
0x1b: {  	s9 =	sadd.s32 $0xFFFFFEF7, lr;
	s5 =	simm.s32 $0xFFFFFFFF;
	p2 =	slt.u32 s8, $0xFFFFF086  }
0x1c: {  	p1 =	slt.u32 s9, $0xF7A;
	s5 =	simm.s32 @!p2 $0x0  }
0x1d: {  	s5 =	simm.s32 @p1 $0x1;
	p0 =	seq.s32 s7, s2  }
0x1e: {  	s7 =	smul.u32 @!p0 $0xF7A, s2;
	p2 =	seq.s32 @!p0 s5, $0x0  }
0x1f: {  	s9 =	smul.u32 $0xF7A, s1;
	s8 =	simm.s32 @!p0 $0x1BF5;
	p2 =	por !p2, p0  }
0x20: {  	[sflag:s8] =	ssyncset.s32 @!p0 $0xFFFFF086;
	s6 =	sadd.s32 @!p0 s3, s7;
	s7 =	simm.s32 @!p0 $0x108  }
0x21: {  	s3 =	sadd.s32 s3, s9;
	s6 =	sadd.s32 @!p0 $0x88, s6;
	s7 =	simm.s32 @p2 $0x1082  }
0x22: {  	[simem:s7], [sflag:s8] =	dma.local @!p0 [hbm:s6], $0xF7A  }
0x23: {  	s9 =	sor.u32 $0xD0000000, s2;
	s6 =	simm.s32 $0x108;
	_ =	swait.ge @!p0 [sflag:s8], $0x0  }
0x24: {  	s3 =	sadd.s32 $0x88, s3;
	s6 =	simm.s32 @!p1 $0x1082;
	[sflag:s4] =	ssyncset.s32 $0xFFFFF086  }
0x25: {  	[simem:s6], [sflag:s4] =	dma.local [hbm:s3], $0xF7A  }
0x26: {  	[smem:$0x3F97] =	sst s1;
	(tag) =	ssettag s2;
	_ =	strace s9  }
0x27: {  	s1 =	sld [smem:$0x3FA7]  }
0x28: {  	s2 =	sld [smem:$0x3FA8]  }
0x29: {  	s4 =	sld [smem:$0x3FAA]  }
0x2a: {  	p0 =	seq.s32 s5, $0x0;
	s5 =	sld [smem:$0x3FAB]  }
0x2b: {  	s6 =	sld [smem:$0x3FAC]  }
0x2c: {  	s7 =	sld [smem:$0x3FAD]  }
0x2d: {  	s3 =	simm.s32 $0x108;
	s8 =	sld [smem:$0x3FAE]  }
0x2e: {  	s3 =	simm.s32 @!p0 $0x1082;
	s9 =	sld [smem:$0x3FAF]  }
0x2f: {  	lr =	sadd.s32 s0, s3;
	s0 =	sld [smem:$0x3FA6]  }
0x30: {  	s3 =	sld [smem:$0x3FA9]  }
0x31: {  	[smem:$0x3FB2] =	sst s10  }
0x32: {  	s10 =	sld [smem:$0x3FB0];
	_ =	sdelay $0x3  }
0x33: {  	p0 =	seq.s32 s10, $0x1;
	s10 =	sld [smem:$0x3FB2];
	_ =	sdelay $0x3  }
0x34: {  	[smem:$0x3FB2] =	sst s10  }
0x35: {  	s10 =	sld [smem:$0x3FB1];
	_ =	sdelay $0x3  }
0x36: {  	p1 =	seq.s32 s10, $0x1;
	s10 =	sld [smem:$0x3FB2];
	_ =	sdelay $0x3  }
0x37: {  	[smem:$0x3FB2] =	sst s10  }
0x38: {  	s10 =	sld [smem:$0x3FB3]  }
0x39: {  	_ = 	snop;
	(pc) =	sbr.ind lr, $3  }
0x3a: {  	_ = 	snop  }
0x3b: {  	_ = 	snop  }
0x3c: {  	p2 =	seq.s32 s10, $0x1;
	s10 =	sld [smem:$0x3FB2]  }
0x3d: {  	_ =	shalt  }
0x3e: {  	_ =	shalt  }
0x3f: {  	_ =	shalt  }
0x40: {  	_ =	shalt  }
0x41: {  	_ =	shalt  }
0x42: {  	_ =	shalt  }
0x43: {  	_ =	shalt  }
0x44: {  	_ =	shalt  }
0x45: {  	_ =	shalt  }
0x46: {  	_ =	shalt  }
0x47: {  	_ =	shalt  }
0x48: {  	_ =	shalt  }
0x49: {  	_ =	shalt  }
0x4a: {  	_ =	shalt  }
0x4b: {  	_ =	shalt  }
0x4c: {  	_ =	shalt  }
0x4d: {  	_ =	shalt  }
0x4e: {  	_ =	shalt  }
0x4f: {  	_ =	shalt  }
0x50: {  	_ =	shalt  }
0x51: {  	_ =	shalt  }
0x52: {  	_ =	shalt  }
0x53: {  	_ =	shalt  }
0x54: {  	_ =	shalt  }
0x55: {  	_ =	shalt  }
0x56: {  	_ =	shalt  }
0x57: {  	_ =	shalt  }
0x58: {  	_ =	shalt  }
0x59: {  	_ =	shalt  }
0x5a: {  	_ =	shalt  }
0x5b: {  	_ =	shalt  }
0x5c: {  	_ =	shalt  }
0x5d: {  	_ =	shalt  }
0x5e: {  	_ =	shalt  }
0x5f: {  	_ =	shalt  }
0x60: {  	_ =	shalt  }
0x61: {  	_ =	shalt  }
0x62: {  	_ =	shalt  }
0x63: {  	_ =	shalt  }
0x64: {  	_ =	shalt  }
0x65: {  	_ =	shalt  }
0x66: {  	_ =	shalt  }
0x67: {  	_ =	shalt  }
0x68: {  	_ =	shalt  }
0x69: {  	_ =	shalt  }
0x6a: {  	_ =	shalt  }
0x6b: {  	_ =	shalt  }
0x6c: {  	_ =	shalt  }
0x6d: {  	_ =	shalt  }
0x6e: {  	_ =	shalt  }
0x6f: {  	_ =	shalt  }
0x70: {  	_ =	shalt  }
0x71: {  	_ =	shalt  }
0x72: {  	_ =	shalt  }
0x73: {  	_ =	shalt  }
0x74: {  	_ =	shalt  }
0x75: {  	_ =	shalt  }
0x76: {  	_ =	shalt  }
0x77: {  	_ =	shalt  }
0x78: {  	_ =	shalt  }
0x79: {  	_ =	shalt  }
0x7a: {  	_ =	shalt  }
0x7b: {  	_ =	shalt  }
0x7c: {  	_ =	shalt  }
0x7d: {  	_ =	shalt  }
0x7e: {  	_ =	shalt  }
0x7f: {  	_ =	shalt  }
0x80: {  	_ =	shalt  }
0x81: {  	_ =	shalt  }
0x82: {  	_ =	shalt  }
0x83: {  	_ =	shalt  }
0x84: {  	_ =	shalt  }
0x85: {  	_ =	shalt  }
0x86: {  	_ =	shalt  }
0x87: {  	_ =	shalt  }
.Lfunc_end0:
.L_simem_size_0:
called_computation_lowered:
.L_overlay_start_0:
0x88: {  	s2 =	sld [smem:$0x3FD9]  }
0x89: {  	s3 =	sld [smem:$0x3FFE];
	_ =	sdelay $0x1  }
0x8a: {  	s1 =	srdreg.scid  }
0x8b: {  	s0 =	sand.u32 $0x1, s1  }
0x8c: {  	s17 =	sshll.u32 s0, $0xA;
	s2 =	sadd.s32 s3, s2  }
0x8d: {  	s2 =	sadd.s32 s2, s17  }
0x8e: {  	[smem:$0x3FBE] =	sst s2  }
0x8f: {  	_ = 	snop  }
0x90: {  	s2 =	sld [smem:$0x3FC9]  }
0x91: {  	s18 =	sld [smem:$0x3FC8]  }
0x92: {  	s4 =	sld [smem:$0x3FC7]  }
0x93: {  	s5 =	sld [smem:$0x3FC6];
	(tm) =	ssettm $0x1  }
0x94: {  	s6 =	sld [smem:$0x3FFB];
	_ =	sdelay $0x3  }
0x95: {  	_ =	strace s6  }
0x96: {  	s6 =	sld [smem:$0x3FFC];
	_ =	sdelay $0x3  }
0x97: {  	_ =	strace s6  }
0x98: {  	s6 =	sld [smem:$0x3FFD];
	_ =	sdelay $0x3  }
0x99: {  	_ =	strace s6  }
0x9a: {  	_ =	strace $0x8FFFFFFF  }
0x9b: {  	s19 =	sld [smem:$0x3FDB];
	_ =	sdelay $0x1  }
0x9c: {  	s7 =	simm.s32 $_scs_section_size  }
0x9d: {  	s8 =	simm.s32 $_size__tile_overlayer_lowered;
	s9 =	simm.s32 $_tile_overlayer_lowered  }
0x9e: {  	s22 =	simm.s32 $0x1BFF;
	s21 =	sshll.u32 s9, $0x1;
	s6 =	sadd.s32 s7, s19  }
0x9f: {  	s10 =	simm.s32 $0x0;
	s20 =	sshll.u32 s8, $0x1;
	s8 =	sadd.s32 s21, s6  }
0xa0: {  	[timem:s10], [sflag:s22] =	dma.local [hbm:s8], s20  }
0xa1: {  	_ =	swait.ge [sflag:s22], s20  }
0xa2: {  	s7 =	ssub.s32 $0x0, s20;
	[sflag:s22] =	ssyncset.done $0x0  }
0xa3: {  	[sflag:s22] =	ssyncadd.s32 s7;
	_ =	sdelay $0x1  }
0xa4: {  	s23 =	simm.s32 $0x1B8B  }
0xa5: {  	_ =	swait.ge [sflag:s23], $0x1  }
0xa6: {  	[sflag:s23] =	ssyncset.done $0x0  }
0xa7: {  	s25 =	simm.s32 $0x1B8E;
	s24 =	sld [smem:$0x3FFE];
	[sflag:s23] =	ssyncadd.s32 $0xFFFFFFFF  }
0xa8: {  	s26 =	simm.s32 $execute0_lowered;
	[smem:$0x3FD2] =	sst s25  }
0xa9: {  	s8 =	sshll.u32 s26, $0x1;
	_ =	strace $0x80000046;
	[dreg:$0x1] =	wrdreg $0xFFFFFFFF  }
0xaa: {  	s28 =	simm.s32 $_size_execute0_lowered;
	s6 =	sadd.s32 s6, s8;
	[dreg:$0x0] =	wrdreg $0x0  }
0xab: {  	s8 =	sshll.u32 s28, $0x1;
	[dreg:$0x2] =	wrdreg s6  }
0xac: {  	[dreg:$0x3] =	wrdreg s8  }
0xad: {  	[dreg:$0x4] =	wrdreg $0xC0  }
0xae: {  	_ =	task [dreg:s10], $0x5FFFF  }
0xaf: {  	[dreg:$0x1] =	wrdreg $0xFFFFFFFF  }
0xb0: {  	[dreg:$0x0] =	wrdreg $0x60  }
0xb1: {  	[dreg:$0x2] =	wrdreg s2  }
0xb2: {  	[dreg:$0x3] =	wrdreg s18  }
0xb3: {  	[dreg:$0x4] =	wrdreg s4  }
0xb4: {  	[dreg:$0x5] =	wrdreg s5  }
0xb5: {  	[dreg:$0x6] =	wrdreg s24  }
0xb6: {  	[dreg:$0x7] =	wrdreg $0x9  }
0xb7: {  	_ =	task.clear_ibuf [dreg:s10], $0x8FFFF;
	_ =	strace $0x90000046  }
0xb8: {  	s29 =	simm.s32 $0x9;
	_ =	strace $0x80000048  }
0xb9: {  	_ =	swait.ge [sflag:s29], $0x1  }
0xba: {  	[sflag:s29] =	ssyncadd.s32 $0xFFFFFFFF  }
0xbb: {  	_ =	strace $0x90000048  }
0xbc: {  	_ =	sfence  }
0xbd: {  	s30 =	sld [smem:$0x0];
	_ =	sdelay $0x2  }
0xbe: {  	s31 =	sshll.u32 s1, $0xD;
	s1 =	sshrl.u32 s1, $0x2  }
0xbf: {  	s3 =	sand.u32 $0x4000, s31;
	s1 =	sadd.s32 s1, s30  }
0xc0: {  	s0 =	sor.u32 s3, s0;
	s1 =	sshll.u32 s1, $0x11  }
0xc1: {  	s0 =	sor.u32 s1, s0  }
0xc2: {  	s0 =	sadd.s32 $0x8F2B, s0  }
0xc3: {  	[sflag:s0] =	ssyncadd.remote.s32 $0x1  }
0xc4: {  	_ =	sfence.sel $0xFFFF  }
0xc5: {  	[dreg:$0x0] =	wrdreg $0xFFFFFFFF;
	(pc) =	sbr.abs _section_cstart, $3  }
0xc6: {  	[dreg:$0x1] =	wrdreg $0xFFFFFFFF  }
0xc7: {  	_ =	task.clear_ibuf [dreg:s10], $0x2FFFF;
	_ =	strace $0x9FFFFFFF  }
0xc8: {  	(tm) =	ssettm $0x7FFFFFFF  }
0xc9: {  	_ =	shalt  }
tec
execute0_lowered:
.L_overlay_start_1:
0x0: {  	(tag) =	ssettag $0x1  }
0x1: {  	s0 =	rddreg [dreg:$0x0]  }
0x2: {  	s3 =	rddreg [dreg:$0x1]  }
0x3: {  	s1 =	rddreg [dreg:$0x2]  }
0x4: {  	s2 =	rddreg [dreg:$0x3]  }
0x5: {  	s5 =	rddreg [dreg:$0x4]  }
0x6: {  	s4 =	simm.s32 $0x0;
	s6 =	srdreg.scid;
	s8 =	stileid.u32  }
0x7: {  	s30 =	simm.s32 $0x3;
	s28 =	simm.s32 $0x4;
	s29 =	simm.s32 $0x2  }
0x8: {  	s31 =	simm.s32 $0x0;
	[smem:$0x7FF] =	sst s4;
	s6 =	sand.u32 $0x1, s6  }
0x9: {  	s8 =	sshll.u32 s8, $0x1;
	s16 =	sadd.s32 $0x1600, s5;
	s5 =	sadd.s32 $0x21600, s5  }
0xa: {  	_ =	strace $0x80000047;
	s7 =	ssub.s32 $0x2, s6;
	s6 =	sor.u32 s6, s8  }
0xb: {  	s9 =	sshrl.u32 s7, $0x1;
	s22 =	sshll.u32 s6, $0x6;
	s25 =	sshll.u32 s6, $0xC  }
0xc: {  	s21 =	ssub.s32 s7, s9;
	s23 =	sadd.s32 s0, s22;
	s10 =	sor.u32 $0x10, s22  }
0xd: {  	s11 =	sor.u32 $0x20, s22;
	s12 =	sor.u32 $0x30, s22;
	s9 =	sadd.s32 s3, s22  }
0xe: {  	s13 =	sadd.s32 s16, s25;
	s26 =	sor.u32 $0x400, s25;
	s6 =	sor.u32 $0x800, s25  }
0xf: {  	s20 =	sor.u32 $0xC00, s25;
	s17 =	sadd.s32 s5, s25;
	s22 =	simm.s32 $0x80  }
0x10: {  	s25 =	simm.s32 $0x10400;
	[dreg:$0x6] =	wrdreg s23;
	s24 =	sadd.s32 s0, s10  }
0x11: {  	s7 =	sadd.s32 s0, s11;
	s8 =	sadd.s32 s0, s12;
	s10 =	sadd.s32 s3, s10  }
0x12: {  	s11 =	sadd.s32 s3, s11;
	s12 =	sadd.s32 s3, s12;
	s14 =	sadd.s32 s16, s26  }
0x13: {  	s15 =	sadd.s32 s16, s6;
	s16 =	sadd.s32 s16, s20;
	s18 =	sadd.s32 s5, s26  }
0x14: {  	s19 =	sadd.s32 s5, s6;
	s20 =	sadd.s32 s5, s20;
	s21 =	smax.u32 s21, $0x1  }
0x15: {  	s26 =	simm.s32 $0x12400;
	[dreg:$0x7] =	wrdreg s24;
	s24 =	simm.s32 $0x1  }
.LBB2_1:
0x16: {  	s0 =	rddreg [dreg:$0x6]  }
0x17: {  	[tilespmem:s4], [sflag:$0x3] =	stream.linear.gather [hbm4b:s0+s4], $0x80, $0x38;
	[tilespmem:$0x14400] =	vst v63  }
0x18: {  	s6 =	rddreg [dreg:$0x7]  }
0x19: {  	[tilespmem:s22], [sflag:$0x3] =	stream.linear.gather [hbm4b:s6+s4], $0x80, $0x38;
	[tilespmem:$0x14400] =	vst v63  }
0x1a: {  	s0 =	simm.s32 $0x100  }
0x1b: {  	[tilespmem:s0], [sflag:$0x3] =	stream.linear.gather [hbm4b:s7+s4], $0x80, $0x38;
	[tilespmem:$0x14400] =	vst v63  }
0x1c: {  	s3 =	simm.s32 $0x180  }
0x1d: {  	[tilespmem:s3], [sflag:$0x3] =	stream.linear.gather [hbm4b:s8+s4], $0x80, $0x38;
	[tilespmem:$0x14400] =	vst v63  }
0x1e: {  	s5 =	simm.s32 $0x200  }
0x1f: {  	[tilespmem:s5], [sflag:$0x3] =	stream.linear.gather [hbm4b:s9+s4], $0x80, $0x38;
	[tilespmem:$0x14400] =	vst v63  }
0x20: {  	s23 =	simm.s32 $0x280  }
0x21: {  	[tilespmem:s23], [sflag:$0x3] =	stream.linear.gather [hbm4b:s10+s4], $0x80, $0x38;
	[tilespmem:$0x14400] =	vst v63  }
0x22: {  	s6 =	simm.s32 $0x300  }
0x23: {  	[tilespmem:s6], [sflag:$0x3] =	stream.linear.gather [hbm4b:s11+s4], $0x80, $0x38;
	[tilespmem:$0x14400] =	vst v63  }
0x24: {  	s23 =	simm.s32 $0x380  }
0x25: {  	[tilespmem:s23], [sflag:$0x3] =	stream.linear.gather [hbm4b:s12+s4], $0x80, $0x38;
	[tilespmem:$0x14400] =	vst v63  }
0x26: {  	_ =	swait.ge [sflag:s30], $0x80  }
0x27: {  	[sflag:s30] =	ssyncset.done $0x0  }
0x28: {  	[sflag:s30] =	ssyncadd.s32 $0xFFFFFF80  }
0x29: {  	_ =	swait.ge [sflag:s30], $0x80  }
0x2a: {  	[sflag:s30] =	ssyncset.done $0x0  }
0x2b: {  	[sflag:s30] =	ssyncadd.s32 $0xFFFFFF80  }
0x2c: {  	_ =	swait.ge [sflag:s30], $0x80  }
0x2d: {  	[sflag:s30] =	ssyncset.done $0x0  }
0x2e: {  	[sflag:s30] =	ssyncadd.s32 $0xFFFFFF80  }
0x2f: {  	_ =	swait.ge [sflag:s30], $0x80  }
0x30: {  	[sflag:s30] =	ssyncset.done $0x0  }
0x31: {  	[sflag:s30] =	ssyncadd.s32 $0xFFFFFF80  }
0x32: {  	_ =	swait.ge [sflag:s30], $0x80  }
0x33: {  	[sflag:s30] =	ssyncset.done $0x0  }
0x34: {  	[sflag:s30] =	ssyncadd.s32 $0xFFFFFF80  }
0x35: {  	_ =	swait.ge [sflag:s30], $0x80  }
0x36: {  	[sflag:s30] =	ssyncset.done $0x0  }
0x37: {  	[sflag:s30] =	ssyncadd.s32 $0xFFFFFF80  }
0x38: {  	_ =	swait.ge [sflag:s30], $0x80  }
0x39: {  	[sflag:s30] =	ssyncset.done $0x0  }
0x3a: {  	[sflag:s30] =	ssyncadd.s32 $0xFFFFFF80  }
0x3b: {  	_ =	swait.ge [sflag:s30], $0x80  }
0x3c: {  	[sflag:s30] =	ssyncset.done $0x0  }
0x3d: {  	s6 =	simm.s32 $0x400;
	[sflag:s30] =	ssyncadd.s32 $0xFFFFFF80  }
0x3e: {  	[tilespmem:s6], [sflag:$0x1] =	stream.indirect.gather [hbm4b:s1+s22], $0x80, s4, s22, $0xb8;
	[tilespmem:$0x14400] =	vst v63  }
0x3f: {  	s23 =	simm.s32 $0x4400  }
0x40: {  	[tilespmem:s23], [sflag:$0x1] =	stream.indirect.gather [hbm4b:s1+s22], $0x80, s22, s22, $0xb8;
	[tilespmem:$0x14400] =	vst v63  }
0x41: {  	s6 =	simm.s32 $0x8400  }
0x42: {  	[tilespmem:s6], [sflag:$0x1] =	stream.indirect.gather [hbm4b:s1+s22], $0x80, s0, s22, $0xb8;
	[tilespmem:$0x14400] =	vst v63  }
0x43: {  	s23 =	simm.s32 $0xC400  }
0x44: {  	[tilespmem:s23], [sflag:$0x1] =	stream.indirect.gather [hbm4b:s1+s22], $0x80, s3, s22, $0xb8;
	[tilespmem:$0x14400] =	vst v63  }
0x45: {  	_ =	swait.ge [sflag:s24], $0x4000  }
0x46: {  	[sflag:s24] =	ssyncset.done $0x0  }
0x47: {  	s0 =	simm.s32 $0x600;
	[sflag:s24] =	ssyncadd.s32 $0xFFFFC000  }
0x48: {  	v0 =	vld [tilespmem:s0+$0x100]  }
0x49: {  	v1 =	vld [tilespmem:s0+$0x180];
	_ =	sdelay $0x2  }
0x4a: {  	v2 =	vld [tilespmem:s0+$0xFFFFFF00]  }
0x4b: {  	v3 =	vld [tilespmem:s0+$0xFFFFFF80]  }
0x4c: {  	s3 =	simm.s32 $0x10500;
	v4 =	vld [tilespmem:s0+$0xFFFFFE80];
	v0 =	vpack.i.f32.bf16 v1, v0  }
0x4d: {  	v1 =	vld [tilespmem:s0+$0xFFFFFE00];
	[tilespmem:s3+$0x80] =	vst v0  }
0x4e: {  	v0 =	vld [tilespmem:s0+$0x110]  }
0x4f: {  	v5 =	vld [tilespmem:s0+$0x190]  }
0x50: {  	v6 =	vld [tilespmem:s0+$0x0];
	v2 =	vpack.i.f32.bf16 v3, v2  }
0x51: {  	v3 =	vld [tilespmem:s0+$0x80];
	[tilespmem:s3+$0xFFFFFF80] =	vst v2  }
0x52: {  	v2 =	vld [tilespmem:s0+$0xFFFFFF10];
	v1 =	vpack.i.f32.bf16 v4, v1  }
0x53: {  	v4 =	vld [tilespmem:s0+$0xFFFFFF90];
	[tilespmem:s3+$0xFFFFFF00] =	vst v1  }
0x54: {  	v1 =	vld [tilespmem:s0+$0xFFFFFE10];
	v0 =	vpack.i.f32.bf16 v5, v0  }
0x55: {  	v5 =	vld [tilespmem:s0+$0xFFFFFE90];
	[tilespmem:s3+$0x90] =	vst v0  }
0x56: {  	v0 =	vpack.i.f32.bf16 v3, v6;
	v3 =	vld [tilespmem:s0+$0x120]  }
0x57: {  	[tilespmem:s3+$0x0] =	vst v0;
	v0 =	vld [tilespmem:s0+$0x1A0]  }
0x58: {  	v6 =	vld [tilespmem:s0+$0x10];
	v2 =	vpack.i.f32.bf16 v4, v2  }
0x59: {  	[tilespmem:s3+$0xFFFFFF90] =	vst v2;
	v2 =	vld [tilespmem:s0+$0x90]  }
0x5a: {  	v4 =	vld [tilespmem:s0+$0xFFFFFF20];
	v1 =	vpack.i.f32.bf16 v5, v1  }
0x5b: {  	v5 =	vld [tilespmem:s0+$0xFFFFFFA0];
	[tilespmem:s3+$0xFFFFFF10] =	vst v1  }
0x5c: {  	v1 =	vld [tilespmem:s0+$0xFFFFFE20];
	v0 =	vpack.i.f32.bf16 v0, v3  }
0x5d: {  	v3 =	vld [tilespmem:s0+$0xFFFFFEA0];
	[tilespmem:s3+$0xA0] =	vst v0  }
0x5e: {  	v0 =	vpack.i.f32.bf16 v2, v6;
	v2 =	vld [tilespmem:s0+$0x130]  }
0x5f: {  	[tilespmem:s3+$0x10] =	vst v0;
	v0 =	vld [tilespmem:s0+$0x1B0]  }
0x60: {  	v4 =	vpack.i.f32.bf16 v5, v4;
	v5 =	vld [tilespmem:s0+$0x20]  }
0x61: {  	[tilespmem:s3+$0xFFFFFFA0] =	vst v4;
	v4 =	vld [tilespmem:s0+$0xA0]  }
0x62: {  	v1 =	vpack.i.f32.bf16 v3, v1;
	v3 =	vld [tilespmem:s0+$0xFFFFFF30]  }
0x63: {  	[tilespmem:s3+$0xFFFFFF20] =	vst v1;
	v1 =	vld [tilespmem:s0+$0xFFFFFFB0]  }
0x64: {  	v6 =	vld [tilespmem:s0+$0xFFFFFE30];
	v0 =	vpack.i.f32.bf16 v0, v2  }
0x65: {  	v2 =	vld [tilespmem:s0+$0xFFFFFEB0];
	[tilespmem:s3+$0xB0] =	vst v0  }
0x66: {  	v0 =	vpack.i.f32.bf16 v4, v5;
	v4 =	vld [tilespmem:s0+$0x140]  }
0x67: {  	[tilespmem:s3+$0x20] =	vst v0;
	v0 =	vld [tilespmem:s0+$0x1C0]  }
0x68: {  	v1 =	vpack.i.f32.bf16 v1, v3;
	v3 =	vld [tilespmem:s0+$0x30]  }
0x69: {  	[tilespmem:s3+$0xFFFFFFB0] =	vst v1;
	v1 =	vld [tilespmem:s0+$0xB0]  }
0x6a: {  	v2 =	vpack.i.f32.bf16 v2, v6;
	v5 =	vld [tilespmem:s0+$0xFFFFFF40]  }
0x6b: {  	[tilespmem:s3+$0xFFFFFF30] =	vst v2;
	v2 =	vld [tilespmem:s0+$0xFFFFFFC0]  }
0x6c: {  	v6 =	vld [tilespmem:s0+$0xFFFFFE40];
	v0 =	vpack.i.f32.bf16 v0, v4  }
0x6d: {  	v4 =	vld [tilespmem:s0+$0xFFFFFEC0];
	[tilespmem:s3+$0xC0] =	vst v0  }
0x6e: {  	v0 =	vpack.i.f32.bf16 v1, v3;
	v1 =	vld [tilespmem:s0+$0x150]  }
0x6f: {  	[tilespmem:s3+$0x30] =	vst v0;
	v0 =	vld [tilespmem:s0+$0x1D0]  }
0x70: {  	v2 =	vpack.i.f32.bf16 v2, v5;
	v3 =	vld [tilespmem:s0+$0x40]  }
0x71: {  	[tilespmem:s3+$0xFFFFFFC0] =	vst v2;
	v2 =	vld [tilespmem:s0+$0xC0]  }
0x72: {  	v4 =	vpack.i.f32.bf16 v4, v6;
	v5 =	vld [tilespmem:s0+$0xFFFFFF50]  }
0x73: {  	[tilespmem:s3+$0xFFFFFF40] =	vst v4;
	v4 =	vld [tilespmem:s0+$0xFFFFFFD0]  }
0x74: {  	v6 =	vld [tilespmem:s0+$0xFFFFFE50];
	v0 =	vpack.i.f32.bf16 v0, v1  }
0x75: {  	v1 =	vld [tilespmem:s0+$0xFFFFFED0];
	[tilespmem:s3+$0xD0] =	vst v0  }
0x76: {  	v0 =	vpack.i.f32.bf16 v2, v3;
	v2 =	vld [tilespmem:s0+$0x160]  }
0x77: {  	[tilespmem:s3+$0x40] =	vst v0;
	v0 =	vld [tilespmem:s0+$0x1E0]  }
0x78: {  	v3 =	vpack.i.f32.bf16 v4, v5;
	v4 =	vld [tilespmem:s0+$0x50]  }
0x79: {  	[tilespmem:s3+$0xFFFFFFD0] =	vst v3;
	v3 =	vld [tilespmem:s0+$0xD0]  }
0x7a: {  	v1 =	vpack.i.f32.bf16 v1, v6;
	v5 =	vld [tilespmem:s0+$0xFFFFFF60]  }
0x7b: {  	[tilespmem:s3+$0xFFFFFF50] =	vst v1;
	v1 =	vld [tilespmem:s0+$0xFFFFFFE0]  }
0x7c: {  	v6 =	vld [tilespmem:s0+$0xFFFFFE60];
	v0 =	vpack.i.f32.bf16 v0, v2  }
0x7d: {  	v2 =	vld [tilespmem:s0+$0xFFFFFEE0];
	[tilespmem:s3+$0xE0] =	vst v0  }
0x7e: {  	v0 =	vpack.i.f32.bf16 v3, v4;
	v7 =	vld [tilespmem:s0+$0x170]  }
0x7f: {  	[tilespmem:s3+$0x50] =	vst v0;
	v8 =	vld [tilespmem:s0+$0x1F0]  }
0x80: {  	v1 =	vpack.i.f32.bf16 v1, v5;
	v0 =	vld [tilespmem:s0+$0x60]  }
0x81: {  	v3 =	vld [tilespmem:s0+$0xE0];
	[tilespmem:s3+$0xFFFFFFE0] =	vst v1  }
0x82: {  	v2 =	vpack.i.f32.bf16 v2, v6;
	v1 =	vld [tilespmem:s0+$0xFFFFFF70]  }
0x83: {  	v4 =	vld [tilespmem:s0+$0xFFFFFFF0];
	[tilespmem:s3+$0xFFFFFF60] =	vst v2  }
0x84: {  	v2 =	vld [tilespmem:s0+$0xFFFFFE70];
	v6 =	vpack.i.f32.bf16 v8, v7  }
0x85: {  	s5 =	simm.s32 $0x0;
	s6 =	simm.s32 $0xA00;
	s23 =	simm.s32 $0x10500;
	v5 =	vld [tilespmem:s0+$0xFFFFFEF0];
	[tilespmem:s3+$0xF0] =	vst v6  }
.LBB2_2:
0x86: {  	v6 =	vld [tilespmem:s6+$0x100];
	v0 =	vpack.i.f32.bf16 v3, v0  }
0x87: {  	v3 =	vld [tilespmem:s6+$0x180];
	[tilespmem:s3+$0x60] =	vst v0  }
0x88: {  	v0 =	vld [tilespmem:s6+$0xFFFFFE80];
	v1 =	vpack.i.f32.bf16 v4, v1  }
0x89: {  	v4 =	vld [tilespmem:s6+$0xFFFFFF00];
	[tilespmem:s3+$0xFFFFFFF0] =	vst v1  }
0x8a: {  	v1 =	vld [tilespmem:s6+$0xFFFFFF80];
	v2 =	vpack.i.f32.bf16 v5, v2  }
0x8b: {  	v5 =	vld [tilespmem:s6+$0x0];
	[tilespmem:s3+$0xFFFFFF70] =	vst v2  }
0x8c: {  	s3 =	sadd.s32 $0x200, s3;
	v2 =	vld [tilespmem:s6+$0x80];
	v3 =	vpack.i.f32.bf16 v3, v6  }
0x8d: {  	v6 =	vld [tilespmem:s6+$0xFFFFFE00];
	[tilespmem:s3+$0x80] =	vst v3  }
0x8e: {  	s5 =	sadd.s32 $0x4, s5;
	v3 =	vld [tilespmem:s6+$0x110]  }
0x8f: {  	p0 =	slt.u32 s5, $0x3C;
	v1 =	vpack.i.f32.bf16 v1, v4;
	v4 =	vld [tilespmem:s6+$0x190]  }
0x90: {  	[tilespmem:s3+$0xFFFFFF80] =	vst v1;
	v1 =	vld [tilespmem:s0+$0x70]  }
0x91: {  	v7 =	vld [tilespmem:s6+$0xFFFFFF10];
	v2 =	vpack.i.f32.bf16 v2, v5  }
0x92: {  	v0 =	vpack.i.f32.bf16 v0, v6;
	v5 =	vld [tilespmem:s6+$0xFFFFFF90];
	[tilespmem:s3+$0x0] =	vst v2  }
0x93: {  	[tilespmem:s3+$0xFFFFFF00] =	vst v0;
	v0 =	vld [tilespmem:s6+$0x10]  }
0x94: {  	v2 =	vld [tilespmem:s6+$0xFFFFFE10];
	v3 =	vpack.i.f32.bf16 v4, v3  }
0x95: {  	v4 =	vld [tilespmem:s6+$0xFFFFFE90];
	[tilespmem:s3+$0x90] =	vst v3  }
0x96: {  	v3 =	vld [tilespmem:s6+$0x120]  }
0x97: {  	v5 =	vpack.i.f32.bf16 v5, v7;
	v6 =	vld [tilespmem:s6+$0x1A0]  }
0x98: {  	[tilespmem:s3+$0xFFFFFF90] =	vst v5;
	v5 =	vld [tilespmem:s6+$0x90]  }
0x99: {  	v7 =	vld [tilespmem:s6+$0xFFFFFF20]  }
0x9a: {  	v2 =	vpack.i.f32.bf16 v4, v2;
	v4 =	vld [tilespmem:s6+$0xFFFFFFA0]  }
0x9b: {  	[tilespmem:s3+$0xFFFFFF10] =	vst v2;
	v2 =	vld [tilespmem:s0+$0xF0];
	s0 =	smov.u32 s6  }
0x9c: {  	v8 =	vld [tilespmem:s6+$0xFFFFFE20];
	v3 =	vpack.i.f32.bf16 v6, v3  }
0x9d: {  	v6 =	vld [tilespmem:s6+$0xFFFFFEA0];
	v0 =	vpack.i.f32.bf16 v5, v0;
	[tilespmem:s3+$0xA0] =	vst v3  }
0x9e: {  	[tilespmem:s3+$0x10] =	vst v0;
	v0 =	vld [tilespmem:s6+$0x130]  }
0x9f: {  	v3 =	vpack.i.f32.bf16 v4, v7;
	v4 =	vld [tilespmem:s6+$0x1B0]  }
0xa0: {  	[tilespmem:s3+$0xFFFFFFA0] =	vst v3;
	v3 =	vld [tilespmem:s6+$0x20];
	v1 =	vpack.i.f32.bf16 v2, v1  }
0xa1: {  	v2 =	vld [tilespmem:s6+$0xA0];
	[tilespmem:s23+$0x70] =	vst v1;
	s23 =	smov.u32 s3  }
0xa2: {  	v1 =	vpack.i.f32.bf16 v6, v8;
	v5 =	vld [tilespmem:s6+$0xFFFFFF30]  }
0xa3: {  	[tilespmem:s3+$0xFFFFFF20] =	vst v1;
	v1 =	vld [tilespmem:s6+$0xFFFFFFB0]  }
0xa4: {  	v6 =	vld [tilespmem:s6+$0xFFFFFE30];
	v0 =	vpack.i.f32.bf16 v4, v0  }
0xa5: {  	v4 =	vld [tilespmem:s6+$0xFFFFFEB0];
	[tilespmem:s3+$0xB0] =	vst v0  }
0xa6: {  	v0 =	vpack.i.f32.bf16 v2, v3;
	v2 =	vld [tilespmem:s6+$0x140]  }
0xa7: {  	[tilespmem:s3+$0x20] =	vst v0;
	v0 =	vld [tilespmem:s6+$0x1C0]  }
0xa8: {  	v1 =	vpack.i.f32.bf16 v1, v5;
	v3 =	vld [tilespmem:s6+$0x30]  }
0xa9: {  	[tilespmem:s3+$0xFFFFFFB0] =	vst v1;
	v1 =	vld [tilespmem:s6+$0xB0]  }
0xaa: {  	v4 =	vpack.i.f32.bf16 v4, v6;
	v5 =	vld [tilespmem:s6+$0xFFFFFF40]  }
0xab: {  	[tilespmem:s3+$0xFFFFFF30] =	vst v4;
	v4 =	vld [tilespmem:s6+$0xFFFFFFC0]  }
0xac: {  	v6 =	vld [tilespmem:s6+$0xFFFFFE40];
	v0 =	vpack.i.f32.bf16 v0, v2  }
0xad: {  	v2 =	vld [tilespmem:s6+$0xFFFFFEC0];
	[tilespmem:s3+$0xC0] =	vst v0  }
0xae: {  	v0 =	vpack.i.f32.bf16 v1, v3;
	v1 =	vld [tilespmem:s6+$0x150]  }
0xaf: {  	[tilespmem:s3+$0x30] =	vst v0;
	v0 =	vld [tilespmem:s6+$0x1D0]  }
0xb0: {  	v3 =	vpack.i.f32.bf16 v4, v5;
	v4 =	vld [tilespmem:s6+$0x40]  }
0xb1: {  	[tilespmem:s3+$0xFFFFFFC0] =	vst v3;
	v3 =	vld [tilespmem:s6+$0xC0]  }
0xb2: {  	v2 =	vpack.i.f32.bf16 v2, v6;
	v5 =	vld [tilespmem:s6+$0xFFFFFF50]  }
0xb3: {  	[tilespmem:s3+$0xFFFFFF40] =	vst v2;
	v2 =	vld [tilespmem:s6+$0xFFFFFFD0]  }
0xb4: {  	v6 =	vld [tilespmem:s6+$0xFFFFFE50];
	v0 =	vpack.i.f32.bf16 v0, v1  }
0xb5: {  	v1 =	vld [tilespmem:s6+$0xFFFFFED0];
	[tilespmem:s3+$0xD0] =	vst v0  }
0xb6: {  	v0 =	vpack.i.f32.bf16 v3, v4;
	v3 =	vld [tilespmem:s6+$0x160]  }
0xb7: {  	[tilespmem:s3+$0x40] =	vst v0;
	v0 =	vld [tilespmem:s6+$0x1E0]  }
0xb8: {  	v2 =	vpack.i.f32.bf16 v2, v5;
	v4 =	vld [tilespmem:s6+$0x50]  }
0xb9: {  	[tilespmem:s3+$0xFFFFFFD0] =	vst v2;
	v2 =	vld [tilespmem:s6+$0xD0]  }
0xba: {  	v1 =	vpack.i.f32.bf16 v1, v6;
	v5 =	vld [tilespmem:s6+$0xFFFFFF60]  }
0xbb: {  	[tilespmem:s3+$0xFFFFFF50] =	vst v1;
	v1 =	vld [tilespmem:s6+$0xFFFFFFE0]  }
0xbc: {  	v6 =	vld [tilespmem:s6+$0xFFFFFE60];
	v0 =	vpack.i.f32.bf16 v0, v3  }
0xbd: {  	v7 =	vld [tilespmem:s6+$0xFFFFFEE0];
	[tilespmem:s3+$0xE0] =	vst v0  }
0xbe: {  	v0 =	vpack.i.f32.bf16 v2, v4;
	v8 =	vld [tilespmem:s6+$0x170]  }
0xbf: {  	[tilespmem:s3+$0x50] =	vst v0;
	v9 =	vld [tilespmem:s6+$0x1F0]  }
0xc0: {  	v1 =	vpack.i.f32.bf16 v1, v5;
	v0 =	vld [tilespmem:s6+$0x60]  }
.Ltmp0:
0xc1: {  	[tilespmem:s3+$0xFFFFFFE0] =	vst v1;
	v3 =	vld [tilespmem:s6+$0xE0];
	(pc) =	sbr.rel @p0 .LBB2_2-.Ltmp0, $4  }
0xc2: {  	v2 =	vpack.i.f32.bf16 v7, v6;
	v1 =	vld [tilespmem:s6+$0xFFFFFF70]  }
0xc3: {  	[tilespmem:s3+$0xFFFFFF60] =	vst v2;
	v4 =	vld [tilespmem:s6+$0xFFFFFFF0]  }
0xc4: {  	v2 =	vld [tilespmem:s6+$0xFFFFFE70];
	v6 =	vpack.i.f32.bf16 v9, v8  }
0xc5: {  	s6 =	sadd.s32 $0x400, s6;
	v5 =	vld [tilespmem:s0+$0xFFFFFEF0];
	[tilespmem:s3+$0xF0] =	vst v6  }
0xc6: {  	v0 =	vpack.i.f32.bf16 v3, v0  }
0xc7: {  	[tilespmem:s3+$0x60] =	vst v0  }
0xc8: {  	v0 =	vld [tilespmem:s0+$0x70]  }
0xc9: {  	v3 =	vld [tilespmem:s0+$0xF0];
	_ =	sdelay $0x2  }
0xca: {  	v1 =	vpack.i.f32.bf16 v4, v1  }
0xcb: {  	[tilespmem:s3+$0xFFFFFFF0] =	vst v1;
	v1 =	vpack.i.f32.bf16 v5, v2  }
0xcc: {  	[tilespmem:s3+$0xFFFFFF70] =	vst v1;
	v0 =	vpack.i.f32.bf16 v3, v0  }
0xcd: {  	s6 =	simm.s32 $0x200;
	[tilespmem:s23+$0x70] =	vst v0;
	s23 =	simm.s32 $0x400  }
0xce: {  	[tilespmem:s23], [sflag:$0x2] =	stream.indirect.gather [hbm4b:s2+s22], $0x80, s6, s22, $0xb8;
	[tilespmem:$0x14400] =	vst v63  }
0xcf: {  	_ = 	snop  }
0xd0: {  	[hbm4b:s13+s4] =	stream.linear.scatter [tilespmem:s25], [sflag:$0x3], $0x2000, $0x38;
	[tilespmem:$0x14400] =	vst v63  }
0xd1: {  	_ =	swait.ge [sflag:s24], $0x4000  }
0xd2: {  	[sflag:s24] =	ssyncset.done $0x0  }
0xd3: {  	s0 =	simm.s32 $0x47F0;
	[sflag:s24] =	ssyncadd.s32 $0xFFFFC000  }
0xd4: {  	v0 =	vld [tilespmem:s0+$0xFFFFFF10]  }
0xd5: {  	v1 =	vld [tilespmem:s0+$0xFFFFFF90];
	_ =	sdelay $0x2  }
0xd6: {  	v2 =	vld [tilespmem:s0+$0xFFFFFD10]  }
0xd7: {  	v3 =	vld [tilespmem:s0+$0xFFFFFD90]  }
0xd8: {  	s3 =	simm.s32 $0x125F0;
	v4 =	vld [tilespmem:s0+$0xFFFFFC90];
	v0 =	vpack.i.f32.bf16 v1, v0  }
0xd9: {  	v1 =	vld [tilespmem:s0+$0xFFFFFC10];
	[tilespmem:s3+$0xFFFFFF90] =	vst v0  }
0xda: {  	v0 =	vld [tilespmem:s0+$0xFFFFFF20]  }
0xdb: {  	v5 =	vld [tilespmem:s0+$0xFFFFFFA0]  }
0xdc: {  	v6 =	vld [tilespmem:s0+$0xFFFFFE10];
	v2 =	vpack.i.f32.bf16 v3, v2  }
0xdd: {  	v3 =	vld [tilespmem:s0+$0xFFFFFE90];
	[tilespmem:s3+$0xFFFFFE90] =	vst v2  }
0xde: {  	v2 =	vld [tilespmem:s0+$0xFFFFFD20];
	v1 =	vpack.i.f32.bf16 v4, v1  }
0xdf: {  	v4 =	vld [tilespmem:s0+$0xFFFFFDA0];
	[tilespmem:s3+$0xFFFFFE10] =	vst v1  }
0xe0: {  	v1 =	vld [tilespmem:s0+$0xFFFFFC20];
	v0 =	vpack.i.f32.bf16 v5, v0  }
0xe1: {  	v5 =	vld [tilespmem:s0+$0xFFFFFCA0];
	[tilespmem:s3+$0xFFFFFFA0] =	vst v0  }
0xe2: {  	v0 =	vpack.i.f32.bf16 v3, v6;
	v3 =	vld [tilespmem:s0+$0xFFFFFF30]  }
0xe3: {  	[tilespmem:s3+$0xFFFFFF10] =	vst v0;
	v0 =	vld [tilespmem:s0+$0xFFFFFFB0]  }
0xe4: {  	v6 =	vld [tilespmem:s0+$0xFFFFFE20];
	v2 =	vpack.i.f32.bf16 v4, v2  }
0xe5: {  	[tilespmem:s3+$0xFFFFFEA0] =	vst v2;
	v2 =	vld [tilespmem:s0+$0xFFFFFEA0]  }
0xe6: {  	v4 =	vld [tilespmem:s0+$0xFFFFFD30];
	v1 =	vpack.i.f32.bf16 v5, v1  }
0xe7: {  	v5 =	vld [tilespmem:s0+$0xFFFFFDB0];
	[tilespmem:s3+$0xFFFFFE20] =	vst v1  }
0xe8: {  	v1 =	vld [tilespmem:s0+$0xFFFFFC30];
	v0 =	vpack.i.f32.bf16 v0, v3  }
0xe9: {  	v3 =	vld [tilespmem:s0+$0xFFFFFCB0];
	[tilespmem:s3+$0xFFFFFFB0] =	vst v0  }
0xea: {  	v0 =	vpack.i.f32.bf16 v2, v6;
	v2 =	vld [tilespmem:s0+$0xFFFFFF40]  }
0xeb: {  	[tilespmem:s3+$0xFFFFFF20] =	vst v0;
	v0 =	vld [tilespmem:s0+$0xFFFFFFC0]  }
0xec: {  	v4 =	vpack.i.f32.bf16 v5, v4;
	v5 =	vld [tilespmem:s0+$0xFFFFFE30]  }
0xed: {  	[tilespmem:s3+$0xFFFFFEB0] =	vst v4;
	v4 =	vld [tilespmem:s0+$0xFFFFFEB0]  }
0xee: {  	v1 =	vpack.i.f32.bf16 v3, v1;
	v3 =	vld [tilespmem:s0+$0xFFFFFD40]  }
0xef: {  	[tilespmem:s3+$0xFFFFFE30] =	vst v1;
	v1 =	vld [tilespmem:s0+$0xFFFFFDC0]  }
0xf0: {  	v6 =	vld [tilespmem:s0+$0xFFFFFC40];
	v0 =	vpack.i.f32.bf16 v0, v2  }
0xf1: {  	v2 =	vld [tilespmem:s0+$0xFFFFFCC0];
	[tilespmem:s3+$0xFFFFFFC0] =	vst v0  }
0xf2: {  	v0 =	vpack.i.f32.bf16 v4, v5;
	v4 =	vld [tilespmem:s0+$0xFFFFFF50]  }
0xf3: {  	[tilespmem:s3+$0xFFFFFF30] =	vst v0;
	v0 =	vld [tilespmem:s0+$0xFFFFFFD0]  }
0xf4: {  	v1 =	vpack.i.f32.bf16 v1, v3;
	v3 =	vld [tilespmem:s0+$0xFFFFFE40]  }
0xf5: {  	[tilespmem:s3+$0xFFFFFEC0] =	vst v1;
	v1 =	vld [tilespmem:s0+$0xFFFFFEC0]  }
0xf6: {  	v2 =	vpack.i.f32.bf16 v2, v6;
	v5 =	vld [tilespmem:s0+$0xFFFFFD50]  }
0xf7: {  	[tilespmem:s3+$0xFFFFFE40] =	vst v2;
	v2 =	vld [tilespmem:s0+$0xFFFFFDD0]  }
0xf8: {  	v6 =	vld [tilespmem:s0+$0xFFFFFC50];
	v0 =	vpack.i.f32.bf16 v0, v4  }
0xf9: {  	v4 =	vld [tilespmem:s0+$0xFFFFFCD0];
	[tilespmem:s3+$0xFFFFFFD0] =	vst v0  }
0xfa: {  	v0 =	vpack.i.f32.bf16 v1, v3;
	v1 =	vld [tilespmem:s0+$0xFFFFFF60]  }
0xfb: {  	[tilespmem:s3+$0xFFFFFF40] =	vst v0;
	v0 =	vld [tilespmem:s0+$0xFFFFFFE0]  }
0xfc: {  	v2 =	vpack.i.f32.bf16 v2, v5;
	v3 =	vld [tilespmem:s0+$0xFFFFFE50]  }
0xfd: {  	[tilespmem:s3+$0xFFFFFED0] =	vst v2;
	v2 =	vld [tilespmem:s0+$0xFFFFFED0]  }
0xfe: {  	v4 =	vpack.i.f32.bf16 v4, v6;
	v5 =	vld [tilespmem:s0+$0xFFFFFD60]  }
0xff: {  	[tilespmem:s3+$0xFFFFFE50] =	vst v4;
	v4 =	vld [tilespmem:s0+$0xFFFFFDE0]  }
0x100: {  	v6 =	vld [tilespmem:s0+$0xFFFFFC60];
	v0 =	vpack.i.f32.bf16 v0, v1  }
0x101: {  	v1 =	vld [tilespmem:s0+$0xFFFFFCE0];
	[tilespmem:s3+$0xFFFFFFE0] =	vst v0  }
0x102: {  	v0 =	vpack.i.f32.bf16 v2, v3;
	v2 =	vld [tilespmem:s0+$0xFFFFFF70]  }
0x103: {  	[tilespmem:s3+$0xFFFFFF50] =	vst v0;
	v0 =	vld [tilespmem:s0+$0xFFFFFFF0]  }
0x104: {  	v3 =	vpack.i.f32.bf16 v4, v5;
	v4 =	vld [tilespmem:s0+$0xFFFFFE60]  }
0x105: {  	[tilespmem:s3+$0xFFFFFEE0] =	vst v3;
	v3 =	vld [tilespmem:s0+$0xFFFFFEE0]  }
0x106: {  	v1 =	vpack.i.f32.bf16 v1, v6;
	v5 =	vld [tilespmem:s0+$0xFFFFFD70]  }
0x107: {  	[tilespmem:s3+$0xFFFFFE60] =	vst v1;
	v1 =	vld [tilespmem:s0+$0xFFFFFDF0]  }
0x108: {  	v6 =	vld [tilespmem:s0+$0xFFFFFC70];
	v0 =	vpack.i.f32.bf16 v0, v2  }
0x109: {  	v2 =	vld [tilespmem:s0+$0xFFFFFCF0];
	[tilespmem:s3+$0xFFFFFFF0] =	vst v0  }
0x10a: {  	v0 =	vpack.i.f32.bf16 v3, v4;
	v7 =	vld [tilespmem:s0+$0xFFFFFF80]  }
0x10b: {  	[tilespmem:s3+$0xFFFFFF60] =	vst v0;
	v8 =	vld [tilespmem:s0+$0x0]  }
0x10c: {  	v1 =	vpack.i.f32.bf16 v1, v5;
	v0 =	vld [tilespmem:s0+$0xFFFFFE70]  }
0x10d: {  	v3 =	vld [tilespmem:s0+$0xFFFFFEF0];
	[tilespmem:s3+$0xFFFFFEF0] =	vst v1  }
0x10e: {  	v2 =	vpack.i.f32.bf16 v2, v6;
	v1 =	vld [tilespmem:s0+$0xFFFFFD80]  }
0x10f: {  	v4 =	vld [tilespmem:s0+$0xFFFFFE00];
	[tilespmem:s3+$0xFFFFFE70] =	vst v2  }
0x110: {  	v2 =	vld [tilespmem:s0+$0xFFFFFC80];
	v6 =	vpack.i.f32.bf16 v8, v7  }
0x111: {  	s5 =	simm.s32 $0x0;
	s6 =	simm.s32 $0x4BF0;
	s23 =	simm.s32 $0x125F0;
	v5 =	vld [tilespmem:s0+$0xFFFFFD00];
	[tilespmem:s3+$0x0] =	vst v6  }
.LBB2_4:
0x112: {  	v6 =	vld [tilespmem:s6+$0xFFFFFF10];
	v0 =	vpack.i.f32.bf16 v3, v0  }
0x113: {  	v3 =	vld [tilespmem:s6+$0xFFFFFF90];
	[tilespmem:s3+$0xFFFFFF70] =	vst v0  }
0x114: {  	v0 =	vld [tilespmem:s6+$0xFFFFFC90];
	v1 =	vpack.i.f32.bf16 v4, v1  }
0x115: {  	v4 =	vld [tilespmem:s6+$0xFFFFFD10];
	[tilespmem:s3+$0xFFFFFF00] =	vst v1  }
0x116: {  	v1 =	vld [tilespmem:s6+$0xFFFFFD90];
	v2 =	vpack.i.f32.bf16 v5, v2  }
0x117: {  	v5 =	vld [tilespmem:s6+$0xFFFFFE10];
	[tilespmem:s3+$0xFFFFFE80] =	vst v2  }
0x118: {  	s3 =	sadd.s32 $0x200, s3;
	v2 =	vld [tilespmem:s6+$0xFFFFFE90];
	v3 =	vpack.i.f32.bf16 v3, v6  }
0x119: {  	v6 =	vld [tilespmem:s6+$0xFFFFFC10];
	[tilespmem:s3+$0xFFFFFF90] =	vst v3  }
0x11a: {  	s5 =	sadd.s32 $0x4, s5;
	v3 =	vld [tilespmem:s6+$0xFFFFFF20]  }
0x11b: {  	p0 =	slt.u32 s5, $0x3C;
	v1 =	vpack.i.f32.bf16 v1, v4;
	v4 =	vld [tilespmem:s6+$0xFFFFFFA0]  }
0x11c: {  	[tilespmem:s3+$0xFFFFFE90] =	vst v1;
	v1 =	vld [tilespmem:s0+$0xFFFFFE80]  }
0x11d: {  	v7 =	vld [tilespmem:s6+$0xFFFFFD20];
	v2 =	vpack.i.f32.bf16 v2, v5  }
0x11e: {  	v0 =	vpack.i.f32.bf16 v0, v6;
	v5 =	vld [tilespmem:s6+$0xFFFFFDA0];
	[tilespmem:s3+$0xFFFFFF10] =	vst v2  }
0x11f: {  	[tilespmem:s3+$0xFFFFFE10] =	vst v0;
	v0 =	vld [tilespmem:s6+$0xFFFFFE20]  }
0x120: {  	v2 =	vld [tilespmem:s6+$0xFFFFFC20];
	v3 =	vpack.i.f32.bf16 v4, v3  }
0x121: {  	v4 =	vld [tilespmem:s6+$0xFFFFFCA0];
	[tilespmem:s3+$0xFFFFFFA0] =	vst v3  }
0x122: {  	v3 =	vld [tilespmem:s6+$0xFFFFFF30]  }
0x123: {  	v5 =	vpack.i.f32.bf16 v5, v7;
	v6 =	vld [tilespmem:s6+$0xFFFFFFB0]  }
0x124: {  	[tilespmem:s3+$0xFFFFFEA0] =	vst v5;
	v5 =	vld [tilespmem:s6+$0xFFFFFEA0]  }
0x125: {  	v7 =	vld [tilespmem:s6+$0xFFFFFD30]  }
0x126: {  	v2 =	vpack.i.f32.bf16 v4, v2;
	v4 =	vld [tilespmem:s6+$0xFFFFFDB0]  }
0x127: {  	[tilespmem:s3+$0xFFFFFE20] =	vst v2;
	v2 =	vld [tilespmem:s0+$0xFFFFFF00];
	s0 =	smov.u32 s6  }
0x128: {  	v8 =	vld [tilespmem:s6+$0xFFFFFC30];
	v3 =	vpack.i.f32.bf16 v6, v3  }
0x129: {  	v6 =	vld [tilespmem:s6+$0xFFFFFCB0];
	v0 =	vpack.i.f32.bf16 v5, v0;
	[tilespmem:s3+$0xFFFFFFB0] =	vst v3  }
0x12a: {  	[tilespmem:s3+$0xFFFFFF20] =	vst v0;
	v0 =	vld [tilespmem:s6+$0xFFFFFF40]  }
0x12b: {  	v3 =	vpack.i.f32.bf16 v4, v7;
	v4 =	vld [tilespmem:s6+$0xFFFFFFC0]  }
0x12c: {  	[tilespmem:s3+$0xFFFFFEB0] =	vst v3;
	v3 =	vld [tilespmem:s6+$0xFFFFFE30];
	v1 =	vpack.i.f32.bf16 v2, v1  }
0x12d: {  	v2 =	vld [tilespmem:s6+$0xFFFFFEB0];
	[tilespmem:s23+$0xFFFFFF80] =	vst v1;
	s23 =	smov.u32 s3  }
0x12e: {  	v1 =	vpack.i.f32.bf16 v6, v8;
	v5 =	vld [tilespmem:s6+$0xFFFFFD40]  }
0x12f: {  	[tilespmem:s3+$0xFFFFFE30] =	vst v1;
	v1 =	vld [tilespmem:s6+$0xFFFFFDC0]  }
0x130: {  	v6 =	vld [tilespmem:s6+$0xFFFFFC40];
	v0 =	vpack.i.f32.bf16 v4, v0  }
0x131: {  	v4 =	vld [tilespmem:s6+$0xFFFFFCC0];
	[tilespmem:s3+$0xFFFFFFC0] =	vst v0  }
0x132: {  	v0 =	vpack.i.f32.bf16 v2, v3;
	v2 =	vld [tilespmem:s6+$0xFFFFFF50]  }
0x133: {  	[tilespmem:s3+$0xFFFFFF30] =	vst v0;
	v0 =	vld [tilespmem:s6+$0xFFFFFFD0]  }
0x134: {  	v1 =	vpack.i.f32.bf16 v1, v5;
	v3 =	vld [tilespmem:s6+$0xFFFFFE40]  }
0x135: {  	[tilespmem:s3+$0xFFFFFEC0] =	vst v1;
	v1 =	vld [tilespmem:s6+$0xFFFFFEC0]  }
0x136: {  	v4 =	vpack.i.f32.bf16 v4, v6;
	v5 =	vld [tilespmem:s6+$0xFFFFFD50]  }
0x137: {  	[tilespmem:s3+$0xFFFFFE40] =	vst v4;
	v4 =	vld [tilespmem:s6+$0xFFFFFDD0]  }
0x138: {  	v6 =	vld [tilespmem:s6+$0xFFFFFC50];
	v0 =	vpack.i.f32.bf16 v0, v2  }
0x139: {  	v2 =	vld [tilespmem:s6+$0xFFFFFCD0];
	[tilespmem:s3+$0xFFFFFFD0] =	vst v0  }
0x13a: {  	v0 =	vpack.i.f32.bf16 v1, v3;
	v1 =	vld [tilespmem:s6+$0xFFFFFF60]  }
0x13b: {  	[tilespmem:s3+$0xFFFFFF40] =	vst v0;
	v0 =	vld [tilespmem:s6+$0xFFFFFFE0]  }
0x13c: {  	v3 =	vpack.i.f32.bf16 v4, v5;
	v4 =	vld [tilespmem:s6+$0xFFFFFE50]  }
0x13d: {  	[tilespmem:s3+$0xFFFFFED0] =	vst v3;
	v3 =	vld [tilespmem:s6+$0xFFFFFED0]  }
0x13e: {  	v2 =	vpack.i.f32.bf16 v2, v6;
	v5 =	vld [tilespmem:s6+$0xFFFFFD60]  }
0x13f: {  	[tilespmem:s3+$0xFFFFFE50] =	vst v2;
	v2 =	vld [tilespmem:s6+$0xFFFFFDE0]  }
0x140: {  	v6 =	vld [tilespmem:s6+$0xFFFFFC60];
	v0 =	vpack.i.f32.bf16 v0, v1  }
0x141: {  	v1 =	vld [tilespmem:s6+$0xFFFFFCE0];
	[tilespmem:s3+$0xFFFFFFE0] =	vst v0  }
0x142: {  	v0 =	vpack.i.f32.bf16 v3, v4;
	v3 =	vld [tilespmem:s6+$0xFFFFFF70]  }
0x143: {  	[tilespmem:s3+$0xFFFFFF50] =	vst v0;
	v0 =	vld [tilespmem:s6+$0xFFFFFFF0]  }
0x144: {  	v2 =	vpack.i.f32.bf16 v2, v5;
	v4 =	vld [tilespmem:s6+$0xFFFFFE60]  }
0x145: {  	[tilespmem:s3+$0xFFFFFEE0] =	vst v2;
	v2 =	vld [tilespmem:s6+$0xFFFFFEE0]  }
0x146: {  	v1 =	vpack.i.f32.bf16 v1, v6;
	v5 =	vld [tilespmem:s6+$0xFFFFFD70]  }
0x147: {  	[tilespmem:s3+$0xFFFFFE60] =	vst v1;
	v1 =	vld [tilespmem:s6+$0xFFFFFDF0]  }
0x148: {  	v6 =	vld [tilespmem:s6+$0xFFFFFC70];
	v0 =	vpack.i.f32.bf16 v0, v3  }
0x149: {  	v7 =	vld [tilespmem:s6+$0xFFFFFCF0];
	[tilespmem:s3+$0xFFFFFFF0] =	vst v0  }
0x14a: {  	v0 =	vpack.i.f32.bf16 v2, v4;
	v8 =	vld [tilespmem:s6+$0xFFFFFF80]  }
0x14b: {  	[tilespmem:s3+$0xFFFFFF60] =	vst v0;
	v9 =	vld [tilespmem:s6+$0x0]  }
0x14c: {  	v1 =	vpack.i.f32.bf16 v1, v5;
	v0 =	vld [tilespmem:s6+$0xFFFFFE70]  }
.Ltmp1:
0x14d: {  	[tilespmem:s3+$0xFFFFFEF0] =	vst v1;
	v3 =	vld [tilespmem:s6+$0xFFFFFEF0];
	(pc) =	sbr.rel @p0 .LBB2_4-.Ltmp1, $4  }
0x14e: {  	v2 =	vpack.i.f32.bf16 v7, v6;
	v1 =	vld [tilespmem:s6+$0xFFFFFD80]  }
0x14f: {  	[tilespmem:s3+$0xFFFFFE70] =	vst v2;
	v4 =	vld [tilespmem:s6+$0xFFFFFE00]  }
0x150: {  	v2 =	vld [tilespmem:s6+$0xFFFFFC80];
	v6 =	vpack.i.f32.bf16 v9, v8  }
0x151: {  	s6 =	sadd.s32 $0x400, s6;
	v5 =	vld [tilespmem:s0+$0xFFFFFD00];
	[tilespmem:s3+$0x0] =	vst v6  }
0x152: {  	v0 =	vpack.i.f32.bf16 v3, v0  }
0x153: {  	[tilespmem:s3+$0xFFFFFF70] =	vst v0  }
0x154: {  	v0 =	vld [tilespmem:s0+$0xFFFFFE80]  }
0x155: {  	v3 =	vld [tilespmem:s0+$0xFFFFFF00];
	_ =	sdelay $0x2  }
0x156: {  	v1 =	vpack.i.f32.bf16 v4, v1  }
0x157: {  	[tilespmem:s3+$0xFFFFFF00] =	vst v1;
	v1 =	vpack.i.f32.bf16 v5, v2  }
0x158: {  	[tilespmem:s3+$0xFFFFFE80] =	vst v1;
	v0 =	vpack.i.f32.bf16 v3, v0  }
0x159: {  	s6 =	simm.s32 $0x280;
	[tilespmem:s23+$0xFFFFFF80] =	vst v0;
	s23 =	simm.s32 $0x4400  }
0x15a: {  	[tilespmem:s23], [sflag:$0x2] =	stream.indirect.gather [hbm4b:s2+s22], $0x80, s6, s22, $0xb8;
	[tilespmem:$0x14400] =	vst v63  }
0x15b: {  	_ = 	snop  }
0x15c: {  	[hbm4b:s14+s4] =	stream.linear.scatter [tilespmem:s26], [sflag:$0x4], $0x2000, $0x38;
	[tilespmem:$0x14400] =	vst v63  }
0x15d: {  	_ =	swait.ge [sflag:s24], $0x4000  }
0x15e: {  	[sflag:s24] =	ssyncset.done $0x0  }
0x15f: {  	[sflag:s24] =	ssyncadd.s32 $0xFFFFC000  }
0x160: {  	_ =	swait.ge [sflag:s30], $0x2000  }
0x161: {  	[sflag:s30] =	ssyncset.done $0x0  }
0x162: {  	s0 =	simm.s32 $0x87F0;
	[sflag:s30] =	ssyncadd.s32 $0xFFFFE000  }
0x163: {  	v0 =	vld [tilespmem:s0+$0xFFFFFF10]  }
0x164: {  	v1 =	vld [tilespmem:s0+$0xFFFFFF90];
	_ =	sdelay $0x2  }
0x165: {  	v2 =	vld [tilespmem:s0+$0xFFFFFD10]  }
0x166: {  	v3 =	vld [tilespmem:s0+$0xFFFFFD90]  }
0x167: {  	s3 =	simm.s32 $0x10500;
	v4 =	vld [tilespmem:s0+$0xFFFFFC90];
	v0 =	vpack.i.f32.bf16 v1, v0  }
0x168: {  	v1 =	vld [tilespmem:s0+$0xFFFFFC10];
	[tilespmem:s3+$0x80] =	vst v0  }
0x169: {  	v0 =	vld [tilespmem:s0+$0xFFFFFF20]  }
0x16a: {  	v5 =	vld [tilespmem:s0+$0xFFFFFFA0]  }
0x16b: {  	v6 =	vld [tilespmem:s0+$0xFFFFFE10];
	v2 =	vpack.i.f32.bf16 v3, v2  }
0x16c: {  	v3 =	vld [tilespmem:s0+$0xFFFFFE90];
	[tilespmem:s3+$0xFFFFFF80] =	vst v2  }
0x16d: {  	v2 =	vld [tilespmem:s0+$0xFFFFFD20];
	v1 =	vpack.i.f32.bf16 v4, v1  }
0x16e: {  	v4 =	vld [tilespmem:s0+$0xFFFFFDA0];
	[tilespmem:s3+$0xFFFFFF00] =	vst v1  }
0x16f: {  	v1 =	vld [tilespmem:s0+$0xFFFFFC20];
	v0 =	vpack.i.f32.bf16 v5, v0  }
0x170: {  	v5 =	vld [tilespmem:s0+$0xFFFFFCA0];
	[tilespmem:s3+$0x90] =	vst v0  }
0x171: {  	v0 =	vpack.i.f32.bf16 v3, v6;
	v3 =	vld [tilespmem:s0+$0xFFFFFF30]  }
0x172: {  	[tilespmem:s3+$0x0] =	vst v0;
	v0 =	vld [tilespmem:s0+$0xFFFFFFB0]  }
0x173: {  	v6 =	vld [tilespmem:s0+$0xFFFFFE20];
	v2 =	vpack.i.f32.bf16 v4, v2  }
0x174: {  	[tilespmem:s3+$0xFFFFFF90] =	vst v2;
	v2 =	vld [tilespmem:s0+$0xFFFFFEA0]  }
0x175: {  	v4 =	vld [tilespmem:s0+$0xFFFFFD30];
	v1 =	vpack.i.f32.bf16 v5, v1  }
0x176: {  	v5 =	vld [tilespmem:s0+$0xFFFFFDB0];
	[tilespmem:s3+$0xFFFFFF10] =	vst v1  }
0x177: {  	v1 =	vld [tilespmem:s0+$0xFFFFFC30];
	v0 =	vpack.i.f32.bf16 v0, v3  }
0x178: {  	v3 =	vld [tilespmem:s0+$0xFFFFFCB0];
	[tilespmem:s3+$0xA0] =	vst v0  }
0x179: {  	v0 =	vpack.i.f32.bf16 v2, v6;
	v2 =	vld [tilespmem:s0+$0xFFFFFF40]  }
0x17a: {  	[tilespmem:s3+$0x10] =	vst v0;
	v0 =	vld [tilespmem:s0+$0xFFFFFFC0]  }
0x17b: {  	v4 =	vpack.i.f32.bf16 v5, v4;
	v5 =	vld [tilespmem:s0+$0xFFFFFE30]  }
0x17c: {  	[tilespmem:s3+$0xFFFFFFA0] =	vst v4;
	v4 =	vld [tilespmem:s0+$0xFFFFFEB0]  }
0x17d: {  	v1 =	vpack.i.f32.bf16 v3, v1;
	v3 =	vld [tilespmem:s0+$0xFFFFFD40]  }
0x17e: {  	[tilespmem:s3+$0xFFFFFF20] =	vst v1;
	v1 =	vld [tilespmem:s0+$0xFFFFFDC0]  }
0x17f: {  	v6 =	vld [tilespmem:s0+$0xFFFFFC40];
	v0 =	vpack.i.f32.bf16 v0, v2  }
0x180: {  	v2 =	vld [tilespmem:s0+$0xFFFFFCC0];
	[tilespmem:s3+$0xB0] =	vst v0  }
0x181: {  	v0 =	vpack.i.f32.bf16 v4, v5;
	v4 =	vld [tilespmem:s0+$0xFFFFFF50]  }
0x182: {  	[tilespmem:s3+$0x20] =	vst v0;
	v0 =	vld [tilespmem:s0+$0xFFFFFFD0]  }
0x183: {  	v1 =	vpack.i.f32.bf16 v1, v3;
	v3 =	vld [tilespmem:s0+$0xFFFFFE40]  }
0x184: {  	[tilespmem:s3+$0xFFFFFFB0] =	vst v1;
	v1 =	vld [tilespmem:s0+$0xFFFFFEC0]  }
0x185: {  	v2 =	vpack.i.f32.bf16 v2, v6;
	v5 =	vld [tilespmem:s0+$0xFFFFFD50]  }
0x186: {  	[tilespmem:s3+$0xFFFFFF30] =	vst v2;
	v2 =	vld [tilespmem:s0+$0xFFFFFDD0]  }
0x187: {  	v6 =	vld [tilespmem:s0+$0xFFFFFC50];
	v0 =	vpack.i.f32.bf16 v0, v4  }
0x188: {  	v4 =	vld [tilespmem:s0+$0xFFFFFCD0];
	[tilespmem:s3+$0xC0] =	vst v0  }
0x189: {  	v0 =	vpack.i.f32.bf16 v1, v3;
	v1 =	vld [tilespmem:s0+$0xFFFFFF60]  }
0x18a: {  	[tilespmem:s3+$0x30] =	vst v0;
	v0 =	vld [tilespmem:s0+$0xFFFFFFE0]  }
0x18b: {  	v2 =	vpack.i.f32.bf16 v2, v5;
	v3 =	vld [tilespmem:s0+$0xFFFFFE50]  }
0x18c: {  	[tilespmem:s3+$0xFFFFFFC0] =	vst v2;
	v2 =	vld [tilespmem:s0+$0xFFFFFED0]  }
0x18d: {  	v4 =	vpack.i.f32.bf16 v4, v6;
	v5 =	vld [tilespmem:s0+$0xFFFFFD60]  }
0x18e: {  	[tilespmem:s3+$0xFFFFFF40] =	vst v4;
	v4 =	vld [tilespmem:s0+$0xFFFFFDE0]  }
0x18f: {  	v6 =	vld [tilespmem:s0+$0xFFFFFC60];
	v0 =	vpack.i.f32.bf16 v0, v1  }
0x190: {  	v1 =	vld [tilespmem:s0+$0xFFFFFCE0];
	[tilespmem:s3+$0xD0] =	vst v0  }
0x191: {  	v0 =	vpack.i.f32.bf16 v2, v3;
	v2 =	vld [tilespmem:s0+$0xFFFFFF70]  }
0x192: {  	[tilespmem:s3+$0x40] =	vst v0;
	v0 =	vld [tilespmem:s0+$0xFFFFFFF0]  }
0x193: {  	v3 =	vpack.i.f32.bf16 v4, v5;
	v4 =	vld [tilespmem:s0+$0xFFFFFE60]  }
0x194: {  	[tilespmem:s3+$0xFFFFFFD0] =	vst v3;
	v3 =	vld [tilespmem:s0+$0xFFFFFEE0]  }
0x195: {  	v1 =	vpack.i.f32.bf16 v1, v6;
	v5 =	vld [tilespmem:s0+$0xFFFFFD70]  }
0x196: {  	[tilespmem:s3+$0xFFFFFF50] =	vst v1;
	v1 =	vld [tilespmem:s0+$0xFFFFFDF0]  }
0x197: {  	v6 =	vld [tilespmem:s0+$0xFFFFFC70];
	v0 =	vpack.i.f32.bf16 v0, v2  }
0x198: {  	v2 =	vld [tilespmem:s0+$0xFFFFFCF0];
	[tilespmem:s3+$0xE0] =	vst v0  }
0x199: {  	v0 =	vpack.i.f32.bf16 v3, v4;
	v7 =	vld [tilespmem:s0+$0xFFFFFF80]  }
0x19a: {  	[tilespmem:s3+$0x50] =	vst v0;
	v8 =	vld [tilespmem:s0+$0x0]  }
0x19b: {  	v1 =	vpack.i.f32.bf16 v1, v5;
	v0 =	vld [tilespmem:s0+$0xFFFFFE70]  }
0x19c: {  	v3 =	vld [tilespmem:s0+$0xFFFFFEF0];
	[tilespmem:s3+$0xFFFFFFE0] =	vst v1  }
0x19d: {  	v2 =	vpack.i.f32.bf16 v2, v6;
	v1 =	vld [tilespmem:s0+$0xFFFFFD80]  }
0x19e: {  	v4 =	vld [tilespmem:s0+$0xFFFFFE00];
	[tilespmem:s3+$0xFFFFFF60] =	vst v2  }
0x19f: {  	v2 =	vld [tilespmem:s0+$0xFFFFFC80];
	v6 =	vpack.i.f32.bf16 v8, v7  }
0x1a0: {  	s5 =	simm.s32 $0x0;
	s6 =	simm.s32 $0x8BF0;
	s23 =	simm.s32 $0x10500;
	v5 =	vld [tilespmem:s0+$0xFFFFFD00];
	[tilespmem:s3+$0xF0] =	vst v6  }
.LBB2_6:
0x1a1: {  	v6 =	vld [tilespmem:s6+$0xFFFFFF10];
	v0 =	vpack.i.f32.bf16 v3, v0  }
0x1a2: {  	v3 =	vld [tilespmem:s6+$0xFFFFFF90];
	[tilespmem:s3+$0x60] =	vst v0  }
0x1a3: {  	v0 =	vld [tilespmem:s6+$0xFFFFFC90];
	v1 =	vpack.i.f32.bf16 v4, v1  }
0x1a4: {  	v4 =	vld [tilespmem:s6+$0xFFFFFD10];
	[tilespmem:s3+$0xFFFFFFF0] =	vst v1  }
0x1a5: {  	v1 =	vld [tilespmem:s6+$0xFFFFFD90];
	v2 =	vpack.i.f32.bf16 v5, v2  }
0x1a6: {  	v5 =	vld [tilespmem:s6+$0xFFFFFE10];
	[tilespmem:s3+$0xFFFFFF70] =	vst v2  }
0x1a7: {  	s3 =	sadd.s32 $0x200, s3;
	v2 =	vld [tilespmem:s6+$0xFFFFFE90];
	v3 =	vpack.i.f32.bf16 v3, v6  }
0x1a8: {  	v6 =	vld [tilespmem:s6+$0xFFFFFC10];
	[tilespmem:s3+$0x80] =	vst v3  }
0x1a9: {  	s5 =	sadd.s32 $0x4, s5;
	v3 =	vld [tilespmem:s6+$0xFFFFFF20]  }
0x1aa: {  	p0 =	slt.u32 s5, $0x3C;
	v1 =	vpack.i.f32.bf16 v1, v4;
	v4 =	vld [tilespmem:s6+$0xFFFFFFA0]  }
0x1ab: {  	[tilespmem:s3+$0xFFFFFF80] =	vst v1;
	v1 =	vld [tilespmem:s0+$0xFFFFFE80]  }
0x1ac: {  	v7 =	vld [tilespmem:s6+$0xFFFFFD20];
	v2 =	vpack.i.f32.bf16 v2, v5  }
0x1ad: {  	v0 =	vpack.i.f32.bf16 v0, v6;
	v5 =	vld [tilespmem:s6+$0xFFFFFDA0];
	[tilespmem:s3+$0x0] =	vst v2  }
0x1ae: {  	[tilespmem:s3+$0xFFFFFF00] =	vst v0;
	v0 =	vld [tilespmem:s6+$0xFFFFFE20]  }
0x1af: {  	v2 =	vld [tilespmem:s6+$0xFFFFFC20];
	v3 =	vpack.i.f32.bf16 v4, v3  }
0x1b0: {  	v4 =	vld [tilespmem:s6+$0xFFFFFCA0];
	[tilespmem:s3+$0x90] =	vst v3  }
0x1b1: {  	v3 =	vld [tilespmem:s6+$0xFFFFFF30]  }
0x1b2: {  	v5 =	vpack.i.f32.bf16 v5, v7;
	v6 =	vld [tilespmem:s6+$0xFFFFFFB0]  }
0x1b3: {  	[tilespmem:s3+$0xFFFFFF90] =	vst v5;
	v5 =	vld [tilespmem:s6+$0xFFFFFEA0]  }
0x1b4: {  	v7 =	vld [tilespmem:s6+$0xFFFFFD30]  }
0x1b5: {  	v2 =	vpack.i.f32.bf16 v4, v2;
	v4 =	vld [tilespmem:s6+$0xFFFFFDB0]  }
0x1b6: {  	[tilespmem:s3+$0xFFFFFF10] =	vst v2;
	v2 =	vld [tilespmem:s0+$0xFFFFFF00];
	s0 =	smov.u32 s6  }
0x1b7: {  	v8 =	vld [tilespmem:s6+$0xFFFFFC30];
	v3 =	vpack.i.f32.bf16 v6, v3  }
0x1b8: {  	v6 =	vld [tilespmem:s6+$0xFFFFFCB0];
	v0 =	vpack.i.f32.bf16 v5, v0;
	[tilespmem:s3+$0xA0] =	vst v3  }
0x1b9: {  	[tilespmem:s3+$0x10] =	vst v0;
	v0 =	vld [tilespmem:s6+$0xFFFFFF40]  }
0x1ba: {  	v3 =	vpack.i.f32.bf16 v4, v7;
	v4 =	vld [tilespmem:s6+$0xFFFFFFC0]  }
0x1bb: {  	[tilespmem:s3+$0xFFFFFFA0] =	vst v3;
	v3 =	vld [tilespmem:s6+$0xFFFFFE30];
	v1 =	vpack.i.f32.bf16 v2, v1  }
0x1bc: {  	v2 =	vld [tilespmem:s6+$0xFFFFFEB0];
	[tilespmem:s23+$0x70] =	vst v1;
	s23 =	smov.u32 s3  }
0x1bd: {  	v1 =	vpack.i.f32.bf16 v6, v8;
	v5 =	vld [tilespmem:s6+$0xFFFFFD40]  }
0x1be: {  	[tilespmem:s3+$0xFFFFFF20] =	vst v1;
	v1 =	vld [tilespmem:s6+$0xFFFFFDC0]  }
0x1bf: {  	v6 =	vld [tilespmem:s6+$0xFFFFFC40];
	v0 =	vpack.i.f32.bf16 v4, v0  }
0x1c0: {  	v4 =	vld [tilespmem:s6+$0xFFFFFCC0];
	[tilespmem:s3+$0xB0] =	vst v0  }
0x1c1: {  	v0 =	vpack.i.f32.bf16 v2, v3;
	v2 =	vld [tilespmem:s6+$0xFFFFFF50]  }
0x1c2: {  	[tilespmem:s3+$0x20] =	vst v0;
	v0 =	vld [tilespmem:s6+$0xFFFFFFD0]  }
0x1c3: {  	v1 =	vpack.i.f32.bf16 v1, v5;
	v3 =	vld [tilespmem:s6+$0xFFFFFE40]  }
0x1c4: {  	[tilespmem:s3+$0xFFFFFFB0] =	vst v1;
	v1 =	vld [tilespmem:s6+$0xFFFFFEC0]  }
0x1c5: {  	v4 =	vpack.i.f32.bf16 v4, v6;
	v5 =	vld [tilespmem:s6+$0xFFFFFD50]  }
0x1c6: {  	[tilespmem:s3+$0xFFFFFF30] =	vst v4;
	v4 =	vld [tilespmem:s6+$0xFFFFFDD0]  }
0x1c7: {  	v6 =	vld [tilespmem:s6+$0xFFFFFC50];
	v0 =	vpack.i.f32.bf16 v0, v2  }
0x1c8: {  	v2 =	vld [tilespmem:s6+$0xFFFFFCD0];
	[tilespmem:s3+$0xC0] =	vst v0  }
0x1c9: {  	v0 =	vpack.i.f32.bf16 v1, v3;
	v1 =	vld [tilespmem:s6+$0xFFFFFF60]  }
0x1ca: {  	[tilespmem:s3+$0x30] =	vst v0;
	v0 =	vld [tilespmem:s6+$0xFFFFFFE0]  }
0x1cb: {  	v3 =	vpack.i.f32.bf16 v4, v5;
	v4 =	vld [tilespmem:s6+$0xFFFFFE50]  }
0x1cc: {  	[tilespmem:s3+$0xFFFFFFC0] =	vst v3;
	v3 =	vld [tilespmem:s6+$0xFFFFFED0]  }
0x1cd: {  	v2 =	vpack.i.f32.bf16 v2, v6;
	v5 =	vld [tilespmem:s6+$0xFFFFFD60]  }
0x1ce: {  	[tilespmem:s3+$0xFFFFFF40] =	vst v2;
	v2 =	vld [tilespmem:s6+$0xFFFFFDE0]  }
0x1cf: {  	v6 =	vld [tilespmem:s6+$0xFFFFFC60];
	v0 =	vpack.i.f32.bf16 v0, v1  }
0x1d0: {  	v1 =	vld [tilespmem:s6+$0xFFFFFCE0];
	[tilespmem:s3+$0xD0] =	vst v0  }
0x1d1: {  	v0 =	vpack.i.f32.bf16 v3, v4;
	v3 =	vld [tilespmem:s6+$0xFFFFFF70]  }
0x1d2: {  	[tilespmem:s3+$0x40] =	vst v0;
	v0 =	vld [tilespmem:s6+$0xFFFFFFF0]  }
0x1d3: {  	v2 =	vpack.i.f32.bf16 v2, v5;
	v4 =	vld [tilespmem:s6+$0xFFFFFE60]  }
0x1d4: {  	[tilespmem:s3+$0xFFFFFFD0] =	vst v2;
	v2 =	vld [tilespmem:s6+$0xFFFFFEE0]  }
0x1d5: {  	v1 =	vpack.i.f32.bf16 v1, v6;
	v5 =	vld [tilespmem:s6+$0xFFFFFD70]  }
0x1d6: {  	[tilespmem:s3+$0xFFFFFF50] =	vst v1;
	v1 =	vld [tilespmem:s6+$0xFFFFFDF0]  }
0x1d7: {  	v6 =	vld [tilespmem:s6+$0xFFFFFC70];
	v0 =	vpack.i.f32.bf16 v0, v3  }
0x1d8: {  	v7 =	vld [tilespmem:s6+$0xFFFFFCF0];
	[tilespmem:s3+$0xE0] =	vst v0  }
0x1d9: {  	v0 =	vpack.i.f32.bf16 v2, v4;
	v8 =	vld [tilespmem:s6+$0xFFFFFF80]  }
0x1da: {  	[tilespmem:s3+$0x50] =	vst v0;
	v9 =	vld [tilespmem:s6+$0x0]  }
0x1db: {  	v1 =	vpack.i.f32.bf16 v1, v5;
	v0 =	vld [tilespmem:s6+$0xFFFFFE70]  }
.Ltmp2:
0x1dc: {  	[tilespmem:s3+$0xFFFFFFE0] =	vst v1;
	v3 =	vld [tilespmem:s6+$0xFFFFFEF0];
	(pc) =	sbr.rel @p0 .LBB2_6-.Ltmp2, $4  }
0x1dd: {  	v2 =	vpack.i.f32.bf16 v7, v6;
	v1 =	vld [tilespmem:s6+$0xFFFFFD80]  }
0x1de: {  	[tilespmem:s3+$0xFFFFFF60] =	vst v2;
	v4 =	vld [tilespmem:s6+$0xFFFFFE00]  }
0x1df: {  	v2 =	vld [tilespmem:s6+$0xFFFFFC80];
	v6 =	vpack.i.f32.bf16 v9, v8  }
0x1e0: {  	s6 =	sadd.s32 $0x400, s6;
	v5 =	vld [tilespmem:s0+$0xFFFFFD00];
	[tilespmem:s3+$0xF0] =	vst v6  }
0x1e1: {  	v0 =	vpack.i.f32.bf16 v3, v0  }
0x1e2: {  	[tilespmem:s3+$0x60] =	vst v0  }
0x1e3: {  	v0 =	vld [tilespmem:s0+$0xFFFFFE80]  }
0x1e4: {  	v3 =	vld [tilespmem:s0+$0xFFFFFF00];
	_ =	sdelay $0x2  }
0x1e5: {  	v1 =	vpack.i.f32.bf16 v4, v1  }
0x1e6: {  	[tilespmem:s3+$0xFFFFFFF0] =	vst v1;
	v1 =	vpack.i.f32.bf16 v5, v2  }
0x1e7: {  	[tilespmem:s3+$0xFFFFFF70] =	vst v1;
	v0 =	vpack.i.f32.bf16 v3, v0  }
0x1e8: {  	s6 =	simm.s32 $0x300;
	[tilespmem:s23+$0x70] =	vst v0;
	s23 =	simm.s32 $0x8400  }
0x1e9: {  	[tilespmem:s23], [sflag:$0x2] =	stream.indirect.gather [hbm4b:s2+s22], $0x80, s6, s22, $0xb8;
	[tilespmem:$0x14400] =	vst v63  }
0x1ea: {  	_ = 	snop  }
0x1eb: {  	[hbm4b:s15+s4] =	stream.linear.scatter [tilespmem:s25], [sflag:$0x3], $0x2000, $0x38;
	[tilespmem:$0x14400] =	vst v63  }
0x1ec: {  	_ =	swait.ge [sflag:s24], $0x4000  }
0x1ed: {  	[sflag:s24] =	ssyncset.done $0x0  }
0x1ee: {  	[sflag:s24] =	ssyncadd.s32 $0xFFFFC000  }
0x1ef: {  	_ =	swait.ge [sflag:s28], $0x2000  }
0x1f0: {  	[sflag:s28] =	ssyncset.done $0x0  }
0x1f1: {  	s0 =	simm.s32 $0xC7F0;
	[sflag:s28] =	ssyncadd.s32 $0xFFFFE000  }
0x1f2: {  	v0 =	vld [tilespmem:s0+$0xFFFFFF10]  }
0x1f3: {  	v1 =	vld [tilespmem:s0+$0xFFFFFF90];
	_ =	sdelay $0x2  }
0x1f4: {  	v2 =	vld [tilespmem:s0+$0xFFFFFD10]  }
0x1f5: {  	v3 =	vld [tilespmem:s0+$0xFFFFFD90]  }
0x1f6: {  	s3 =	simm.s32 $0x125F0;
	v4 =	vld [tilespmem:s0+$0xFFFFFC90];
	v0 =	vpack.i.f32.bf16 v1, v0  }
0x1f7: {  	v1 =	vld [tilespmem:s0+$0xFFFFFC10];
	[tilespmem:s3+$0xFFFFFF90] =	vst v0  }
0x1f8: {  	v0 =	vld [tilespmem:s0+$0xFFFFFF20]  }
0x1f9: {  	v5 =	vld [tilespmem:s0+$0xFFFFFFA0]  }
0x1fa: {  	v6 =	vld [tilespmem:s0+$0xFFFFFE10];
	v2 =	vpack.i.f32.bf16 v3, v2  }
0x1fb: {  	v3 =	vld [tilespmem:s0+$0xFFFFFE90];
	[tilespmem:s3+$0xFFFFFE90] =	vst v2  }
0x1fc: {  	v2 =	vld [tilespmem:s0+$0xFFFFFD20];
	v1 =	vpack.i.f32.bf16 v4, v1  }
0x1fd: {  	v4 =	vld [tilespmem:s0+$0xFFFFFDA0];
	[tilespmem:s3+$0xFFFFFE10] =	vst v1  }
0x1fe: {  	v1 =	vld [tilespmem:s0+$0xFFFFFC20];
	v0 =	vpack.i.f32.bf16 v5, v0  }
0x1ff: {  	v5 =	vld [tilespmem:s0+$0xFFFFFCA0];
	[tilespmem:s3+$0xFFFFFFA0] =	vst v0  }
0x200: {  	v0 =	vpack.i.f32.bf16 v3, v6;
	v3 =	vld [tilespmem:s0+$0xFFFFFF30]  }
0x201: {  	[tilespmem:s3+$0xFFFFFF10] =	vst v0;
	v0 =	vld [tilespmem:s0+$0xFFFFFFB0]  }
0x202: {  	v6 =	vld [tilespmem:s0+$0xFFFFFE20];
	v2 =	vpack.i.f32.bf16 v4, v2  }
0x203: {  	[tilespmem:s3+$0xFFFFFEA0] =	vst v2;
	v2 =	vld [tilespmem:s0+$0xFFFFFEA0]  }
0x204: {  	v4 =	vld [tilespmem:s0+$0xFFFFFD30];
	v1 =	vpack.i.f32.bf16 v5, v1  }
0x205: {  	v5 =	vld [tilespmem:s0+$0xFFFFFDB0];
	[tilespmem:s3+$0xFFFFFE20] =	vst v1  }
0x206: {  	v1 =	vld [tilespmem:s0+$0xFFFFFC30];
	v0 =	vpack.i.f32.bf16 v0, v3  }
0x207: {  	v3 =	vld [tilespmem:s0+$0xFFFFFCB0];
	[tilespmem:s3+$0xFFFFFFB0] =	vst v0  }
0x208: {  	v0 =	vpack.i.f32.bf16 v2, v6;
	v2 =	vld [tilespmem:s0+$0xFFFFFF40]  }
0x209: {  	[tilespmem:s3+$0xFFFFFF20] =	vst v0;
	v0 =	vld [tilespmem:s0+$0xFFFFFFC0]  }
0x20a: {  	v4 =	vpack.i.f32.bf16 v5, v4;
	v5 =	vld [tilespmem:s0+$0xFFFFFE30]  }
0x20b: {  	[tilespmem:s3+$0xFFFFFEB0] =	vst v4;
	v4 =	vld [tilespmem:s0+$0xFFFFFEB0]  }
0x20c: {  	v1 =	vpack.i.f32.bf16 v3, v1;
	v3 =	vld [tilespmem:s0+$0xFFFFFD40]  }
0x20d: {  	[tilespmem:s3+$0xFFFFFE30] =	vst v1;
	v1 =	vld [tilespmem:s0+$0xFFFFFDC0]  }
0x20e: {  	v6 =	vld [tilespmem:s0+$0xFFFFFC40];
	v0 =	vpack.i.f32.bf16 v0, v2  }
0x20f: {  	v2 =	vld [tilespmem:s0+$0xFFFFFCC0];
	[tilespmem:s3+$0xFFFFFFC0] =	vst v0  }
0x210: {  	v0 =	vpack.i.f32.bf16 v4, v5;
	v4 =	vld [tilespmem:s0+$0xFFFFFF50]  }
0x211: {  	[tilespmem:s3+$0xFFFFFF30] =	vst v0;
	v0 =	vld [tilespmem:s0+$0xFFFFFFD0]  }
0x212: {  	v1 =	vpack.i.f32.bf16 v1, v3;
	v3 =	vld [tilespmem:s0+$0xFFFFFE40]  }
0x213: {  	[tilespmem:s3+$0xFFFFFEC0] =	vst v1;
	v1 =	vld [tilespmem:s0+$0xFFFFFEC0]  }
0x214: {  	v2 =	vpack.i.f32.bf16 v2, v6;
	v5 =	vld [tilespmem:s0+$0xFFFFFD50]  }
0x215: {  	[tilespmem:s3+$0xFFFFFE40] =	vst v2;
	v2 =	vld [tilespmem:s0+$0xFFFFFDD0]  }
0x216: {  	v6 =	vld [tilespmem:s0+$0xFFFFFC50];
	v0 =	vpack.i.f32.bf16 v0, v4  }
0x217: {  	v4 =	vld [tilespmem:s0+$0xFFFFFCD0];
	[tilespmem:s3+$0xFFFFFFD0] =	vst v0  }
0x218: {  	v0 =	vpack.i.f32.bf16 v1, v3;
	v1 =	vld [tilespmem:s0+$0xFFFFFF60]  }
0x219: {  	[tilespmem:s3+$0xFFFFFF40] =	vst v0;
	v0 =	vld [tilespmem:s0+$0xFFFFFFE0]  }
0x21a: {  	v2 =	vpack.i.f32.bf16 v2, v5;
	v3 =	vld [tilespmem:s0+$0xFFFFFE50]  }
0x21b: {  	[tilespmem:s3+$0xFFFFFED0] =	vst v2;
	v2 =	vld [tilespmem:s0+$0xFFFFFED0]  }
0x21c: {  	v4 =	vpack.i.f32.bf16 v4, v6;
	v5 =	vld [tilespmem:s0+$0xFFFFFD60]  }
0x21d: {  	[tilespmem:s3+$0xFFFFFE50] =	vst v4;
	v4 =	vld [tilespmem:s0+$0xFFFFFDE0]  }
0x21e: {  	v6 =	vld [tilespmem:s0+$0xFFFFFC60];
	v0 =	vpack.i.f32.bf16 v0, v1  }
0x21f: {  	v1 =	vld [tilespmem:s0+$0xFFFFFCE0];
	[tilespmem:s3+$0xFFFFFFE0] =	vst v0  }
0x220: {  	v0 =	vpack.i.f32.bf16 v2, v3;
	v2 =	vld [tilespmem:s0+$0xFFFFFF70]  }
0x221: {  	[tilespmem:s3+$0xFFFFFF50] =	vst v0;
	v0 =	vld [tilespmem:s0+$0xFFFFFFF0]  }
0x222: {  	v3 =	vpack.i.f32.bf16 v4, v5;
	v4 =	vld [tilespmem:s0+$0xFFFFFE60]  }
0x223: {  	[tilespmem:s3+$0xFFFFFEE0] =	vst v3;
	v3 =	vld [tilespmem:s0+$0xFFFFFEE0]  }
0x224: {  	v1 =	vpack.i.f32.bf16 v1, v6;
	v5 =	vld [tilespmem:s0+$0xFFFFFD70]  }
0x225: {  	[tilespmem:s3+$0xFFFFFE60] =	vst v1;
	v1 =	vld [tilespmem:s0+$0xFFFFFDF0]  }
0x226: {  	v6 =	vld [tilespmem:s0+$0xFFFFFC70];
	v0 =	vpack.i.f32.bf16 v0, v2  }
0x227: {  	v2 =	vld [tilespmem:s0+$0xFFFFFCF0];
	[tilespmem:s3+$0xFFFFFFF0] =	vst v0  }
0x228: {  	v0 =	vpack.i.f32.bf16 v3, v4;
	v7 =	vld [tilespmem:s0+$0xFFFFFF80]  }
0x229: {  	[tilespmem:s3+$0xFFFFFF60] =	vst v0;
	v8 =	vld [tilespmem:s0+$0x0]  }
0x22a: {  	v1 =	vpack.i.f32.bf16 v1, v5;
	v0 =	vld [tilespmem:s0+$0xFFFFFE70]  }
0x22b: {  	v3 =	vld [tilespmem:s0+$0xFFFFFEF0];
	[tilespmem:s3+$0xFFFFFEF0] =	vst v1  }
0x22c: {  	v2 =	vpack.i.f32.bf16 v2, v6;
	v1 =	vld [tilespmem:s0+$0xFFFFFD80]  }
0x22d: {  	v4 =	vld [tilespmem:s0+$0xFFFFFE00];
	[tilespmem:s3+$0xFFFFFE70] =	vst v2  }
0x22e: {  	v2 =	vld [tilespmem:s0+$0xFFFFFC80];
	v6 =	vpack.i.f32.bf16 v8, v7  }
0x22f: {  	s5 =	simm.s32 $0x0;
	s6 =	simm.s32 $0xCBF0;
	s23 =	simm.s32 $0x125F0;
	v5 =	vld [tilespmem:s0+$0xFFFFFD00];
	[tilespmem:s3+$0x0] =	vst v6  }
.LBB2_8:
0x230: {  	v6 =	vld [tilespmem:s6+$0xFFFFFF10];
	v0 =	vpack.i.f32.bf16 v3, v0  }
0x231: {  	v3 =	vld [tilespmem:s6+$0xFFFFFF90];
	[tilespmem:s3+$0xFFFFFF70] =	vst v0  }
0x232: {  	v0 =	vld [tilespmem:s6+$0xFFFFFC90];
	v1 =	vpack.i.f32.bf16 v4, v1  }
0x233: {  	v4 =	vld [tilespmem:s6+$0xFFFFFD10];
	[tilespmem:s3+$0xFFFFFF00] =	vst v1  }
0x234: {  	v1 =	vld [tilespmem:s6+$0xFFFFFD90];
	v2 =	vpack.i.f32.bf16 v5, v2  }
0x235: {  	v5 =	vld [tilespmem:s6+$0xFFFFFE10];
	[tilespmem:s3+$0xFFFFFE80] =	vst v2  }
0x236: {  	s3 =	sadd.s32 $0x200, s3;
	v2 =	vld [tilespmem:s6+$0xFFFFFE90];
	v3 =	vpack.i.f32.bf16 v3, v6  }
0x237: {  	v6 =	vld [tilespmem:s6+$0xFFFFFC10];
	[tilespmem:s3+$0xFFFFFF90] =	vst v3  }
0x238: {  	s5 =	sadd.s32 $0x4, s5;
	v3 =	vld [tilespmem:s6+$0xFFFFFF20]  }
0x239: {  	p0 =	slt.u32 s5, $0x3C;
	v1 =	vpack.i.f32.bf16 v1, v4;
	v4 =	vld [tilespmem:s6+$0xFFFFFFA0]  }
0x23a: {  	[tilespmem:s3+$0xFFFFFE90] =	vst v1;
	v1 =	vld [tilespmem:s0+$0xFFFFFE80]  }
0x23b: {  	v7 =	vld [tilespmem:s6+$0xFFFFFD20];
	v2 =	vpack.i.f32.bf16 v2, v5  }
0x23c: {  	v0 =	vpack.i.f32.bf16 v0, v6;
	v5 =	vld [tilespmem:s6+$0xFFFFFDA0];
	[tilespmem:s3+$0xFFFFFF10] =	vst v2  }
0x23d: {  	[tilespmem:s3+$0xFFFFFE10] =	vst v0;
	v0 =	vld [tilespmem:s6+$0xFFFFFE20]  }
0x23e: {  	v2 =	vld [tilespmem:s6+$0xFFFFFC20];
	v3 =	vpack.i.f32.bf16 v4, v3  }
0x23f: {  	v4 =	vld [tilespmem:s6+$0xFFFFFCA0];
	[tilespmem:s3+$0xFFFFFFA0] =	vst v3  }
0x240: {  	v3 =	vld [tilespmem:s6+$0xFFFFFF30]  }
0x241: {  	v5 =	vpack.i.f32.bf16 v5, v7;
	v6 =	vld [tilespmem:s6+$0xFFFFFFB0]  }
0x242: {  	[tilespmem:s3+$0xFFFFFEA0] =	vst v5;
	v5 =	vld [tilespmem:s6+$0xFFFFFEA0]  }
0x243: {  	v7 =	vld [tilespmem:s6+$0xFFFFFD30]  }
0x244: {  	v2 =	vpack.i.f32.bf16 v4, v2;
	v4 =	vld [tilespmem:s6+$0xFFFFFDB0]  }
0x245: {  	[tilespmem:s3+$0xFFFFFE20] =	vst v2;
	v2 =	vld [tilespmem:s0+$0xFFFFFF00];
	s0 =	smov.u32 s6  }
0x246: {  	v8 =	vld [tilespmem:s6+$0xFFFFFC30];
	v3 =	vpack.i.f32.bf16 v6, v3  }
0x247: {  	v6 =	vld [tilespmem:s6+$0xFFFFFCB0];
	v0 =	vpack.i.f32.bf16 v5, v0;
	[tilespmem:s3+$0xFFFFFFB0] =	vst v3  }
0x248: {  	[tilespmem:s3+$0xFFFFFF20] =	vst v0;
	v0 =	vld [tilespmem:s6+$0xFFFFFF40]  }
0x249: {  	v3 =	vpack.i.f32.bf16 v4, v7;
	v4 =	vld [tilespmem:s6+$0xFFFFFFC0]  }
0x24a: {  	[tilespmem:s3+$0xFFFFFEB0] =	vst v3;
	v3 =	vld [tilespmem:s6+$0xFFFFFE30];
	v1 =	vpack.i.f32.bf16 v2, v1  }
0x24b: {  	v2 =	vld [tilespmem:s6+$0xFFFFFEB0];
	[tilespmem:s23+$0xFFFFFF80] =	vst v1;
	s23 =	smov.u32 s3  }
0x24c: {  	v1 =	vpack.i.f32.bf16 v6, v8;
	v5 =	vld [tilespmem:s6+$0xFFFFFD40]  }
0x24d: {  	[tilespmem:s3+$0xFFFFFE30] =	vst v1;
	v1 =	vld [tilespmem:s6+$0xFFFFFDC0]  }
0x24e: {  	v6 =	vld [tilespmem:s6+$0xFFFFFC40];
	v0 =	vpack.i.f32.bf16 v4, v0  }
0x24f: {  	v4 =	vld [tilespmem:s6+$0xFFFFFCC0];
	[tilespmem:s3+$0xFFFFFFC0] =	vst v0  }
0x250: {  	v0 =	vpack.i.f32.bf16 v2, v3;
	v2 =	vld [tilespmem:s6+$0xFFFFFF50]  }
0x251: {  	[tilespmem:s3+$0xFFFFFF30] =	vst v0;
	v0 =	vld [tilespmem:s6+$0xFFFFFFD0]  }
0x252: {  	v1 =	vpack.i.f32.bf16 v1, v5;
	v3 =	vld [tilespmem:s6+$0xFFFFFE40]  }
0x253: {  	[tilespmem:s3+$0xFFFFFEC0] =	vst v1;
	v1 =	vld [tilespmem:s6+$0xFFFFFEC0]  }
0x254: {  	v4 =	vpack.i.f32.bf16 v4, v6;
	v5 =	vld [tilespmem:s6+$0xFFFFFD50]  }
0x255: {  	[tilespmem:s3+$0xFFFFFE40] =	vst v4;
	v4 =	vld [tilespmem:s6+$0xFFFFFDD0]  }
0x256: {  	v6 =	vld [tilespmem:s6+$0xFFFFFC50];
	v0 =	vpack.i.f32.bf16 v0, v2  }
0x257: {  	v2 =	vld [tilespmem:s6+$0xFFFFFCD0];
	[tilespmem:s3+$0xFFFFFFD0] =	vst v0  }
0x258: {  	v0 =	vpack.i.f32.bf16 v1, v3;
	v1 =	vld [tilespmem:s6+$0xFFFFFF60]  }
0x259: {  	[tilespmem:s3+$0xFFFFFF40] =	vst v0;
	v0 =	vld [tilespmem:s6+$0xFFFFFFE0]  }
0x25a: {  	v3 =	vpack.i.f32.bf16 v4, v5;
	v4 =	vld [tilespmem:s6+$0xFFFFFE50]  }
0x25b: {  	[tilespmem:s3+$0xFFFFFED0] =	vst v3;
	v3 =	vld [tilespmem:s6+$0xFFFFFED0]  }
0x25c: {  	v2 =	vpack.i.f32.bf16 v2, v6;
	v5 =	vld [tilespmem:s6+$0xFFFFFD60]  }
0x25d: {  	[tilespmem:s3+$0xFFFFFE50] =	vst v2;
	v2 =	vld [tilespmem:s6+$0xFFFFFDE0]  }
0x25e: {  	v6 =	vld [tilespmem:s6+$0xFFFFFC60];
	v0 =	vpack.i.f32.bf16 v0, v1  }
0x25f: {  	v1 =	vld [tilespmem:s6+$0xFFFFFCE0];
	[tilespmem:s3+$0xFFFFFFE0] =	vst v0  }
0x260: {  	v0 =	vpack.i.f32.bf16 v3, v4;
	v3 =	vld [tilespmem:s6+$0xFFFFFF70]  }
0x261: {  	[tilespmem:s3+$0xFFFFFF50] =	vst v0;
	v0 =	vld [tilespmem:s6+$0xFFFFFFF0]  }
0x262: {  	v2 =	vpack.i.f32.bf16 v2, v5;
	v4 =	vld [tilespmem:s6+$0xFFFFFE60]  }
0x263: {  	[tilespmem:s3+$0xFFFFFEE0] =	vst v2;
	v2 =	vld [tilespmem:s6+$0xFFFFFEE0]  }
0x264: {  	v1 =	vpack.i.f32.bf16 v1, v6;
	v5 =	vld [tilespmem:s6+$0xFFFFFD70]  }
0x265: {  	[tilespmem:s3+$0xFFFFFE60] =	vst v1;
	v1 =	vld [tilespmem:s6+$0xFFFFFDF0]  }
0x266: {  	v6 =	vld [tilespmem:s6+$0xFFFFFC70];
	v0 =	vpack.i.f32.bf16 v0, v3  }
0x267: {  	v7 =	vld [tilespmem:s6+$0xFFFFFCF0];
	[tilespmem:s3+$0xFFFFFFF0] =	vst v0  }
0x268: {  	v0 =	vpack.i.f32.bf16 v2, v4;
	v8 =	vld [tilespmem:s6+$0xFFFFFF80]  }
0x269: {  	[tilespmem:s3+$0xFFFFFF60] =	vst v0;
	v9 =	vld [tilespmem:s6+$0x0]  }
0x26a: {  	v1 =	vpack.i.f32.bf16 v1, v5;
	v0 =	vld [tilespmem:s6+$0xFFFFFE70]  }
.Ltmp3:
0x26b: {  	[tilespmem:s3+$0xFFFFFEF0] =	vst v1;
	v3 =	vld [tilespmem:s6+$0xFFFFFEF0];
	(pc) =	sbr.rel @p0 .LBB2_8-.Ltmp3, $4  }
0x26c: {  	v2 =	vpack.i.f32.bf16 v7, v6;
	v1 =	vld [tilespmem:s6+$0xFFFFFD80]  }
0x26d: {  	[tilespmem:s3+$0xFFFFFE70] =	vst v2;
	v4 =	vld [tilespmem:s6+$0xFFFFFE00]  }
0x26e: {  	v2 =	vld [tilespmem:s6+$0xFFFFFC80];
	v6 =	vpack.i.f32.bf16 v9, v8  }
0x26f: {  	s6 =	sadd.s32 $0x400, s6;
	v5 =	vld [tilespmem:s0+$0xFFFFFD00];
	[tilespmem:s3+$0x0] =	vst v6  }
0x270: {  	v0 =	vpack.i.f32.bf16 v3, v0  }
0x271: {  	[tilespmem:s3+$0xFFFFFF70] =	vst v0  }
0x272: {  	v0 =	vld [tilespmem:s0+$0xFFFFFE80]  }
0x273: {  	v3 =	vld [tilespmem:s0+$0xFFFFFF00];
	_ =	sdelay $0x2  }
0x274: {  	v1 =	vpack.i.f32.bf16 v4, v1  }
0x275: {  	[tilespmem:s3+$0xFFFFFF00] =	vst v1;
	v1 =	vpack.i.f32.bf16 v5, v2  }
0x276: {  	[tilespmem:s3+$0xFFFFFE80] =	vst v1;
	v0 =	vpack.i.f32.bf16 v3, v0  }
0x277: {  	s6 =	simm.s32 $0x380;
	[tilespmem:s23+$0xFFFFFF80] =	vst v0;
	s23 =	simm.s32 $0xC400  }
0x278: {  	[tilespmem:s23], [sflag:$0x2] =	stream.indirect.gather [hbm4b:s2+s22], $0x80, s6, s22, $0xb8;
	[tilespmem:$0x14400] =	vst v63  }
0x279: {  	_ = 	snop  }
0x27a: {  	[hbm4b:s16+s4] =	stream.linear.scatter [tilespmem:s26], [sflag:$0x4], $0x2000, $0x38;
	[tilespmem:$0x14400] =	vst v63  }
0x27b: {  	_ =	swait.ge [sflag:s29], $0x4000  }
0x27c: {  	[sflag:s29] =	ssyncset.done $0x0  }
0x27d: {  	[sflag:s29] =	ssyncadd.s32 $0xFFFFC000  }
0x27e: {  	_ =	swait.ge [sflag:s30], $0x2000  }
0x27f: {  	[sflag:s30] =	ssyncset.done $0x0  }
0x280: {  	s0 =	simm.s32 $0x600;
	[sflag:s30] =	ssyncadd.s32 $0xFFFFE000  }
0x281: {  	v0 =	vld [tilespmem:s0+$0x100]  }
0x282: {  	v1 =	vld [tilespmem:s0+$0x180];
	_ =	sdelay $0x2  }
0x283: {  	v2 =	vld [tilespmem:s0+$0xFFFFFF00]  }
0x284: {  	v3 =	vld [tilespmem:s0+$0xFFFFFF80]  }
0x285: {  	s3 =	simm.s32 $0x10500;
	v4 =	vld [tilespmem:s0+$0xFFFFFE80];
	v0 =	vpack.i.f32.bf16 v1, v0  }
0x286: {  	v1 =	vld [tilespmem:s0+$0xFFFFFE00];
	[tilespmem:s3+$0x80] =	vst v0  }
0x287: {  	v0 =	vld [tilespmem:s0+$0x110]  }
0x288: {  	v5 =	vld [tilespmem:s0+$0x190]  }
0x289: {  	v6 =	vld [tilespmem:s0+$0x0];
	v2 =	vpack.i.f32.bf16 v3, v2  }
0x28a: {  	v3 =	vld [tilespmem:s0+$0x80];
	[tilespmem:s3+$0xFFFFFF80] =	vst v2  }
0x28b: {  	v2 =	vld [tilespmem:s0+$0xFFFFFF10];
	v1 =	vpack.i.f32.bf16 v4, v1  }
0x28c: {  	v4 =	vld [tilespmem:s0+$0xFFFFFF90];
	[tilespmem:s3+$0xFFFFFF00] =	vst v1  }
0x28d: {  	v1 =	vld [tilespmem:s0+$0xFFFFFE10];
	v0 =	vpack.i.f32.bf16 v5, v0  }
0x28e: {  	v5 =	vld [tilespmem:s0+$0xFFFFFE90];
	[tilespmem:s3+$0x90] =	vst v0  }
0x28f: {  	v0 =	vpack.i.f32.bf16 v3, v6;
	v3 =	vld [tilespmem:s0+$0x120]  }
0x290: {  	[tilespmem:s3+$0x0] =	vst v0;
	v0 =	vld [tilespmem:s0+$0x1A0]  }
0x291: {  	v6 =	vld [tilespmem:s0+$0x10];
	v2 =	vpack.i.f32.bf16 v4, v2  }
0x292: {  	[tilespmem:s3+$0xFFFFFF90] =	vst v2;
	v2 =	vld [tilespmem:s0+$0x90]  }
0x293: {  	v4 =	vld [tilespmem:s0+$0xFFFFFF20];
	v1 =	vpack.i.f32.bf16 v5, v1  }
0x294: {  	v5 =	vld [tilespmem:s0+$0xFFFFFFA0];
	[tilespmem:s3+$0xFFFFFF10] =	vst v1  }
0x295: {  	v1 =	vld [tilespmem:s0+$0xFFFFFE20];
	v0 =	vpack.i.f32.bf16 v0, v3  }
0x296: {  	v3 =	vld [tilespmem:s0+$0xFFFFFEA0];
	[tilespmem:s3+$0xA0] =	vst v0  }
0x297: {  	v0 =	vpack.i.f32.bf16 v2, v6;
	v2 =	vld [tilespmem:s0+$0x130]  }
0x298: {  	[tilespmem:s3+$0x10] =	vst v0;
	v0 =	vld [tilespmem:s0+$0x1B0]  }
0x299: {  	v4 =	vpack.i.f32.bf16 v5, v4;
	v5 =	vld [tilespmem:s0+$0x20]  }
0x29a: {  	[tilespmem:s3+$0xFFFFFFA0] =	vst v4;
	v4 =	vld [tilespmem:s0+$0xA0]  }
0x29b: {  	v1 =	vpack.i.f32.bf16 v3, v1;
	v3 =	vld [tilespmem:s0+$0xFFFFFF30]  }
0x29c: {  	[tilespmem:s3+$0xFFFFFF20] =	vst v1;
	v1 =	vld [tilespmem:s0+$0xFFFFFFB0]  }
0x29d: {  	v6 =	vld [tilespmem:s0+$0xFFFFFE30];
	v0 =	vpack.i.f32.bf16 v0, v2  }
0x29e: {  	v2 =	vld [tilespmem:s0+$0xFFFFFEB0];
	[tilespmem:s3+$0xB0] =	vst v0  }
0x29f: {  	v0 =	vpack.i.f32.bf16 v4, v5;
	v4 =	vld [tilespmem:s0+$0x140]  }
0x2a0: {  	[tilespmem:s3+$0x20] =	vst v0;
	v0 =	vld [tilespmem:s0+$0x1C0]  }
0x2a1: {  	v1 =	vpack.i.f32.bf16 v1, v3;
	v3 =	vld [tilespmem:s0+$0x30]  }
0x2a2: {  	[tilespmem:s3+$0xFFFFFFB0] =	vst v1;
	v1 =	vld [tilespmem:s0+$0xB0]  }
0x2a3: {  	v2 =	vpack.i.f32.bf16 v2, v6;
	v5 =	vld [tilespmem:s0+$0xFFFFFF40]  }
0x2a4: {  	[tilespmem:s3+$0xFFFFFF30] =	vst v2;
	v2 =	vld [tilespmem:s0+$0xFFFFFFC0]  }
0x2a5: {  	v6 =	vld [tilespmem:s0+$0xFFFFFE40];
	v0 =	vpack.i.f32.bf16 v0, v4  }
0x2a6: {  	v4 =	vld [tilespmem:s0+$0xFFFFFEC0];
	[tilespmem:s3+$0xC0] =	vst v0  }
0x2a7: {  	v0 =	vpack.i.f32.bf16 v1, v3;
	v1 =	vld [tilespmem:s0+$0x150]  }
0x2a8: {  	[tilespmem:s3+$0x30] =	vst v0;
	v0 =	vld [tilespmem:s0+$0x1D0]  }
0x2a9: {  	v2 =	vpack.i.f32.bf16 v2, v5;
	v3 =	vld [tilespmem:s0+$0x40]  }
0x2aa: {  	[tilespmem:s3+$0xFFFFFFC0] =	vst v2;
	v2 =	vld [tilespmem:s0+$0xC0]  }
0x2ab: {  	v4 =	vpack.i.f32.bf16 v4, v6;
	v5 =	vld [tilespmem:s0+$0xFFFFFF50]  }
0x2ac: {  	[tilespmem:s3+$0xFFFFFF40] =	vst v4;
	v4 =	vld [tilespmem:s0+$0xFFFFFFD0]  }
0x2ad: {  	v6 =	vld [tilespmem:s0+$0xFFFFFE50];
	v0 =	vpack.i.f32.bf16 v0, v1  }
0x2ae: {  	v1 =	vld [tilespmem:s0+$0xFFFFFED0];
	[tilespmem:s3+$0xD0] =	vst v0  }
0x2af: {  	v0 =	vpack.i.f32.bf16 v2, v3;
	v2 =	vld [tilespmem:s0+$0x160]  }
0x2b0: {  	[tilespmem:s3+$0x40] =	vst v0;
	v0 =	vld [tilespmem:s0+$0x1E0]  }
0x2b1: {  	v3 =	vpack.i.f32.bf16 v4, v5;
	v4 =	vld [tilespmem:s0+$0x50]  }
0x2b2: {  	[tilespmem:s3+$0xFFFFFFD0] =	vst v3;
	v3 =	vld [tilespmem:s0+$0xD0]  }
0x2b3: {  	v1 =	vpack.i.f32.bf16 v1, v6;
	v5 =	vld [tilespmem:s0+$0xFFFFFF60]  }
0x2b4: {  	[tilespmem:s3+$0xFFFFFF50] =	vst v1;
	v1 =	vld [tilespmem:s0+$0xFFFFFFE0]  }
0x2b5: {  	v6 =	vld [tilespmem:s0+$0xFFFFFE60];
	v0 =	vpack.i.f32.bf16 v0, v2  }
0x2b6: {  	v2 =	vld [tilespmem:s0+$0xFFFFFEE0];
	[tilespmem:s3+$0xE0] =	vst v0  }
0x2b7: {  	v0 =	vpack.i.f32.bf16 v3, v4;
	v7 =	vld [tilespmem:s0+$0x170]  }
0x2b8: {  	[tilespmem:s3+$0x50] =	vst v0;
	v8 =	vld [tilespmem:s0+$0x1F0]  }
0x2b9: {  	v1 =	vpack.i.f32.bf16 v1, v5;
	v0 =	vld [tilespmem:s0+$0x60]  }
0x2ba: {  	v3 =	vld [tilespmem:s0+$0xE0];
	[tilespmem:s3+$0xFFFFFFE0] =	vst v1  }
0x2bb: {  	v2 =	vpack.i.f32.bf16 v2, v6;
	v1 =	vld [tilespmem:s0+$0xFFFFFF70]  }
0x2bc: {  	v4 =	vld [tilespmem:s0+$0xFFFFFFF0];
	[tilespmem:s3+$0xFFFFFF60] =	vst v2  }
0x2bd: {  	v2 =	vld [tilespmem:s0+$0xFFFFFE70];
	v6 =	vpack.i.f32.bf16 v8, v7  }
0x2be: {  	s5 =	simm.s32 $0x0;
	s6 =	simm.s32 $0xA00;
	s23 =	simm.s32 $0x10500;
	v5 =	vld [tilespmem:s0+$0xFFFFFEF0];
	[tilespmem:s3+$0xF0] =	vst v6  }
.LBB2_10:
0x2bf: {  	v6 =	vld [tilespmem:s6+$0x100];
	v0 =	vpack.i.f32.bf16 v3, v0  }
0x2c0: {  	v3 =	vld [tilespmem:s6+$0x180];
	[tilespmem:s3+$0x60] =	vst v0  }
0x2c1: {  	v0 =	vld [tilespmem:s6+$0xFFFFFE80];
	v1 =	vpack.i.f32.bf16 v4, v1  }
0x2c2: {  	v4 =	vld [tilespmem:s6+$0xFFFFFF00];
	[tilespmem:s3+$0xFFFFFFF0] =	vst v1  }
0x2c3: {  	v1 =	vld [tilespmem:s6+$0xFFFFFF80];
	v2 =	vpack.i.f32.bf16 v5, v2  }
0x2c4: {  	v5 =	vld [tilespmem:s6+$0x0];
	[tilespmem:s3+$0xFFFFFF70] =	vst v2  }
0x2c5: {  	s3 =	sadd.s32 $0x200, s3;
	v2 =	vld [tilespmem:s6+$0x80];
	v3 =	vpack.i.f32.bf16 v3, v6  }
0x2c6: {  	v6 =	vld [tilespmem:s6+$0xFFFFFE00];
	[tilespmem:s3+$0x80] =	vst v3  }
0x2c7: {  	s5 =	sadd.s32 $0x4, s5;
	v3 =	vld [tilespmem:s6+$0x110]  }
0x2c8: {  	p0 =	slt.u32 s5, $0x3C;
	v1 =	vpack.i.f32.bf16 v1, v4;
	v4 =	vld [tilespmem:s6+$0x190]  }
0x2c9: {  	[tilespmem:s3+$0xFFFFFF80] =	vst v1;
	v1 =	vld [tilespmem:s0+$0x70]  }
0x2ca: {  	v7 =	vld [tilespmem:s6+$0xFFFFFF10];
	v2 =	vpack.i.f32.bf16 v2, v5  }
0x2cb: {  	v0 =	vpack.i.f32.bf16 v0, v6;
	v5 =	vld [tilespmem:s6+$0xFFFFFF90];
	[tilespmem:s3+$0x0] =	vst v2  }
0x2cc: {  	[tilespmem:s3+$0xFFFFFF00] =	vst v0;
	v0 =	vld [tilespmem:s6+$0x10]  }
0x2cd: {  	v2 =	vld [tilespmem:s6+$0xFFFFFE10];
	v3 =	vpack.i.f32.bf16 v4, v3  }
0x2ce: {  	v4 =	vld [tilespmem:s6+$0xFFFFFE90];
	[tilespmem:s3+$0x90] =	vst v3  }
0x2cf: {  	v3 =	vld [tilespmem:s6+$0x120]  }
0x2d0: {  	v5 =	vpack.i.f32.bf16 v5, v7;
	v6 =	vld [tilespmem:s6+$0x1A0]  }
0x2d1: {  	[tilespmem:s3+$0xFFFFFF90] =	vst v5;
	v5 =	vld [tilespmem:s6+$0x90]  }
0x2d2: {  	v7 =	vld [tilespmem:s6+$0xFFFFFF20]  }
0x2d3: {  	v2 =	vpack.i.f32.bf16 v4, v2;
	v4 =	vld [tilespmem:s6+$0xFFFFFFA0]  }
0x2d4: {  	[tilespmem:s3+$0xFFFFFF10] =	vst v2;
	v2 =	vld [tilespmem:s0+$0xF0];
	s0 =	smov.u32 s6  }
0x2d5: {  	v8 =	vld [tilespmem:s6+$0xFFFFFE20];
	v3 =	vpack.i.f32.bf16 v6, v3  }
0x2d6: {  	v6 =	vld [tilespmem:s6+$0xFFFFFEA0];
	v0 =	vpack.i.f32.bf16 v5, v0;
	[tilespmem:s3+$0xA0] =	vst v3  }
0x2d7: {  	[tilespmem:s3+$0x10] =	vst v0;
	v0 =	vld [tilespmem:s6+$0x130]  }
0x2d8: {  	v3 =	vpack.i.f32.bf16 v4, v7;
	v4 =	vld [tilespmem:s6+$0x1B0]  }
0x2d9: {  	[tilespmem:s3+$0xFFFFFFA0] =	vst v3;
	v3 =	vld [tilespmem:s6+$0x20];
	v1 =	vpack.i.f32.bf16 v2, v1  }
0x2da: {  	v2 =	vld [tilespmem:s6+$0xA0];
	[tilespmem:s23+$0x70] =	vst v1;
	s23 =	smov.u32 s3  }
0x2db: {  	v1 =	vpack.i.f32.bf16 v6, v8;
	v5 =	vld [tilespmem:s6+$0xFFFFFF30]  }
0x2dc: {  	[tilespmem:s3+$0xFFFFFF20] =	vst v1;
	v1 =	vld [tilespmem:s6+$0xFFFFFFB0]  }
0x2dd: {  	v6 =	vld [tilespmem:s6+$0xFFFFFE30];
	v0 =	vpack.i.f32.bf16 v4, v0  }
0x2de: {  	v4 =	vld [tilespmem:s6+$0xFFFFFEB0];
	[tilespmem:s3+$0xB0] =	vst v0  }
0x2df: {  	v0 =	vpack.i.f32.bf16 v2, v3;
	v2 =	vld [tilespmem:s6+$0x140]  }
0x2e0: {  	[tilespmem:s3+$0x20] =	vst v0;
	v0 =	vld [tilespmem:s6+$0x1C0]  }
0x2e1: {  	v1 =	vpack.i.f32.bf16 v1, v5;
	v3 =	vld [tilespmem:s6+$0x30]  }
0x2e2: {  	[tilespmem:s3+$0xFFFFFFB0] =	vst v1;
	v1 =	vld [tilespmem:s6+$0xB0]  }
0x2e3: {  	v4 =	vpack.i.f32.bf16 v4, v6;
	v5 =	vld [tilespmem:s6+$0xFFFFFF40]  }
0x2e4: {  	[tilespmem:s3+$0xFFFFFF30] =	vst v4;
	v4 =	vld [tilespmem:s6+$0xFFFFFFC0]  }
0x2e5: {  	v6 =	vld [tilespmem:s6+$0xFFFFFE40];
	v0 =	vpack.i.f32.bf16 v0, v2  }
0x2e6: {  	v2 =	vld [tilespmem:s6+$0xFFFFFEC0];
	[tilespmem:s3+$0xC0] =	vst v0  }
0x2e7: {  	v0 =	vpack.i.f32.bf16 v1, v3;
	v1 =	vld [tilespmem:s6+$0x150]  }
0x2e8: {  	[tilespmem:s3+$0x30] =	vst v0;
	v0 =	vld [tilespmem:s6+$0x1D0]  }
0x2e9: {  	v3 =	vpack.i.f32.bf16 v4, v5;
	v4 =	vld [tilespmem:s6+$0x40]  }
0x2ea: {  	[tilespmem:s3+$0xFFFFFFC0] =	vst v3;
	v3 =	vld [tilespmem:s6+$0xC0]  }
0x2eb: {  	v2 =	vpack.i.f32.bf16 v2, v6;
	v5 =	vld [tilespmem:s6+$0xFFFFFF50]  }
0x2ec: {  	[tilespmem:s3+$0xFFFFFF40] =	vst v2;
	v2 =	vld [tilespmem:s6+$0xFFFFFFD0]  }
0x2ed: {  	v6 =	vld [tilespmem:s6+$0xFFFFFE50];
	v0 =	vpack.i.f32.bf16 v0, v1  }
0x2ee: {  	v1 =	vld [tilespmem:s6+$0xFFFFFED0];
	[tilespmem:s3+$0xD0] =	vst v0  }
0x2ef: {  	v0 =	vpack.i.f32.bf16 v3, v4;
	v3 =	vld [tilespmem:s6+$0x160]  }
0x2f0: {  	[tilespmem:s3+$0x40] =	vst v0;
	v0 =	vld [tilespmem:s6+$0x1E0]  }
0x2f1: {  	v2 =	vpack.i.f32.bf16 v2, v5;
	v4 =	vld [tilespmem:s6+$0x50]  }
0x2f2: {  	[tilespmem:s3+$0xFFFFFFD0] =	vst v2;
	v2 =	vld [tilespmem:s6+$0xD0]  }
0x2f3: {  	v1 =	vpack.i.f32.bf16 v1, v6;
	v5 =	vld [tilespmem:s6+$0xFFFFFF60]  }
0x2f4: {  	[tilespmem:s3+$0xFFFFFF50] =	vst v1;
	v1 =	vld [tilespmem:s6+$0xFFFFFFE0]  }
0x2f5: {  	v6 =	vld [tilespmem:s6+$0xFFFFFE60];
	v0 =	vpack.i.f32.bf16 v0, v3  }
0x2f6: {  	v7 =	vld [tilespmem:s6+$0xFFFFFEE0];
	[tilespmem:s3+$0xE0] =	vst v0  }
0x2f7: {  	v0 =	vpack.i.f32.bf16 v2, v4;
	v8 =	vld [tilespmem:s6+$0x170]  }
0x2f8: {  	[tilespmem:s3+$0x50] =	vst v0;
	v9 =	vld [tilespmem:s6+$0x1F0]  }
0x2f9: {  	v1 =	vpack.i.f32.bf16 v1, v5;
	v0 =	vld [tilespmem:s6+$0x60]  }
.Ltmp4:
0x2fa: {  	[tilespmem:s3+$0xFFFFFFE0] =	vst v1;
	v3 =	vld [tilespmem:s6+$0xE0];
	(pc) =	sbr.rel @p0 .LBB2_10-.Ltmp4, $4  }
0x2fb: {  	v2 =	vpack.i.f32.bf16 v7, v6;
	v1 =	vld [tilespmem:s6+$0xFFFFFF70]  }
0x2fc: {  	[tilespmem:s3+$0xFFFFFF60] =	vst v2;
	v4 =	vld [tilespmem:s6+$0xFFFFFFF0]  }
0x2fd: {  	v2 =	vld [tilespmem:s6+$0xFFFFFE70];
	v6 =	vpack.i.f32.bf16 v9, v8  }
0x2fe: {  	s6 =	sadd.s32 $0x400, s6;
	v5 =	vld [tilespmem:s0+$0xFFFFFEF0];
	[tilespmem:s3+$0xF0] =	vst v6  }
0x2ff: {  	v0 =	vpack.i.f32.bf16 v3, v0  }
0x300: {  	[tilespmem:s3+$0x60] =	vst v0  }
0x301: {  	v0 =	vld [tilespmem:s0+$0x70]  }
0x302: {  	v3 =	vld [tilespmem:s0+$0xF0];
	_ =	sdelay $0x2  }
0x303: {  	v1 =	vpack.i.f32.bf16 v4, v1  }
0x304: {  	[tilespmem:s3+$0xFFFFFFF0] =	vst v1;
	v1 =	vpack.i.f32.bf16 v5, v2  }
0x305: {  	[tilespmem:s3+$0xFFFFFF70] =	vst v1;
	v0 =	vpack.i.f32.bf16 v3, v0  }
0x306: {  	[tilespmem:s23+$0x70] =	vst v0  }
0x307: {  	[hbm4b:s17+s4] =	stream.linear.scatter [tilespmem:s25], [sflag:$0x3], $0x2000, $0x38;
	[tilespmem:$0x14400] =	vst v63  }
0x308: {  	_ =	swait.ge [sflag:s29], $0x4000  }
0x309: {  	[sflag:s29] =	ssyncset.done $0x0  }
0x30a: {  	[sflag:s29] =	ssyncadd.s32 $0xFFFFC000  }
0x30b: {  	_ =	swait.ge [sflag:s28], $0x2000  }
0x30c: {  	[sflag:s28] =	ssyncset.done $0x0  }
0x30d: {  	s0 =	simm.s32 $0x47F0;
	[sflag:s28] =	ssyncadd.s32 $0xFFFFE000  }
0x30e: {  	v0 =	vld [tilespmem:s0+$0xFFFFFF10]  }
0x30f: {  	v1 =	vld [tilespmem:s0+$0xFFFFFF90];
	_ =	sdelay $0x2  }
0x310: {  	v2 =	vld [tilespmem:s0+$0xFFFFFD10]  }
0x311: {  	v3 =	vld [tilespmem:s0+$0xFFFFFD90]  }
0x312: {  	s3 =	simm.s32 $0x125F0;
	v4 =	vld [tilespmem:s0+$0xFFFFFC90];
	v0 =	vpack.i.f32.bf16 v1, v0  }
0x313: {  	v1 =	vld [tilespmem:s0+$0xFFFFFC10];
	[tilespmem:s3+$0xFFFFFF90] =	vst v0  }
0x314: {  	v0 =	vld [tilespmem:s0+$0xFFFFFF20]  }
0x315: {  	v5 =	vld [tilespmem:s0+$0xFFFFFFA0]  }
0x316: {  	v6 =	vld [tilespmem:s0+$0xFFFFFE10];
	v2 =	vpack.i.f32.bf16 v3, v2  }
0x317: {  	v3 =	vld [tilespmem:s0+$0xFFFFFE90];
	[tilespmem:s3+$0xFFFFFE90] =	vst v2  }
0x318: {  	v2 =	vld [tilespmem:s0+$0xFFFFFD20];
	v1 =	vpack.i.f32.bf16 v4, v1  }
0x319: {  	v4 =	vld [tilespmem:s0+$0xFFFFFDA0];
	[tilespmem:s3+$0xFFFFFE10] =	vst v1  }
0x31a: {  	v1 =	vld [tilespmem:s0+$0xFFFFFC20];
	v0 =	vpack.i.f32.bf16 v5, v0  }
0x31b: {  	v5 =	vld [tilespmem:s0+$0xFFFFFCA0];
	[tilespmem:s3+$0xFFFFFFA0] =	vst v0  }
0x31c: {  	v0 =	vpack.i.f32.bf16 v3, v6;
	v3 =	vld [tilespmem:s0+$0xFFFFFF30]  }
0x31d: {  	[tilespmem:s3+$0xFFFFFF10] =	vst v0;
	v0 =	vld [tilespmem:s0+$0xFFFFFFB0]  }
0x31e: {  	v6 =	vld [tilespmem:s0+$0xFFFFFE20];
	v2 =	vpack.i.f32.bf16 v4, v2  }
0x31f: {  	[tilespmem:s3+$0xFFFFFEA0] =	vst v2;
	v2 =	vld [tilespmem:s0+$0xFFFFFEA0]  }
0x320: {  	v4 =	vld [tilespmem:s0+$0xFFFFFD30];
	v1 =	vpack.i.f32.bf16 v5, v1  }
0x321: {  	v5 =	vld [tilespmem:s0+$0xFFFFFDB0];
	[tilespmem:s3+$0xFFFFFE20] =	vst v1  }
0x322: {  	v1 =	vld [tilespmem:s0+$0xFFFFFC30];
	v0 =	vpack.i.f32.bf16 v0, v3  }
0x323: {  	v3 =	vld [tilespmem:s0+$0xFFFFFCB0];
	[tilespmem:s3+$0xFFFFFFB0] =	vst v0  }
0x324: {  	v0 =	vpack.i.f32.bf16 v2, v6;
	v2 =	vld [tilespmem:s0+$0xFFFFFF40]  }
0x325: {  	[tilespmem:s3+$0xFFFFFF20] =	vst v0;
	v0 =	vld [tilespmem:s0+$0xFFFFFFC0]  }
0x326: {  	v4 =	vpack.i.f32.bf16 v5, v4;
	v5 =	vld [tilespmem:s0+$0xFFFFFE30]  }
0x327: {  	[tilespmem:s3+$0xFFFFFEB0] =	vst v4;
	v4 =	vld [tilespmem:s0+$0xFFFFFEB0]  }
0x328: {  	v1 =	vpack.i.f32.bf16 v3, v1;
	v3 =	vld [tilespmem:s0+$0xFFFFFD40]  }
0x329: {  	[tilespmem:s3+$0xFFFFFE30] =	vst v1;
	v1 =	vld [tilespmem:s0+$0xFFFFFDC0]  }
0x32a: {  	v6 =	vld [tilespmem:s0+$0xFFFFFC40];
	v0 =	vpack.i.f32.bf16 v0, v2  }
0x32b: {  	v2 =	vld [tilespmem:s0+$0xFFFFFCC0];
	[tilespmem:s3+$0xFFFFFFC0] =	vst v0  }
0x32c: {  	v0 =	vpack.i.f32.bf16 v4, v5;
	v4 =	vld [tilespmem:s0+$0xFFFFFF50]  }
0x32d: {  	[tilespmem:s3+$0xFFFFFF30] =	vst v0;
	v0 =	vld [tilespmem:s0+$0xFFFFFFD0]  }
0x32e: {  	v1 =	vpack.i.f32.bf16 v1, v3;
	v3 =	vld [tilespmem:s0+$0xFFFFFE40]  }
0x32f: {  	[tilespmem:s3+$0xFFFFFEC0] =	vst v1;
	v1 =	vld [tilespmem:s0+$0xFFFFFEC0]  }
0x330: {  	v2 =	vpack.i.f32.bf16 v2, v6;
	v5 =	vld [tilespmem:s0+$0xFFFFFD50]  }
0x331: {  	[tilespmem:s3+$0xFFFFFE40] =	vst v2;
	v2 =	vld [tilespmem:s0+$0xFFFFFDD0]  }
0x332: {  	v6 =	vld [tilespmem:s0+$0xFFFFFC50];
	v0 =	vpack.i.f32.bf16 v0, v4  }
0x333: {  	v4 =	vld [tilespmem:s0+$0xFFFFFCD0];
	[tilespmem:s3+$0xFFFFFFD0] =	vst v0  }
0x334: {  	v0 =	vpack.i.f32.bf16 v1, v3;
	v1 =	vld [tilespmem:s0+$0xFFFFFF60]  }
0x335: {  	[tilespmem:s3+$0xFFFFFF40] =	vst v0;
	v0 =	vld [tilespmem:s0+$0xFFFFFFE0]  }
0x336: {  	v2 =	vpack.i.f32.bf16 v2, v5;
	v3 =	vld [tilespmem:s0+$0xFFFFFE50]  }
0x337: {  	[tilespmem:s3+$0xFFFFFED0] =	vst v2;
	v2 =	vld [tilespmem:s0+$0xFFFFFED0]  }
0x338: {  	v4 =	vpack.i.f32.bf16 v4, v6;
	v5 =	vld [tilespmem:s0+$0xFFFFFD60]  }
0x339: {  	[tilespmem:s3+$0xFFFFFE50] =	vst v4;
	v4 =	vld [tilespmem:s0+$0xFFFFFDE0]  }
0x33a: {  	v6 =	vld [tilespmem:s0+$0xFFFFFC60];
	v0 =	vpack.i.f32.bf16 v0, v1  }
0x33b: {  	v1 =	vld [tilespmem:s0+$0xFFFFFCE0];
	[tilespmem:s3+$0xFFFFFFE0] =	vst v0  }
0x33c: {  	v0 =	vpack.i.f32.bf16 v2, v3;
	v2 =	vld [tilespmem:s0+$0xFFFFFF70]  }
0x33d: {  	[tilespmem:s3+$0xFFFFFF50] =	vst v0;
	v0 =	vld [tilespmem:s0+$0xFFFFFFF0]  }
0x33e: {  	v3 =	vpack.i.f32.bf16 v4, v5;
	v4 =	vld [tilespmem:s0+$0xFFFFFE60]  }
0x33f: {  	[tilespmem:s3+$0xFFFFFEE0] =	vst v3;
	v3 =	vld [tilespmem:s0+$0xFFFFFEE0]  }
0x340: {  	v1 =	vpack.i.f32.bf16 v1, v6;
	v5 =	vld [tilespmem:s0+$0xFFFFFD70]  }
0x341: {  	[tilespmem:s3+$0xFFFFFE60] =	vst v1;
	v1 =	vld [tilespmem:s0+$0xFFFFFDF0]  }
0x342: {  	v6 =	vld [tilespmem:s0+$0xFFFFFC70];
	v0 =	vpack.i.f32.bf16 v0, v2  }
0x343: {  	v2 =	vld [tilespmem:s0+$0xFFFFFCF0];
	[tilespmem:s3+$0xFFFFFFF0] =	vst v0  }
0x344: {  	v0 =	vpack.i.f32.bf16 v3, v4;
	v7 =	vld [tilespmem:s0+$0xFFFFFF80]  }
0x345: {  	[tilespmem:s3+$0xFFFFFF60] =	vst v0;
	v8 =	vld [tilespmem:s0+$0x0]  }
0x346: {  	v1 =	vpack.i.f32.bf16 v1, v5;
	v0 =	vld [tilespmem:s0+$0xFFFFFE70]  }
0x347: {  	v3 =	vld [tilespmem:s0+$0xFFFFFEF0];
	[tilespmem:s3+$0xFFFFFEF0] =	vst v1  }
0x348: {  	v2 =	vpack.i.f32.bf16 v2, v6;
	v1 =	vld [tilespmem:s0+$0xFFFFFD80]  }
0x349: {  	v4 =	vld [tilespmem:s0+$0xFFFFFE00];
	[tilespmem:s3+$0xFFFFFE70] =	vst v2  }
0x34a: {  	v2 =	vld [tilespmem:s0+$0xFFFFFC80];
	v6 =	vpack.i.f32.bf16 v8, v7  }
0x34b: {  	s5 =	simm.s32 $0x0;
	s6 =	simm.s32 $0x4BF0;
	s23 =	simm.s32 $0x125F0;
	v5 =	vld [tilespmem:s0+$0xFFFFFD00];
	[tilespmem:s3+$0x0] =	vst v6  }
.LBB2_12:
0x34c: {  	v6 =	vld [tilespmem:s6+$0xFFFFFF10];
	v0 =	vpack.i.f32.bf16 v3, v0  }
0x34d: {  	v3 =	vld [tilespmem:s6+$0xFFFFFF90];
	[tilespmem:s3+$0xFFFFFF70] =	vst v0  }
0x34e: {  	v0 =	vld [tilespmem:s6+$0xFFFFFC90];
	v1 =	vpack.i.f32.bf16 v4, v1  }
0x34f: {  	v4 =	vld [tilespmem:s6+$0xFFFFFD10];
	[tilespmem:s3+$0xFFFFFF00] =	vst v1  }
0x350: {  	v1 =	vld [tilespmem:s6+$0xFFFFFD90];
	v2 =	vpack.i.f32.bf16 v5, v2  }
0x351: {  	v5 =	vld [tilespmem:s6+$0xFFFFFE10];
	[tilespmem:s3+$0xFFFFFE80] =	vst v2  }
0x352: {  	s3 =	sadd.s32 $0x200, s3;
	v2 =	vld [tilespmem:s6+$0xFFFFFE90];
	v3 =	vpack.i.f32.bf16 v3, v6  }
0x353: {  	v6 =	vld [tilespmem:s6+$0xFFFFFC10];
	[tilespmem:s3+$0xFFFFFF90] =	vst v3  }
0x354: {  	s5 =	sadd.s32 $0x4, s5;
	v3 =	vld [tilespmem:s6+$0xFFFFFF20]  }
0x355: {  	p0 =	slt.u32 s5, $0x3C;
	v1 =	vpack.i.f32.bf16 v1, v4;
	v4 =	vld [tilespmem:s6+$0xFFFFFFA0]  }
0x356: {  	[tilespmem:s3+$0xFFFFFE90] =	vst v1;
	v1 =	vld [tilespmem:s0+$0xFFFFFE80]  }
0x357: {  	v7 =	vld [tilespmem:s6+$0xFFFFFD20];
	v2 =	vpack.i.f32.bf16 v2, v5  }
0x358: {  	v0 =	vpack.i.f32.bf16 v0, v6;
	v5 =	vld [tilespmem:s6+$0xFFFFFDA0];
	[tilespmem:s3+$0xFFFFFF10] =	vst v2  }
0x359: {  	[tilespmem:s3+$0xFFFFFE10] =	vst v0;
	v0 =	vld [tilespmem:s6+$0xFFFFFE20]  }
0x35a: {  	v2 =	vld [tilespmem:s6+$0xFFFFFC20];
	v3 =	vpack.i.f32.bf16 v4, v3  }
0x35b: {  	v4 =	vld [tilespmem:s6+$0xFFFFFCA0];
	[tilespmem:s3+$0xFFFFFFA0] =	vst v3  }
0x35c: {  	v3 =	vld [tilespmem:s6+$0xFFFFFF30]  }
0x35d: {  	v5 =	vpack.i.f32.bf16 v5, v7;
	v6 =	vld [tilespmem:s6+$0xFFFFFFB0]  }
0x35e: {  	[tilespmem:s3+$0xFFFFFEA0] =	vst v5;
	v5 =	vld [tilespmem:s6+$0xFFFFFEA0]  }
0x35f: {  	v7 =	vld [tilespmem:s6+$0xFFFFFD30]  }
0x360: {  	v2 =	vpack.i.f32.bf16 v4, v2;
	v4 =	vld [tilespmem:s6+$0xFFFFFDB0]  }
0x361: {  	[tilespmem:s3+$0xFFFFFE20] =	vst v2;
	v2 =	vld [tilespmem:s0+$0xFFFFFF00];
	s0 =	smov.u32 s6  }
0x362: {  	v8 =	vld [tilespmem:s6+$0xFFFFFC30];
	v3 =	vpack.i.f32.bf16 v6, v3  }
0x363: {  	v6 =	vld [tilespmem:s6+$0xFFFFFCB0];
	v0 =	vpack.i.f32.bf16 v5, v0;
	[tilespmem:s3+$0xFFFFFFB0] =	vst v3  }
0x364: {  	[tilespmem:s3+$0xFFFFFF20] =	vst v0;
	v0 =	vld [tilespmem:s6+$0xFFFFFF40]  }
0x365: {  	v3 =	vpack.i.f32.bf16 v4, v7;
	v4 =	vld [tilespmem:s6+$0xFFFFFFC0]  }
0x366: {  	[tilespmem:s3+$0xFFFFFEB0] =	vst v3;
	v3 =	vld [tilespmem:s6+$0xFFFFFE30];
	v1 =	vpack.i.f32.bf16 v2, v1  }
0x367: {  	v2 =	vld [tilespmem:s6+$0xFFFFFEB0];
	[tilespmem:s23+$0xFFFFFF80] =	vst v1;
	s23 =	smov.u32 s3  }
0x368: {  	v1 =	vpack.i.f32.bf16 v6, v8;
	v5 =	vld [tilespmem:s6+$0xFFFFFD40]  }
0x369: {  	[tilespmem:s3+$0xFFFFFE30] =	vst v1;
	v1 =	vld [tilespmem:s6+$0xFFFFFDC0]  }
0x36a: {  	v6 =	vld [tilespmem:s6+$0xFFFFFC40];
	v0 =	vpack.i.f32.bf16 v4, v0  }
0x36b: {  	v4 =	vld [tilespmem:s6+$0xFFFFFCC0];
	[tilespmem:s3+$0xFFFFFFC0] =	vst v0  }
0x36c: {  	v0 =	vpack.i.f32.bf16 v2, v3;
	v2 =	vld [tilespmem:s6+$0xFFFFFF50]  }
0x36d: {  	[tilespmem:s3+$0xFFFFFF30] =	vst v0;
	v0 =	vld [tilespmem:s6+$0xFFFFFFD0]  }
0x36e: {  	v1 =	vpack.i.f32.bf16 v1, v5;
	v3 =	vld [tilespmem:s6+$0xFFFFFE40]  }
0x36f: {  	[tilespmem:s3+$0xFFFFFEC0] =	vst v1;
	v1 =	vld [tilespmem:s6+$0xFFFFFEC0]  }
0x370: {  	v4 =	vpack.i.f32.bf16 v4, v6;
	v5 =	vld [tilespmem:s6+$0xFFFFFD50]  }
0x371: {  	[tilespmem:s3+$0xFFFFFE40] =	vst v4;
	v4 =	vld [tilespmem:s6+$0xFFFFFDD0]  }
0x372: {  	v6 =	vld [tilespmem:s6+$0xFFFFFC50];
	v0 =	vpack.i.f32.bf16 v0, v2  }
0x373: {  	v2 =	vld [tilespmem:s6+$0xFFFFFCD0];
	[tilespmem:s3+$0xFFFFFFD0] =	vst v0  }
0x374: {  	v0 =	vpack.i.f32.bf16 v1, v3;
	v1 =	vld [tilespmem:s6+$0xFFFFFF60]  }
0x375: {  	[tilespmem:s3+$0xFFFFFF40] =	vst v0;
	v0 =	vld [tilespmem:s6+$0xFFFFFFE0]  }
0x376: {  	v3 =	vpack.i.f32.bf16 v4, v5;
	v4 =	vld [tilespmem:s6+$0xFFFFFE50]  }
0x377: {  	[tilespmem:s3+$0xFFFFFED0] =	vst v3;
	v3 =	vld [tilespmem:s6+$0xFFFFFED0]  }
0x378: {  	v2 =	vpack.i.f32.bf16 v2, v6;
	v5 =	vld [tilespmem:s6+$0xFFFFFD60]  }
0x379: {  	[tilespmem:s3+$0xFFFFFE50] =	vst v2;
	v2 =	vld [tilespmem:s6+$0xFFFFFDE0]  }
0x37a: {  	v6 =	vld [tilespmem:s6+$0xFFFFFC60];
	v0 =	vpack.i.f32.bf16 v0, v1  }
0x37b: {  	v1 =	vld [tilespmem:s6+$0xFFFFFCE0];
	[tilespmem:s3+$0xFFFFFFE0] =	vst v0  }
0x37c: {  	v0 =	vpack.i.f32.bf16 v3, v4;
	v3 =	vld [tilespmem:s6+$0xFFFFFF70]  }
0x37d: {  	[tilespmem:s3+$0xFFFFFF50] =	vst v0;
	v0 =	vld [tilespmem:s6+$0xFFFFFFF0]  }
0x37e: {  	v2 =	vpack.i.f32.bf16 v2, v5;
	v4 =	vld [tilespmem:s6+$0xFFFFFE60]  }
0x37f: {  	[tilespmem:s3+$0xFFFFFEE0] =	vst v2;
	v2 =	vld [tilespmem:s6+$0xFFFFFEE0]  }
0x380: {  	v1 =	vpack.i.f32.bf16 v1, v6;
	v5 =	vld [tilespmem:s6+$0xFFFFFD70]  }
0x381: {  	[tilespmem:s3+$0xFFFFFE60] =	vst v1;
	v1 =	vld [tilespmem:s6+$0xFFFFFDF0]  }
0x382: {  	v6 =	vld [tilespmem:s6+$0xFFFFFC70];
	v0 =	vpack.i.f32.bf16 v0, v3  }
0x383: {  	v7 =	vld [tilespmem:s6+$0xFFFFFCF0];
	[tilespmem:s3+$0xFFFFFFF0] =	vst v0  }
0x384: {  	v0 =	vpack.i.f32.bf16 v2, v4;
	v8 =	vld [tilespmem:s6+$0xFFFFFF80]  }
0x385: {  	[tilespmem:s3+$0xFFFFFF60] =	vst v0;
	v9 =	vld [tilespmem:s6+$0x0]  }
0x386: {  	v1 =	vpack.i.f32.bf16 v1, v5;
	v0 =	vld [tilespmem:s6+$0xFFFFFE70]  }
.Ltmp5:
0x387: {  	[tilespmem:s3+$0xFFFFFEF0] =	vst v1;
	v3 =	vld [tilespmem:s6+$0xFFFFFEF0];
	(pc) =	sbr.rel @p0 .LBB2_12-.Ltmp5, $4  }
0x388: {  	v2 =	vpack.i.f32.bf16 v7, v6;
	v1 =	vld [tilespmem:s6+$0xFFFFFD80]  }
0x389: {  	[tilespmem:s3+$0xFFFFFE70] =	vst v2;
	v4 =	vld [tilespmem:s6+$0xFFFFFE00]  }
0x38a: {  	v2 =	vld [tilespmem:s6+$0xFFFFFC80];
	v6 =	vpack.i.f32.bf16 v9, v8  }
0x38b: {  	s6 =	sadd.s32 $0x400, s6;
	v5 =	vld [tilespmem:s0+$0xFFFFFD00];
	[tilespmem:s3+$0x0] =	vst v6  }
0x38c: {  	v0 =	vpack.i.f32.bf16 v3, v0  }
0x38d: {  	[tilespmem:s3+$0xFFFFFF70] =	vst v0  }
0x38e: {  	v0 =	vld [tilespmem:s0+$0xFFFFFE80]  }
0x38f: {  	v3 =	vld [tilespmem:s0+$0xFFFFFF00];
	_ =	sdelay $0x2  }
0x390: {  	v1 =	vpack.i.f32.bf16 v4, v1  }
0x391: {  	[tilespmem:s3+$0xFFFFFF00] =	vst v1;
	v1 =	vpack.i.f32.bf16 v5, v2  }
0x392: {  	[tilespmem:s3+$0xFFFFFE80] =	vst v1;
	v0 =	vpack.i.f32.bf16 v3, v0  }
0x393: {  	[tilespmem:s23+$0xFFFFFF80] =	vst v0  }
0x394: {  	[hbm4b:s18+s4] =	stream.linear.scatter [tilespmem:s26], [sflag:$0x4], $0x2000, $0x38;
	[tilespmem:$0x14400] =	vst v63  }
0x395: {  	_ =	swait.ge [sflag:s29], $0x4000  }
0x396: {  	[sflag:s29] =	ssyncset.done $0x0  }
0x397: {  	[sflag:s29] =	ssyncadd.s32 $0xFFFFC000  }
0x398: {  	_ =	swait.ge [sflag:s30], $0x2000  }
0x399: {  	[sflag:s30] =	ssyncset.done $0x0  }
0x39a: {  	s0 =	simm.s32 $0x87F0;
	[sflag:s30] =	ssyncadd.s32 $0xFFFFE000  }
0x39b: {  	v0 =	vld [tilespmem:s0+$0xFFFFFF10]  }
0x39c: {  	v1 =	vld [tilespmem:s0+$0xFFFFFF90];
	_ =	sdelay $0x2  }
0x39d: {  	v2 =	vld [tilespmem:s0+$0xFFFFFD10]  }
0x39e: {  	v3 =	vld [tilespmem:s0+$0xFFFFFD90]  }
0x39f: {  	s3 =	simm.s32 $0x10500;
	v4 =	vld [tilespmem:s0+$0xFFFFFC90];
	v0 =	vpack.i.f32.bf16 v1, v0  }
0x3a0: {  	v1 =	vld [tilespmem:s0+$0xFFFFFC10];
	[tilespmem:s3+$0x80] =	vst v0  }
0x3a1: {  	v0 =	vld [tilespmem:s0+$0xFFFFFF20]  }
0x3a2: {  	v5 =	vld [tilespmem:s0+$0xFFFFFFA0]  }
0x3a3: {  	v6 =	vld [tilespmem:s0+$0xFFFFFE10];
	v2 =	vpack.i.f32.bf16 v3, v2  }
0x3a4: {  	v3 =	vld [tilespmem:s0+$0xFFFFFE90];
	[tilespmem:s3+$0xFFFFFF80] =	vst v2  }
0x3a5: {  	v2 =	vld [tilespmem:s0+$0xFFFFFD20];
	v1 =	vpack.i.f32.bf16 v4, v1  }
0x3a6: {  	v4 =	vld [tilespmem:s0+$0xFFFFFDA0];
	[tilespmem:s3+$0xFFFFFF00] =	vst v1  }
0x3a7: {  	v1 =	vld [tilespmem:s0+$0xFFFFFC20];
	v0 =	vpack.i.f32.bf16 v5, v0  }
0x3a8: {  	v5 =	vld [tilespmem:s0+$0xFFFFFCA0];
	[tilespmem:s3+$0x90] =	vst v0  }
0x3a9: {  	v0 =	vpack.i.f32.bf16 v3, v6;
	v3 =	vld [tilespmem:s0+$0xFFFFFF30]  }
0x3aa: {  	[tilespmem:s3+$0x0] =	vst v0;
	v0 =	vld [tilespmem:s0+$0xFFFFFFB0]  }
0x3ab: {  	v6 =	vld [tilespmem:s0+$0xFFFFFE20];
	v2 =	vpack.i.f32.bf16 v4, v2  }
0x3ac: {  	[tilespmem:s3+$0xFFFFFF90] =	vst v2;
	v2 =	vld [tilespmem:s0+$0xFFFFFEA0]  }
0x3ad: {  	v4 =	vld [tilespmem:s0+$0xFFFFFD30];
	v1 =	vpack.i.f32.bf16 v5, v1  }
0x3ae: {  	v5 =	vld [tilespmem:s0+$0xFFFFFDB0];
	[tilespmem:s3+$0xFFFFFF10] =	vst v1  }
0x3af: {  	v1 =	vld [tilespmem:s0+$0xFFFFFC30];
	v0 =	vpack.i.f32.bf16 v0, v3  }
0x3b0: {  	v3 =	vld [tilespmem:s0+$0xFFFFFCB0];
	[tilespmem:s3+$0xA0] =	vst v0  }
0x3b1: {  	v0 =	vpack.i.f32.bf16 v2, v6;
	v2 =	vld [tilespmem:s0+$0xFFFFFF40]  }
0x3b2: {  	[tilespmem:s3+$0x10] =	vst v0;
	v0 =	vld [tilespmem:s0+$0xFFFFFFC0]  }
0x3b3: {  	v4 =	vpack.i.f32.bf16 v5, v4;
	v5 =	vld [tilespmem:s0+$0xFFFFFE30]  }
0x3b4: {  	[tilespmem:s3+$0xFFFFFFA0] =	vst v4;
	v4 =	vld [tilespmem:s0+$0xFFFFFEB0]  }
0x3b5: {  	v1 =	vpack.i.f32.bf16 v3, v1;
	v3 =	vld [tilespmem:s0+$0xFFFFFD40]  }
0x3b6: {  	[tilespmem:s3+$0xFFFFFF20] =	vst v1;
	v1 =	vld [tilespmem:s0+$0xFFFFFDC0]  }
0x3b7: {  	v6 =	vld [tilespmem:s0+$0xFFFFFC40];
	v0 =	vpack.i.f32.bf16 v0, v2  }
0x3b8: {  	v2 =	vld [tilespmem:s0+$0xFFFFFCC0];
	[tilespmem:s3+$0xB0] =	vst v0  }
0x3b9: {  	v0 =	vpack.i.f32.bf16 v4, v5;
	v4 =	vld [tilespmem:s0+$0xFFFFFF50]  }
0x3ba: {  	[tilespmem:s3+$0x20] =	vst v0;
	v0 =	vld [tilespmem:s0+$0xFFFFFFD0]  }
0x3bb: {  	v1 =	vpack.i.f32.bf16 v1, v3;
	v3 =	vld [tilespmem:s0+$0xFFFFFE40]  }
0x3bc: {  	[tilespmem:s3+$0xFFFFFFB0] =	vst v1;
	v1 =	vld [tilespmem:s0+$0xFFFFFEC0]  }
0x3bd: {  	v2 =	vpack.i.f32.bf16 v2, v6;
	v5 =	vld [tilespmem:s0+$0xFFFFFD50]  }
0x3be: {  	[tilespmem:s3+$0xFFFFFF30] =	vst v2;
	v2 =	vld [tilespmem:s0+$0xFFFFFDD0]  }
0x3bf: {  	v6 =	vld [tilespmem:s0+$0xFFFFFC50];
	v0 =	vpack.i.f32.bf16 v0, v4  }
0x3c0: {  	v4 =	vld [tilespmem:s0+$0xFFFFFCD0];
	[tilespmem:s3+$0xC0] =	vst v0  }
0x3c1: {  	v0 =	vpack.i.f32.bf16 v1, v3;
	v1 =	vld [tilespmem:s0+$0xFFFFFF60]  }
0x3c2: {  	[tilespmem:s3+$0x30] =	vst v0;
	v0 =	vld [tilespmem:s0+$0xFFFFFFE0]  }
0x3c3: {  	v2 =	vpack.i.f32.bf16 v2, v5;
	v3 =	vld [tilespmem:s0+$0xFFFFFE50]  }
0x3c4: {  	[tilespmem:s3+$0xFFFFFFC0] =	vst v2;
	v2 =	vld [tilespmem:s0+$0xFFFFFED0]  }
0x3c5: {  	v4 =	vpack.i.f32.bf16 v4, v6;
	v5 =	vld [tilespmem:s0+$0xFFFFFD60]  }
0x3c6: {  	[tilespmem:s3+$0xFFFFFF40] =	vst v4;
	v4 =	vld [tilespmem:s0+$0xFFFFFDE0]  }
0x3c7: {  	v6 =	vld [tilespmem:s0+$0xFFFFFC60];
	v0 =	vpack.i.f32.bf16 v0, v1  }
0x3c8: {  	v1 =	vld [tilespmem:s0+$0xFFFFFCE0];
	[tilespmem:s3+$0xD0] =	vst v0  }
0x3c9: {  	v0 =	vpack.i.f32.bf16 v2, v3;
	v2 =	vld [tilespmem:s0+$0xFFFFFF70]  }
0x3ca: {  	[tilespmem:s3+$0x40] =	vst v0;
	v0 =	vld [tilespmem:s0+$0xFFFFFFF0]  }
0x3cb: {  	v3 =	vpack.i.f32.bf16 v4, v5;
	v4 =	vld [tilespmem:s0+$0xFFFFFE60]  }
0x3cc: {  	[tilespmem:s3+$0xFFFFFFD0] =	vst v3;
	v3 =	vld [tilespmem:s0+$0xFFFFFEE0]  }
0x3cd: {  	v1 =	vpack.i.f32.bf16 v1, v6;
	v5 =	vld [tilespmem:s0+$0xFFFFFD70]  }
0x3ce: {  	[tilespmem:s3+$0xFFFFFF50] =	vst v1;
	v1 =	vld [tilespmem:s0+$0xFFFFFDF0]  }
0x3cf: {  	v6 =	vld [tilespmem:s0+$0xFFFFFC70];
	v0 =	vpack.i.f32.bf16 v0, v2  }
0x3d0: {  	v2 =	vld [tilespmem:s0+$0xFFFFFCF0];
	[tilespmem:s3+$0xE0] =	vst v0  }
0x3d1: {  	v0 =	vpack.i.f32.bf16 v3, v4;
	v7 =	vld [tilespmem:s0+$0xFFFFFF80]  }
0x3d2: {  	[tilespmem:s3+$0x50] =	vst v0;
	v8 =	vld [tilespmem:s0+$0x0]  }
0x3d3: {  	v1 =	vpack.i.f32.bf16 v1, v5;
	v0 =	vld [tilespmem:s0+$0xFFFFFE70]  }
0x3d4: {  	v3 =	vld [tilespmem:s0+$0xFFFFFEF0];
	[tilespmem:s3+$0xFFFFFFE0] =	vst v1  }
0x3d5: {  	v2 =	vpack.i.f32.bf16 v2, v6;
	v1 =	vld [tilespmem:s0+$0xFFFFFD80]  }
0x3d6: {  	v4 =	vld [tilespmem:s0+$0xFFFFFE00];
	[tilespmem:s3+$0xFFFFFF60] =	vst v2  }
0x3d7: {  	v2 =	vld [tilespmem:s0+$0xFFFFFC80];
	v6 =	vpack.i.f32.bf16 v8, v7  }
0x3d8: {  	s5 =	simm.s32 $0x0;
	s6 =	simm.s32 $0x8BF0;
	s23 =	simm.s32 $0x10500;
	v5 =	vld [tilespmem:s0+$0xFFFFFD00];
	[tilespmem:s3+$0xF0] =	vst v6  }
.LBB2_14:
0x3d9: {  	v6 =	vld [tilespmem:s6+$0xFFFFFF10];
	v0 =	vpack.i.f32.bf16 v3, v0  }
0x3da: {  	v3 =	vld [tilespmem:s6+$0xFFFFFF90];
	[tilespmem:s3+$0x60] =	vst v0  }
0x3db: {  	v0 =	vld [tilespmem:s6+$0xFFFFFC90];
	v1 =	vpack.i.f32.bf16 v4, v1  }
0x3dc: {  	v4 =	vld [tilespmem:s6+$0xFFFFFD10];
	[tilespmem:s3+$0xFFFFFFF0] =	vst v1  }
0x3dd: {  	v1 =	vld [tilespmem:s6+$0xFFFFFD90];
	v2 =	vpack.i.f32.bf16 v5, v2  }
0x3de: {  	v5 =	vld [tilespmem:s6+$0xFFFFFE10];
	[tilespmem:s3+$0xFFFFFF70] =	vst v2  }
0x3df: {  	s3 =	sadd.s32 $0x200, s3;
	v2 =	vld [tilespmem:s6+$0xFFFFFE90];
	v3 =	vpack.i.f32.bf16 v3, v6  }
0x3e0: {  	v6 =	vld [tilespmem:s6+$0xFFFFFC10];
	[tilespmem:s3+$0x80] =	vst v3  }
0x3e1: {  	s5 =	sadd.s32 $0x4, s5;
	v3 =	vld [tilespmem:s6+$0xFFFFFF20]  }
0x3e2: {  	p0 =	slt.u32 s5, $0x3C;
	v1 =	vpack.i.f32.bf16 v1, v4;
	v4 =	vld [tilespmem:s6+$0xFFFFFFA0]  }
0x3e3: {  	[tilespmem:s3+$0xFFFFFF80] =	vst v1;
	v1 =	vld [tilespmem:s0+$0xFFFFFE80]  }
0x3e4: {  	v7 =	vld [tilespmem:s6+$0xFFFFFD20];
	v2 =	vpack.i.f32.bf16 v2, v5  }
0x3e5: {  	v0 =	vpack.i.f32.bf16 v0, v6;
	v5 =	vld [tilespmem:s6+$0xFFFFFDA0];
	[tilespmem:s3+$0x0] =	vst v2  }
0x3e6: {  	[tilespmem:s3+$0xFFFFFF00] =	vst v0;
	v0 =	vld [tilespmem:s6+$0xFFFFFE20]  }
0x3e7: {  	v2 =	vld [tilespmem:s6+$0xFFFFFC20];
	v3 =	vpack.i.f32.bf16 v4, v3  }
0x3e8: {  	v4 =	vld [tilespmem:s6+$0xFFFFFCA0];
	[tilespmem:s3+$0x90] =	vst v3  }
0x3e9: {  	v3 =	vld [tilespmem:s6+$0xFFFFFF30]  }
0x3ea: {  	v5 =	vpack.i.f32.bf16 v5, v7;
	v6 =	vld [tilespmem:s6+$0xFFFFFFB0]  }
0x3eb: {  	[tilespmem:s3+$0xFFFFFF90] =	vst v5;
	v5 =	vld [tilespmem:s6+$0xFFFFFEA0]  }
0x3ec: {  	v7 =	vld [tilespmem:s6+$0xFFFFFD30]  }
0x3ed: {  	v2 =	vpack.i.f32.bf16 v4, v2;
	v4 =	vld [tilespmem:s6+$0xFFFFFDB0]  }
0x3ee: {  	[tilespmem:s3+$0xFFFFFF10] =	vst v2;
	v2 =	vld [tilespmem:s0+$0xFFFFFF00];
	s0 =	smov.u32 s6  }
0x3ef: {  	v8 =	vld [tilespmem:s6+$0xFFFFFC30];
	v3 =	vpack.i.f32.bf16 v6, v3  }
0x3f0: {  	v6 =	vld [tilespmem:s6+$0xFFFFFCB0];
	v0 =	vpack.i.f32.bf16 v5, v0;
	[tilespmem:s3+$0xA0] =	vst v3  }
0x3f1: {  	[tilespmem:s3+$0x10] =	vst v0;
	v0 =	vld [tilespmem:s6+$0xFFFFFF40]  }
0x3f2: {  	v3 =	vpack.i.f32.bf16 v4, v7;
	v4 =	vld [tilespmem:s6+$0xFFFFFFC0]  }
0x3f3: {  	[tilespmem:s3+$0xFFFFFFA0] =	vst v3;
	v3 =	vld [tilespmem:s6+$0xFFFFFE30];
	v1 =	vpack.i.f32.bf16 v2, v1  }
0x3f4: {  	v2 =	vld [tilespmem:s6+$0xFFFFFEB0];
	[tilespmem:s23+$0x70] =	vst v1;
	s23 =	smov.u32 s3  }
0x3f5: {  	v1 =	vpack.i.f32.bf16 v6, v8;
	v5 =	vld [tilespmem:s6+$0xFFFFFD40]  }
0x3f6: {  	[tilespmem:s3+$0xFFFFFF20] =	vst v1;
	v1 =	vld [tilespmem:s6+$0xFFFFFDC0]  }
0x3f7: {  	v6 =	vld [tilespmem:s6+$0xFFFFFC40];
	v0 =	vpack.i.f32.bf16 v4, v0  }
0x3f8: {  	v4 =	vld [tilespmem:s6+$0xFFFFFCC0];
	[tilespmem:s3+$0xB0] =	vst v0  }
0x3f9: {  	v0 =	vpack.i.f32.bf16 v2, v3;
	v2 =	vld [tilespmem:s6+$0xFFFFFF50]  }
0x3fa: {  	[tilespmem:s3+$0x20] =	vst v0;
	v0 =	vld [tilespmem:s6+$0xFFFFFFD0]  }
0x3fb: {  	v1 =	vpack.i.f32.bf16 v1, v5;
	v3 =	vld [tilespmem:s6+$0xFFFFFE40]  }
0x3fc: {  	[tilespmem:s3+$0xFFFFFFB0] =	vst v1;
	v1 =	vld [tilespmem:s6+$0xFFFFFEC0]  }
0x3fd: {  	v4 =	vpack.i.f32.bf16 v4, v6;
	v5 =	vld [tilespmem:s6+$0xFFFFFD50]  }
0x3fe: {  	[tilespmem:s3+$0xFFFFFF30] =	vst v4;
	v4 =	vld [tilespmem:s6+$0xFFFFFDD0]  }
0x3ff: {  	v6 =	vld [tilespmem:s6+$0xFFFFFC50];
	v0 =	vpack.i.f32.bf16 v0, v2  }
0x400: {  	v2 =	vld [tilespmem:s6+$0xFFFFFCD0];
	[tilespmem:s3+$0xC0] =	vst v0  }
0x401: {  	v0 =	vpack.i.f32.bf16 v1, v3;
	v1 =	vld [tilespmem:s6+$0xFFFFFF60]  }
0x402: {  	[tilespmem:s3+$0x30] =	vst v0;
	v0 =	vld [tilespmem:s6+$0xFFFFFFE0]  }
0x403: {  	v3 =	vpack.i.f32.bf16 v4, v5;
	v4 =	vld [tilespmem:s6+$0xFFFFFE50]  }
0x404: {  	[tilespmem:s3+$0xFFFFFFC0] =	vst v3;
	v3 =	vld [tilespmem:s6+$0xFFFFFED0]  }
0x405: {  	v2 =	vpack.i.f32.bf16 v2, v6;
	v5 =	vld [tilespmem:s6+$0xFFFFFD60]  }
0x406: {  	[tilespmem:s3+$0xFFFFFF40] =	vst v2;
	v2 =	vld [tilespmem:s6+$0xFFFFFDE0]  }
0x407: {  	v6 =	vld [tilespmem:s6+$0xFFFFFC60];
	v0 =	vpack.i.f32.bf16 v0, v1  }
0x408: {  	v1 =	vld [tilespmem:s6+$0xFFFFFCE0];
	[tilespmem:s3+$0xD0] =	vst v0  }
0x409: {  	v0 =	vpack.i.f32.bf16 v3, v4;
	v3 =	vld [tilespmem:s6+$0xFFFFFF70]  }
0x40a: {  	[tilespmem:s3+$0x40] =	vst v0;
	v0 =	vld [tilespmem:s6+$0xFFFFFFF0]  }
0x40b: {  	v2 =	vpack.i.f32.bf16 v2, v5;
	v4 =	vld [tilespmem:s6+$0xFFFFFE60]  }
0x40c: {  	[tilespmem:s3+$0xFFFFFFD0] =	vst v2;
	v2 =	vld [tilespmem:s6+$0xFFFFFEE0]  }
0x40d: {  	v1 =	vpack.i.f32.bf16 v1, v6;
	v5 =	vld [tilespmem:s6+$0xFFFFFD70]  }
0x40e: {  	[tilespmem:s3+$0xFFFFFF50] =	vst v1;
	v1 =	vld [tilespmem:s6+$0xFFFFFDF0]  }
0x40f: {  	v6 =	vld [tilespmem:s6+$0xFFFFFC70];
	v0 =	vpack.i.f32.bf16 v0, v3  }
0x410: {  	v7 =	vld [tilespmem:s6+$0xFFFFFCF0];
	[tilespmem:s3+$0xE0] =	vst v0  }
0x411: {  	v0 =	vpack.i.f32.bf16 v2, v4;
	v8 =	vld [tilespmem:s6+$0xFFFFFF80]  }
0x412: {  	[tilespmem:s3+$0x50] =	vst v0;
	v9 =	vld [tilespmem:s6+$0x0]  }
0x413: {  	v1 =	vpack.i.f32.bf16 v1, v5;
	v0 =	vld [tilespmem:s6+$0xFFFFFE70]  }
.Ltmp6:
0x414: {  	[tilespmem:s3+$0xFFFFFFE0] =	vst v1;
	v3 =	vld [tilespmem:s6+$0xFFFFFEF0];
	(pc) =	sbr.rel @p0 .LBB2_14-.Ltmp6, $4  }
0x415: {  	v2 =	vpack.i.f32.bf16 v7, v6;
	v1 =	vld [tilespmem:s6+$0xFFFFFD80]  }
0x416: {  	[tilespmem:s3+$0xFFFFFF60] =	vst v2;
	v4 =	vld [tilespmem:s6+$0xFFFFFE00]  }
0x417: {  	v2 =	vld [tilespmem:s6+$0xFFFFFC80];
	v6 =	vpack.i.f32.bf16 v9, v8  }
0x418: {  	s6 =	sadd.s32 $0x400, s6;
	v5 =	vld [tilespmem:s0+$0xFFFFFD00];
	[tilespmem:s3+$0xF0] =	vst v6  }
0x419: {  	v0 =	vpack.i.f32.bf16 v3, v0  }
0x41a: {  	[tilespmem:s3+$0x60] =	vst v0  }
0x41b: {  	v0 =	vld [tilespmem:s0+$0xFFFFFE80]  }
0x41c: {  	v3 =	vld [tilespmem:s0+$0xFFFFFF00];
	_ =	sdelay $0x2  }
0x41d: {  	v1 =	vpack.i.f32.bf16 v4, v1  }
0x41e: {  	[tilespmem:s3+$0xFFFFFFF0] =	vst v1;
	v1 =	vpack.i.f32.bf16 v5, v2  }
0x41f: {  	[tilespmem:s3+$0xFFFFFF70] =	vst v1;
	v0 =	vpack.i.f32.bf16 v3, v0  }
0x420: {  	[tilespmem:s23+$0x70] =	vst v0  }
0x421: {  	[hbm4b:s19+s4] =	stream.linear.scatter [tilespmem:s25], [sflag:$0x3], $0x2000, $0x38;
	[tilespmem:$0x14400] =	vst v63  }
0x422: {  	_ =	swait.ge [sflag:s29], $0x4000  }
0x423: {  	[sflag:s29] =	ssyncset.done $0x0  }
0x424: {  	[sflag:s29] =	ssyncadd.s32 $0xFFFFC000  }
0x425: {  	_ =	swait.ge [sflag:s28], $0x2000  }
0x426: {  	[sflag:s28] =	ssyncset.done $0x0  }
0x427: {  	s0 =	simm.s32 $0xC7F0;
	[sflag:s28] =	ssyncadd.s32 $0xFFFFE000  }
0x428: {  	v0 =	vld [tilespmem:s0+$0xFFFFFF10]  }
0x429: {  	v1 =	vld [tilespmem:s0+$0xFFFFFF90];
	_ =	sdelay $0x2  }
0x42a: {  	v2 =	vld [tilespmem:s0+$0xFFFFFD10]  }
0x42b: {  	v3 =	vld [tilespmem:s0+$0xFFFFFD90]  }
0x42c: {  	s3 =	simm.s32 $0x125F0;
	v4 =	vld [tilespmem:s0+$0xFFFFFC90];
	v0 =	vpack.i.f32.bf16 v1, v0  }
0x42d: {  	v1 =	vld [tilespmem:s0+$0xFFFFFC10];
	[tilespmem:s3+$0xFFFFFF90] =	vst v0  }
0x42e: {  	v0 =	vld [tilespmem:s0+$0xFFFFFF20]  }
0x42f: {  	v5 =	vld [tilespmem:s0+$0xFFFFFFA0]  }
0x430: {  	v6 =	vld [tilespmem:s0+$0xFFFFFE10];
	v2 =	vpack.i.f32.bf16 v3, v2  }
0x431: {  	v3 =	vld [tilespmem:s0+$0xFFFFFE90];
	[tilespmem:s3+$0xFFFFFE90] =	vst v2  }
0x432: {  	v2 =	vld [tilespmem:s0+$0xFFFFFD20];
	v1 =	vpack.i.f32.bf16 v4, v1  }
0x433: {  	v4 =	vld [tilespmem:s0+$0xFFFFFDA0];
	[tilespmem:s3+$0xFFFFFE10] =	vst v1  }
0x434: {  	v1 =	vld [tilespmem:s0+$0xFFFFFC20];
	v0 =	vpack.i.f32.bf16 v5, v0  }
0x435: {  	v5 =	vld [tilespmem:s0+$0xFFFFFCA0];
	[tilespmem:s3+$0xFFFFFFA0] =	vst v0  }
0x436: {  	v0 =	vpack.i.f32.bf16 v3, v6;
	v3 =	vld [tilespmem:s0+$0xFFFFFF30]  }
0x437: {  	[tilespmem:s3+$0xFFFFFF10] =	vst v0;
	v0 =	vld [tilespmem:s0+$0xFFFFFFB0]  }
0x438: {  	v6 =	vld [tilespmem:s0+$0xFFFFFE20];
	v2 =	vpack.i.f32.bf16 v4, v2  }
0x439: {  	[tilespmem:s3+$0xFFFFFEA0] =	vst v2;
	v2 =	vld [tilespmem:s0+$0xFFFFFEA0]  }
0x43a: {  	v4 =	vld [tilespmem:s0+$0xFFFFFD30];
	v1 =	vpack.i.f32.bf16 v5, v1  }
0x43b: {  	v5 =	vld [tilespmem:s0+$0xFFFFFDB0];
	[tilespmem:s3+$0xFFFFFE20] =	vst v1  }
0x43c: {  	v1 =	vld [tilespmem:s0+$0xFFFFFC30];
	v0 =	vpack.i.f32.bf16 v0, v3  }
0x43d: {  	v3 =	vld [tilespmem:s0+$0xFFFFFCB0];
	[tilespmem:s3+$0xFFFFFFB0] =	vst v0  }
0x43e: {  	v0 =	vpack.i.f32.bf16 v2, v6;
	v2 =	vld [tilespmem:s0+$0xFFFFFF40]  }
0x43f: {  	[tilespmem:s3+$0xFFFFFF20] =	vst v0;
	v0 =	vld [tilespmem:s0+$0xFFFFFFC0]  }
0x440: {  	v4 =	vpack.i.f32.bf16 v5, v4;
	v5 =	vld [tilespmem:s0+$0xFFFFFE30]  }
0x441: {  	[tilespmem:s3+$0xFFFFFEB0] =	vst v4;
	v4 =	vld [tilespmem:s0+$0xFFFFFEB0]  }
0x442: {  	v1 =	vpack.i.f32.bf16 v3, v1;
	v3 =	vld [tilespmem:s0+$0xFFFFFD40]  }
0x443: {  	[tilespmem:s3+$0xFFFFFE30] =	vst v1;
	v1 =	vld [tilespmem:s0+$0xFFFFFDC0]  }
0x444: {  	v6 =	vld [tilespmem:s0+$0xFFFFFC40];
	v0 =	vpack.i.f32.bf16 v0, v2  }
0x445: {  	v2 =	vld [tilespmem:s0+$0xFFFFFCC0];
	[tilespmem:s3+$0xFFFFFFC0] =	vst v0  }
0x446: {  	v0 =	vpack.i.f32.bf16 v4, v5;
	v4 =	vld [tilespmem:s0+$0xFFFFFF50]  }
0x447: {  	[tilespmem:s3+$0xFFFFFF30] =	vst v0;
	v0 =	vld [tilespmem:s0+$0xFFFFFFD0]  }
0x448: {  	v1 =	vpack.i.f32.bf16 v1, v3;
	v3 =	vld [tilespmem:s0+$0xFFFFFE40]  }
0x449: {  	[tilespmem:s3+$0xFFFFFEC0] =	vst v1;
	v1 =	vld [tilespmem:s0+$0xFFFFFEC0]  }
0x44a: {  	v2 =	vpack.i.f32.bf16 v2, v6;
	v5 =	vld [tilespmem:s0+$0xFFFFFD50]  }
0x44b: {  	[tilespmem:s3+$0xFFFFFE40] =	vst v2;
	v2 =	vld [tilespmem:s0+$0xFFFFFDD0]  }
0x44c: {  	v6 =	vld [tilespmem:s0+$0xFFFFFC50];
	v0 =	vpack.i.f32.bf16 v0, v4  }
0x44d: {  	v4 =	vld [tilespmem:s0+$0xFFFFFCD0];
	[tilespmem:s3+$0xFFFFFFD0] =	vst v0  }
0x44e: {  	v0 =	vpack.i.f32.bf16 v1, v3;
	v1 =	vld [tilespmem:s0+$0xFFFFFF60]  }
0x44f: {  	[tilespmem:s3+$0xFFFFFF40] =	vst v0;
	v0 =	vld [tilespmem:s0+$0xFFFFFFE0]  }
0x450: {  	v2 =	vpack.i.f32.bf16 v2, v5;
	v3 =	vld [tilespmem:s0+$0xFFFFFE50]  }
0x451: {  	[tilespmem:s3+$0xFFFFFED0] =	vst v2;
	v2 =	vld [tilespmem:s0+$0xFFFFFED0]  }
0x452: {  	v4 =	vpack.i.f32.bf16 v4, v6;
	v5 =	vld [tilespmem:s0+$0xFFFFFD60]  }
0x453: {  	[tilespmem:s3+$0xFFFFFE50] =	vst v4;
	v4 =	vld [tilespmem:s0+$0xFFFFFDE0]  }
0x454: {  	v6 =	vld [tilespmem:s0+$0xFFFFFC60];
	v0 =	vpack.i.f32.bf16 v0, v1  }
0x455: {  	v1 =	vld [tilespmem:s0+$0xFFFFFCE0];
	[tilespmem:s3+$0xFFFFFFE0] =	vst v0  }
0x456: {  	v0 =	vpack.i.f32.bf16 v2, v3;
	v2 =	vld [tilespmem:s0+$0xFFFFFF70]  }
0x457: {  	[tilespmem:s3+$0xFFFFFF50] =	vst v0;
	v0 =	vld [tilespmem:s0+$0xFFFFFFF0]  }
0x458: {  	v3 =	vpack.i.f32.bf16 v4, v5;
	v4 =	vld [tilespmem:s0+$0xFFFFFE60]  }
0x459: {  	[tilespmem:s3+$0xFFFFFEE0] =	vst v3;
	v3 =	vld [tilespmem:s0+$0xFFFFFEE0]  }
0x45a: {  	v1 =	vpack.i.f32.bf16 v1, v6;
	v5 =	vld [tilespmem:s0+$0xFFFFFD70]  }
0x45b: {  	[tilespmem:s3+$0xFFFFFE60] =	vst v1;
	v1 =	vld [tilespmem:s0+$0xFFFFFDF0]  }
0x45c: {  	v6 =	vld [tilespmem:s0+$0xFFFFFC70];
	v0 =	vpack.i.f32.bf16 v0, v2  }
0x45d: {  	v2 =	vld [tilespmem:s0+$0xFFFFFCF0];
	[tilespmem:s3+$0xFFFFFFF0] =	vst v0  }
0x45e: {  	v0 =	vpack.i.f32.bf16 v3, v4;
	v7 =	vld [tilespmem:s0+$0xFFFFFF80]  }
0x45f: {  	[tilespmem:s3+$0xFFFFFF60] =	vst v0;
	v8 =	vld [tilespmem:s0+$0x0]  }
0x460: {  	v1 =	vpack.i.f32.bf16 v1, v5;
	v0 =	vld [tilespmem:s0+$0xFFFFFE70]  }
0x461: {  	v3 =	vld [tilespmem:s0+$0xFFFFFEF0];
	[tilespmem:s3+$0xFFFFFEF0] =	vst v1  }
0x462: {  	v2 =	vpack.i.f32.bf16 v2, v6;
	v1 =	vld [tilespmem:s0+$0xFFFFFD80]  }
0x463: {  	v4 =	vld [tilespmem:s0+$0xFFFFFE00];
	[tilespmem:s3+$0xFFFFFE70] =	vst v2  }
0x464: {  	v2 =	vld [tilespmem:s0+$0xFFFFFC80];
	v6 =	vpack.i.f32.bf16 v8, v7  }
0x465: {  	s5 =	simm.s32 $0x0;
	s6 =	simm.s32 $0xCBF0;
	s23 =	simm.s32 $0x125F0;
	v5 =	vld [tilespmem:s0+$0xFFFFFD00];
	[tilespmem:s3+$0x0] =	vst v6  }
.LBB2_16:
0x466: {  	v6 =	vld [tilespmem:s6+$0xFFFFFF10];
	v0 =	vpack.i.f32.bf16 v3, v0  }
0x467: {  	v3 =	vld [tilespmem:s6+$0xFFFFFF90];
	[tilespmem:s3+$0xFFFFFF70] =	vst v0  }
0x468: {  	v0 =	vld [tilespmem:s6+$0xFFFFFC90];
	v1 =	vpack.i.f32.bf16 v4, v1  }
0x469: {  	v4 =	vld [tilespmem:s6+$0xFFFFFD10];
	[tilespmem:s3+$0xFFFFFF00] =	vst v1  }
0x46a: {  	v1 =	vld [tilespmem:s6+$0xFFFFFD90];
	v2 =	vpack.i.f32.bf16 v5, v2  }
0x46b: {  	v5 =	vld [tilespmem:s6+$0xFFFFFE10];
	[tilespmem:s3+$0xFFFFFE80] =	vst v2  }
0x46c: {  	s3 =	sadd.s32 $0x200, s3;
	v2 =	vld [tilespmem:s6+$0xFFFFFE90];
	v3 =	vpack.i.f32.bf16 v3, v6  }
0x46d: {  	v6 =	vld [tilespmem:s6+$0xFFFFFC10];
	[tilespmem:s3+$0xFFFFFF90] =	vst v3  }
0x46e: {  	s5 =	sadd.s32 $0x4, s5;
	v3 =	vld [tilespmem:s6+$0xFFFFFF20]  }
0x46f: {  	p0 =	slt.u32 s5, $0x3C;
	v1 =	vpack.i.f32.bf16 v1, v4;
	v4 =	vld [tilespmem:s6+$0xFFFFFFA0]  }
0x470: {  	[tilespmem:s3+$0xFFFFFE90] =	vst v1;
	v1 =	vld [tilespmem:s0+$0xFFFFFE80]  }
0x471: {  	v7 =	vld [tilespmem:s6+$0xFFFFFD20];
	v2 =	vpack.i.f32.bf16 v2, v5  }
0x472: {  	v0 =	vpack.i.f32.bf16 v0, v6;
	v5 =	vld [tilespmem:s6+$0xFFFFFDA0];
	[tilespmem:s3+$0xFFFFFF10] =	vst v2  }
0x473: {  	[tilespmem:s3+$0xFFFFFE10] =	vst v0;
	v0 =	vld [tilespmem:s6+$0xFFFFFE20]  }
0x474: {  	v2 =	vld [tilespmem:s6+$0xFFFFFC20];
	v3 =	vpack.i.f32.bf16 v4, v3  }
0x475: {  	v4 =	vld [tilespmem:s6+$0xFFFFFCA0];
	[tilespmem:s3+$0xFFFFFFA0] =	vst v3  }
0x476: {  	v3 =	vld [tilespmem:s6+$0xFFFFFF30]  }
0x477: {  	v5 =	vpack.i.f32.bf16 v5, v7;
	v6 =	vld [tilespmem:s6+$0xFFFFFFB0]  }
0x478: {  	[tilespmem:s3+$0xFFFFFEA0] =	vst v5;
	v5 =	vld [tilespmem:s6+$0xFFFFFEA0]  }
0x479: {  	v7 =	vld [tilespmem:s6+$0xFFFFFD30]  }
0x47a: {  	v2 =	vpack.i.f32.bf16 v4, v2;
	v4 =	vld [tilespmem:s6+$0xFFFFFDB0]  }
0x47b: {  	[tilespmem:s3+$0xFFFFFE20] =	vst v2;
	v2 =	vld [tilespmem:s0+$0xFFFFFF00];
	s0 =	smov.u32 s6  }
0x47c: {  	v8 =	vld [tilespmem:s6+$0xFFFFFC30];
	v3 =	vpack.i.f32.bf16 v6, v3  }
0x47d: {  	v6 =	vld [tilespmem:s6+$0xFFFFFCB0];
	v0 =	vpack.i.f32.bf16 v5, v0;
	[tilespmem:s3+$0xFFFFFFB0] =	vst v3  }
0x47e: {  	[tilespmem:s3+$0xFFFFFF20] =	vst v0;
	v0 =	vld [tilespmem:s6+$0xFFFFFF40]  }
0x47f: {  	v3 =	vpack.i.f32.bf16 v4, v7;
	v4 =	vld [tilespmem:s6+$0xFFFFFFC0]  }
0x480: {  	[tilespmem:s3+$0xFFFFFEB0] =	vst v3;
	v3 =	vld [tilespmem:s6+$0xFFFFFE30];
	v1 =	vpack.i.f32.bf16 v2, v1  }
0x481: {  	v2 =	vld [tilespmem:s6+$0xFFFFFEB0];
	[tilespmem:s23+$0xFFFFFF80] =	vst v1;
	s23 =	smov.u32 s3  }
0x482: {  	v1 =	vpack.i.f32.bf16 v6, v8;
	v5 =	vld [tilespmem:s6+$0xFFFFFD40]  }
0x483: {  	[tilespmem:s3+$0xFFFFFE30] =	vst v1;
	v1 =	vld [tilespmem:s6+$0xFFFFFDC0]  }
0x484: {  	v6 =	vld [tilespmem:s6+$0xFFFFFC40];
	v0 =	vpack.i.f32.bf16 v4, v0  }
0x485: {  	v4 =	vld [tilespmem:s6+$0xFFFFFCC0];
	[tilespmem:s3+$0xFFFFFFC0] =	vst v0  }
0x486: {  	v0 =	vpack.i.f32.bf16 v2, v3;
	v2 =	vld [tilespmem:s6+$0xFFFFFF50]  }
0x487: {  	[tilespmem:s3+$0xFFFFFF30] =	vst v0;
	v0 =	vld [tilespmem:s6+$0xFFFFFFD0]  }
0x488: {  	v1 =	vpack.i.f32.bf16 v1, v5;
	v3 =	vld [tilespmem:s6+$0xFFFFFE40]  }
0x489: {  	[tilespmem:s3+$0xFFFFFEC0] =	vst v1;
	v1 =	vld [tilespmem:s6+$0xFFFFFEC0]  }
0x48a: {  	v4 =	vpack.i.f32.bf16 v4, v6;
	v5 =	vld [tilespmem:s6+$0xFFFFFD50]  }
0x48b: {  	[tilespmem:s3+$0xFFFFFE40] =	vst v4;
	v4 =	vld [tilespmem:s6+$0xFFFFFDD0]  }
0x48c: {  	v6 =	vld [tilespmem:s6+$0xFFFFFC50];
	v0 =	vpack.i.f32.bf16 v0, v2  }
0x48d: {  	v2 =	vld [tilespmem:s6+$0xFFFFFCD0];
	[tilespmem:s3+$0xFFFFFFD0] =	vst v0  }
0x48e: {  	v0 =	vpack.i.f32.bf16 v1, v3;
	v1 =	vld [tilespmem:s6+$0xFFFFFF60]  }
0x48f: {  	[tilespmem:s3+$0xFFFFFF40] =	vst v0;
	v0 =	vld [tilespmem:s6+$0xFFFFFFE0]  }
0x490: {  	v3 =	vpack.i.f32.bf16 v4, v5;
	v4 =	vld [tilespmem:s6+$0xFFFFFE50]  }
0x491: {  	[tilespmem:s3+$0xFFFFFED0] =	vst v3;
	v3 =	vld [tilespmem:s6+$0xFFFFFED0]  }
0x492: {  	v2 =	vpack.i.f32.bf16 v2, v6;
	v5 =	vld [tilespmem:s6+$0xFFFFFD60]  }
0x493: {  	[tilespmem:s3+$0xFFFFFE50] =	vst v2;
	v2 =	vld [tilespmem:s6+$0xFFFFFDE0]  }
0x494: {  	v6 =	vld [tilespmem:s6+$0xFFFFFC60];
	v0 =	vpack.i.f32.bf16 v0, v1  }
0x495: {  	v1 =	vld [tilespmem:s6+$0xFFFFFCE0];
	[tilespmem:s3+$0xFFFFFFE0] =	vst v0  }
0x496: {  	v0 =	vpack.i.f32.bf16 v3, v4;
	v3 =	vld [tilespmem:s6+$0xFFFFFF70]  }
0x497: {  	[tilespmem:s3+$0xFFFFFF50] =	vst v0;
	v0 =	vld [tilespmem:s6+$0xFFFFFFF0]  }
0x498: {  	v2 =	vpack.i.f32.bf16 v2, v5;
	v4 =	vld [tilespmem:s6+$0xFFFFFE60]  }
0x499: {  	[tilespmem:s3+$0xFFFFFEE0] =	vst v2;
	v2 =	vld [tilespmem:s6+$0xFFFFFEE0]  }
0x49a: {  	v1 =	vpack.i.f32.bf16 v1, v6;
	v5 =	vld [tilespmem:s6+$0xFFFFFD70]  }
0x49b: {  	[tilespmem:s3+$0xFFFFFE60] =	vst v1;
	v1 =	vld [tilespmem:s6+$0xFFFFFDF0]  }
0x49c: {  	v6 =	vld [tilespmem:s6+$0xFFFFFC70];
	v0 =	vpack.i.f32.bf16 v0, v3  }
0x49d: {  	v7 =	vld [tilespmem:s6+$0xFFFFFCF0];
	[tilespmem:s3+$0xFFFFFFF0] =	vst v0  }
0x49e: {  	v0 =	vpack.i.f32.bf16 v2, v4;
	v8 =	vld [tilespmem:s6+$0xFFFFFF80]  }
0x49f: {  	[tilespmem:s3+$0xFFFFFF60] =	vst v0;
	v9 =	vld [tilespmem:s6+$0x0]  }
0x4a0: {  	v1 =	vpack.i.f32.bf16 v1, v5;
	v0 =	vld [tilespmem:s6+$0xFFFFFE70]  }
.Ltmp7:
0x4a1: {  	[tilespmem:s3+$0xFFFFFEF0] =	vst v1;
	v3 =	vld [tilespmem:s6+$0xFFFFFEF0];
	(pc) =	sbr.rel @p0 .LBB2_16-.Ltmp7, $4  }
0x4a2: {  	v2 =	vpack.i.f32.bf16 v7, v6;
	v1 =	vld [tilespmem:s6+$0xFFFFFD80]  }
0x4a3: {  	[tilespmem:s3+$0xFFFFFE70] =	vst v2;
	v4 =	vld [tilespmem:s6+$0xFFFFFE00]  }
0x4a4: {  	v2 =	vld [tilespmem:s6+$0xFFFFFC80];
	v6 =	vpack.i.f32.bf16 v9, v8  }
0x4a5: {  	s6 =	sadd.s32 $0x400, s6;
	v5 =	vld [tilespmem:s0+$0xFFFFFD00];
	[tilespmem:s3+$0x0] =	vst v6  }
0x4a6: {  	v0 =	vpack.i.f32.bf16 v3, v0  }
0x4a7: {  	[tilespmem:s3+$0xFFFFFF70] =	vst v0  }
0x4a8: {  	v0 =	vld [tilespmem:s0+$0xFFFFFE80]  }
0x4a9: {  	v62 =	vld [tilespmem:s0+$0xFFFFFF00];
	_ =	sdelay $0x2  }
0x4aa: {  	v1 =	vpack.i.f32.bf16 v4, v1  }
0x4ab: {  	[tilespmem:s3+$0xFFFFFF00] =	vst v1;
	v63 =	vpack.i.f32.bf16 v5, v2  }
0x4ac: {  	[tilespmem:s3+$0xFFFFFE80] =	vst v63;
	v0 =	vpack.i.f32.bf16 v62, v0  }
0x4ad: {  	s31 =	sadd.s32 $0x1, s31;
	[tilespmem:s23+$0xFFFFFF80] =	vst v0  }
0x4ae: {  	[hbm4b:s20+s4] =	stream.linear.scatter [tilespmem:s26], [sflag:$0x4], $0x2000, $0x38;
	[tilespmem:$0x14400] =	vst v63  }
0x4af: {  	p0 =	sne.s32 s31, s21;
	_ =	swait.ge [sflag:s30], $0x2000  }
.Ltmp8:
0x4b0: {  	[sflag:s30] =	ssyncset.done $0x0;
	(pc) =	sbr.rel @p0 .LBB2_1-.Ltmp8, $4  }
0x4b1: {  	[sflag:s30] =	ssyncadd.s32 $0xFFFFE000  }
0x4b2: {  	_ =	swait.ge [sflag:s28], $0x2000  }
0x4b3: {  	[sflag:s28] =	ssyncset.done $0x0  }
0x4b4: {  	[sflag:s28] =	ssyncadd.s32 $0xFFFFE000  }
0x4b5: {  	_ =	sfence.sel $0x180000  }
0x4b6: {  	[bflag:$0x0] =	sbarrier.arrive $0xFFFF  }
0x4b7: {  	_ =	strace $0x90000047  }
0x4b8: {  	s0 =	stileid.u32;
	[bflag:$0x2] =	sbarrier.arrive $0xFFFF  }
0x4b9: {  	p0 =	sne.s32 s0, $0x0;
	s0 =	rddreg [dreg:$0x5]  }
0x4ba: {  	s0 =	sadd.s32 @!p0 $0x100000, s0  }
0x4bb: {  	[sflag:s0] =	ssyncadd.tile.s32 @!p0 $0x1;
	_ =	shalt  }
.Lfunc_end2:
_tile_overlayer_lowered:
.L_overlay_start_2:
0x4bc: {  	(tag) =	ssettag $0x2  }
0x4bd: {  	s0 =	rddreg [dreg:$0x0];
	s2 =	stileid.u32  }
0x4be: {  	s1 =	rddreg [dreg:$0x1];
	p0 =	sne.s32 s2, $0x0  }
0x4bf: {  	s3 =	rddreg [dreg:$0x2];
	[bflag:$0x3] =	sbarrier.arrive $0xFFFF;
	s2 =	simm.s32 @!p0 $0x1C05  }
0x4c0: {  	[timem:s3], [sflag:s2] =	dma.local @!p0 [hbm:s0], s1  }
0x4c1: {  	s0 =	simm.s32 @!p0 $0x5  }
0x4c2: {  	_ =	swait.ge @!p0 [sflag:s0], s1  }
0x4c3: {  	s1 =	ssub.s32 @!p0 $0x0, s1;
	[sflag:s0] =	ssyncset.done @!p0 $0x0  }
0x4c4: {  	[sflag:s0] =	ssyncadd.s32 @!p0 s1  }
0x4c5: {  	[bflag:$0x3] =	sbarrier.arrive $0xFFFF  }
0x4c6: {  	_ =	shalt  }

</sc_bundles>
